<compile_context>
chip_gen: v7x
topology: tpu7x:2x2x1
jax: 0.10.2.dev20260603
libtpu: 0.0.44.dev20260713+nightly
codegen_flags: <defaults>
</compile_context>

<pallas_src>
import functools

import jax
import jax.numpy as jnp
from jax import lax
from jax.experimental import pallas as pl
from jax.experimental.pallas import tpu as pltpu
from jax.experimental.pallas import tpu_sc as plsc

N = 10000
D = 128
NP = 10240
NC = 2
NS = 16
NW = NC * NS
CH = 128
CHA = 64
RPT = NP // NS
BLK = 2048

_mesh = plsc.VectorSubcoreMesh(
    core_axis_name="c", subcore_axis_name="s", num_cores=NC, num_subcores=NS)


def _deg_body(src_hbm, srcp_hbm, ones_hbm, zeros_hbm, out_hbm,
              sia, sib, ones_v, dsrc_sh,
              ia, ib, ssa, ssb, *, nb, nrw, nreal):
    cid = lax.axis_index("c")
    sid = lax.axis_index("s")
    wid = cid * NS + sid
    row0 = wid * nrw

    def fire_batch(b, buf, sem):
        row = row0 + 4 * b

        @pl.when(row < nreal)
        def _():
            pltpu.async_copy(src_hbm.at[pl.ds(row, 4)], buf, sem)

        @pl.when(row >= nreal)
        def _():
            pltpu.async_copy(srcp_hbm.at[pl.ds(row - nreal, 4)], buf, sem)

    fire_batch(0, sia, ia)
    pltpu.sync_copy(ones_hbm, ones_v)
    pltpu.sync_copy(zeros_hbm, dsrc_sh.at[pl.ds(sid * RPT, RPT)])
    plsc.subcore_barrier()

    def wait_idx(sem, b0):
        pltpu.make_async_copy(src_hbm.at[pl.ds(0, 4)], b0, sem).wait()

    def fire_scatters(sbuf, sem):
        for k in range(4):
            pltpu.async_copy(ones_v, dsrc_sh.at[sbuf.at[k]], sem, add=True)

    def drain_scatters(sem):
        for _k in range(4):
            pltpu.make_async_copy(ones_v, dsrc_sh.at[pl.ds(0, CH)], sem).wait()

    @pl.loop(0, nb, step=2)
    def _(b):
        wait_idx(ia, sia)
        fire_scatters(sia, ssa)

        @pl.when(b > 0)
        def _():
            drain_scatters(ssb)

        fire_batch(b + 1, sib, ib)
        wait_idx(ib, sib)
        fire_scatters(sib, ssb)
        drain_scatters(ssa)

        @pl.when(b + 2 < nb)
        def _():
            fire_batch(b + 2, sia, ia)

    drain_scatters(ssb)
    plsc.subcore_barrier()
    pltpu.sync_copy(dsrc_sh.at[pl.ds(sid * RPT, RPT)],
                    out_hbm.at[cid, pl.ds(sid * RPT, RPT)])


def _agg_body(h_hbm, src_hbm, dst_hbm, srcp_hbm, dstp_hbm,
              zrows_hbm, ones_hbm, zeros_hbm,
              out_hbm, degd_hbm,
              sidx10, didx10, r0, r1, r2, r3, r4, ones_v, agg_sh, ddst_sh,
              is0, is1, is2, is3, is4, is5, is6, is7, is8, is9,
              gs0, gs1, gs2, gs3, gs4, ss0, ss1, ss2, ss3, ss4, zsem,
              *, nch, nreal):
    cid = lax.axis_index("c")
    sid = lax.axis_index("s")
    wid = cid * NS + sid
    rows = (r0, r1, r2, r3, r4)
    iss = (is0, is1, is2, is3, is4, is5, is6, is7, is8, is9)
    gss = (gs0, gs1, gs2, gs3, gs4)
    sss = (ss0, ss1, ss2, ss3, ss4)

    row0 = wid * (nch // 2)

    def fire_idx(c, slot):
        row = row0 + c // 2
        off = (c % 2) * CHA

        @pl.when(row < nreal)
        def _():
            pltpu.async_copy(src_hbm.at[row, pl.ds(off, CHA)],
                             sidx10.at[slot], iss[slot])
            pltpu.async_copy(dst_hbm.at[row, pl.ds(off, CHA)],
                             didx10.at[slot], iss[slot])

        @pl.when(row >= nreal)
        def _():
            pltpu.async_copy(srcp_hbm.at[row - nreal, pl.ds(off, CHA)],
                             sidx10.at[slot], iss[slot])
            pltpu.async_copy(dstp_hbm.at[row - nreal, pl.ds(off, CHA)],
                             didx10.at[slot], iss[slot])

    def wait_idx(slot):
        for _ in range(2):
            pltpu.make_async_copy(src_hbm.at[0, pl.ds(0, CHA)],
                                  sidx10.at[slot], iss[slot]).wait()

    def wait_g(k):
        pltpu.make_async_copy(h_hbm.at[pl.ds(0, CHA), :], rows[k],
                              gss[k]).wait()

    def wait_s(k):
        pltpu.make_async_copy(rows[k], agg_sh.at[pl.ds(0, CHA)],
                              sss[k]).wait()
        pltpu.make_async_copy(ones_v, ddst_sh.at[pl.ds(0, CHA)],
                              sss[k]).wait()

    for c in range(5):
        fire_idx(c, c)
    wait_idx(0)
    pltpu.async_copy(h_hbm.at[sidx10.at[0]], r0, gs0)
    wait_idx(1)
    pltpu.async_copy(h_hbm.at[sidx10.at[1]], r1, gs1)
    wait_idx(2)
    pltpu.async_copy(h_hbm.at[sidx10.at[2]], r2, gs2)
    pltpu.sync_copy(ones_hbm, ones_v)
    pltpu.sync_copy(zeros_hbm, ddst_sh.at[pl.ds(sid * RPT, RPT)])
    pltpu.sync_copy(zrows_hbm, r3)

    @pl.loop(0, RPT, step=CHA)
    def _(r):
        pltpu.async_copy(r3, agg_sh.at[pl.ds(sid * RPT + r, CHA)], zsem)

    @pl.loop(0, RPT, step=CHA)
    def _(r):
        pltpu.make_async_copy(r3, agg_sh.at[pl.ds(0, CHA)], zsem).wait()

    plsc.subcore_barrier()

    @pl.loop(0, nch // 10, step=1)
    def _(t):
        for k in range(10):
            c = 10 * t + k
            rk = k % 5
            wait_g(rk)
            pltpu.async_copy(rows[rk], agg_sh.at[didx10.at[k]], sss[rk],
                             add=True)
            pltpu.async_copy(ones_v, ddst_sh.at[didx10.at[k]], sss[rk],
                             add=True)
            if k >= 2:
                wait_s((k + 3) % 5)
            else:
                @pl.when(t > 0)
                def _():
                    wait_s((k + 3) % 5)

            @pl.when(c + 5 < nch)
            def _():
                fire_idx(c + 5, (k + 5) % 10)

            @pl.when(c + 3 < nch)
            def _():
                wait_idx((k + 3) % 10)
                pltpu.async_copy(h_hbm.at[sidx10.at[(k + 3) % 10]],
                                 rows[(k + 3) % 5], gss[(k + 3) % 5])

    wait_s(3)
    wait_s(4)
    plsc.subcore_barrier()

    @pl.loop(0, RPT, step=CHA)
    def _(r):
        pltpu.async_copy(agg_sh.at[pl.ds(sid * RPT + r, CHA)],
                         out_hbm.at[cid, pl.ds(sid * RPT + r, CHA)], zsem)

    pltpu.sync_copy(ddst_sh.at[pl.ds(sid * RPT, RPT)],
                    degd_hbm.at[cid, pl.ds(sid * RPT, RPT)])

    @pl.loop(0, RPT, step=CHA)
    def _(r):
        pltpu.make_async_copy(agg_sh.at[pl.ds(0, CHA)],
                              out_hbm.at[cid, pl.ds(0, CHA)], zsem).wait()


def _scale_body(x_ref, deg_ref, h_ref):
    d = deg_ref[0, :] + deg_ref[1, :]
    norm = lax.rsqrt(jnp.maximum(d, 1.0))
    h_ref[...] = x_ref[...] * norm[:, None]


def _out_body(agg_ref, deg_ref, w_ref, b_ref, o_ref):
    a = agg_ref[0] + agg_ref[1]
    d = deg_ref[0, :] + deg_ref[1, :]
    norm = lax.rsqrt(jnp.maximum(d, 1.0))
    a = a * norm[:, None]
    acc = jnp.dot(a, w_ref[...], preferred_element_type=jnp.float32)
    o_ref[...] = jnp.maximum(acc + b_ref[...], 0.0)


def kernel(x, edge_index, W, b):
    E = edge_index.shape[1]
    grp = NW * CH * 8
    ep = ((E + grp - 1) // grp) * grp
    nch = ep // (NW * CH)
    nb = nch // 4
    nca = ep // (NW * CHA)
    pad_e = ep - E
    nreal = E // CH
    assert E % CH == 0
    er = edge_index.reshape(2, nreal, CH)
    src_r = er[0]
    dst_r = er[1]
    pad_r = (N + (jnp.arange(pad_e, dtype=jnp.int32) % (NP - N))
             ).reshape(pad_e // CH, CH)
    ones128 = jnp.ones((CH,), jnp.float32)
    ones64 = jnp.ones((CHA,), jnp.float32)
    zeros640 = jnp.zeros((RPT,), jnp.float32)
    zrows = jnp.zeros((CHA, D), jnp.float32)

    deg_kernel = pl.kernel(
        functools.partial(_deg_body, nb=nb, nrw=nch, nreal=nreal),
        out_type=jax.ShapeDtypeStruct((NC, NP), jnp.float32),
        mesh=_mesh,
        scratch_types=[
            pltpu.VMEM((4, CH), jnp.int32),
            pltpu.VMEM((4, CH), jnp.int32),
            pltpu.VMEM((CH,), jnp.float32),
            pltpu.VMEM_SHARED((NP,), jnp.float32),
            pltpu.SemaphoreType.DMA,
            pltpu.SemaphoreType.DMA,
            pltpu.SemaphoreType.DMA,
            pltpu.SemaphoreType.DMA,
        ],
    )
    degs = deg_kernel(src_r, pad_r, ones128, zeros640)

    h = pl.pallas_call(
        _scale_body,
        grid=(NP // BLK,),
        in_specs=[
            pl.BlockSpec((BLK, D), lambda i: (i, 0)),
            pl.BlockSpec((NC, BLK), lambda i: (0, i)),
        ],
        out_specs=pl.BlockSpec((BLK, D), lambda i: (i, 0)),
        out_shape=jax.ShapeDtypeStruct((NP, D), jnp.float32),
    )(x, degs)

    agg_kernel = pl.kernel(
        functools.partial(_agg_body, nch=nca, nreal=nreal),
        out_type=(jax.ShapeDtypeStruct((NC, NP, D), jnp.float32),
                  jax.ShapeDtypeStruct((NC, NP), jnp.float32)),
        mesh=_mesh,
        scratch_types=[
            pltpu.VMEM((10, CHA), jnp.int32),
            pltpu.VMEM((10, CHA), jnp.int32),
            pltpu.VMEM((CHA, D), jnp.float32),
            pltpu.VMEM((CHA, D), jnp.float32),
            pltpu.VMEM((CHA, D), jnp.float32),
            pltpu.VMEM((CHA, D), jnp.float32),
            pltpu.VMEM((CHA, D), jnp.float32),
            pltpu.VMEM((CHA,), jnp.float32),
            pltpu.VMEM_SHARED((NP, D), jnp.float32),
            pltpu.VMEM_SHARED((NP,), jnp.float32),
        ] + [pltpu.SemaphoreType.DMA] * 21,
    )
    aggs, degd = agg_kernel(h, src_r, dst_r, pad_r, pad_r, zrows, ones64,
                            zeros640)

    out = pl.pallas_call(
        _out_body,
        grid=(NP // BLK,),
        in_specs=[
            pl.BlockSpec((NC, BLK, D), lambda i: (0, i, 0)),
            pl.BlockSpec((NC, BLK), lambda i: (0, i)),
            pl.BlockSpec((D, D), lambda i: (0, 0)),
            pl.BlockSpec((1, D), lambda i: (0, 0)),
        ],
        out_specs=pl.BlockSpec((BLK, D), lambda i: (i, 0)),
        out_shape=jax.ShapeDtypeStruct((N, D), jnp.float32),
    )(aggs, degd, W, b.reshape(1, D))

    return out

# --- scband reference (transcript-rebuilt; emitter-appended) ---
"""Pipeline reference for scband-crd-74818330296985 (READ-ONLY COPY).

The authoritative reference and input builder live on the scoring server;
editing this copy changes nothing except your own understanding.
"""

import jax, jax.numpy as jnp
import numpy as np

N = 10000
E = 320000
D_IN = 128
D_OUT = 128


def setup_inputs(seed: int = 0) -> dict:
    key = jax.random.key(seed)
    k1, k2, k3 = jax.random.split(key, 3)
    x = jax.random.normal(k1, (N, D_IN), dtype=jnp.float32)
    edge_index = jax.random.randint(k2, (2, E), 0, N, dtype=jnp.int32)
    # GraphConv weight, xavier_uniform init (gain=1.0)
    limit = float(np.sqrt(6.0 / (D_IN + D_OUT)))
    W = jax.random.uniform(k3, (D_IN, D_OUT), dtype=jnp.float32, minval=-limit, maxval=limit)
    b = jnp.zeros((D_OUT,), dtype=jnp.float32)
    return {"x": x, "edge_index": edge_index, "W": W, "b": b}


def reference(x, edge_index, W, b):
    # DGL GraphConv with norm='both', followed by ReLU.
    # Dropout is identity in eval mode (training=False).
    src = edge_index[0]
    dst = edge_index[1]
    # src-side normalization: D_out^{-1/2}, degrees clamped to min 1
    deg_out = jnp.bincount(src, length=N)
    norm_src = jnp.power(jnp.clip(deg_out, 1, None).astype(x.dtype), -0.5)
    h = x * norm_src[:, None]
    # in_feats == out_feats -> aggregate first, then apply weight
    msgs = h[src]
    agg = jax.ops.segment_sum(msgs, dst, num_segments=N)
    # dst-side normalization: D_in^{-1/2}
    deg_in = jnp.bincount(dst, length=N)
    norm_dst = jnp.power(jnp.clip(deg_in, 1, None).astype(x.dtype), -0.5)
    agg = agg * norm_dst[:, None]
    out = agg @ W + b
    return jax.nn.relu(out)

if __name__ == "__main__":
    import jax
    _d = setup_inputs()
    print(jax.jit(kernel)(*tuple(_d.values())))

</pallas_src>

<mosaic_0001>
#map = affine_map<(d0, d1) -> (0, 0)>
#map1 = affine_map<(d0, d1) -> (0)>
module attributes {stable_mosaic.version = 14 : i64} {
  func.func @_deg_body(%arg0: i32, %arg1: i32, %arg2: memref<2500x128xi32, #tpu.memory_space<hbm>>, %arg3: memref<60x128xi32, #tpu.memory_space<hbm>>, %arg4: memref<128xf32, #tpu.memory_space<hbm>>, %arg5: memref<640xf32, #tpu.memory_space<hbm>>, %arg6: memref<2x10240xf32, #tpu.memory_space<hbm>>, %arg7: memref<4x128xi32, #tpu.memory_space<vmem>>, %arg8: memref<4x128xi32, #tpu.memory_space<vmem>>, %arg9: memref<128xf32, #tpu.memory_space<vmem>>, %arg10: memref<10240xf32, #tpu.memory_space<vmem_shared>>, %arg11: memref<!tpu.dma_semaphore, #tpu.memory_space<semaphore_mem>>, %arg12: memref<!tpu.dma_semaphore, #tpu.memory_space<semaphore_mem>>, %arg13: memref<!tpu.dma_semaphore, #tpu.memory_space<semaphore_mem>>, %arg14: memref<!tpu.dma_semaphore, #tpu.memory_space<semaphore_mem>>) attributes {dimension_semantics = [#tpu.dimension_semantics<core_parallel>, #tpu.dimension_semantics<subcore_parallel>], iteration_bounds = array<i64: 2, 16>, scalar_prefetch = 0 : i64, scratch_operands = 8 : i64, tpu.core_type = #tpu.core_type<sc_vector_subcore>, window_params = [{transform_indices = #map}, {transform_indices = #map}, {transform_indices = #map1}, {transform_indices = #map1}, {transform_indices = #map}]} {
    %mul3A = arith.constant 16 : i32
    %mul3A_0 = arith.muli %arg0, %mul3A : i32
    %add3A = arith.addi %mul3A_0, %arg1 : i32
    %mul3A_1 = arith.constant 80 : i32
    %mul3A_2 = arith.muli %add3A, %mul3A_1 : i32
    %add3A_3 = arith.constant 0 : i32
    %add3A_4 = arith.addi %mul3A_2, %add3A_3 : i32
    %lt3A = arith.constant 2500 : i32
    %lt3A_5 = arith.cmpi slt, %add3A_4, %lt3A : i32
    %convert_element_type3A = arith.extui %lt3A_5 : i1 to i32
    %cond3A = arith.constant 0 : i32
    %cond3A_6 = arith.cmpi ne, %convert_element_type3A, %cond3A : i32
    scf.if %cond3A_6 {
      %dma_start3A = arith.constant 0 : i32
      %dma_start3A_37 = tpu.memref_slice %arg2[%add3A_4, %dma_start3A] : memref<2500x128xi32, #tpu.memory_space<hbm>> -> memref<4x128xi32, #tpu.memory_space<hbm>>
      %dma_start3A_38 = arith.constant 0 : i32
      %dma_start3A_39 = tpu.memref_slice %arg2[%add3A_4, %dma_start3A_38] : memref<2500x128xi32, #tpu.memory_space<hbm>> -> memref<4x128xi32, #tpu.memory_space<hbm>>
      tpu.enqueue_dma source(%dma_start3A_39 : memref<4x128xi32, #tpu.memory_space<hbm>>) target(%arg7 : memref<4x128xi32, #tpu.memory_space<vmem>>) target_semaphore(%arg11 : memref<!tpu.dma_semaphore, #tpu.memory_space<semaphore_mem>>)
    } else {
    }
    %ge3A = arith.constant 2500 : i32
    %ge3A_7 = arith.cmpi sge, %add3A_4, %ge3A : i32
    %convert_element_type3A_8 = arith.extui %ge3A_7 : i1 to i32
    %cond3A_9 = arith.constant 0 : i32
    %cond3A_10 = arith.cmpi ne, %convert_element_type3A_8, %cond3A_9 : i32
    scf.if %cond3A_10 {
      %sub3A = arith.constant 2500 : i32
      %sub3A_37 = arith.subi %add3A_4, %sub3A : i32
      %dma_start3A = arith.constant 0 : i32
      %dma_start3A_38 = tpu.memref_slice %arg3[%sub3A_37, %dma_start3A] : memref<60x128xi32, #tpu.memory_space<hbm>> -> memref<4x128xi32, #tpu.memory_space<hbm>>
      %dma_start3A_39 = arith.constant 0 : i32
      %dma_start3A_40 = tpu.memref_slice %arg3[%sub3A_37, %dma_start3A_39] : memref<60x128xi32, #tpu.memory_space<hbm>> -> memref<4x128xi32, #tpu.memory_space<hbm>>
      tpu.enqueue_dma source(%dma_start3A_40 : memref<4x128xi32, #tpu.memory_space<hbm>>) target(%arg7 : memref<4x128xi32, #tpu.memory_space<vmem>>) target_semaphore(%arg11 : memref<!tpu.dma_semaphore, #tpu.memory_space<semaphore_mem>>)
    } else {
    }
    "tpu.region"() ({
      %run_scoped3A = tpu.sem_alloc : memref<!tpu.dma_semaphore, #tpu.memory_space<semaphore_mem>>
      tpu.enqueue_dma source(%arg4 : memref<128xf32, #tpu.memory_space<hbm>>) target(%arg9 : memref<128xf32, #tpu.memory_space<vmem>>) target_semaphore(%run_scoped3A : memref<!tpu.dma_semaphore, #tpu.memory_space<semaphore_mem>>)
      tpu.wait_dma2 semaphore(%run_scoped3A : memref<!tpu.dma_semaphore, #tpu.memory_space<semaphore_mem>>) src(%arg4 : memref<128xf32, #tpu.memory_space<hbm>>) dst(%arg9 : memref<128xf32, #tpu.memory_space<vmem>>)
      tpu.yield
    }) : () -> ()
    %mul3A_11 = arith.constant 640 : i32
    %mul3A_12 = arith.muli %arg1, %mul3A_11 : i32
    "tpu.region"() ({
      %run_scoped3A = tpu.sem_alloc : memref<!tpu.dma_semaphore, #tpu.memory_space<semaphore_mem>>
      %dma_start3A = tpu.memref_slice %arg10[%mul3A_12] : memref<10240xf32, #tpu.memory_space<vmem_shared>> -> memref<640xf32, #tpu.memory_space<vmem_shared>>
      tpu.enqueue_dma source(%arg5 : memref<640xf32, #tpu.memory_space<hbm>>) target(%dma_start3A : memref<640xf32, #tpu.memory_space<vmem_shared>>) target_semaphore(%run_scoped3A : memref<!tpu.dma_semaphore, #tpu.memory_space<semaphore_mem>>)
      %dma_wait3A_37 = tpu.memref_slice %arg10[%mul3A_12] : memref<10240xf32, #tpu.memory_space<vmem_shared>> -> memref<640xf32, #tpu.memory_space<vmem_shared>>
      tpu.wait_dma2 semaphore(%run_scoped3A : memref<!tpu.dma_semaphore, #tpu.memory_space<semaphore_mem>>) src(%arg5 : memref<640xf32, #tpu.memory_space<hbm>>) dst(%dma_wait3A_37 : memref<640xf32, #tpu.memory_space<vmem_shared>>)
      tpu.yield
    }) : () -> ()
    %barrier3A = arith.constant 0 : index
    tpu.barrier barrier_id(%barrier3A)
    %scan3A = arith.constant 0 : i32
    %scan3A_13 = arith.constant 10 : i32
    %scan3A_14 = arith.addi %scan3A, %scan3A_13 : i32
    %scan3A_15 = arith.constant 1 : i32
    scf.for %scan3A_37 = %scan3A to %scan3A_14 step %scan3A_15  : i32 {
      %mul3A_38 = arith.constant 2 : i32
      %mul3A_39 = arith.muli %scan3A_37, %mul3A_38 : i32
      %add3A_40 = arith.constant 0 : i32
      %add3A_41 = arith.addi %add3A_40, %mul3A_39 : i32
      %dma_wait3A_42 = arith.constant 0 : i32
      %dma_wait3A_43 = arith.constant 0 : i32
      %dma_wait3A_44 = tpu.memref_slice %arg2[%dma_wait3A_42, %dma_wait3A_43] : memref<2500x128xi32, #tpu.memory_space<hbm>> -> memref<4x128xi32, #tpu.memory_space<hbm>>
      %dma_wait3A_45 = arith.constant 0 : i32
      %dma_wait3A_46 = arith.constant 0 : i32
      %dma_wait3A_47 = tpu.memref_slice %arg2[%dma_wait3A_45, %dma_wait3A_46] : memref<2500x128xi32, #tpu.memory_space<hbm>> -> memref<4x128xi32, #tpu.memory_space<hbm>>
      tpu.wait_dma2 semaphore(%arg11 : memref<!tpu.dma_semaphore, #tpu.memory_space<semaphore_mem>>) src(%dma_wait3A_47 : memref<4x128xi32, #tpu.memory_space<hbm>>) dst(%arg7 : memref<4x128xi32, #tpu.memory_space<vmem>>)
      %dma_start3A = arith.constant 0 : i32
      %dma_start3A_48 = arith.constant 0 : i32
      %dma_start3A_49 = tpu.memref_slice %arg7[%dma_start3A, %dma_start3A_48] : memref<4x128xi32, #tpu.memory_space<vmem>> -> memref<1x128xi32, #tpu.memory_space<vmem>>
      %dma_start3A_50 = tpu.memref_squeeze %dma_start3A_49 : memref<1x128xi32, #tpu.memory_space<vmem>> -> memref<128xi32, #tpu.memory_space<vmem>>
      %dma_start3A_51 = arith.constant 0 : i32
      %dma_start3A_52 = tpu.memref_slice %arg10[%dma_start3A_51] : memref<10240xf32, #tpu.memory_space<vmem_shared>> -> memref<10240xf32, #tpu.memory_space<vmem_shared>>
      tpu.enqueue_indirect_dma source(%arg9 : memref<128xf32, #tpu.memory_space<vmem>>) target(%dma_start3A_52 : memref<10240xf32, #tpu.memory_space<vmem_shared>>) offsets(%dma_start3A_50 : memref<128xi32, #tpu.memory_space<vmem>>) semaphore(%arg13 : memref<!tpu.dma_semaphore, #tpu.memory_space<semaphore_mem>>) {add = true}
      %dma_start3A_53 = arith.constant 1 : i32
      %dma_start3A_54 = arith.constant 0 : i32
      %dma_start3A_55 = tpu.memref_slice %arg7[%dma_start3A_53, %dma_start3A_54] : memref<4x128xi32, #tpu.memory_space<vmem>> -> memref<1x128xi32, #tpu.memory_space<vmem>>
      %dma_start3A_56 = tpu.memref_squeeze %dma_start3A_55 : memref<1x128xi32, #tpu.memory_space<vmem>> -> memref<128xi32, #tpu.memory_space<vmem>>
      %dma_start3A_57 = arith.constant 0 : i32
      %dma_start3A_58 = tpu.memref_slice %arg10[%dma_start3A_57] : memref<10240xf32, #tpu.memory_space<vmem_shared>> -> memref<10240xf32, #tpu.memory_space<vmem_shared>>
      tpu.enqueue_indirect_dma source(%arg9 : memref<128xf32, #tpu.memory_space<vmem>>) target(%dma_start3A_58 : memref<10240xf32, #tpu.memory_space<vmem_shared>>) offsets(%dma_start3A_56 : memref<128xi32, #tpu.memory_space<vmem>>) semaphore(%arg13 : memref<!tpu.dma_semaphore, #tpu.memory_space<semaphore_mem>>) {add = true}
      %dma_start3A_59 = arith.constant 2 : i32
      %dma_start3A_60 = arith.constant 0 : i32
      %dma_start3A_61 = tpu.memref_slice %arg7[%dma_start3A_59, %dma_start3A_60] : memref<4x128xi32, #tpu.memory_space<vmem>> -> memref<1x128xi32, #tpu.memory_space<vmem>>
      %dma_start3A_62 = tpu.memref_squeeze %dma_start3A_61 : memref<1x128xi32, #tpu.memory_space<vmem>> -> memref<128xi32, #tpu.memory_space<vmem>>
      %dma_start3A_63 = arith.constant 0 : i32
      %dma_start3A_64 = tpu.memref_slice %arg10[%dma_start3A_63] : memref<10240xf32, #tpu.memory_space<vmem_shared>> -> memref<10240xf32, #tpu.memory_space<vmem_shared>>
      tpu.enqueue_indirect_dma source(%arg9 : memref<128xf32, #tpu.memory_space<vmem>>) target(%dma_start3A_64 : memref<10240xf32, #tpu.memory_space<vmem_shared>>) offsets(%dma_start3A_62 : memref<128xi32, #tpu.memory_space<vmem>>) semaphore(%arg13 : memref<!tpu.dma_semaphore, #tpu.memory_space<semaphore_mem>>) {add = true}
      %dma_start3A_65 = arith.constant 3 : i32
      %dma_start3A_66 = arith.constant 0 : i32
      %dma_start3A_67 = tpu.memref_slice %arg7[%dma_start3A_65, %dma_start3A_66] : memref<4x128xi32, #tpu.memory_space<vmem>> -> memref<1x128xi32, #tpu.memory_space<vmem>>
      %dma_start3A_68 = tpu.memref_squeeze %dma_start3A_67 : memref<1x128xi32, #tpu.memory_space<vmem>> -> memref<128xi32, #tpu.memory_space<vmem>>
      %dma_start3A_69 = arith.constant 0 : i32
      %dma_start3A_70 = tpu.memref_slice %arg10[%dma_start3A_69] : memref<10240xf32, #tpu.memory_space<vmem_shared>> -> memref<10240xf32, #tpu.memory_space<vmem_shared>>
      tpu.enqueue_indirect_dma source(%arg9 : memref<128xf32, #tpu.memory_space<vmem>>) target(%dma_start3A_70 : memref<10240xf32, #tpu.memory_space<vmem_shared>>) offsets(%dma_start3A_68 : memref<128xi32, #tpu.memory_space<vmem>>) semaphore(%arg13 : memref<!tpu.dma_semaphore, #tpu.memory_space<semaphore_mem>>) {add = true}
      %gt3A = arith.constant 0 : i32
      %gt3A_71 = arith.cmpi sgt, %add3A_41, %gt3A : i32
      %convert_element_type3A_72 = arith.extui %gt3A_71 : i1 to i32
      %cond3A_73 = arith.constant 0 : i32
      %cond3A_74 = arith.cmpi ne, %convert_element_type3A_72, %cond3A_73 : i32
      scf.if %cond3A_74 {
        %dma_wait3A_143 = arith.constant 0 : i32
        %dma_wait3A_144 = tpu.memref_slice %arg10[%dma_wait3A_143] : memref<10240xf32, #tpu.memory_space<vmem_shared>> -> memref<128xf32, #tpu.memory_space<vmem_shared>>
        %dma_wait3A_145 = arith.constant 0 : i32
        %dma_wait3A_146 = tpu.memref_slice %arg10[%dma_wait3A_145] : memref<10240xf32, #tpu.memory_space<vmem_shared>> -> memref<128xf32, #tpu.memory_space<vmem_shared>>
        tpu.wait_dma2 semaphore(%arg14 : memref<!tpu.dma_semaphore, #tpu.memory_space<semaphore_mem>>) src(%arg9 : memref<128xf32, #tpu.memory_space<vmem>>) dst(%dma_wait3A_146 : memref<128xf32, #tpu.memory_space<vmem_shared>>)
        %dma_wait3A_147 = arith.constant 0 : i32
        %dma_wait3A_148 = tpu.memref_slice %arg10[%dma_wait3A_147] : memref<10240xf32, #tpu.memory_space<vmem_shared>> -> memref<128xf32, #tpu.memory_space<vmem_shared>>
        %dma_wait3A_149 = arith.constant 0 : i32
        %dma_wait3A_150 = tpu.memref_slice %arg10[%dma_wait3A_149] : memref<10240xf32, #tpu.memory_space<vmem_shared>> -> memref<128xf32, #tpu.memory_space<vmem_shared>>
        tpu.wait_dma2 semaphore(%arg14 : memref<!tpu.dma_semaphore, #tpu.memory_space<semaphore_mem>>) src(%arg9 : memref<128xf32, #tpu.memory_space<vmem>>) dst(%dma_wait3A_150 : memref<128xf32, #tpu.memory_space<vmem_shared>>)
        %dma_wait3A_151 = arith.constant 0 : i32
        %dma_wait3A_152 = tpu.memref_slice %arg10[%dma_wait3A_151] : memref<10240xf32, #tpu.memory_space<vmem_shared>> -> memref<128xf32, #tpu.memory_space<vmem_shared>>
        %dma_wait3A_153 = arith.constant 0 : i32
        %dma_wait3A_154 = tpu.memref_slice %arg10[%dma_wait3A_153] : memref<10240xf32, #tpu.memory_space<vmem_shared>> -> memref<128xf32, #tpu.memory_space<vmem_shared>>
        tpu.wait_dma2 semaphore(%arg14 : memref<!tpu.dma_semaphore, #tpu.memory_space<semaphore_mem>>) src(%arg9 : memref<128xf32, #tpu.memory_space<vmem>>) dst(%dma_wait3A_154 : memref<128xf32, #tpu.memory_space<vmem_shared>>)
        %dma_wait3A_155 = arith.constant 0 : i32
        %dma_wait3A_156 = tpu.memref_slice %arg10[%dma_wait3A_155] : memref<10240xf32, #tpu.memory_space<vmem_shared>> -> memref<128xf32, #tpu.memory_space<vmem_shared>>
        %dma_wait3A_157 = arith.constant 0 : i32
        %dma_wait3A_158 = tpu.memref_slice %arg10[%dma_wait3A_157] : memref<10240xf32, #tpu.memory_space<vmem_shared>> -> memref<128xf32, #tpu.memory_space<vmem_shared>>
        tpu.wait_dma2 semaphore(%arg14 : memref<!tpu.dma_semaphore, #tpu.memory_space<semaphore_mem>>) src(%arg9 : memref<128xf32, #tpu.memory_space<vmem>>) dst(%dma_wait3A_158 : memref<128xf32, #tpu.memory_space<vmem_shared>>)
      } else {
      }
      %add3A_75 = arith.constant 1 : i32
      %add3A_76 = arith.addi %add3A_41, %add3A_75 : i32
      %mul3A_77 = arith.constant 4 : i32
      %mul3A_78 = arith.muli %mul3A_77, %add3A_76 : i32
      %add3A_79 = arith.addi %mul3A_2, %mul3A_78 : i32
      %lt3A_80 = arith.constant 2500 : i32
      %lt3A_81 = arith.cmpi slt, %add3A_79, %lt3A_80 : i32
      %convert_element_type3A_82 = arith.extui %lt3A_81 : i1 to i32
      %cond3A_83 = arith.constant 0 : i32
      %cond3A_84 = arith.cmpi ne, %convert_element_type3A_82, %cond3A_83 : i32
      scf.if %cond3A_84 {
        %dma_start3A_143 = arith.constant 0 : i32
        %dma_start3A_144 = tpu.memref_slice %arg2[%add3A_79, %dma_start3A_143] : memref<2500x128xi32, #tpu.memory_space<hbm>> -> memref<4x128xi32, #tpu.memory_space<hbm>>
        %dma_start3A_145 = arith.constant 0 : i32
        %dma_start3A_146 = tpu.memref_slice %arg2[%add3A_79, %dma_start3A_145] : memref<2500x128xi32, #tpu.memory_space<hbm>> -> memref<4x128xi32, #tpu.memory_space<hbm>>
        tpu.enqueue_dma source(%dma_start3A_146 : memref<4x128xi32, #tpu.memory_space<hbm>>) target(%arg8 : memref<4x128xi32, #tpu.memory_space<vmem>>) target_semaphore(%arg12 : memref<!tpu.dma_semaphore, #tpu.memory_space<semaphore_mem>>)
      } else {
      }
      %ge3A_85 = arith.constant 2500 : i32
      %ge3A_86 = arith.cmpi sge, %add3A_79, %ge3A_85 : i32
      %convert_element_type3A_87 = arith.extui %ge3A_86 : i1 to i32
      %cond3A_88 = arith.constant 0 : i32
      %cond3A_89 = arith.cmpi ne, %convert_element_type3A_87, %cond3A_88 : i32
      scf.if %cond3A_89 {
        %sub3A = arith.constant 2500 : i32
        %sub3A_143 = arith.subi %add3A_79, %sub3A : i32
        %dma_start3A_144 = arith.constant 0 : i32
        %dma_start3A_145 = tpu.memref_slice %arg3[%sub3A_143, %dma_start3A_144] : memref<60x128xi32, #tpu.memory_space<hbm>> -> memref<4x128xi32, #tpu.memory_space<hbm>>
        %dma_start3A_146 = arith.constant 0 : i32
        %dma_start3A_147 = tpu.memref_slice %arg3[%sub3A_143, %dma_start3A_146] : memref<60x128xi32, #tpu.memory_space<hbm>> -> memref<4x128xi32, #tpu.memory_space<hbm>>
        tpu.enqueue_dma source(%dma_start3A_147 : memref<4x128xi32, #tpu.memory_space<hbm>>) target(%arg8 : memref<4x128xi32, #tpu.memory_space<vmem>>) target_semaphore(%arg12 : memref<!tpu.dma_semaphore, #tpu.memory_space<semaphore_mem>>)
      } else {
      }
      %dma_wait3A_90 = arith.constant 0 : i32
      %dma_wait3A_91 = arith.constant 0 : i32
      %dma_wait3A_92 = tpu.memref_slice %arg2[%dma_wait3A_90, %dma_wait3A_91] : memref<2500x128xi32, #tpu.memory_space<hbm>> -> memref<4x128xi32, #tpu.memory_space<hbm>>
      %dma_wait3A_93 = arith.constant 0 : i32
      %dma_wait3A_94 = arith.constant 0 : i32
      %dma_wait3A_95 = tpu.memref_slice %arg2[%dma_wait3A_93, %dma_wait3A_94] : memref<2500x128xi32, #tpu.memory_space<hbm>> -> memref<4x128xi32, #tpu.memory_space<hbm>>
      tpu.wait_dma2 semaphore(%arg12 : memref<!tpu.dma_semaphore, #tpu.memory_space<semaphore_mem>>) src(%dma_wait3A_95 : memref<4x128xi32, #tpu.memory_space<hbm>>) dst(%arg8 : memref<4x128xi32, #tpu.memory_space<vmem>>)
      %dma_start3A_96 = arith.constant 0 : i32
      %dma_start3A_97 = arith.constant 0 : i32
      %dma_start3A_98 = tpu.memref_slice %arg8[%dma_start3A_96, %dma_start3A_97] : memref<4x128xi32, #tpu.memory_space<vmem>> -> memref<1x128xi32, #tpu.memory_space<vmem>>
      %dma_start3A_99 = tpu.memref_squeeze %dma_start3A_98 : memref<1x128xi32, #tpu.memory_space<vmem>> -> memref<128xi32, #tpu.memory_space<vmem>>
      %dma_start3A_100 = arith.constant 0 : i32
      %dma_start3A_101 = tpu.memref_slice %arg10[%dma_start3A_100] : memref<10240xf32, #tpu.memory_space<vmem_shared>> -> memref<10240xf32, #tpu.memory_space<vmem_shared>>
      tpu.enqueue_indirect_dma source(%arg9 : memref<128xf32, #tpu.memory_space<vmem>>) target(%dma_start3A_101 : memref<10240xf32, #tpu.memory_space<vmem_shared>>) offsets(%dma_start3A_99 : memref<128xi32, #tpu.memory_space<vmem>>) semaphore(%arg14 : memref<!tpu.dma_semaphore, #tpu.memory_space<semaphore_mem>>) {add = true}
      %dma_start3A_102 = arith.constant 1 : i32
      %dma_start3A_103 = arith.constant 0 : i32
      %dma_start3A_104 = tpu.memref_slice %arg8[%dma_start3A_102, %dma_start3A_103] : memref<4x128xi32, #tpu.memory_space<vmem>> -> memref<1x128xi32, #tpu.memory_space<vmem>>
      %dma_start3A_105 = tpu.memref_squeeze %dma_start3A_104 : memref<1x128xi32, #tpu.memory_space<vmem>> -> memref<128xi32, #tpu.memory_space<vmem>>
      %dma_start3A_106 = arith.constant 0 : i32
      %dma_start3A_107 = tpu.memref_slice %arg10[%dma_start3A_106] : memref<10240xf32, #tpu.memory_space<vmem_shared>> -> memref<10240xf32, #tpu.memory_space<vmem_shared>>
      tpu.enqueue_indirect_dma source(%arg9 : memref<128xf32, #tpu.memory_space<vmem>>) target(%dma_start3A_107 : memref<10240xf32, #tpu.memory_space<vmem_shared>>) offsets(%dma_start3A_105 : memref<128xi32, #tpu.memory_space<vmem>>) semaphore(%arg14 : memref<!tpu.dma_semaphore, #tpu.memory_space<semaphore_mem>>) {add = true}
      %dma_start3A_108 = arith.constant 2 : i32
      %dma_start3A_109 = arith.constant 0 : i32
      %dma_start3A_110 = tpu.memref_slice %arg8[%dma_start3A_108, %dma_start3A_109] : memref<4x128xi32, #tpu.memory_space<vmem>> -> memref<1x128xi32, #tpu.memory_space<vmem>>
      %dma_start3A_111 = tpu.memref_squeeze %dma_start3A_110 : memref<1x128xi32, #tpu.memory_space<vmem>> -> memref<128xi32, #tpu.memory_space<vmem>>
      %dma_start3A_112 = arith.constant 0 : i32
      %dma_start3A_113 = tpu.memref_slice %arg10[%dma_start3A_112] : memref<10240xf32, #tpu.memory_space<vmem_shared>> -> memref<10240xf32, #tpu.memory_space<vmem_shared>>
      tpu.enqueue_indirect_dma source(%arg9 : memref<128xf32, #tpu.memory_space<vmem>>) target(%dma_start3A_113 : memref<10240xf32, #tpu.memory_space<vmem_shared>>) offsets(%dma_start3A_111 : memref<128xi32, #tpu.memory_space<vmem>>) semaphore(%arg14 : memref<!tpu.dma_semaphore, #tpu.memory_space<semaphore_mem>>) {add = true}
      %dma_start3A_114 = arith.constant 3 : i32
      %dma_start3A_115 = arith.constant 0 : i32
      %dma_start3A_116 = tpu.memref_slice %arg8[%dma_start3A_114, %dma_start3A_115] : memref<4x128xi32, #tpu.memory_space<vmem>> -> memref<1x128xi32, #tpu.memory_space<vmem>>
      %dma_start3A_117 = tpu.memref_squeeze %dma_start3A_116 : memref<1x128xi32, #tpu.memory_space<vmem>> -> memref<128xi32, #tpu.memory_space<vmem>>
      %dma_start3A_118 = arith.constant 0 : i32
      %dma_start3A_119 = tpu.memref_slice %arg10[%dma_start3A_118] : memref<10240xf32, #tpu.memory_space<vmem_shared>> -> memref<10240xf32, #tpu.memory_space<vmem_shared>>
      tpu.enqueue_indirect_dma source(%arg9 : memref<128xf32, #tpu.memory_space<vmem>>) target(%dma_start3A_119 : memref<10240xf32, #tpu.memory_space<vmem_shared>>) offsets(%dma_start3A_117 : memref<128xi32, #tpu.memory_space<vmem>>) semaphore(%arg14 : memref<!tpu.dma_semaphore, #tpu.memory_space<semaphore_mem>>) {add = true}
      %dma_wait3A_120 = arith.constant 0 : i32
      %dma_wait3A_121 = tpu.memref_slice %arg10[%dma_wait3A_120] : memref<10240xf32, #tpu.memory_space<vmem_shared>> -> memref<128xf32, #tpu.memory_space<vmem_shared>>
      %dma_wait3A_122 = arith.constant 0 : i32
      %dma_wait3A_123 = tpu.memref_slice %arg10[%dma_wait3A_122] : memref<10240xf32, #tpu.memory_space<vmem_shared>> -> memref<128xf32, #tpu.memory_space<vmem_shared>>
      tpu.wait_dma2 semaphore(%arg13 : memref<!tpu.dma_semaphore, #tpu.memory_space<semaphore_mem>>) src(%arg9 : memref<128xf32, #tpu.memory_space<vmem>>) dst(%dma_wait3A_123 : memref<128xf32, #tpu.memory_space<vmem_shared>>)
      %dma_wait3A_124 = arith.constant 0 : i32
      %dma_wait3A_125 = tpu.memref_slice %arg10[%dma_wait3A_124] : memref<10240xf32, #tpu.memory_space<vmem_shared>> -> memref<128xf32, #tpu.memory_space<vmem_shared>>
      %dma_wait3A_126 = arith.constant 0 : i32
      %dma_wait3A_127 = tpu.memref_slice %arg10[%dma_wait3A_126] : memref<10240xf32, #tpu.memory_space<vmem_shared>> -> memref<128xf32, #tpu.memory_space<vmem_shared>>
      tpu.wait_dma2 semaphore(%arg13 : memref<!tpu.dma_semaphore, #tpu.memory_space<semaphore_mem>>) src(%arg9 : memref<128xf32, #tpu.memory_space<vmem>>) dst(%dma_wait3A_127 : memref<128xf32, #tpu.memory_space<vmem_shared>>)
      %dma_wait3A_128 = arith.constant 0 : i32
      %dma_wait3A_129 = tpu.memref_slice %arg10[%dma_wait3A_128] : memref<10240xf32, #tpu.memory_space<vmem_shared>> -> memref<128xf32, #tpu.memory_space<vmem_shared>>
      %dma_wait3A_130 = arith.constant 0 : i32
      %dma_wait3A_131 = tpu.memref_slice %arg10[%dma_wait3A_130] : memref<10240xf32, #tpu.memory_space<vmem_shared>> -> memref<128xf32, #tpu.memory_space<vmem_shared>>
      tpu.wait_dma2 semaphore(%arg13 : memref<!tpu.dma_semaphore, #tpu.memory_space<semaphore_mem>>) src(%arg9 : memref<128xf32, #tpu.memory_space<vmem>>) dst(%dma_wait3A_131 : memref<128xf32, #tpu.memory_space<vmem_shared>>)
      %dma_wait3A_132 = arith.constant 0 : i32
      %dma_wait3A_133 = tpu.memref_slice %arg10[%dma_wait3A_132] : memref<10240xf32, #tpu.memory_space<vmem_shared>> -> memref<128xf32, #tpu.memory_space<vmem_shared>>
      %dma_wait3A_134 = arith.constant 0 : i32
      %dma_wait3A_135 = tpu.memref_slice %arg10[%dma_wait3A_134] : memref<10240xf32, #tpu.memory_space<vmem_shared>> -> memref<128xf32, #tpu.memory_space<vmem_shared>>
      tpu.wait_dma2 semaphore(%arg13 : memref<!tpu.dma_semaphore, #tpu.memory_space<semaphore_mem>>) src(%arg9 : memref<128xf32, #tpu.memory_space<vmem>>) dst(%dma_wait3A_135 : memref<128xf32, #tpu.memory_space<vmem_shared>>)
      %add3A_136 = arith.constant 2 : i32
      %add3A_137 = arith.addi %add3A_41, %add3A_136 : i32
      %lt3A_138 = arith.constant 20 : i32
      %lt3A_139 = arith.cmpi slt, %add3A_137, %lt3A_138 : i32
      %convert_element_type3A_140 = arith.extui %lt3A_139 : i1 to i32
      %cond3A_141 = arith.constant 0 : i32
      %cond3A_142 = arith.cmpi ne, %convert_element_type3A_140, %cond3A_141 : i32
      scf.if %cond3A_142 {
        %add3A_143 = arith.constant 2 : i32
        %add3A_144 = arith.addi %add3A_41, %add3A_143 : i32
        %mul3A_145 = arith.constant 4 : i32
        %mul3A_146 = arith.muli %mul3A_145, %add3A_144 : i32
        %add3A_147 = arith.addi %mul3A_2, %mul3A_146 : i32
        %lt3A_148 = arith.constant 2500 : i32
        %lt3A_149 = arith.cmpi slt, %add3A_147, %lt3A_148 : i32
        %convert_element_type3A_150 = arith.extui %lt3A_149 : i1 to i32
        %cond3A_151 = arith.constant 0 : i32
        %cond3A_152 = arith.cmpi ne, %convert_element_type3A_150, %cond3A_151 : i32
        scf.if %cond3A_152 {
          %dma_start3A_158 = arith.constant 0 : i32
          %dma_start3A_159 = tpu.memref_slice %arg2[%add3A_147, %dma_start3A_158] : memref<2500x128xi32, #tpu.memory_space<hbm>> -> memref<4x128xi32, #tpu.memory_space<hbm>>
          %dma_start3A_160 = arith.constant 0 : i32
          %dma_start3A_161 = tpu.memref_slice %arg2[%add3A_147, %dma_start3A_160] : memref<2500x128xi32, #tpu.memory_space<hbm>> -> memref<4x128xi32, #tpu.memory_space<hbm>>
          tpu.enqueue_dma source(%dma_start3A_161 : memref<4x128xi32, #tpu.memory_space<hbm>>) target(%arg7 : memref<4x128xi32, #tpu.memory_space<vmem>>) target_semaphore(%arg11 : memref<!tpu.dma_semaphore, #tpu.memory_space<semaphore_mem>>)
        } else {
        }
        %ge3A_153 = arith.constant 2500 : i32
        %ge3A_154 = arith.cmpi sge, %add3A_147, %ge3A_153 : i32
        %convert_element_type3A_155 = arith.extui %ge3A_154 : i1 to i32
        %cond3A_156 = arith.constant 0 : i32
        %cond3A_157 = arith.cmpi ne, %convert_element_type3A_155, %cond3A_156 : i32
        scf.if %cond3A_157 {
          %sub3A = arith.constant 2500 : i32
          %sub3A_158 = arith.subi %add3A_147, %sub3A : i32
          %dma_start3A_159 = arith.constant 0 : i32
          %dma_start3A_160 = tpu.memref_slice %arg3[%sub3A_158, %dma_start3A_159] : memref<60x128xi32, #tpu.memory_space<hbm>> -> memref<4x128xi32, #tpu.memory_space<hbm>>
          %dma_start3A_161 = arith.constant 0 : i32
          %dma_start3A_162 = tpu.memref_slice %arg3[%sub3A_158, %dma_start3A_161] : memref<60x128xi32, #tpu.memory_space<hbm>> -> memref<4x128xi32, #tpu.memory_space<hbm>>
          tpu.enqueue_dma source(%dma_start3A_162 : memref<4x128xi32, #tpu.memory_space<hbm>>) target(%arg7 : memref<4x128xi32, #tpu.memory_space<vmem>>) target_semaphore(%arg11 : memref<!tpu.dma_semaphore, #tpu.memory_space<semaphore_mem>>)
        } else {
        }
      } else {
      }
    }
    %scan3A_16 = arith.constant 10 : i32
    %dma_wait3A = arith.constant 0 : i32
    %dma_wait3A_17 = tpu.memref_slice %arg10[%dma_wait3A] : memref<10240xf32, #tpu.memory_space<vmem_shared>> -> memref<128xf32, #tpu.memory_space<vmem_shared>>
    %dma_wait3A_18 = arith.constant 0 : i32
    %dma_wait3A_19 = tpu.memref_slice %arg10[%dma_wait3A_18] : memref<10240xf32, #tpu.memory_space<vmem_shared>> -> memref<128xf32, #tpu.memory_space<vmem_shared>>
    tpu.wait_dma2 semaphore(%arg14 : memref<!tpu.dma_semaphore, #tpu.memory_space<semaphore_mem>>) src(%arg9 : memref<128xf32, #tpu.memory_space<vmem>>) dst(%dma_wait3A_19 : memref<128xf32, #tpu.memory_space<vmem_shared>>)
    %dma_wait3A_20 = arith.constant 0 : i32
    %dma_wait3A_21 = tpu.memref_slice %arg10[%dma_wait3A_20] : memref<10240xf32, #tpu.memory_space<vmem_shared>> -> memref<128xf32, #tpu.memory_space<vmem_shared>>
    %dma_wait3A_22 = arith.constant 0 : i32
    %dma_wait3A_23 = tpu.memref_slice %arg10[%dma_wait3A_22] : memref<10240xf32, #tpu.memory_space<vmem_shared>> -> memref<128xf32, #tpu.memory_space<vmem_shared>>
    tpu.wait_dma2 semaphore(%arg14 : memref<!tpu.dma_semaphore, #tpu.memory_space<semaphore_mem>>) src(%arg9 : memref<128xf32, #tpu.memory_space<vmem>>) dst(%dma_wait3A_23 : memref<128xf32, #tpu.memory_space<vmem_shared>>)
    %dma_wait3A_24 = arith.constant 0 : i32
    %dma_wait3A_25 = tpu.memref_slice %arg10[%dma_wait3A_24] : memref<10240xf32, #tpu.memory_space<vmem_shared>> -> memref<128xf32, #tpu.memory_space<vmem_shared>>
    %dma_wait3A_26 = arith.constant 0 : i32
    %dma_wait3A_27 = tpu.memref_slice %arg10[%dma_wait3A_26] : memref<10240xf32, #tpu.memory_space<vmem_shared>> -> memref<128xf32, #tpu.memory_space<vmem_shared>>
    tpu.wait_dma2 semaphore(%arg14 : memref<!tpu.dma_semaphore, #tpu.memory_space<semaphore_mem>>) src(%arg9 : memref<128xf32, #tpu.memory_space<vmem>>) dst(%dma_wait3A_27 : memref<128xf32, #tpu.memory_space<vmem_shared>>)
    %dma_wait3A_28 = arith.constant 0 : i32
    %dma_wait3A_29 = tpu.memref_slice %arg10[%dma_wait3A_28] : memref<10240xf32, #tpu.memory_space<vmem_shared>> -> memref<128xf32, #tpu.memory_space<vmem_shared>>
    %dma_wait3A_30 = arith.constant 0 : i32
    %dma_wait3A_31 = tpu.memref_slice %arg10[%dma_wait3A_30] : memref<10240xf32, #tpu.memory_space<vmem_shared>> -> memref<128xf32, #tpu.memory_space<vmem_shared>>
    tpu.wait_dma2 semaphore(%arg14 : memref<!tpu.dma_semaphore, #tpu.memory_space<semaphore_mem>>) src(%arg9 : memref<128xf32, #tpu.memory_space<vmem>>) dst(%dma_wait3A_31 : memref<128xf32, #tpu.memory_space<vmem_shared>>)
    %barrier3A_32 = arith.constant 0 : index
    tpu.barrier barrier_id(%barrier3A_32)
    %mul3A_33 = arith.constant 640 : i32
    %mul3A_34 = arith.muli %arg1, %mul3A_33 : i32
    %mul3A_35 = arith.constant 640 : i32
    %mul3A_36 = arith.muli %arg1, %mul3A_35 : i32
    "tpu.region"() ({
      %run_scoped3A = tpu.sem_alloc : memref<!tpu.dma_semaphore, #tpu.memory_space<semaphore_mem>>
      %dma_start3A = tpu.memref_slice %arg6[%arg0, %mul3A_36] : memref<2x10240xf32, #tpu.memory_space<hbm>> -> memref<1x640xf32, #tpu.memory_space<hbm>>
      %dma_start3A_37 = tpu.memref_squeeze %dma_start3A : memref<1x640xf32, #tpu.memory_space<hbm>> -> memref<640xf32, #tpu.memory_space<hbm>>
      %dma_start3A_38 = tpu.memref_slice %arg10[%mul3A_34] : memref<10240xf32, #tpu.memory_space<vmem_shared>> -> memref<640xf32, #tpu.memory_space<vmem_shared>>
      tpu.enqueue_dma source(%dma_start3A_38 : memref<640xf32, #tpu.memory_space<vmem_shared>>) target(%dma_start3A_37 : memref<640xf32, #tpu.memory_space<hbm>>) target_semaphore(%run_scoped3A : memref<!tpu.dma_semaphore, #tpu.memory_space<semaphore_mem>>)
      %dma_wait3A_39 = tpu.memref_slice %arg6[%arg0, %mul3A_36] : memref<2x10240xf32, #tpu.memory_space<hbm>> -> memref<1x640xf32, #tpu.memory_space<hbm>>
      %dma_wait3A_40 = tpu.memref_squeeze %dma_wait3A_39 : memref<1x640xf32, #tpu.memory_space<hbm>> -> memref<640xf32, #tpu.memory_space<hbm>>
      %dma_wait3A_41 = tpu.memref_slice %arg10[%mul3A_34] : memref<10240xf32, #tpu.memory_space<vmem_shared>> -> memref<640xf32, #tpu.memory_space<vmem_shared>>
      tpu.wait_dma2 semaphore(%run_scoped3A : memref<!tpu.dma_semaphore, #tpu.memory_space<semaphore_mem>>) src(%dma_wait3A_41 : memref<640xf32, #tpu.memory_space<vmem_shared>>) dst(%dma_wait3A_40 : memref<640xf32, #tpu.memory_space<hbm>>)
      tpu.yield
    }) : () -> ()
    return
  }
}

#map = affine_map<(d0, d1) -> (0, 0)>
#map1 = affine_map<(d0, d1) -> (0)>
#map2 = affine_map<(d0, d1) -> (0, 0, 0)>
module attributes {stable_mosaic.version = 14 : i64} {
  func.func @_agg_body(%arg0: i32, %arg1: i32, %arg2: memref<10240x128xf32, #tpu.memory_space<hbm>>, %arg3: memref<2500x128xi32, #tpu.memory_space<hbm>>, %arg4: memref<2500x128xi32, #tpu.memory_space<hbm>>, %arg5: memref<60x128xi32, #tpu.memory_space<hbm>>, %arg6: memref<60x128xi32, #tpu.memory_space<hbm>>, %arg7: memref<64x128xf32, #tpu.memory_space<hbm>>, %arg8: memref<64xf32, #tpu.memory_space<hbm>>, %arg9: memref<640xf32, #tpu.memory_space<hbm>>, %arg10: memref<2x10240x128xf32, #tpu.memory_space<hbm>>, %arg11: memref<2x10240xf32, #tpu.memory_space<hbm>>, %arg12: memref<10x64xi32, #tpu.memory_space<vmem>>, %arg13: memref<10x64xi32, #tpu.memory_space<vmem>>, %arg14: memref<64x128xf32, #tpu.memory_space<vmem>>, %arg15: memref<64x128xf32, #tpu.memory_space<vmem>>, %arg16: memref<64x128xf32, #tpu.memory_space<vmem>>, %arg17: memref<64x128xf32, #tpu.memory_space<vmem>>, %arg18: memref<64x128xf32, #tpu.memory_space<vmem>>, %arg19: memref<64xf32, #tpu.memory_space<vmem>>, %arg20: memref<10240x128xf32, #tpu.memory_space<vmem_shared>>, %arg21: memref<10240xf32, #tpu.memory_space<vmem_shared>>, %arg22: memref<!tpu.dma_semaphore, #tpu.memory_space<semaphore_mem>>, %arg23: memref<!tpu.dma_semaphore, #tpu.memory_space<semaphore_mem>>, %arg24: memref<!tpu.dma_semaphore, #tpu.memory_space<semaphore_mem>>, %arg25: memref<!tpu.dma_semaphore, #tpu.memory_space<semaphore_mem>>, %arg26: memref<!tpu.dma_semaphore, #tpu.memory_space<semaphore_mem>>, %arg27: memref<!tpu.dma_semaphore, #tpu.memory_space<semaphore_mem>>, %arg28: memref<!tpu.dma_semaphore, #tpu.memory_space<semaphore_mem>>, %arg29: memref<!tpu.dma_semaphore, #tpu.memory_space<semaphore_mem>>, %arg30: memref<!tpu.dma_semaphore, #tpu.memory_space<semaphore_mem>>, %arg31: memref<!tpu.dma_semaphore, #tpu.memory_space<semaphore_mem>>, %arg32: memref<!tpu.dma_semaphore, #tpu.memory_space<semaphore_mem>>, %arg33: memref<!tpu.dma_semaphore, #tpu.memory_space<semaphore_mem>>, %arg34: memref<!tpu.dma_semaphore, #tpu.memory_space<semaphore_mem>>, %arg35: memref<!tpu.dma_semaphore, #tpu.memory_space<semaphore_mem>>, %arg36: memref<!tpu.dma_semaphore, #tpu.memory_space<semaphore_mem>>, %arg37: memref<!tpu.dma_semaphore, #tpu.memory_space<semaphore_mem>>, %arg38: memref<!tpu.dma_semaphore, #tpu.memory_space<semaphore_mem>>, %arg39: memref<!tpu.dma_semaphore, #tpu.memory_space<semaphore_mem>>, %arg40: memref<!tpu.dma_semaphore, #tpu.memory_space<semaphore_mem>>, %arg41: memref<!tpu.dma_semaphore, #tpu.memory_space<semaphore_mem>>, %arg42: memref<!tpu.dma_semaphore, #tpu.memory_space<semaphore_mem>>) attributes {dimension_semantics = [#tpu.dimension_semantics<core_parallel>, #tpu.dimension_semantics<subcore_parallel>], iteration_bounds = array<i64: 2, 16>, scalar_prefetch = 0 : i64, scratch_operands = 31 : i64, tpu.core_type = #tpu.core_type<sc_vector_subcore>, window_params = [{transform_indices = #map}, {transform_indices = #map}, {transform_indices = #map}, {transform_indices = #map}, {transform_indices = #map}, {transform_indices = #map}, {transform_indices = #map1}, {transform_indices = #map1}, {transform_indices = #map2}, {transform_indices = #map}]} {
    %mul3A = arith.constant 16 : i32
    %mul3A_0 = arith.muli %arg0, %mul3A : i32
    %add3A = arith.addi %mul3A_0, %arg1 : i32
    %mul3A_1 = arith.constant 80 : i32
    %mul3A_2 = arith.muli %add3A, %mul3A_1 : i32
    %add3A_3 = arith.constant 0 : i32
    %add3A_4 = arith.addi %mul3A_2, %add3A_3 : i32
    %lt3A = arith.constant 2500 : i32
    %lt3A_5 = arith.cmpi slt, %add3A_4, %lt3A : i32
    %convert_element_type3A = arith.extui %lt3A_5 : i1 to i32
    %cond3A = arith.constant 0 : i32
    %cond3A_6 = arith.cmpi ne, %convert_element_type3A, %cond3A : i32
    scf.if %cond3A_6 {
      %dma_start3A_213 = arith.constant 0 : i32
      %dma_start3A_214 = arith.constant 0 : i32
      %dma_start3A_215 = tpu.memref_slice %arg12[%dma_start3A_213, %dma_start3A_214] : memref<10x64xi32, #tpu.memory_space<vmem>> -> memref<1x64xi32, #tpu.memory_space<vmem>>
      %dma_start3A_216 = tpu.memref_squeeze %dma_start3A_215 : memref<1x64xi32, #tpu.memory_space<vmem>> -> memref<64xi32, #tpu.memory_space<vmem>>
      %dma_start3A_217 = arith.constant 0 : i32
      %dma_start3A_218 = tpu.memref_slice %arg3[%add3A_4, %dma_start3A_217] : memref<2500x128xi32, #tpu.memory_space<hbm>> -> memref<1x64xi32, #tpu.memory_space<hbm>>
      %dma_start3A_219 = tpu.memref_squeeze %dma_start3A_218 : memref<1x64xi32, #tpu.memory_space<hbm>> -> memref<64xi32, #tpu.memory_space<hbm>>
      %dma_start3A_220 = arith.constant 0 : i32
      %dma_start3A_221 = tpu.memref_slice %arg12[%dma_start3A_213, %dma_start3A_220] : memref<10x64xi32, #tpu.memory_space<vmem>> -> memref<1x64xi32, #tpu.memory_space<vmem>>
      %dma_start3A_222 = tpu.memref_squeeze %dma_start3A_221 : memref<1x64xi32, #tpu.memory_space<vmem>> -> memref<64xi32, #tpu.memory_space<vmem>>
      %dma_start3A_223 = arith.constant 0 : i32
      %dma_start3A_224 = tpu.memref_slice %arg3[%add3A_4, %dma_start3A_223] : memref<2500x128xi32, #tpu.memory_space<hbm>> -> memref<1x64xi32, #tpu.memory_space<hbm>>
      %dma_start3A_225 = tpu.memref_squeeze %dma_start3A_224 : memref<1x64xi32, #tpu.memory_space<hbm>> -> memref<64xi32, #tpu.memory_space<hbm>>
      tpu.enqueue_dma source(%dma_start3A_225 : memref<64xi32, #tpu.memory_space<hbm>>) target(%dma_start3A_222 : memref<64xi32, #tpu.memory_space<vmem>>) target_semaphore(%arg22 : memref<!tpu.dma_semaphore, #tpu.memory_space<semaphore_mem>>)
      %dma_start3A_226 = arith.constant 0 : i32
      %dma_start3A_227 = arith.constant 0 : i32
      %dma_start3A_228 = tpu.memref_slice %arg13[%dma_start3A_226, %dma_start3A_227] : memref<10x64xi32, #tpu.memory_space<vmem>> -> memref<1x64xi32, #tpu.memory_space<vmem>>
      %dma_start3A_229 = tpu.memref_squeeze %dma_start3A_228 : memref<1x64xi32, #tpu.memory_space<vmem>> -> memref<64xi32, #tpu.memory_space<vmem>>
      %dma_start3A_230 = arith.constant 0 : i32
      %dma_start3A_231 = tpu.memref_slice %arg4[%add3A_4, %dma_start3A_230] : memref<2500x128xi32, #tpu.memory_space<hbm>> -> memref<1x64xi32, #tpu.memory_space<hbm>>
      %dma_start3A_232 = tpu.memref_squeeze %dma_start3A_231 : memref<1x64xi32, #tpu.memory_space<hbm>> -> memref<64xi32, #tpu.memory_space<hbm>>
      %dma_start3A_233 = arith.constant 0 : i32
      %dma_start3A_234 = tpu.memref_slice %arg13[%dma_start3A_226, %dma_start3A_233] : memref<10x64xi32, #tpu.memory_space<vmem>> -> memref<1x64xi32, #tpu.memory_space<vmem>>
      %dma_start3A_235 = tpu.memref_squeeze %dma_start3A_234 : memref<1x64xi32, #tpu.memory_space<vmem>> -> memref<64xi32, #tpu.memory_space<vmem>>
      %dma_start3A_236 = arith.constant 0 : i32
      %dma_start3A_237 = tpu.memref_slice %arg4[%add3A_4, %dma_start3A_236] : memref<2500x128xi32, #tpu.memory_space<hbm>> -> memref<1x64xi32, #tpu.memory_space<hbm>>
      %dma_start3A_238 = tpu.memref_squeeze %dma_start3A_237 : memref<1x64xi32, #tpu.memory_space<hbm>> -> memref<64xi32, #tpu.memory_space<hbm>>
      tpu.enqueue_dma source(%dma_start3A_238 : memref<64xi32, #tpu.memory_space<hbm>>) target(%dma_start3A_235 : memref<64xi32, #tpu.memory_space<vmem>>) target_semaphore(%arg22 : memref<!tpu.dma_semaphore, #tpu.memory_space<semaphore_mem>>)
    } else {
    }
    %ge3A = arith.constant 2500 : i32
    %ge3A_7 = arith.cmpi sge, %add3A_4, %ge3A : i32
    %convert_element_type3A_8 = arith.extui %ge3A_7 : i1 to i32
    %cond3A_9 = arith.constant 0 : i32
    %cond3A_10 = arith.cmpi ne, %convert_element_type3A_8, %cond3A_9 : i32
    scf.if %cond3A_10 {
      %sub3A = arith.constant 2500 : i32
      %sub3A_213 = arith.subi %add3A_4, %sub3A : i32
      %dma_start3A_214 = arith.constant 0 : i32
      %dma_start3A_215 = arith.constant 0 : i32
      %dma_start3A_216 = tpu.memref_slice %arg12[%dma_start3A_214, %dma_start3A_215] : memref<10x64xi32, #tpu.memory_space<vmem>> -> memref<1x64xi32, #tpu.memory_space<vmem>>
      %dma_start3A_217 = tpu.memref_squeeze %dma_start3A_216 : memref<1x64xi32, #tpu.memory_space<vmem>> -> memref<64xi32, #tpu.memory_space<vmem>>
      %dma_start3A_218 = arith.constant 0 : i32
      %dma_start3A_219 = tpu.memref_slice %arg5[%sub3A_213, %dma_start3A_218] : memref<60x128xi32, #tpu.memory_space<hbm>> -> memref<1x64xi32, #tpu.memory_space<hbm>>
      %dma_start3A_220 = tpu.memref_squeeze %dma_start3A_219 : memref<1x64xi32, #tpu.memory_space<hbm>> -> memref<64xi32, #tpu.memory_space<hbm>>
      %dma_start3A_221 = arith.constant 0 : i32
      %dma_start3A_222 = tpu.memref_slice %arg12[%dma_start3A_214, %dma_start3A_221] : memref<10x64xi32, #tpu.memory_space<vmem>> -> memref<1x64xi32, #tpu.memory_space<vmem>>
      %dma_start3A_223 = tpu.memref_squeeze %dma_start3A_222 : memref<1x64xi32, #tpu.memory_space<vmem>> -> memref<64xi32, #tpu.memory_space<vmem>>
      %dma_start3A_224 = arith.constant 0 : i32
      %dma_start3A_225 = tpu.memref_slice %arg5[%sub3A_213, %dma_start3A_224] : memref<60x128xi32, #tpu.memory_space<hbm>> -> memref<1x64xi32, #tpu.memory_space<hbm>>
      %dma_start3A_226 = tpu.memref_squeeze %dma_start3A_225 : memref<1x64xi32, #tpu.memory_space<hbm>> -> memref<64xi32, #tpu.memory_space<hbm>>
      tpu.enqueue_dma source(%dma_start3A_226 : memref<64xi32, #tpu.memory_space<hbm>>) target(%dma_start3A_223 : memref<64xi32, #tpu.memory_space<vmem>>) target_semaphore(%arg22 : memref<!tpu.dma_semaphore, #tpu.memory_space<semaphore_mem>>)
      %sub3A_227 = arith.constant 2500 : i32
      %sub3A_228 = arith.subi %add3A_4, %sub3A_227 : i32
      %dma_start3A_229 = arith.constant 0 : i32
      %dma_start3A_230 = arith.constant 0 : i32
      %dma_start3A_231 = tpu.memref_slice %arg13[%dma_start3A_229, %dma_start3A_230] : memref<10x64xi32, #tpu.memory_space<vmem>> -> memref<1x64xi32, #tpu.memory_space<vmem>>
      %dma_start3A_232 = tpu.memref_squeeze %dma_start3A_231 : memref<1x64xi32, #tpu.memory_space<vmem>> -> memref<64xi32, #tpu.memory_space<vmem>>
      %dma_start3A_233 = arith.constant 0 : i32
      %dma_start3A_234 = tpu.memref_slice %arg6[%sub3A_228, %dma_start3A_233] : memref<60x128xi32, #tpu.memory_space<hbm>> -> memref<1x64xi32, #tpu.memory_space<hbm>>
      %dma_start3A_235 = tpu.memref_squeeze %dma_start3A_234 : memref<1x64xi32, #tpu.memory_space<hbm>> -> memref<64xi32, #tpu.memory_space<hbm>>
      %dma_start3A_236 = arith.constant 0 : i32
      %dma_start3A_237 = tpu.memref_slice %arg13[%dma_start3A_229, %dma_start3A_236] : memref<10x64xi32, #tpu.memory_space<vmem>> -> memref<1x64xi32, #tpu.memory_space<vmem>>
      %dma_start3A_238 = tpu.memref_squeeze %dma_start3A_237 : memref<1x64xi32, #tpu.memory_space<vmem>> -> memref<64xi32, #tpu.memory_space<vmem>>
      %dma_start3A_239 = arith.constant 0 : i32
      %dma_start3A_240 = tpu.memref_slice %arg6[%sub3A_228, %dma_start3A_239] : memref<60x128xi32, #tpu.memory_space<hbm>> -> memref<1x64xi32, #tpu.memory_space<hbm>>
      %dma_start3A_241 = tpu.memref_squeeze %dma_start3A_240 : memref<1x64xi32, #tpu.memory_space<hbm>> -> memref<64xi32, #tpu.memory_space<hbm>>
      tpu.enqueue_dma source(%dma_start3A_241 : memref<64xi32, #tpu.memory_space<hbm>>) target(%dma_start3A_238 : memref<64xi32, #tpu.memory_space<vmem>>) target_semaphore(%arg22 : memref<!tpu.dma_semaphore, #tpu.memory_space<semaphore_mem>>)
    } else {
    }
    %add3A_11 = arith.constant 0 : i32
    %add3A_12 = arith.addi %mul3A_2, %add3A_11 : i32
    %lt3A_13 = arith.constant 2500 : i32
    %lt3A_14 = arith.cmpi slt, %add3A_12, %lt3A_13 : i32
    %convert_element_type3A_15 = arith.extui %lt3A_14 : i1 to i32
    %cond3A_16 = arith.constant 0 : i32
    %cond3A_17 = arith.cmpi ne, %convert_element_type3A_15, %cond3A_16 : i32
    scf.if %cond3A_17 {
      %dma_start3A_213 = arith.constant 1 : i32
      %dma_start3A_214 = arith.constant 0 : i32
      %dma_start3A_215 = tpu.memref_slice %arg12[%dma_start3A_213, %dma_start3A_214] : memref<10x64xi32, #tpu.memory_space<vmem>> -> memref<1x64xi32, #tpu.memory_space<vmem>>
      %dma_start3A_216 = tpu.memref_squeeze %dma_start3A_215 : memref<1x64xi32, #tpu.memory_space<vmem>> -> memref<64xi32, #tpu.memory_space<vmem>>
      %dma_start3A_217 = arith.constant 64 : i32
      %dma_start3A_218 = tpu.memref_slice %arg3[%add3A_12, %dma_start3A_217] : memref<2500x128xi32, #tpu.memory_space<hbm>> -> memref<1x64xi32, #tpu.memory_space<hbm>>
      %dma_start3A_219 = tpu.memref_squeeze %dma_start3A_218 : memref<1x64xi32, #tpu.memory_space<hbm>> -> memref<64xi32, #tpu.memory_space<hbm>>
      %dma_start3A_220 = arith.constant 0 : i32
      %dma_start3A_221 = tpu.memref_slice %arg12[%dma_start3A_213, %dma_start3A_220] : memref<10x64xi32, #tpu.memory_space<vmem>> -> memref<1x64xi32, #tpu.memory_space<vmem>>
      %dma_start3A_222 = tpu.memref_squeeze %dma_start3A_221 : memref<1x64xi32, #tpu.memory_space<vmem>> -> memref<64xi32, #tpu.memory_space<vmem>>
      %dma_start3A_223 = arith.constant 64 : i32
      %dma_start3A_224 = tpu.memref_slice %arg3[%add3A_12, %dma_start3A_223] : memref<2500x128xi32, #tpu.memory_space<hbm>> -> memref<1x64xi32, #tpu.memory_space<hbm>>
      %dma_start3A_225 = tpu.memref_squeeze %dma_start3A_224 : memref<1x64xi32, #tpu.memory_space<hbm>> -> memref<64xi32, #tpu.memory_space<hbm>>
      tpu.enqueue_dma source(%dma_start3A_225 : memref<64xi32, #tpu.memory_space<hbm>>) target(%dma_start3A_222 : memref<64xi32, #tpu.memory_space<vmem>>) target_semaphore(%arg23 : memref<!tpu.dma_semaphore, #tpu.memory_space<semaphore_mem>>)
      %dma_start3A_226 = arith.constant 1 : i32
      %dma_start3A_227 = arith.constant 0 : i32
      %dma_start3A_228 = tpu.memref_slice %arg13[%dma_start3A_226, %dma_start3A_227] : memref<10x64xi32, #tpu.memory_space<vmem>> -> memref<1x64xi32, #tpu.memory_space<vmem>>
      %dma_start3A_229 = tpu.memref_squeeze %dma_start3A_228 : memref<1x64xi32, #tpu.memory_space<vmem>> -> memref<64xi32, #tpu.memory_space<vmem>>
      %dma_start3A_230 = arith.constant 64 : i32
      %dma_start3A_231 = tpu.memref_slice %arg4[%add3A_12, %dma_start3A_230] : memref<2500x128xi32, #tpu.memory_space<hbm>> -> memref<1x64xi32, #tpu.memory_space<hbm>>
      %dma_start3A_232 = tpu.memref_squeeze %dma_start3A_231 : memref<1x64xi32, #tpu.memory_space<hbm>> -> memref<64xi32, #tpu.memory_space<hbm>>
      %dma_start3A_233 = arith.constant 0 : i32
      %dma_start3A_234 = tpu.memref_slice %arg13[%dma_start3A_226, %dma_start3A_233] : memref<10x64xi32, #tpu.memory_space<vmem>> -> memref<1x64xi32, #tpu.memory_space<vmem>>
      %dma_start3A_235 = tpu.memref_squeeze %dma_start3A_234 : memref<1x64xi32, #tpu.memory_space<vmem>> -> memref<64xi32, #tpu.memory_space<vmem>>
      %dma_start3A_236 = arith.constant 64 : i32
      %dma_start3A_237 = tpu.memref_slice %arg4[%add3A_12, %dma_start3A_236] : memref<2500x128xi32, #tpu.memory_space<hbm>> -> memref<1x64xi32, #tpu.memory_space<hbm>>
      %dma_start3A_238 = tpu.memref_squeeze %dma_start3A_237 : memref<1x64xi32, #tpu.memory_space<hbm>> -> memref<64xi32, #tpu.memory_space<hbm>>
      tpu.enqueue_dma source(%dma_start3A_238 : memref<64xi32, #tpu.memory_space<hbm>>) target(%dma_start3A_235 : memref<64xi32, #tpu.memory_space<vmem>>) target_semaphore(%arg23 : memref<!tpu.dma_semaphore, #tpu.memory_space<semaphore_mem>>)
    } else {
    }
    %ge3A_18 = arith.constant 2500 : i32
    %ge3A_19 = arith.cmpi sge, %add3A_12, %ge3A_18 : i32
    %convert_element_type3A_20 = arith.extui %ge3A_19 : i1 to i32
    %cond3A_21 = arith.constant 0 : i32
    %cond3A_22 = arith.cmpi ne, %convert_element_type3A_20, %cond3A_21 : i32
    scf.if %cond3A_22 {
      %sub3A = arith.constant 2500 : i32
      %sub3A_213 = arith.subi %add3A_12, %sub3A : i32
      %dma_start3A_214 = arith.constant 1 : i32
      %dma_start3A_215 = arith.constant 0 : i32
      %dma_start3A_216 = tpu.memref_slice %arg12[%dma_start3A_214, %dma_start3A_215] : memref<10x64xi32, #tpu.memory_space<vmem>> -> memref<1x64xi32, #tpu.memory_space<vmem>>
      %dma_start3A_217 = tpu.memref_squeeze %dma_start3A_216 : memref<1x64xi32, #tpu.memory_space<vmem>> -> memref<64xi32, #tpu.memory_space<vmem>>
      %dma_start3A_218 = arith.constant 64 : i32
      %dma_start3A_219 = tpu.memref_slice %arg5[%sub3A_213, %dma_start3A_218] : memref<60x128xi32, #tpu.memory_space<hbm>> -> memref<1x64xi32, #tpu.memory_space<hbm>>
      %dma_start3A_220 = tpu.memref_squeeze %dma_start3A_219 : memref<1x64xi32, #tpu.memory_space<hbm>> -> memref<64xi32, #tpu.memory_space<hbm>>
      %dma_start3A_221 = arith.constant 0 : i32
      %dma_start3A_222 = tpu.memref_slice %arg12[%dma_start3A_214, %dma_start3A_221] : memref<10x64xi32, #tpu.memory_space<vmem>> -> memref<1x64xi32, #tpu.memory_space<vmem>>
      %dma_start3A_223 = tpu.memref_squeeze %dma_start3A_222 : memref<1x64xi32, #tpu.memory_space<vmem>> -> memref<64xi32, #tpu.memory_space<vmem>>
      %dma_start3A_224 = arith.constant 64 : i32
      %dma_start3A_225 = tpu.memref_slice %arg5[%sub3A_213, %dma_start3A_224] : memref<60x128xi32, #tpu.memory_space<hbm>> -> memref<1x64xi32, #tpu.memory_space<hbm>>
      %dma_start3A_226 = tpu.memref_squeeze %dma_start3A_225 : memref<1x64xi32, #tpu.memory_space<hbm>> -> memref<64xi32, #tpu.memory_space<hbm>>
      tpu.enqueue_dma source(%dma_start3A_226 : memref<64xi32, #tpu.memory_space<hbm>>) target(%dma_start3A_223 : memref<64xi32, #tpu.memory_space<vmem>>) target_semaphore(%arg23 : memref<!tpu.dma_semaphore, #tpu.memory_space<semaphore_mem>>)
      %sub3A_227 = arith.constant 2500 : i32
      %sub3A_228 = arith.subi %add3A_12, %sub3A_227 : i32
      %dma_start3A_229 = arith.constant 1 : i32
      %dma_start3A_230 = arith.constant 0 : i32
      %dma_start3A_231 = tpu.memref_slice %arg13[%dma_start3A_229, %dma_start3A_230] : memref<10x64xi32, #tpu.memory_space<vmem>> -> memref<1x64xi32, #tpu.memory_space<vmem>>
      %dma_start3A_232 = tpu.memref_squeeze %dma_start3A_231 : memref<1x64xi32, #tpu.memory_space<vmem>> -> memref<64xi32, #tpu.memory_space<vmem>>
      %dma_start3A_233 = arith.constant 64 : i32
      %dma_start3A_234 = tpu.memref_slice %arg6[%sub3A_228, %dma_start3A_233] : memref<60x128xi32, #tpu.memory_space<hbm>> -> memref<1x64xi32, #tpu.memory_space<hbm>>
      %dma_start3A_235 = tpu.memref_squeeze %dma_start3A_234 : memref<1x64xi32, #tpu.memory_space<hbm>> -> memref<64xi32, #tpu.memory_space<hbm>>
      %dma_start3A_236 = arith.constant 0 : i32
      %dma_start3A_237 = tpu.memref_slice %arg13[%dma_start3A_229, %dma_start3A_236] : memref<10x64xi32, #tpu.memory_space<vmem>> -> memref<1x64xi32, #tpu.memory_space<vmem>>
      %dma_start3A_238 = tpu.memref_squeeze %dma_start3A_237 : memref<1x64xi32, #tpu.memory_space<vmem>> -> memref<64xi32, #tpu.memory_space<vmem>>
      %dma_start3A_239 = arith.constant 64 : i32
      %dma_start3A_240 = tpu.memref_slice %arg6[%sub3A_228, %dma_start3A_239] : memref<60x128xi32, #tpu.memory_space<hbm>> -> memref<1x64xi32, #tpu.memory_space<hbm>>
      %dma_start3A_241 = tpu.memref_squeeze %dma_start3A_240 : memref<1x64xi32, #tpu.memory_space<hbm>> -> memref<64xi32, #tpu.memory_space<hbm>>
      tpu.enqueue_dma source(%dma_start3A_241 : memref<64xi32, #tpu.memory_space<hbm>>) target(%dma_start3A_238 : memref<64xi32, #tpu.memory_space<vmem>>) target_semaphore(%arg23 : memref<!tpu.dma_semaphore, #tpu.memory_space<semaphore_mem>>)
    } else {
    }
    %add3A_23 = arith.constant 1 : i32
    %add3A_24 = arith.addi %mul3A_2, %add3A_23 : i32
    %lt3A_25 = arith.constant 2500 : i32
    %lt3A_26 = arith.cmpi slt, %add3A_24, %lt3A_25 : i32
    %convert_element_type3A_27 = arith.extui %lt3A_26 : i1 to i32
    %cond3A_28 = arith.constant 0 : i32
    %cond3A_29 = arith.cmpi ne, %convert_element_type3A_27, %cond3A_28 : i32
    scf.if %cond3A_29 {
      %dma_start3A_213 = arith.constant 2 : i32
      %dma_start3A_214 = arith.constant 0 : i32
      %dma_start3A_215 = tpu.memref_slice %arg12[%dma_start3A_213, %dma_start3A_214] : memref<10x64xi32, #tpu.memory_space<vmem>> -> memref<1x64xi32, #tpu.memory_space<vmem>>
      %dma_start3A_216 = tpu.memref_squeeze %dma_start3A_215 : memref<1x64xi32, #tpu.memory_space<vmem>> -> memref<64xi32, #tpu.memory_space<vmem>>
      %dma_start3A_217 = arith.constant 0 : i32
      %dma_start3A_218 = tpu.memref_slice %arg3[%add3A_24, %dma_start3A_217] : memref<2500x128xi32, #tpu.memory_space<hbm>> -> memref<1x64xi32, #tpu.memory_space<hbm>>
      %dma_start3A_219 = tpu.memref_squeeze %dma_start3A_218 : memref<1x64xi32, #tpu.memory_space<hbm>> -> memref<64xi32, #tpu.memory_space<hbm>>
      %dma_start3A_220 = arith.constant 0 : i32
      %dma_start3A_221 = tpu.memref_slice %arg12[%dma_start3A_213, %dma_start3A_220] : memref<10x64xi32, #tpu.memory_space<vmem>> -> memref<1x64xi32, #tpu.memory_space<vmem>>
      %dma_start3A_222 = tpu.memref_squeeze %dma_start3A_221 : memref<1x64xi32, #tpu.memory_space<vmem>> -> memref<64xi32, #tpu.memory_space<vmem>>
      %dma_start3A_223 = arith.constant 0 : i32
      %dma_start3A_224 = tpu.memref_slice %arg3[%add3A_24, %dma_start3A_223] : memref<2500x128xi32, #tpu.memory_space<hbm>> -> memref<1x64xi32, #tpu.memory_space<hbm>>
      %dma_start3A_225 = tpu.memref_squeeze %dma_start3A_224 : memref<1x64xi32, #tpu.memory_space<hbm>> -> memref<64xi32, #tpu.memory_space<hbm>>
      tpu.enqueue_dma source(%dma_start3A_225 : memref<64xi32, #tpu.memory_space<hbm>>) target(%dma_start3A_222 : memref<64xi32, #tpu.memory_space<vmem>>) target_semaphore(%arg24 : memref<!tpu.dma_semaphore, #tpu.memory_space<semaphore_mem>>)
      %dma_start3A_226 = arith.constant 2 : i32
      %dma_start3A_227 = arith.constant 0 : i32
      %dma_start3A_228 = tpu.memref_slice %arg13[%dma_start3A_226, %dma_start3A_227] : memref<10x64xi32, #tpu.memory_space<vmem>> -> memref<1x64xi32, #tpu.memory_space<vmem>>
      %dma_start3A_229 = tpu.memref_squeeze %dma_start3A_228 : memref<1x64xi32, #tpu.memory_space<vmem>> -> memref<64xi32, #tpu.memory_space<vmem>>
      %dma_start3A_230 = arith.constant 0 : i32
      %dma_start3A_231 = tpu.memref_slice %arg4[%add3A_24, %dma_start3A_230] : memref<2500x128xi32, #tpu.memory_space<hbm>> -> memref<1x64xi32, #tpu.memory_space<hbm>>
      %dma_start3A_232 = tpu.memref_squeeze %dma_start3A_231 : memref<1x64xi32, #tpu.memory_space<hbm>> -> memref<64xi32, #tpu.memory_space<hbm>>
      %dma_start3A_233 = arith.constant 0 : i32
      %dma_start3A_234 = tpu.memref_slice %arg13[%dma_start3A_226, %dma_start3A_233] : memref<10x64xi32, #tpu.memory_space<vmem>> -> memref<1x64xi32, #tpu.memory_space<vmem>>
      %dma_start3A_235 = tpu.memref_squeeze %dma_start3A_234 : memref<1x64xi32, #tpu.memory_space<vmem>> -> memref<64xi32, #tpu.memory_space<vmem>>
      %dma_start3A_236 = arith.constant 0 : i32
      %dma_start3A_237 = tpu.memref_slice %arg4[%add3A_24, %dma_start3A_236] : memref<2500x128xi32, #tpu.memory_space<hbm>> -> memref<1x64xi32, #tpu.memory_space<hbm>>
      %dma_start3A_238 = tpu.memref_squeeze %dma_start3A_237 : memref<1x64xi32, #tpu.memory_space<hbm>> -> memref<64xi32, #tpu.memory_space<hbm>>
      tpu.enqueue_dma source(%dma_start3A_238 : memref<64xi32, #tpu.memory_space<hbm>>) target(%dma_start3A_235 : memref<64xi32, #tpu.memory_space<vmem>>) target_semaphore(%arg24 : memref<!tpu.dma_semaphore, #tpu.memory_space<semaphore_mem>>)
    } else {
    }
    %ge3A_30 = arith.constant 2500 : i32
    %ge3A_31 = arith.cmpi sge, %add3A_24, %ge3A_30 : i32
    %convert_element_type3A_32 = arith.extui %ge3A_31 : i1 to i32
    %cond3A_33 = arith.constant 0 : i32
    %cond3A_34 = arith.cmpi ne, %convert_element_type3A_32, %cond3A_33 : i32
    scf.if %cond3A_34 {
      %sub3A = arith.constant 2500 : i32
      %sub3A_213 = arith.subi %add3A_24, %sub3A : i32
      %dma_start3A_214 = arith.constant 2 : i32
      %dma_start3A_215 = arith.constant 0 : i32
      %dma_start3A_216 = tpu.memref_slice %arg12[%dma_start3A_214, %dma_start3A_215] : memref<10x64xi32, #tpu.memory_space<vmem>> -> memref<1x64xi32, #tpu.memory_space<vmem>>
      %dma_start3A_217 = tpu.memref_squeeze %dma_start3A_216 : memref<1x64xi32, #tpu.memory_space<vmem>> -> memref<64xi32, #tpu.memory_space<vmem>>
      %dma_start3A_218 = arith.constant 0 : i32
      %dma_start3A_219 = tpu.memref_slice %arg5[%sub3A_213, %dma_start3A_218] : memref<60x128xi32, #tpu.memory_space<hbm>> -> memref<1x64xi32, #tpu.memory_space<hbm>>
      %dma_start3A_220 = tpu.memref_squeeze %dma_start3A_219 : memref<1x64xi32, #tpu.memory_space<hbm>> -> memref<64xi32, #tpu.memory_space<hbm>>
      %dma_start3A_221 = arith.constant 0 : i32
      %dma_start3A_222 = tpu.memref_slice %arg12[%dma_start3A_214, %dma_start3A_221] : memref<10x64xi32, #tpu.memory_space<vmem>> -> memref<1x64xi32, #tpu.memory_space<vmem>>
      %dma_start3A_223 = tpu.memref_squeeze %dma_start3A_222 : memref<1x64xi32, #tpu.memory_space<vmem>> -> memref<64xi32, #tpu.memory_space<vmem>>
      %dma_start3A_224 = arith.constant 0 : i32
      %dma_start3A_225 = tpu.memref_slice %arg5[%sub3A_213, %dma_start3A_224] : memref<60x128xi32, #tpu.memory_space<hbm>> -> memref<1x64xi32, #tpu.memory_space<hbm>>
      %dma_start3A_226 = tpu.memref_squeeze %dma_start3A_225 : memref<1x64xi32, #tpu.memory_space<hbm>> -> memref<64xi32, #tpu.memory_space<hbm>>
      tpu.enqueue_dma source(%dma_start3A_226 : memref<64xi32, #tpu.memory_space<hbm>>) target(%dma_start3A_223 : memref<64xi32, #tpu.memory_space<vmem>>) target_semaphore(%arg24 : memref<!tpu.dma_semaphore, #tpu.memory_space<semaphore_mem>>)
      %sub3A_227 = arith.constant 2500 : i32
      %sub3A_228 = arith.subi %add3A_24, %sub3A_227 : i32
      %dma_start3A_229 = arith.constant 2 : i32
      %dma_start3A_230 = arith.constant 0 : i32
      %dma_start3A_231 = tpu.memref_slice %arg13[%dma_start3A_229, %dma_start3A_230] : memref<10x64xi32, #tpu.memory_space<vmem>> -> memref<1x64xi32, #tpu.memory_space<vmem>>
      %dma_start3A_232 = tpu.memref_squeeze %dma_start3A_231 : memref<1x64xi32, #tpu.memory_space<vmem>> -> memref<64xi32, #tpu.memory_space<vmem>>
      %dma_start3A_233 = arith.constant 0 : i32
      %dma_start3A_234 = tpu.memref_slice %arg6[%sub3A_228, %dma_start3A_233] : memref<60x128xi32, #tpu.memory_space<hbm>> -> memref<1x64xi32, #tpu.memory_space<hbm>>
      %dma_start3A_235 = tpu.memref_squeeze %dma_start3A_234 : memref<1x64xi32, #tpu.memory_space<hbm>> -> memref<64xi32, #tpu.memory_space<hbm>>
      %dma_start3A_236 = arith.constant 0 : i32
      %dma_start3A_237 = tpu.memref_slice %arg13[%dma_start3A_229, %dma_start3A_236] : memref<10x64xi32, #tpu.memory_space<vmem>> -> memref<1x64xi32, #tpu.memory_space<vmem>>
      %dma_start3A_238 = tpu.memref_squeeze %dma_start3A_237 : memref<1x64xi32, #tpu.memory_space<vmem>> -> memref<64xi32, #tpu.memory_space<vmem>>
      %dma_start3A_239 = arith.constant 0 : i32
      %dma_start3A_240 = tpu.memref_slice %arg6[%sub3A_228, %dma_start3A_239] : memref<60x128xi32, #tpu.memory_space<hbm>> -> memref<1x64xi32, #tpu.memory_space<hbm>>
      %dma_start3A_241 = tpu.memref_squeeze %dma_start3A_240 : memref<1x64xi32, #tpu.memory_space<hbm>> -> memref<64xi32, #tpu.memory_space<hbm>>
      tpu.enqueue_dma source(%dma_start3A_241 : memref<64xi32, #tpu.memory_space<hbm>>) target(%dma_start3A_238 : memref<64xi32, #tpu.memory_space<vmem>>) target_semaphore(%arg24 : memref<!tpu.dma_semaphore, #tpu.memory_space<semaphore_mem>>)
    } else {
    }
    %add3A_35 = arith.constant 1 : i32
    %add3A_36 = arith.addi %mul3A_2, %add3A_35 : i32
    %lt3A_37 = arith.constant 2500 : i32
    %lt3A_38 = arith.cmpi slt, %add3A_36, %lt3A_37 : i32
    %convert_element_type3A_39 = arith.extui %lt3A_38 : i1 to i32
    %cond3A_40 = arith.constant 0 : i32
    %cond3A_41 = arith.cmpi ne, %convert_element_type3A_39, %cond3A_40 : i32
    scf.if %cond3A_41 {
      %dma_start3A_213 = arith.constant 3 : i32
      %dma_start3A_214 = arith.constant 0 : i32
      %dma_start3A_215 = tpu.memref_slice %arg12[%dma_start3A_213, %dma_start3A_214] : memref<10x64xi32, #tpu.memory_space<vmem>> -> memref<1x64xi32, #tpu.memory_space<vmem>>
      %dma_start3A_216 = tpu.memref_squeeze %dma_start3A_215 : memref<1x64xi32, #tpu.memory_space<vmem>> -> memref<64xi32, #tpu.memory_space<vmem>>
      %dma_start3A_217 = arith.constant 64 : i32
      %dma_start3A_218 = tpu.memref_slice %arg3[%add3A_36, %dma_start3A_217] : memref<2500x128xi32, #tpu.memory_space<hbm>> -> memref<1x64xi32, #tpu.memory_space<hbm>>
      %dma_start3A_219 = tpu.memref_squeeze %dma_start3A_218 : memref<1x64xi32, #tpu.memory_space<hbm>> -> memref<64xi32, #tpu.memory_space<hbm>>
      %dma_start3A_220 = arith.constant 0 : i32
      %dma_start3A_221 = tpu.memref_slice %arg12[%dma_start3A_213, %dma_start3A_220] : memref<10x64xi32, #tpu.memory_space<vmem>> -> memref<1x64xi32, #tpu.memory_space<vmem>>
      %dma_start3A_222 = tpu.memref_squeeze %dma_start3A_221 : memref<1x64xi32, #tpu.memory_space<vmem>> -> memref<64xi32, #tpu.memory_space<vmem>>
      %dma_start3A_223 = arith.constant 64 : i32
      %dma_start3A_224 = tpu.memref_slice %arg3[%add3A_36, %dma_start3A_223] : memref<2500x128xi32, #tpu.memory_space<hbm>> -> memref<1x64xi32, #tpu.memory_space<hbm>>
      %dma_start3A_225 = tpu.memref_squeeze %dma_start3A_224 : memref<1x64xi32, #tpu.memory_space<hbm>> -> memref<64xi32, #tpu.memory_space<hbm>>
      tpu.enqueue_dma source(%dma_start3A_225 : memref<64xi32, #tpu.memory_space<hbm>>) target(%dma_start3A_222 : memref<64xi32, #tpu.memory_space<vmem>>) target_semaphore(%arg25 : memref<!tpu.dma_semaphore, #tpu.memory_space<semaphore_mem>>)
      %dma_start3A_226 = arith.constant 3 : i32
      %dma_start3A_227 = arith.constant 0 : i32
      %dma_start3A_228 = tpu.memref_slice %arg13[%dma_start3A_226, %dma_start3A_227] : memref<10x64xi32, #tpu.memory_space<vmem>> -> memref<1x64xi32, #tpu.memory_space<vmem>>
      %dma_start3A_229 = tpu.memref_squeeze %dma_start3A_228 : memref<1x64xi32, #tpu.memory_space<vmem>> -> memref<64xi32, #tpu.memory_space<vmem>>
      %dma_start3A_230 = arith.constant 64 : i32
      %dma_start3A_231 = tpu.memref_slice %arg4[%add3A_36, %dma_start3A_230] : memref<2500x128xi32, #tpu.memory_space<hbm>> -> memref<1x64xi32, #tpu.memory_space<hbm>>
      %dma_start3A_232 = tpu.memref_squeeze %dma_start3A_231 : memref<1x64xi32, #tpu.memory_space<hbm>> -> memref<64xi32, #tpu.memory_space<hbm>>
      %dma_start3A_233 = arith.constant 0 : i32
      %dma_start3A_234 = tpu.memref_slice %arg13[%dma_start3A_226, %dma_start3A_233] : memref<10x64xi32, #tpu.memory_space<vmem>> -> memref<1x64xi32, #tpu.memory_space<vmem>>
      %dma_start3A_235 = tpu.memref_squeeze %dma_start3A_234 : memref<1x64xi32, #tpu.memory_space<vmem>> -> memref<64xi32, #tpu.memory_space<vmem>>
      %dma_start3A_236 = arith.constant 64 : i32
      %dma_start3A_237 = tpu.memref_slice %arg4[%add3A_36, %dma_start3A_236] : memref<2500x128xi32, #tpu.memory_space<hbm>> -> memref<1x64xi32, #tpu.memory_space<hbm>>
      %dma_start3A_238 = tpu.memref_squeeze %dma_start3A_237 : memref<1x64xi32, #tpu.memory_space<hbm>> -> memref<64xi32, #tpu.memory_space<hbm>>
      tpu.enqueue_dma source(%dma_start3A_238 : memref<64xi32, #tpu.memory_space<hbm>>) target(%dma_start3A_235 : memref<64xi32, #tpu.memory_space<vmem>>) target_semaphore(%arg25 : memref<!tpu.dma_semaphore, #tpu.memory_space<semaphore_mem>>)
    } else {
    }
    %ge3A_42 = arith.constant 2500 : i32
    %ge3A_43 = arith.cmpi sge, %add3A_36, %ge3A_42 : i32
    %convert_element_type3A_44 = arith.extui %ge3A_43 : i1 to i32
    %cond3A_45 = arith.constant 0 : i32
    %cond3A_46 = arith.cmpi ne, %convert_element_type3A_44, %cond3A_45 : i32
    scf.if %cond3A_46 {
      %sub3A = arith.constant 2500 : i32
      %sub3A_213 = arith.subi %add3A_36, %sub3A : i32
      %dma_start3A_214 = arith.constant 3 : i32
      %dma_start3A_215 = arith.constant 0 : i32
      %dma_start3A_216 = tpu.memref_slice %arg12[%dma_start3A_214, %dma_start3A_215] : memref<10x64xi32, #tpu.memory_space<vmem>> -> memref<1x64xi32, #tpu.memory_space<vmem>>
      %dma_start3A_217 = tpu.memref_squeeze %dma_start3A_216 : memref<1x64xi32, #tpu.memory_space<vmem>> -> memref<64xi32, #tpu.memory_space<vmem>>
      %dma_start3A_218 = arith.constant 64 : i32
      %dma_start3A_219 = tpu.memref_slice %arg5[%sub3A_213, %dma_start3A_218] : memref<60x128xi32, #tpu.memory_space<hbm>> -> memref<1x64xi32, #tpu.memory_space<hbm>>
      %dma_start3A_220 = tpu.memref_squeeze %dma_start3A_219 : memref<1x64xi32, #tpu.memory_space<hbm>> -> memref<64xi32, #tpu.memory_space<hbm>>
      %dma_start3A_221 = arith.constant 0 : i32
      %dma_start3A_222 = tpu.memref_slice %arg12[%dma_start3A_214, %dma_start3A_221] : memref<10x64xi32, #tpu.memory_space<vmem>> -> memref<1x64xi32, #tpu.memory_space<vmem>>
      %dma_start3A_223 = tpu.memref_squeeze %dma_start3A_222 : memref<1x64xi32, #tpu.memory_space<vmem>> -> memref<64xi32, #tpu.memory_space<vmem>>
      %dma_start3A_224 = arith.constant 64 : i32
      %dma_start3A_225 = tpu.memref_slice %arg5[%sub3A_213, %dma_start3A_224] : memref<60x128xi32, #tpu.memory_space<hbm>> -> memref<1x64xi32, #tpu.memory_space<hbm>>
      %dma_start3A_226 = tpu.memref_squeeze %dma_start3A_225 : memref<1x64xi32, #tpu.memory_space<hbm>> -> memref<64xi32, #tpu.memory_space<hbm>>
      tpu.enqueue_dma source(%dma_start3A_226 : memref<64xi32, #tpu.memory_space<hbm>>) target(%dma_start3A_223 : memref<64xi32, #tpu.memory_space<vmem>>) target_semaphore(%arg25 : memref<!tpu.dma_semaphore, #tpu.memory_space<semaphore_mem>>)
      %sub3A_227 = arith.constant 2500 : i32
      %sub3A_228 = arith.subi %add3A_36, %sub3A_227 : i32
      %dma_start3A_229 = arith.constant 3 : i32
      %dma_start3A_230 = arith.constant 0 : i32
      %dma_start3A_231 = tpu.memref_slice %arg13[%dma_start3A_229, %dma_start3A_230] : memref<10x64xi32, #tpu.memory_space<vmem>> -> memref<1x64xi32, #tpu.memory_space<vmem>>
      %dma_start3A_232 = tpu.memref_squeeze %dma_start3A_231 : memref<1x64xi32, #tpu.memory_space<vmem>> -> memref<64xi32, #tpu.memory_space<vmem>>
      %dma_start3A_233 = arith.constant 64 : i32
      %dma_start3A_234 = tpu.memref_slice %arg6[%sub3A_228, %dma_start3A_233] : memref<60x128xi32, #tpu.memory_space<hbm>> -> memref<1x64xi32, #tpu.memory_space<hbm>>
      %dma_start3A_235 = tpu.memref_squeeze %dma_start3A_234 : memref<1x64xi32, #tpu.memory_space<hbm>> -> memref<64xi32, #tpu.memory_space<hbm>>
      %dma_start3A_236 = arith.constant 0 : i32
      %dma_start3A_237 = tpu.memref_slice %arg13[%dma_start3A_229, %dma_start3A_236] : memref<10x64xi32, #tpu.memory_space<vmem>> -> memref<1x64xi32, #tpu.memory_space<vmem>>
      %dma_start3A_238 = tpu.memref_squeeze %dma_start3A_237 : memref<1x64xi32, #tpu.memory_space<vmem>> -> memref<64xi32, #tpu.memory_space<vmem>>
      %dma_start3A_239 = arith.constant 64 : i32
      %dma_start3A_240 = tpu.memref_slice %arg6[%sub3A_228, %dma_start3A_239] : memref<60x128xi32, #tpu.memory_space<hbm>> -> memref<1x64xi32, #tpu.memory_space<hbm>>
      %dma_start3A_241 = tpu.memref_squeeze %dma_start3A_240 : memref<1x64xi32, #tpu.memory_space<hbm>> -> memref<64xi32, #tpu.memory_space<hbm>>
      tpu.enqueue_dma source(%dma_start3A_241 : memref<64xi32, #tpu.memory_space<hbm>>) target(%dma_start3A_238 : memref<64xi32, #tpu.memory_space<vmem>>) target_semaphore(%arg25 : memref<!tpu.dma_semaphore, #tpu.memory_space<semaphore_mem>>)
    } else {
    }
    %add3A_47 = arith.constant 2 : i32
    %add3A_48 = arith.addi %mul3A_2, %add3A_47 : i32
    %lt3A_49 = arith.constant 2500 : i32
    %lt3A_50 = arith.cmpi slt, %add3A_48, %lt3A_49 : i32
    %convert_element_type3A_51 = arith.extui %lt3A_50 : i1 to i32
    %cond3A_52 = arith.constant 0 : i32
    %cond3A_53 = arith.cmpi ne, %convert_element_type3A_51, %cond3A_52 : i32
    scf.if %cond3A_53 {
      %dma_start3A_213 = arith.constant 4 : i32
      %dma_start3A_214 = arith.constant 0 : i32
      %dma_start3A_215 = tpu.memref_slice %arg12[%dma_start3A_213, %dma_start3A_214] : memref<10x64xi32, #tpu.memory_space<vmem>> -> memref<1x64xi32, #tpu.memory_space<vmem>>
      %dma_start3A_216 = tpu.memref_squeeze %dma_start3A_215 : memref<1x64xi32, #tpu.memory_space<vmem>> -> memref<64xi32, #tpu.memory_space<vmem>>
      %dma_start3A_217 = arith.constant 0 : i32
      %dma_start3A_218 = tpu.memref_slice %arg3[%add3A_48, %dma_start3A_217] : memref<2500x128xi32, #tpu.memory_space<hbm>> -> memref<1x64xi32, #tpu.memory_space<hbm>>
      %dma_start3A_219 = tpu.memref_squeeze %dma_start3A_218 : memref<1x64xi32, #tpu.memory_space<hbm>> -> memref<64xi32, #tpu.memory_space<hbm>>
      %dma_start3A_220 = arith.constant 0 : i32
      %dma_start3A_221 = tpu.memref_slice %arg12[%dma_start3A_213, %dma_start3A_220] : memref<10x64xi32, #tpu.memory_space<vmem>> -> memref<1x64xi32, #tpu.memory_space<vmem>>
      %dma_start3A_222 = tpu.memref_squeeze %dma_start3A_221 : memref<1x64xi32, #tpu.memory_space<vmem>> -> memref<64xi32, #tpu.memory_space<vmem>>
      %dma_start3A_223 = arith.constant 0 : i32
      %dma_start3A_224 = tpu.memref_slice %arg3[%add3A_48, %dma_start3A_223] : memref<2500x128xi32, #tpu.memory_space<hbm>> -> memref<1x64xi32, #tpu.memory_space<hbm>>
      %dma_start3A_225 = tpu.memref_squeeze %dma_start3A_224 : memref<1x64xi32, #tpu.memory_space<hbm>> -> memref<64xi32, #tpu.memory_space<hbm>>
      tpu.enqueue_dma source(%dma_start3A_225 : memref<64xi32, #tpu.memory_space<hbm>>) target(%dma_start3A_222 : memref<64xi32, #tpu.memory_space<vmem>>) target_semaphore(%arg26 : memref<!tpu.dma_semaphore, #tpu.memory_space<semaphore_mem>>)
      %dma_start3A_226 = arith.constant 4 : i32
      %dma_start3A_227 = arith.constant 0 : i32
      %dma_start3A_228 = tpu.memref_slice %arg13[%dma_start3A_226, %dma_start3A_227] : memref<10x64xi32, #tpu.memory_space<vmem>> -> memref<1x64xi32, #tpu.memory_space<vmem>>
      %dma_start3A_229 = tpu.memref_squeeze %dma_start3A_228 : memref<1x64xi32, #tpu.memory_space<vmem>> -> memref<64xi32, #tpu.memory_space<vmem>>
      %dma_start3A_230 = arith.constant 0 : i32
      %dma_start3A_231 = tpu.memref_slice %arg4[%add3A_48, %dma_start3A_230] : memref<2500x128xi32, #tpu.memory_space<hbm>> -> memref<1x64xi32, #tpu.memory_space<hbm>>
      %dma_start3A_232 = tpu.memref_squeeze %dma_start3A_231 : memref<1x64xi32, #tpu.memory_space<hbm>> -> memref<64xi32, #tpu.memory_space<hbm>>
      %dma_start3A_233 = arith.constant 0 : i32
      %dma_start3A_234 = tpu.memref_slice %arg13[%dma_start3A_226, %dma_start3A_233] : memref<10x64xi32, #tpu.memory_space<vmem>> -> memref<1x64xi32, #tpu.memory_space<vmem>>
      %dma_start3A_235 = tpu.memref_squeeze %dma_start3A_234 : memref<1x64xi32, #tpu.memory_space<vmem>> -> memref<64xi32, #tpu.memory_space<vmem>>
      %dma_start3A_236 = arith.constant 0 : i32
      %dma_start3A_237 = tpu.memref_slice %arg4[%add3A_48, %dma_start3A_236] : memref<2500x128xi32, #tpu.memory_space<hbm>> -> memref<1x64xi32, #tpu.memory_space<hbm>>
      %dma_start3A_238 = tpu.memref_squeeze %dma_start3A_237 : memref<1x64xi32, #tpu.memory_space<hbm>> -> memref<64xi32, #tpu.memory_space<hbm>>
      tpu.enqueue_dma source(%dma_start3A_238 : memref<64xi32, #tpu.memory_space<hbm>>) target(%dma_start3A_235 : memref<64xi32, #tpu.memory_space<vmem>>) target_semaphore(%arg26 : memref<!tpu.dma_semaphore, #tpu.memory_space<semaphore_mem>>)
    } else {
    }
    %ge3A_54 = arith.constant 2500 : i32
    %ge3A_55 = arith.cmpi sge, %add3A_48, %ge3A_54 : i32
    %convert_element_type3A_56 = arith.extui %ge3A_55 : i1 to i32
    %cond3A_57 = arith.constant 0 : i32
    %cond3A_58 = arith.cmpi ne, %convert_element_type3A_56, %cond3A_57 : i32
    scf.if %cond3A_58 {
      %sub3A = arith.constant 2500 : i32
      %sub3A_213 = arith.subi %add3A_48, %sub3A : i32
      %dma_start3A_214 = arith.constant 4 : i32
      %dma_start3A_215 = arith.constant 0 : i32
      %dma_start3A_216 = tpu.memref_slice %arg12[%dma_start3A_214, %dma_start3A_215] : memref<10x64xi32, #tpu.memory_space<vmem>> -> memref<1x64xi32, #tpu.memory_space<vmem>>
      %dma_start3A_217 = tpu.memref_squeeze %dma_start3A_216 : memref<1x64xi32, #tpu.memory_space<vmem>> -> memref<64xi32, #tpu.memory_space<vmem>>
      %dma_start3A_218 = arith.constant 0 : i32
      %dma_start3A_219 = tpu.memref_slice %arg5[%sub3A_213, %dma_start3A_218] : memref<60x128xi32, #tpu.memory_space<hbm>> -> memref<1x64xi32, #tpu.memory_space<hbm>>
      %dma_start3A_220 = tpu.memref_squeeze %dma_start3A_219 : memref<1x64xi32, #tpu.memory_space<hbm>> -> memref<64xi32, #tpu.memory_space<hbm>>
      %dma_start3A_221 = arith.constant 0 : i32
      %dma_start3A_222 = tpu.memref_slice %arg12[%dma_start3A_214, %dma_start3A_221] : memref<10x64xi32, #tpu.memory_space<vmem>> -> memref<1x64xi32, #tpu.memory_space<vmem>>
      %dma_start3A_223 = tpu.memref_squeeze %dma_start3A_222 : memref<1x64xi32, #tpu.memory_space<vmem>> -> memref<64xi32, #tpu.memory_space<vmem>>
      %dma_start3A_224 = arith.constant 0 : i32
      %dma_start3A_225 = tpu.memref_slice %arg5[%sub3A_213, %dma_start3A_224] : memref<60x128xi32, #tpu.memory_space<hbm>> -> memref<1x64xi32, #tpu.memory_space<hbm>>
      %dma_start3A_226 = tpu.memref_squeeze %dma_start3A_225 : memref<1x64xi32, #tpu.memory_space<hbm>> -> memref<64xi32, #tpu.memory_space<hbm>>
      tpu.enqueue_dma source(%dma_start3A_226 : memref<64xi32, #tpu.memory_space<hbm>>) target(%dma_start3A_223 : memref<64xi32, #tpu.memory_space<vmem>>) target_semaphore(%arg26 : memref<!tpu.dma_semaphore, #tpu.memory_space<semaphore_mem>>)
      %sub3A_227 = arith.constant 2500 : i32
      %sub3A_228 = arith.subi %add3A_48, %sub3A_227 : i32
      %dma_start3A_229 = arith.constant 4 : i32
      %dma_start3A_230 = arith.constant 0 : i32
      %dma_start3A_231 = tpu.memref_slice %arg13[%dma_start3A_229, %dma_start3A_230] : memref<10x64xi32, #tpu.memory_space<vmem>> -> memref<1x64xi32, #tpu.memory_space<vmem>>
      %dma_start3A_232 = tpu.memref_squeeze %dma_start3A_231 : memref<1x64xi32, #tpu.memory_space<vmem>> -> memref<64xi32, #tpu.memory_space<vmem>>
      %dma_start3A_233 = arith.constant 0 : i32
      %dma_start3A_234 = tpu.memref_slice %arg6[%sub3A_228, %dma_start3A_233] : memref<60x128xi32, #tpu.memory_space<hbm>> -> memref<1x64xi32, #tpu.memory_space<hbm>>
      %dma_start3A_235 = tpu.memref_squeeze %dma_start3A_234 : memref<1x64xi32, #tpu.memory_space<hbm>> -> memref<64xi32, #tpu.memory_space<hbm>>
      %dma_start3A_236 = arith.constant 0 : i32
      %dma_start3A_237 = tpu.memref_slice %arg13[%dma_start3A_229, %dma_start3A_236] : memref<10x64xi32, #tpu.memory_space<vmem>> -> memref<1x64xi32, #tpu.memory_space<vmem>>
      %dma_start3A_238 = tpu.memref_squeeze %dma_start3A_237 : memref<1x64xi32, #tpu.memory_space<vmem>> -> memref<64xi32, #tpu.memory_space<vmem>>
      %dma_start3A_239 = arith.constant 0 : i32
      %dma_start3A_240 = tpu.memref_slice %arg6[%sub3A_228, %dma_start3A_239] : memref<60x128xi32, #tpu.memory_space<hbm>> -> memref<1x64xi32, #tpu.memory_space<hbm>>
      %dma_start3A_241 = tpu.memref_squeeze %dma_start3A_240 : memref<1x64xi32, #tpu.memory_space<hbm>> -> memref<64xi32, #tpu.memory_space<hbm>>
      tpu.enqueue_dma source(%dma_start3A_241 : memref<64xi32, #tpu.memory_space<hbm>>) target(%dma_start3A_238 : memref<64xi32, #tpu.memory_space<vmem>>) target_semaphore(%arg26 : memref<!tpu.dma_semaphore, #tpu.memory_space<semaphore_mem>>)
    } else {
    }
    %dma_wait3A = arith.constant 0 : i32
    %dma_wait3A_59 = arith.constant 0 : i32
    %dma_wait3A_60 = arith.constant 0 : i32
    %dma_wait3A_61 = tpu.memref_slice %arg12[%dma_wait3A_59, %dma_wait3A_60] : memref<10x64xi32, #tpu.memory_space<vmem>> -> memref<1x64xi32, #tpu.memory_space<vmem>>
    %dma_wait3A_62 = tpu.memref_squeeze %dma_wait3A_61 : memref<1x64xi32, #tpu.memory_space<vmem>> -> memref<64xi32, #tpu.memory_space<vmem>>
    %dma_wait3A_63 = arith.constant 0 : i32
    %dma_wait3A_64 = tpu.memref_slice %arg3[%dma_wait3A, %dma_wait3A_63] : memref<2500x128xi32, #tpu.memory_space<hbm>> -> memref<1x64xi32, #tpu.memory_space<hbm>>
    %dma_wait3A_65 = tpu.memref_squeeze %dma_wait3A_64 : memref<1x64xi32, #tpu.memory_space<hbm>> -> memref<64xi32, #tpu.memory_space<hbm>>
    %dma_wait3A_66 = arith.constant 0 : i32
    %dma_wait3A_67 = tpu.memref_slice %arg12[%dma_wait3A_59, %dma_wait3A_66] : memref<10x64xi32, #tpu.memory_space<vmem>> -> memref<1x64xi32, #tpu.memory_space<vmem>>
    %dma_wait3A_68 = tpu.memref_squeeze %dma_wait3A_67 : memref<1x64xi32, #tpu.memory_space<vmem>> -> memref<64xi32, #tpu.memory_space<vmem>>
    %dma_wait3A_69 = arith.constant 0 : i32
    %dma_wait3A_70 = tpu.memref_slice %arg3[%dma_wait3A, %dma_wait3A_69] : memref<2500x128xi32, #tpu.memory_space<hbm>> -> memref<1x64xi32, #tpu.memory_space<hbm>>
    %dma_wait3A_71 = tpu.memref_squeeze %dma_wait3A_70 : memref<1x64xi32, #tpu.memory_space<hbm>> -> memref<64xi32, #tpu.memory_space<hbm>>
    tpu.wait_dma2 semaphore(%arg22 : memref<!tpu.dma_semaphore, #tpu.memory_space<semaphore_mem>>) src(%dma_wait3A_71 : memref<64xi32, #tpu.memory_space<hbm>>) dst(%dma_wait3A_68 : memref<64xi32, #tpu.memory_space<vmem>>)
    %dma_wait3A_72 = arith.constant 0 : i32
    %dma_wait3A_73 = arith.constant 0 : i32
    %dma_wait3A_74 = arith.constant 0 : i32
    %dma_wait3A_75 = tpu.memref_slice %arg12[%dma_wait3A_73, %dma_wait3A_74] : memref<10x64xi32, #tpu.memory_space<vmem>> -> memref<1x64xi32, #tpu.memory_space<vmem>>
    %dma_wait3A_76 = tpu.memref_squeeze %dma_wait3A_75 : memref<1x64xi32, #tpu.memory_space<vmem>> -> memref<64xi32, #tpu.memory_space<vmem>>
    %dma_wait3A_77 = arith.constant 0 : i32
    %dma_wait3A_78 = tpu.memref_slice %arg3[%dma_wait3A_72, %dma_wait3A_77] : memref<2500x128xi32, #tpu.memory_space<hbm>> -> memref<1x64xi32, #tpu.memory_space<hbm>>
    %dma_wait3A_79 = tpu.memref_squeeze %dma_wait3A_78 : memref<1x64xi32, #tpu.memory_space<hbm>> -> memref<64xi32, #tpu.memory_space<hbm>>
    %dma_wait3A_80 = arith.constant 0 : i32
    %dma_wait3A_81 = tpu.memref_slice %arg12[%dma_wait3A_73, %dma_wait3A_80] : memref<10x64xi32, #tpu.memory_space<vmem>> -> memref<1x64xi32, #tpu.memory_space<vmem>>
    %dma_wait3A_82 = tpu.memref_squeeze %dma_wait3A_81 : memref<1x64xi32, #tpu.memory_space<vmem>> -> memref<64xi32, #tpu.memory_space<vmem>>
    %dma_wait3A_83 = arith.constant 0 : i32
    %dma_wait3A_84 = tpu.memref_slice %arg3[%dma_wait3A_72, %dma_wait3A_83] : memref<2500x128xi32, #tpu.memory_space<hbm>> -> memref<1x64xi32, #tpu.memory_space<hbm>>
    %dma_wait3A_85 = tpu.memref_squeeze %dma_wait3A_84 : memref<1x64xi32, #tpu.memory_space<hbm>> -> memref<64xi32, #tpu.memory_space<hbm>>
    tpu.wait_dma2 semaphore(%arg22 : memref<!tpu.dma_semaphore, #tpu.memory_space<semaphore_mem>>) src(%dma_wait3A_85 : memref<64xi32, #tpu.memory_space<hbm>>) dst(%dma_wait3A_82 : memref<64xi32, #tpu.memory_space<vmem>>)
    %dma_start3A = arith.constant 0 : i32
    %dma_start3A_86 = arith.constant 0 : i32
    %dma_start3A_87 = tpu.memref_slice %arg12[%dma_start3A, %dma_start3A_86] : memref<10x64xi32, #tpu.memory_space<vmem>> -> memref<1x64xi32, #tpu.memory_space<vmem>>
    %dma_start3A_88 = tpu.memref_squeeze %dma_start3A_87 : memref<1x64xi32, #tpu.memory_space<vmem>> -> memref<64xi32, #tpu.memory_space<vmem>>
    %dma_start3A_89 = arith.constant 0 : i32
    %dma_start3A_90 = arith.constant 0 : i32
    %dma_start3A_91 = tpu.memref_slice %arg2[%dma_start3A_89, %dma_start3A_90] : memref<10240x128xf32, #tpu.memory_space<hbm>> -> memref<10240x128xf32, #tpu.memory_space<hbm>>
    tpu.enqueue_indirect_dma source(%dma_start3A_91 : memref<10240x128xf32, #tpu.memory_space<hbm>>) target(%arg14 : memref<64x128xf32, #tpu.memory_space<vmem>>) offsets(%dma_start3A_88 : memref<64xi32, #tpu.memory_space<vmem>>) semaphore(%arg32 : memref<!tpu.dma_semaphore, #tpu.memory_space<semaphore_mem>>)
    %dma_wait3A_92 = arith.constant 0 : i32
    %dma_wait3A_93 = arith.constant 1 : i32
    %dma_wait3A_94 = arith.constant 0 : i32
    %dma_wait3A_95 = tpu.memref_slice %arg12[%dma_wait3A_93, %dma_wait3A_94] : memref<10x64xi32, #tpu.memory_space<vmem>> -> memref<1x64xi32, #tpu.memory_space<vmem>>
    %dma_wait3A_96 = tpu.memref_squeeze %dma_wait3A_95 : memref<1x64xi32, #tpu.memory_space<vmem>> -> memref<64xi32, #tpu.memory_space<vmem>>
    %dma_wait3A_97 = arith.constant 0 : i32
    %dma_wait3A_98 = tpu.memref_slice %arg3[%dma_wait3A_92, %dma_wait3A_97] : memref<2500x128xi32, #tpu.memory_space<hbm>> -> memref<1x64xi32, #tpu.memory_space<hbm>>
    %dma_wait3A_99 = tpu.memref_squeeze %dma_wait3A_98 : memref<1x64xi32, #tpu.memory_space<hbm>> -> memref<64xi32, #tpu.memory_space<hbm>>
    %dma_wait3A_100 = arith.constant 0 : i32
    %dma_wait3A_101 = tpu.memref_slice %arg12[%dma_wait3A_93, %dma_wait3A_100] : memref<10x64xi32, #tpu.memory_space<vmem>> -> memref<1x64xi32, #tpu.memory_space<vmem>>
    %dma_wait3A_102 = tpu.memref_squeeze %dma_wait3A_101 : memref<1x64xi32, #tpu.memory_space<vmem>> -> memref<64xi32, #tpu.memory_space<vmem>>
    %dma_wait3A_103 = arith.constant 0 : i32
    %dma_wait3A_104 = tpu.memref_slice %arg3[%dma_wait3A_92, %dma_wait3A_103] : memref<2500x128xi32, #tpu.memory_space<hbm>> -> memref<1x64xi32, #tpu.memory_space<hbm>>
    %dma_wait3A_105 = tpu.memref_squeeze %dma_wait3A_104 : memref<1x64xi32, #tpu.memory_space<hbm>> -> memref<64xi32, #tpu.memory_space<hbm>>
    tpu.wait_dma2 semaphore(%arg23 : memref<!tpu.dma_semaphore, #tpu.memory_space<semaphore_mem>>) src(%dma_wait3A_105 : memref<64xi32, #tpu.memory_space<hbm>>) dst(%dma_wait3A_102 : memref<64xi32, #tpu.memory_space<vmem>>)
    %dma_wait3A_106 = arith.constant 0 : i32
    %dma_wait3A_107 = arith.constant 1 : i32
    %dma_wait3A_108 = arith.constant 0 : i32
    %dma_wait3A_109 = tpu.memref_slice %arg12[%dma_wait3A_107, %dma_wait3A_108] : memref<10x64xi32, #tpu.memory_space<vmem>> -> memref<1x64xi32, #tpu.memory_space<vmem>>
    %dma_wait3A_110 = tpu.memref_squeeze %dma_wait3A_109 : memref<1x64xi32, #tpu.memory_space<vmem>> -> memref<64xi32, #tpu.memory_space<vmem>>
    %dma_wait3A_111 = arith.constant 0 : i32
    %dma_wait3A_112 = tpu.memref_slice %arg3[%dma_wait3A_106, %dma_wait3A_111] : memref<2500x128xi32, #tpu.memory_space<hbm>> -> memref<1x64xi32, #tpu.memory_space<hbm>>
    %dma_wait3A_113 = tpu.memref_squeeze %dma_wait3A_112 : memref<1x64xi32, #tpu.memory_space<hbm>> -> memref<64xi32, #tpu.memory_space<hbm>>
    %dma_wait3A_114 = arith.constant 0 : i32
    %dma_wait3A_115 = tpu.memref_slice %arg12[%dma_wait3A_107, %dma_wait3A_114] : memref<10x64xi32, #tpu.memory_space<vmem>> -> memref<1x64xi32, #tpu.memory_space<vmem>>
    %dma_wait3A_116 = tpu.memref_squeeze %dma_wait3A_115 : memref<1x64xi32, #tpu.memory_space<vmem>> -> memref<64xi32, #tpu.memory_space<vmem>>
    %dma_wait3A_117 = arith.constant 0 : i32
    %dma_wait3A_118 = tpu.memref_slice %arg3[%dma_wait3A_106, %dma_wait3A_117] : memref<2500x128xi32, #tpu.memory_space<hbm>> -> memref<1x64xi32, #tpu.memory_space<hbm>>
    %dma_wait3A_119 = tpu.memref_squeeze %dma_wait3A_118 : memref<1x64xi32, #tpu.memory_space<hbm>> -> memref<64xi32, #tpu.memory_space<hbm>>
    tpu.wait_dma2 semaphore(%arg23 : memref<!tpu.dma_semaphore, #tpu.memory_space<semaphore_mem>>) src(%dma_wait3A_119 : memref<64xi32, #tpu.memory_space<hbm>>) dst(%dma_wait3A_116 : memref<64xi32, #tpu.memory_space<vmem>>)
    %dma_start3A_120 = arith.constant 1 : i32
    %dma_start3A_121 = arith.constant 0 : i32
    %dma_start3A_122 = tpu.memref_slice %arg12[%dma_start3A_120, %dma_start3A_121] : memref<10x64xi32, #tpu.memory_space<vmem>> -> memref<1x64xi32, #tpu.memory_space<vmem>>
    %dma_start3A_123 = tpu.memref_squeeze %dma_start3A_122 : memref<1x64xi32, #tpu.memory_space<vmem>> -> memref<64xi32, #tpu.memory_space<vmem>>
    %dma_start3A_124 = arith.constant 0 : i32
    %dma_start3A_125 = arith.constant 0 : i32
    %dma_start3A_126 = tpu.memref_slice %arg2[%dma_start3A_124, %dma_start3A_125] : memref<10240x128xf32, #tpu.memory_space<hbm>> -> memref<10240x128xf32, #tpu.memory_space<hbm>>
    tpu.enqueue_indirect_dma source(%dma_start3A_126 : memref<10240x128xf32, #tpu.memory_space<hbm>>) target(%arg15 : memref<64x128xf32, #tpu.memory_space<vmem>>) offsets(%dma_start3A_123 : memref<64xi32, #tpu.memory_space<vmem>>) semaphore(%arg33 : memref<!tpu.dma_semaphore, #tpu.memory_space<semaphore_mem>>)
    %dma_wait3A_127 = arith.constant 0 : i32
    %dma_wait3A_128 = arith.constant 2 : i32
    %dma_wait3A_129 = arith.constant 0 : i32
    %dma_wait3A_130 = tpu.memref_slice %arg12[%dma_wait3A_128, %dma_wait3A_129] : memref<10x64xi32, #tpu.memory_space<vmem>> -> memref<1x64xi32, #tpu.memory_space<vmem>>
    %dma_wait3A_131 = tpu.memref_squeeze %dma_wait3A_130 : memref<1x64xi32, #tpu.memory_space<vmem>> -> memref<64xi32, #tpu.memory_space<vmem>>
    %dma_wait3A_132 = arith.constant 0 : i32
    %dma_wait3A_133 = tpu.memref_slice %arg3[%dma_wait3A_127, %dma_wait3A_132] : memref<2500x128xi32, #tpu.memory_space<hbm>> -> memref<1x64xi32, #tpu.memory_space<hbm>>
    %dma_wait3A_134 = tpu.memref_squeeze %dma_wait3A_133 : memref<1x64xi32, #tpu.memory_space<hbm>> -> memref<64xi32, #tpu.memory_space<hbm>>
    %dma_wait3A_135 = arith.constant 0 : i32
    %dma_wait3A_136 = tpu.memref_slice %arg12[%dma_wait3A_128, %dma_wait3A_135] : memref<10x64xi32, #tpu.memory_space<vmem>> -> memref<1x64xi32, #tpu.memory_space<vmem>>
    %dma_wait3A_137 = tpu.memref_squeeze %dma_wait3A_136 : memref<1x64xi32, #tpu.memory_space<vmem>> -> memref<64xi32, #tpu.memory_space<vmem>>
    %dma_wait3A_138 = arith.constant 0 : i32
    %dma_wait3A_139 = tpu.memref_slice %arg3[%dma_wait3A_127, %dma_wait3A_138] : memref<2500x128xi32, #tpu.memory_space<hbm>> -> memref<1x64xi32, #tpu.memory_space<hbm>>
    %dma_wait3A_140 = tpu.memref_squeeze %dma_wait3A_139 : memref<1x64xi32, #tpu.memory_space<hbm>> -> memref<64xi32, #tpu.memory_space<hbm>>
    tpu.wait_dma2 semaphore(%arg24 : memref<!tpu.dma_semaphore, #tpu.memory_space<semaphore_mem>>) src(%dma_wait3A_140 : memref<64xi32, #tpu.memory_space<hbm>>) dst(%dma_wait3A_137 : memref<64xi32, #tpu.memory_space<vmem>>)
    %dma_wait3A_141 = arith.constant 0 : i32
    %dma_wait3A_142 = arith.constant 2 : i32
    %dma_wait3A_143 = arith.constant 0 : i32
    %dma_wait3A_144 = tpu.memref_slice %arg12[%dma_wait3A_142, %dma_wait3A_143] : memref<10x64xi32, #tpu.memory_space<vmem>> -> memref<1x64xi32, #tpu.memory_space<vmem>>
    %dma_wait3A_145 = tpu.memref_squeeze %dma_wait3A_144 : memref<1x64xi32, #tpu.memory_space<vmem>> -> memref<64xi32, #tpu.memory_space<vmem>>
    %dma_wait3A_146 = arith.constant 0 : i32
    %dma_wait3A_147 = tpu.memref_slice %arg3[%dma_wait3A_141, %dma_wait3A_146] : memref<2500x128xi32, #tpu.memory_space<hbm>> -> memref<1x64xi32, #tpu.memory_space<hbm>>
    %dma_wait3A_148 = tpu.memref_squeeze %dma_wait3A_147 : memref<1x64xi32, #tpu.memory_space<hbm>> -> memref<64xi32, #tpu.memory_space<hbm>>
    %dma_wait3A_149 = arith.constant 0 : i32
    %dma_wait3A_150 = tpu.memref_slice %arg12[%dma_wait3A_142, %dma_wait3A_149] : memref<10x64xi32, #tpu.memory_space<vmem>> -> memref<1x64xi32, #tpu.memory_space<vmem>>
    %dma_wait3A_151 = tpu.memref_squeeze %dma_wait3A_150 : memref<1x64xi32, #tpu.memory_space<vmem>> -> memref<64xi32, #tpu.memory_space<vmem>>
    %dma_wait3A_152 = arith.constant 0 : i32
    %dma_wait3A_153 = tpu.memref_slice %arg3[%dma_wait3A_141, %dma_wait3A_152] : memref<2500x128xi32, #tpu.memory_space<hbm>> -> memref<1x64xi32, #tpu.memory_space<hbm>>
    %dma_wait3A_154 = tpu.memref_squeeze %dma_wait3A_153 : memref<1x64xi32, #tpu.memory_space<hbm>> -> memref<64xi32, #tpu.memory_space<hbm>>
    tpu.wait_dma2 semaphore(%arg24 : memref<!tpu.dma_semaphore, #tpu.memory_space<semaphore_mem>>) src(%dma_wait3A_154 : memref<64xi32, #tpu.memory_space<hbm>>) dst(%dma_wait3A_151 : memref<64xi32, #tpu.memory_space<vmem>>)
    %dma_start3A_155 = arith.constant 2 : i32
    %dma_start3A_156 = arith.constant 0 : i32
    %dma_start3A_157 = tpu.memref_slice %arg12[%dma_start3A_155, %dma_start3A_156] : memref<10x64xi32, #tpu.memory_space<vmem>> -> memref<1x64xi32, #tpu.memory_space<vmem>>
    %dma_start3A_158 = tpu.memref_squeeze %dma_start3A_157 : memref<1x64xi32, #tpu.memory_space<vmem>> -> memref<64xi32, #tpu.memory_space<vmem>>
    %dma_start3A_159 = arith.constant 0 : i32
    %dma_start3A_160 = arith.constant 0 : i32
    %dma_start3A_161 = tpu.memref_slice %arg2[%dma_start3A_159, %dma_start3A_160] : memref<10240x128xf32, #tpu.memory_space<hbm>> -> memref<10240x128xf32, #tpu.memory_space<hbm>>
    tpu.enqueue_indirect_dma source(%dma_start3A_161 : memref<10240x128xf32, #tpu.memory_space<hbm>>) target(%arg16 : memref<64x128xf32, #tpu.memory_space<vmem>>) offsets(%dma_start3A_158 : memref<64xi32, #tpu.memory_space<vmem>>) semaphore(%arg34 : memref<!tpu.dma_semaphore, #tpu.memory_space<semaphore_mem>>)
    "tpu.region"() ({
      %run_scoped3A = tpu.sem_alloc : memref<!tpu.dma_semaphore, #tpu.memory_space<semaphore_mem>>
      tpu.enqueue_dma source(%arg8 : memref<64xf32, #tpu.memory_space<hbm>>) target(%arg19 : memref<64xf32, #tpu.memory_space<vmem>>) target_semaphore(%run_scoped3A : memref<!tpu.dma_semaphore, #tpu.memory_space<semaphore_mem>>)
      tpu.wait_dma2 semaphore(%run_scoped3A : memref<!tpu.dma_semaphore, #tpu.memory_space<semaphore_mem>>) src(%arg8 : memref<64xf32, #tpu.memory_space<hbm>>) dst(%arg19 : memref<64xf32, #tpu.memory_space<vmem>>)
      tpu.yield
    }) : () -> ()
    %mul3A_162 = arith.constant 640 : i32
    %mul3A_163 = arith.muli %arg1, %mul3A_162 : i32
    "tpu.region"() ({
      %run_scoped3A = tpu.sem_alloc : memref<!tpu.dma_semaphore, #tpu.memory_space<semaphore_mem>>
      %dma_start3A_213 = tpu.memref_slice %arg21[%mul3A_163] : memref<10240xf32, #tpu.memory_space<vmem_shared>> -> memref<640xf32, #tpu.memory_space<vmem_shared>>
      tpu.enqueue_dma source(%arg9 : memref<640xf32, #tpu.memory_space<hbm>>) target(%dma_start3A_213 : memref<640xf32, #tpu.memory_space<vmem_shared>>) target_semaphore(%run_scoped3A : memref<!tpu.dma_semaphore, #tpu.memory_space<semaphore_mem>>)
      %dma_wait3A_214 = tpu.memref_slice %arg21[%mul3A_163] : memref<10240xf32, #tpu.memory_space<vmem_shared>> -> memref<640xf32, #tpu.memory_space<vmem_shared>>
      tpu.wait_dma2 semaphore(%run_scoped3A : memref<!tpu.dma_semaphore, #tpu.memory_space<semaphore_mem>>) src(%arg9 : memref<640xf32, #tpu.memory_space<hbm>>) dst(%dma_wait3A_214 : memref<640xf32, #tpu.memory_space<vmem_shared>>)
      tpu.yield
    }) : () -> ()
    "tpu.region"() ({
      %run_scoped3A = tpu.sem_alloc : memref<!tpu.dma_semaphore, #tpu.memory_space<semaphore_mem>>
      tpu.enqueue_dma source(%arg7 : memref<64x128xf32, #tpu.memory_space<hbm>>) target(%arg17 : memref<64x128xf32, #tpu.memory_space<vmem>>) target_semaphore(%run_scoped3A : memref<!tpu.dma_semaphore, #tpu.memory_space<semaphore_mem>>)
      tpu.wait_dma2 semaphore(%run_scoped3A : memref<!tpu.dma_semaphore, #tpu.memory_space<semaphore_mem>>) src(%arg7 : memref<64x128xf32, #tpu.memory_space<hbm>>) dst(%arg17 : memref<64x128xf32, #tpu.memory_space<vmem>>)
      tpu.yield
    }) : () -> ()
    %scan3A = arith.constant 0 : i32
    %scan3A_164 = arith.constant 10 : i32
    %scan3A_165 = arith.addi %scan3A, %scan3A_164 : i32
    %scan3A_166 = arith.constant 1 : i32
    scf.for %scan3A_213 = %scan3A to %scan3A_165 step %scan3A_166  : i32 {
      %mul3A_214 = arith.constant 64 : i32
      %mul3A_215 = arith.muli %scan3A_213, %mul3A_214 : i32
      %add3A_216 = arith.constant 0 : i32
      %add3A_217 = arith.addi %add3A_216, %mul3A_215 : i32
      %mul3A_218 = arith.constant 640 : i32
      %mul3A_219 = arith.muli %arg1, %mul3A_218 : i32
      %add3A_220 = arith.addi %mul3A_219, %add3A_217 : i32
      %dma_start3A_221 = arith.constant 0 : i32
      %dma_start3A_222 = tpu.memref_slice %arg20[%add3A_220, %dma_start3A_221] : memref<10240x128xf32, #tpu.memory_space<vmem_shared>> -> memref<64x128xf32, #tpu.memory_space<vmem_shared>>
      %dma_start3A_223 = arith.constant 0 : i32
      %dma_start3A_224 = tpu.memref_slice %arg20[%add3A_220, %dma_start3A_223] : memref<10240x128xf32, #tpu.memory_space<vmem_shared>> -> memref<64x128xf32, #tpu.memory_space<vmem_shared>>
      tpu.enqueue_dma source(%arg17 : memref<64x128xf32, #tpu.memory_space<vmem>>) target(%dma_start3A_224 : memref<64x128xf32, #tpu.memory_space<vmem_shared>>) target_semaphore(%arg42 : memref<!tpu.dma_semaphore, #tpu.memory_space<semaphore_mem>>)
    }
    %scan3A_167 = arith.constant 10 : i32
    %scan3A_168 = arith.constant 0 : i32
    %scan3A_169 = arith.constant 10 : i32
    %scan3A_170 = arith.addi %scan3A_168, %scan3A_169 : i32
    %scan3A_171 = arith.constant 1 : i32
    scf.for %scan3A_213 = %scan3A_168 to %scan3A_170 step %scan3A_171  : i32 {
      %mul3A_214 = arith.constant 64 : i32
      %mul3A_215 = arith.muli %scan3A_213, %mul3A_214 : i32
      %add3A_216 = arith.constant 0 : i32
      %add3A_217 = arith.addi %add3A_216, %mul3A_215 : i32
      %dma_wait3A_218 = arith.constant 0 : i32
      %dma_wait3A_219 = arith.constant 0 : i32
      %dma_wait3A_220 = tpu.memref_slice %arg20[%dma_wait3A_218, %dma_wait3A_219] : memref<10240x128xf32, #tpu.memory_space<vmem_shared>> -> memref<64x128xf32, #tpu.memory_space<vmem_shared>>
      %dma_wait3A_221 = arith.constant 0 : i32
      %dma_wait3A_222 = arith.constant 0 : i32
      %dma_wait3A_223 = tpu.memref_slice %arg20[%dma_wait3A_221, %dma_wait3A_222] : memref<10240x128xf32, #tpu.memory_space<vmem_shared>> -> memref<64x128xf32, #tpu.memory_space<vmem_shared>>
      tpu.wait_dma2 semaphore(%arg42 : memref<!tpu.dma_semaphore, #tpu.memory_space<semaphore_mem>>) src(%arg17 : memref<64x128xf32, #tpu.memory_space<vmem>>) dst(%dma_wait3A_223 : memref<64x128xf32, #tpu.memory_space<vmem_shared>>)
    }
    %scan3A_172 = arith.constant 10 : i32
    %barrier3A = arith.constant 0 : index
    tpu.barrier barrier_id(%barrier3A)
    %scan3A_173 = arith.constant 0 : i32
    %scan3A_174 = arith.constant 16 : i32
    %scan3A_175 = arith.addi %scan3A_173, %scan3A_174 : i32
    %scan3A_176 = arith.constant 1 : i32
    scf.for %scan3A_213 = %scan3A_173 to %scan3A_175 step %scan3A_176  : i32 {
      %mul3A_214 = arith.constant 1 : i32
      %mul3A_215 = arith.muli %scan3A_213, %mul3A_214 : i32
      %add3A_216 = arith.constant 0 : i32
      %add3A_217 = arith.addi %add3A_216, %mul3A_215 : i32
      %mul3A_218 = arith.constant 10 : i32
      %mul3A_219 = arith.muli %mul3A_218, %add3A_217 : i32
      %add3A_220 = arith.constant 0 : i32
      %add3A_221 = arith.addi %mul3A_219, %add3A_220 : i32
      %dma_wait3A_222 = arith.constant 0 : i32
      %dma_wait3A_223 = arith.constant 0 : i32
      %dma_wait3A_224 = tpu.memref_slice %arg2[%dma_wait3A_222, %dma_wait3A_223] : memref<10240x128xf32, #tpu.memory_space<hbm>> -> memref<64x128xf32, #tpu.memory_space<hbm>>
      %dma_wait3A_225 = arith.constant 0 : i32
      %dma_wait3A_226 = arith.constant 0 : i32
      %dma_wait3A_227 = tpu.memref_slice %arg2[%dma_wait3A_225, %dma_wait3A_226] : memref<10240x128xf32, #tpu.memory_space<hbm>> -> memref<64x128xf32, #tpu.memory_space<hbm>>
      tpu.wait_dma2 semaphore(%arg32 : memref<!tpu.dma_semaphore, #tpu.memory_space<semaphore_mem>>) src(%dma_wait3A_227 : memref<64x128xf32, #tpu.memory_space<hbm>>) dst(%arg14 : memref<64x128xf32, #tpu.memory_space<vmem>>)
      %dma_start3A_228 = arith.constant 0 : i32
      %dma_start3A_229 = arith.constant 0 : i32
      %dma_start3A_230 = tpu.memref_slice %arg13[%dma_start3A_228, %dma_start3A_229] : memref<10x64xi32, #tpu.memory_space<vmem>> -> memref<1x64xi32, #tpu.memory_space<vmem>>
      %dma_start3A_231 = tpu.memref_squeeze %dma_start3A_230 : memref<1x64xi32, #tpu.memory_space<vmem>> -> memref<64xi32, #tpu.memory_space<vmem>>
      %dma_start3A_232 = arith.constant 0 : i32
      %dma_start3A_233 = arith.constant 0 : i32
      %dma_start3A_234 = tpu.memref_slice %arg20[%dma_start3A_232, %dma_start3A_233] : memref<10240x128xf32, #tpu.memory_space<vmem_shared>> -> memref<10240x128xf32, #tpu.memory_space<vmem_shared>>
      tpu.enqueue_indirect_dma source(%arg14 : memref<64x128xf32, #tpu.memory_space<vmem>>) target(%dma_start3A_234 : memref<10240x128xf32, #tpu.memory_space<vmem_shared>>) offsets(%dma_start3A_231 : memref<64xi32, #tpu.memory_space<vmem>>) semaphore(%arg37 : memref<!tpu.dma_semaphore, #tpu.memory_space<semaphore_mem>>) {add = true}
      %dma_start3A_235 = arith.constant 0 : i32
      %dma_start3A_236 = arith.constant 0 : i32
      %dma_start3A_237 = tpu.memref_slice %arg13[%dma_start3A_235, %dma_start3A_236] : memref<10x64xi32, #tpu.memory_space<vmem>> -> memref<1x64xi32, #tpu.memory_space<vmem>>
      %dma_start3A_238 = tpu.memref_squeeze %dma_start3A_237 : memref<1x64xi32, #tpu.memory_space<vmem>> -> memref<64xi32, #tpu.memory_space<vmem>>
      %dma_start3A_239 = arith.constant 0 : i32
      %dma_start3A_240 = tpu.memref_slice %arg21[%dma_start3A_239] : memref<10240xf32, #tpu.memory_space<vmem_shared>> -> memref<10240xf32, #tpu.memory_space<vmem_shared>>
      tpu.enqueue_indirect_dma source(%arg19 : memref<64xf32, #tpu.memory_space<vmem>>) target(%dma_start3A_240 : memref<10240xf32, #tpu.memory_space<vmem_shared>>) offsets(%dma_start3A_238 : memref<64xi32, #tpu.memory_space<vmem>>) semaphore(%arg37 : memref<!tpu.dma_semaphore, #tpu.memory_space<semaphore_mem>>) {add = true}
      %gt3A = arith.constant 0 : i32
      %gt3A_241 = arith.cmpi sgt, %add3A_217, %gt3A : i32
      %convert_element_type3A_242 = arith.extui %gt3A_241 : i1 to i32
      %cond3A_243 = arith.constant 0 : i32
      %cond3A_244 = arith.cmpi ne, %convert_element_type3A_242, %cond3A_243 : i32
      scf.if %cond3A_244 {
        %dma_wait3A_677 = arith.constant 0 : i32
        %dma_wait3A_678 = arith.constant 0 : i32
        %dma_wait3A_679 = tpu.memref_slice %arg20[%dma_wait3A_677, %dma_wait3A_678] : memref<10240x128xf32, #tpu.memory_space<vmem_shared>> -> memref<64x128xf32, #tpu.memory_space<vmem_shared>>
        %dma_wait3A_680 = arith.constant 0 : i32
        %dma_wait3A_681 = arith.constant 0 : i32
        %dma_wait3A_682 = tpu.memref_slice %arg20[%dma_wait3A_680, %dma_wait3A_681] : memref<10240x128xf32, #tpu.memory_space<vmem_shared>> -> memref<64x128xf32, #tpu.memory_space<vmem_shared>>
        tpu.wait_dma2 semaphore(%arg40 : memref<!tpu.dma_semaphore, #tpu.memory_space<semaphore_mem>>) src(%arg17 : memref<64x128xf32, #tpu.memory_space<vmem>>) dst(%dma_wait3A_682 : memref<64x128xf32, #tpu.memory_space<vmem_shared>>)
        %dma_wait3A_683 = arith.constant 0 : i32
        %dma_wait3A_684 = tpu.memref_slice %arg21[%dma_wait3A_683] : memref<10240xf32, #tpu.memory_space<vmem_shared>> -> memref<64xf32, #tpu.memory_space<vmem_shared>>
        %dma_wait3A_685 = arith.constant 0 : i32
        %dma_wait3A_686 = tpu.memref_slice %arg21[%dma_wait3A_685] : memref<10240xf32, #tpu.memory_space<vmem_shared>> -> memref<64xf32, #tpu.memory_space<vmem_shared>>
        tpu.wait_dma2 semaphore(%arg40 : memref<!tpu.dma_semaphore, #tpu.memory_space<semaphore_mem>>) src(%arg19 : memref<64xf32, #tpu.memory_space<vmem>>) dst(%dma_wait3A_686 : memref<64xf32, #tpu.memory_space<vmem_shared>>)
      } else {
      }
      %add3A_245 = arith.constant 5 : i32
      %add3A_246 = arith.addi %add3A_221, %add3A_245 : i32
      %lt3A_247 = arith.constant 160 : i32
      %lt3A_248 = arith.cmpi slt, %add3A_246, %lt3A_247 : i32
      %convert_element_type3A_249 = arith.extui %lt3A_248 : i1 to i32
      %cond3A_250 = arith.constant 0 : i32
      %cond3A_251 = arith.cmpi ne, %convert_element_type3A_249, %cond3A_250 : i32
      scf.if %cond3A_251 {
        %add3A_677 = arith.constant 5 : i32
        %add3A_678 = arith.addi %add3A_221, %add3A_677 : i32
        %jit3A = arith.constant 2 : i32
        %div3A = arith.divsi %add3A_678, %jit3A : i32
        %sign3A = arith.constant 0 : i32
        %sign3A_679 = arith.cmpi sgt, %add3A_678, %sign3A : i32
        %sign3A_680 = arith.extui %sign3A_679 : i1 to i32
        %sign3A_681 = arith.constant 0 : i32
        %sign3A_682 = arith.cmpi slt, %add3A_678, %sign3A_681 : i32
        %sign3A_683 = arith.extui %sign3A_682 : i1 to i32
        %sign3A_684 = arith.subi %sign3A_680, %sign3A_683 : i32
        %sign3A_685 = arith.constant 0 : i32
        %sign3A_686 = arith.cmpi sgt, %jit3A, %sign3A_685 : i32
        %sign3A_687 = arith.extui %sign3A_686 : i1 to i32
        %sign3A_688 = arith.constant 0 : i32
        %sign3A_689 = arith.cmpi slt, %jit3A, %sign3A_688 : i32
        %sign3A_690 = arith.extui %sign3A_689 : i1 to i32
        %sign3A_691 = arith.subi %sign3A_687, %sign3A_690 : i32
        %ne3A = arith.cmpi ne, %sign3A_684, %sign3A_691 : i32
        %rem3A = arith.remsi %add3A_678, %jit3A : i32
        %ne3A_692 = arith.constant 0 : i32
        %ne3A_693 = arith.cmpi ne, %rem3A, %ne3A_692 : i32
        %and3A = arith.andi %ne3A, %ne3A_693 : i1
        %sub3A = arith.constant 1 : i32
        %sub3A_694 = arith.subi %div3A, %sub3A : i32
        %select_n3A = arith.select %and3A, %sub3A_694, %div3A : i32
        %add3A_695 = arith.addi %mul3A_2, %select_n3A : i32
        %jit3A_696 = arith.constant 2 : i32
        %eq3A = arith.constant 0 : i32
        %eq3A_697 = arith.cmpi eq, %jit3A_696, %eq3A : i32
        %jit3A_698 = arith.constant 1 : i32
        %select_n3A_699 = arith.select %eq3A_697, %jit3A_698, %jit3A_696 : i32
        %rem3A_700 = arith.remsi %add3A_678, %select_n3A_699 : i32
        %ne3A_701 = arith.constant 0 : i32
        %ne3A_702 = arith.cmpi ne, %rem3A_700, %ne3A_701 : i32
        %lt3A_703 = arith.constant 0 : i32
        %lt3A_704 = arith.cmpi slt, %rem3A_700, %lt3A_703 : i32
        %lt3A_705 = arith.constant 0 : i32
        %lt3A_706 = arith.cmpi slt, %select_n3A_699, %lt3A_705 : i32
        %ne3A_707 = arith.xori %lt3A_704, %lt3A_706 : i1
        %and3A_708 = arith.andi %ne3A_707, %ne3A_702 : i1
        %add3A_709 = arith.addi %rem3A_700, %select_n3A_699 : i32
        %select_n3A_710 = arith.select %and3A_708, %add3A_709, %rem3A_700 : i32
        %mul3A_711 = arith.constant 64 : i32
        %mul3A_712 = arith.muli %select_n3A_710, %mul3A_711 : i32
        %lt3A_713 = arith.constant 2500 : i32
        %lt3A_714 = arith.cmpi slt, %add3A_695, %lt3A_713 : i32
        %convert_element_type3A_715 = arith.extui %lt3A_714 : i1 to i32
        %cond3A_716 = arith.constant 0 : i32
        %cond3A_717 = arith.cmpi ne, %convert_element_type3A_715, %cond3A_716 : i32
        scf.if %cond3A_717 {
          %dma_start3A_723 = arith.constant 5 : i32
          %dma_start3A_724 = arith.constant 0 : i32
          %dma_start3A_725 = tpu.memref_slice %arg12[%dma_start3A_723, %dma_start3A_724] : memref<10x64xi32, #tpu.memory_space<vmem>> -> memref<1x64xi32, #tpu.memory_space<vmem>>
          %dma_start3A_726 = tpu.memref_squeeze %dma_start3A_725 : memref<1x64xi32, #tpu.memory_space<vmem>> -> memref<64xi32, #tpu.memory_space<vmem>>
          %dma_start3A_727 = tpu.memref_slice %arg3[%add3A_695, %mul3A_712] : memref<2500x128xi32, #tpu.memory_space<hbm>> -> memref<1x64xi32, #tpu.memory_space<hbm>>
          %dma_start3A_728 = tpu.memref_squeeze %dma_start3A_727 : memref<1x64xi32, #tpu.memory_space<hbm>> -> memref<64xi32, #tpu.memory_space<hbm>>
          %dma_start3A_729 = arith.constant 0 : i32
          %dma_start3A_730 = tpu.memref_slice %arg12[%dma_start3A_723, %dma_start3A_729] : memref<10x64xi32, #tpu.memory_space<vmem>> -> memref<1x64xi32, #tpu.memory_space<vmem>>
          %dma_start3A_731 = tpu.memref_squeeze %dma_start3A_730 : memref<1x64xi32, #tpu.memory_space<vmem>> -> memref<64xi32, #tpu.memory_space<vmem>>
          %dma_start3A_732 = tpu.memref_slice %arg3[%add3A_695, %mul3A_712] : memref<2500x128xi32, #tpu.memory_space<hbm>> -> memref<1x64xi32, #tpu.memory_space<hbm>>
          %dma_start3A_733 = tpu.memref_squeeze %dma_start3A_732 : memref<1x64xi32, #tpu.memory_space<hbm>> -> memref<64xi32, #tpu.memory_space<hbm>>
          tpu.enqueue_dma source(%dma_start3A_733 : memref<64xi32, #tpu.memory_space<hbm>>) target(%dma_start3A_731 : memref<64xi32, #tpu.memory_space<vmem>>) target_semaphore(%arg27 : memref<!tpu.dma_semaphore, #tpu.memory_space<semaphore_mem>>)
          %dma_start3A_734 = arith.constant 5 : i32
          %dma_start3A_735 = arith.constant 0 : i32
          %dma_start3A_736 = tpu.memref_slice %arg13[%dma_start3A_734, %dma_start3A_735] : memref<10x64xi32, #tpu.memory_space<vmem>> -> memref<1x64xi32, #tpu.memory_space<vmem>>
          %dma_start3A_737 = tpu.memref_squeeze %dma_start3A_736 : memref<1x64xi32, #tpu.memory_space<vmem>> -> memref<64xi32, #tpu.memory_space<vmem>>
          %dma_start3A_738 = tpu.memref_slice %arg4[%add3A_695, %mul3A_712] : memref<2500x128xi32, #tpu.memory_space<hbm>> -> memref<1x64xi32, #tpu.memory_space<hbm>>
          %dma_start3A_739 = tpu.memref_squeeze %dma_start3A_738 : memref<1x64xi32, #tpu.memory_space<hbm>> -> memref<64xi32, #tpu.memory_space<hbm>>
          %dma_start3A_740 = arith.constant 0 : i32
          %dma_start3A_741 = tpu.memref_slice %arg13[%dma_start3A_734, %dma_start3A_740] : memref<10x64xi32, #tpu.memory_space<vmem>> -> memref<1x64xi32, #tpu.memory_space<vmem>>
          %dma_start3A_742 = tpu.memref_squeeze %dma_start3A_741 : memref<1x64xi32, #tpu.memory_space<vmem>> -> memref<64xi32, #tpu.memory_space<vmem>>
          %dma_start3A_743 = tpu.memref_slice %arg4[%add3A_695, %mul3A_712] : memref<2500x128xi32, #tpu.memory_space<hbm>> -> memref<1x64xi32, #tpu.memory_space<hbm>>
          %dma_start3A_744 = tpu.memref_squeeze %dma_start3A_743 : memref<1x64xi32, #tpu.memory_space<hbm>> -> memref<64xi32, #tpu.memory_space<hbm>>
          tpu.enqueue_dma source(%dma_start3A_744 : memref<64xi32, #tpu.memory_space<hbm>>) target(%dma_start3A_742 : memref<64xi32, #tpu.memory_space<vmem>>) target_semaphore(%arg27 : memref<!tpu.dma_semaphore, #tpu.memory_space<semaphore_mem>>)
        } else {
        }
        %ge3A_718 = arith.constant 2500 : i32
        %ge3A_719 = arith.cmpi sge, %add3A_695, %ge3A_718 : i32
        %convert_element_type3A_720 = arith.extui %ge3A_719 : i1 to i32
        %cond3A_721 = arith.constant 0 : i32
        %cond3A_722 = arith.cmpi ne, %convert_element_type3A_720, %cond3A_721 : i32
        scf.if %cond3A_722 {
          %sub3A_723 = arith.constant 2500 : i32
          %sub3A_724 = arith.subi %add3A_695, %sub3A_723 : i32
          %dma_start3A_725 = arith.constant 5 : i32
          %dma_start3A_726 = arith.constant 0 : i32
          %dma_start3A_727 = tpu.memref_slice %arg12[%dma_start3A_725, %dma_start3A_726] : memref<10x64xi32, #tpu.memory_space<vmem>> -> memref<1x64xi32, #tpu.memory_space<vmem>>
          %dma_start3A_728 = tpu.memref_squeeze %dma_start3A_727 : memref<1x64xi32, #tpu.memory_space<vmem>> -> memref<64xi32, #tpu.memory_space<vmem>>
          %dma_start3A_729 = tpu.memref_slice %arg5[%sub3A_724, %mul3A_712] : memref<60x128xi32, #tpu.memory_space<hbm>> -> memref<1x64xi32, #tpu.memory_space<hbm>>
          %dma_start3A_730 = tpu.memref_squeeze %dma_start3A_729 : memref<1x64xi32, #tpu.memory_space<hbm>> -> memref<64xi32, #tpu.memory_space<hbm>>
          %dma_start3A_731 = arith.constant 0 : i32
          %dma_start3A_732 = tpu.memref_slice %arg12[%dma_start3A_725, %dma_start3A_731] : memref<10x64xi32, #tpu.memory_space<vmem>> -> memref<1x64xi32, #tpu.memory_space<vmem>>
          %dma_start3A_733 = tpu.memref_squeeze %dma_start3A_732 : memref<1x64xi32, #tpu.memory_space<vmem>> -> memref<64xi32, #tpu.memory_space<vmem>>
          %dma_start3A_734 = tpu.memref_slice %arg5[%sub3A_724, %mul3A_712] : memref<60x128xi32, #tpu.memory_space<hbm>> -> memref<1x64xi32, #tpu.memory_space<hbm>>
          %dma_start3A_735 = tpu.memref_squeeze %dma_start3A_734 : memref<1x64xi32, #tpu.memory_space<hbm>> -> memref<64xi32, #tpu.memory_space<hbm>>
          tpu.enqueue_dma source(%dma_start3A_735 : memref<64xi32, #tpu.memory_space<hbm>>) target(%dma_start3A_733 : memref<64xi32, #tpu.memory_space<vmem>>) target_semaphore(%arg27 : memref<!tpu.dma_semaphore, #tpu.memory_space<semaphore_mem>>)
          %sub3A_736 = arith.constant 2500 : i32
          %sub3A_737 = arith.subi %add3A_695, %sub3A_736 : i32
          %dma_start3A_738 = arith.constant 5 : i32
          %dma_start3A_739 = arith.constant 0 : i32
          %dma_start3A_740 = tpu.memref_slice %arg13[%dma_start3A_738, %dma_start3A_739] : memref<10x64xi32, #tpu.memory_space<vmem>> -> memref<1x64xi32, #tpu.memory_space<vmem>>
          %dma_start3A_741 = tpu.memref_squeeze %dma_start3A_740 : memref<1x64xi32, #tpu.memory_space<vmem>> -> memref<64xi32, #tpu.memory_space<vmem>>
          %dma_start3A_742 = tpu.memref_slice %arg6[%sub3A_737, %mul3A_712] : memref<60x128xi32, #tpu.memory_space<hbm>> -> memref<1x64xi32, #tpu.memory_space<hbm>>
          %dma_start3A_743 = tpu.memref_squeeze %dma_start3A_742 : memref<1x64xi32, #tpu.memory_space<hbm>> -> memref<64xi32, #tpu.memory_space<hbm>>
          %dma_start3A_744 = arith.constant 0 : i32
          %dma_start3A_745 = tpu.memref_slice %arg13[%dma_start3A_738, %dma_start3A_744] : memref<10x64xi32, #tpu.memory_space<vmem>> -> memref<1x64xi32, #tpu.memory_space<vmem>>
          %dma_start3A_746 = tpu.memref_squeeze %dma_start3A_745 : memref<1x64xi32, #tpu.memory_space<vmem>> -> memref<64xi32, #tpu.memory_space<vmem>>
          %dma_start3A_747 = tpu.memref_slice %arg6[%sub3A_737, %mul3A_712] : memref<60x128xi32, #tpu.memory_space<hbm>> -> memref<1x64xi32, #tpu.memory_space<hbm>>
          %dma_start3A_748 = tpu.memref_squeeze %dma_start3A_747 : memref<1x64xi32, #tpu.memory_space<hbm>> -> memref<64xi32, #tpu.memory_space<hbm>>
          tpu.enqueue_dma source(%dma_start3A_748 : memref<64xi32, #tpu.memory_space<hbm>>) target(%dma_start3A_746 : memref<64xi32, #tpu.memory_space<vmem>>) target_semaphore(%arg27 : memref<!tpu.dma_semaphore, #tpu.memory_space<semaphore_mem>>)
        } else {
        }
      } else {
      }
      %add3A_252 = arith.constant 3 : i32
      %add3A_253 = arith.addi %add3A_221, %add3A_252 : i32
      %lt3A_254 = arith.constant 160 : i32
      %lt3A_255 = arith.cmpi slt, %add3A_253, %lt3A_254 : i32
      %convert_element_type3A_256 = arith.extui %lt3A_255 : i1 to i32
      %cond3A_257 = arith.constant 0 : i32
      %cond3A_258 = arith.cmpi ne, %convert_element_type3A_256, %cond3A_257 : i32
      scf.if %cond3A_258 {
        %dma_wait3A_677 = arith.constant 0 : i32
        %dma_wait3A_678 = arith.constant 3 : i32
        %dma_wait3A_679 = arith.constant 0 : i32
        %dma_wait3A_680 = tpu.memref_slice %arg12[%dma_wait3A_678, %dma_wait3A_679] : memref<10x64xi32, #tpu.memory_space<vmem>> -> memref<1x64xi32, #tpu.memory_space<vmem>>
        %dma_wait3A_681 = tpu.memref_squeeze %dma_wait3A_680 : memref<1x64xi32, #tpu.memory_space<vmem>> -> memref<64xi32, #tpu.memory_space<vmem>>
        %dma_wait3A_682 = arith.constant 0 : i32
        %dma_wait3A_683 = tpu.memref_slice %arg3[%dma_wait3A_677, %dma_wait3A_682] : memref<2500x128xi32, #tpu.memory_space<hbm>> -> memref<1x64xi32, #tpu.memory_space<hbm>>
        %dma_wait3A_684 = tpu.memref_squeeze %dma_wait3A_683 : memref<1x64xi32, #tpu.memory_space<hbm>> -> memref<64xi32, #tpu.memory_space<hbm>>
        %dma_wait3A_685 = arith.constant 0 : i32
        %dma_wait3A_686 = tpu.memref_slice %arg12[%dma_wait3A_678, %dma_wait3A_685] : memref<10x64xi32, #tpu.memory_space<vmem>> -> memref<1x64xi32, #tpu.memory_space<vmem>>
        %dma_wait3A_687 = tpu.memref_squeeze %dma_wait3A_686 : memref<1x64xi32, #tpu.memory_space<vmem>> -> memref<64xi32, #tpu.memory_space<vmem>>
        %dma_wait3A_688 = arith.constant 0 : i32
        %dma_wait3A_689 = tpu.memref_slice %arg3[%dma_wait3A_677, %dma_wait3A_688] : memref<2500x128xi32, #tpu.memory_space<hbm>> -> memref<1x64xi32, #tpu.memory_space<hbm>>
        %dma_wait3A_690 = tpu.memref_squeeze %dma_wait3A_689 : memref<1x64xi32, #tpu.memory_space<hbm>> -> memref<64xi32, #tpu.memory_space<hbm>>
        tpu.wait_dma2 semaphore(%arg25 : memref<!tpu.dma_semaphore, #tpu.memory_space<semaphore_mem>>) src(%dma_wait3A_690 : memref<64xi32, #tpu.memory_space<hbm>>) dst(%dma_wait3A_687 : memref<64xi32, #tpu.memory_space<vmem>>)
        %dma_wait3A_691 = arith.constant 0 : i32
        %dma_wait3A_692 = arith.constant 3 : i32
        %dma_wait3A_693 = arith.constant 0 : i32
        %dma_wait3A_694 = tpu.memref_slice %arg12[%dma_wait3A_692, %dma_wait3A_693] : memref<10x64xi32, #tpu.memory_space<vmem>> -> memref<1x64xi32, #tpu.memory_space<vmem>>
        %dma_wait3A_695 = tpu.memref_squeeze %dma_wait3A_694 : memref<1x64xi32, #tpu.memory_space<vmem>> -> memref<64xi32, #tpu.memory_space<vmem>>
        %dma_wait3A_696 = arith.constant 0 : i32
        %dma_wait3A_697 = tpu.memref_slice %arg3[%dma_wait3A_691, %dma_wait3A_696] : memref<2500x128xi32, #tpu.memory_space<hbm>> -> memref<1x64xi32, #tpu.memory_space<hbm>>
        %dma_wait3A_698 = tpu.memref_squeeze %dma_wait3A_697 : memref<1x64xi32, #tpu.memory_space<hbm>> -> memref<64xi32, #tpu.memory_space<hbm>>
        %dma_wait3A_699 = arith.constant 0 : i32
        %dma_wait3A_700 = tpu.memref_slice %arg12[%dma_wait3A_692, %dma_wait3A_699] : memref<10x64xi32, #tpu.memory_space<vmem>> -> memref<1x64xi32, #tpu.memory_space<vmem>>
        %dma_wait3A_701 = tpu.memref_squeeze %dma_wait3A_700 : memref<1x64xi32, #tpu.memory_space<vmem>> -> memref<64xi32, #tpu.memory_space<vmem>>
        %dma_wait3A_702 = arith.constant 0 : i32
        %dma_wait3A_703 = tpu.memref_slice %arg3[%dma_wait3A_691, %dma_wait3A_702] : memref<2500x128xi32, #tpu.memory_space<hbm>> -> memref<1x64xi32, #tpu.memory_space<hbm>>
        %dma_wait3A_704 = tpu.memref_squeeze %dma_wait3A_703 : memref<1x64xi32, #tpu.memory_space<hbm>> -> memref<64xi32, #tpu.memory_space<hbm>>
        tpu.wait_dma2 semaphore(%arg25 : memref<!tpu.dma_semaphore, #tpu.memory_space<semaphore_mem>>) src(%dma_wait3A_704 : memref<64xi32, #tpu.memory_space<hbm>>) dst(%dma_wait3A_701 : memref<64xi32, #tpu.memory_space<vmem>>)
        %dma_start3A_705 = arith.constant 3 : i32
        %dma_start3A_706 = arith.constant 0 : i32
        %dma_start3A_707 = tpu.memref_slice %arg12[%dma_start3A_705, %dma_start3A_706] : memref<10x64xi32, #tpu.memory_space<vmem>> -> memref<1x64xi32, #tpu.memory_space<vmem>>
        %dma_start3A_708 = tpu.memref_squeeze %dma_start3A_707 : memref<1x64xi32, #tpu.memory_space<vmem>> -> memref<64xi32, #tpu.memory_space<vmem>>
        %dma_start3A_709 = arith.constant 0 : i32
        %dma_start3A_710 = arith.constant 0 : i32
        %dma_start3A_711 = tpu.memref_slice %arg2[%dma_start3A_709, %dma_start3A_710] : memref<10240x128xf32, #tpu.memory_space<hbm>> -> memref<10240x128xf32, #tpu.memory_space<hbm>>
        tpu.enqueue_indirect_dma source(%dma_start3A_711 : memref<10240x128xf32, #tpu.memory_space<hbm>>) target(%arg17 : memref<64x128xf32, #tpu.memory_space<vmem>>) offsets(%dma_start3A_708 : memref<64xi32, #tpu.memory_space<vmem>>) semaphore(%arg35 : memref<!tpu.dma_semaphore, #tpu.memory_space<semaphore_mem>>)
      } else {
      }
      %mul3A_259 = arith.constant 10 : i32
      %mul3A_260 = arith.muli %mul3A_259, %add3A_217 : i32
      %add3A_261 = arith.constant 1 : i32
      %add3A_262 = arith.addi %mul3A_260, %add3A_261 : i32
      %dma_wait3A_263 = arith.constant 0 : i32
      %dma_wait3A_264 = arith.constant 0 : i32
      %dma_wait3A_265 = tpu.memref_slice %arg2[%dma_wait3A_263, %dma_wait3A_264] : memref<10240x128xf32, #tpu.memory_space<hbm>> -> memref<64x128xf32, #tpu.memory_space<hbm>>
      %dma_wait3A_266 = arith.constant 0 : i32
      %dma_wait3A_267 = arith.constant 0 : i32
      %dma_wait3A_268 = tpu.memref_slice %arg2[%dma_wait3A_266, %dma_wait3A_267] : memref<10240x128xf32, #tpu.memory_space<hbm>> -> memref<64x128xf32, #tpu.memory_space<hbm>>
      tpu.wait_dma2 semaphore(%arg33 : memref<!tpu.dma_semaphore, #tpu.memory_space<semaphore_mem>>) src(%dma_wait3A_268 : memref<64x128xf32, #tpu.memory_space<hbm>>) dst(%arg15 : memref<64x128xf32, #tpu.memory_space<vmem>>)
      %dma_start3A_269 = arith.constant 1 : i32
      %dma_start3A_270 = arith.constant 0 : i32
      %dma_start3A_271 = tpu.memref_slice %arg13[%dma_start3A_269, %dma_start3A_270] : memref<10x64xi32, #tpu.memory_space<vmem>> -> memref<1x64xi32, #tpu.memory_space<vmem>>
      %dma_start3A_272 = tpu.memref_squeeze %dma_start3A_271 : memref<1x64xi32, #tpu.memory_space<vmem>> -> memref<64xi32, #tpu.memory_space<vmem>>
      %dma_start3A_273 = arith.constant 0 : i32
      %dma_start3A_274 = arith.constant 0 : i32
      %dma_start3A_275 = tpu.memref_slice %arg20[%dma_start3A_273, %dma_start3A_274] : memref<10240x128xf32, #tpu.memory_space<vmem_shared>> -> memref<10240x128xf32, #tpu.memory_space<vmem_shared>>
      tpu.enqueue_indirect_dma source(%arg15 : memref<64x128xf32, #tpu.memory_space<vmem>>) target(%dma_start3A_275 : memref<10240x128xf32, #tpu.memory_space<vmem_shared>>) offsets(%dma_start3A_272 : memref<64xi32, #tpu.memory_space<vmem>>) semaphore(%arg38 : memref<!tpu.dma_semaphore, #tpu.memory_space<semaphore_mem>>) {add = true}
      %dma_start3A_276 = arith.constant 1 : i32
      %dma_start3A_277 = arith.constant 0 : i32
      %dma_start3A_278 = tpu.memref_slice %arg13[%dma_start3A_276, %dma_start3A_277] : memref<10x64xi32, #tpu.memory_space<vmem>> -> memref<1x64xi32, #tpu.memory_space<vmem>>
      %dma_start3A_279 = tpu.memref_squeeze %dma_start3A_278 : memref<1x64xi32, #tpu.memory_space<vmem>> -> memref<64xi32, #tpu.memory_space<vmem>>
      %dma_start3A_280 = arith.constant 0 : i32
      %dma_start3A_281 = tpu.memref_slice %arg21[%dma_start3A_280] : memref<10240xf32, #tpu.memory_space<vmem_shared>> -> memref<10240xf32, #tpu.memory_space<vmem_shared>>
      tpu.enqueue_indirect_dma source(%arg19 : memref<64xf32, #tpu.memory_space<vmem>>) target(%dma_start3A_281 : memref<10240xf32, #tpu.memory_space<vmem_shared>>) offsets(%dma_start3A_279 : memref<64xi32, #tpu.memory_space<vmem>>) semaphore(%arg38 : memref<!tpu.dma_semaphore, #tpu.memory_space<semaphore_mem>>) {add = true}
      %gt3A_282 = arith.constant 0 : i32
      %gt3A_283 = arith.cmpi sgt, %add3A_217, %gt3A_282 : i32
      %convert_element_type3A_284 = arith.extui %gt3A_283 : i1 to i32
      %cond3A_285 = arith.constant 0 : i32
      %cond3A_286 = arith.cmpi ne, %convert_element_type3A_284, %cond3A_285 : i32
      scf.if %cond3A_286 {
        %dma_wait3A_677 = arith.constant 0 : i32
        %dma_wait3A_678 = arith.constant 0 : i32
        %dma_wait3A_679 = tpu.memref_slice %arg20[%dma_wait3A_677, %dma_wait3A_678] : memref<10240x128xf32, #tpu.memory_space<vmem_shared>> -> memref<64x128xf32, #tpu.memory_space<vmem_shared>>
        %dma_wait3A_680 = arith.constant 0 : i32
        %dma_wait3A_681 = arith.constant 0 : i32
        %dma_wait3A_682 = tpu.memref_slice %arg20[%dma_wait3A_680, %dma_wait3A_681] : memref<10240x128xf32, #tpu.memory_space<vmem_shared>> -> memref<64x128xf32, #tpu.memory_space<vmem_shared>>
        tpu.wait_dma2 semaphore(%arg41 : memref<!tpu.dma_semaphore, #tpu.memory_space<semaphore_mem>>) src(%arg18 : memref<64x128xf32, #tpu.memory_space<vmem>>) dst(%dma_wait3A_682 : memref<64x128xf32, #tpu.memory_space<vmem_shared>>)
        %dma_wait3A_683 = arith.constant 0 : i32
        %dma_wait3A_684 = tpu.memref_slice %arg21[%dma_wait3A_683] : memref<10240xf32, #tpu.memory_space<vmem_shared>> -> memref<64xf32, #tpu.memory_space<vmem_shared>>
        %dma_wait3A_685 = arith.constant 0 : i32
        %dma_wait3A_686 = tpu.memref_slice %arg21[%dma_wait3A_685] : memref<10240xf32, #tpu.memory_space<vmem_shared>> -> memref<64xf32, #tpu.memory_space<vmem_shared>>
        tpu.wait_dma2 semaphore(%arg41 : memref<!tpu.dma_semaphore, #tpu.memory_space<semaphore_mem>>) src(%arg19 : memref<64xf32, #tpu.memory_space<vmem>>) dst(%dma_wait3A_686 : memref<64xf32, #tpu.memory_space<vmem_shared>>)
      } else {
      }
      %add3A_287 = arith.constant 5 : i32
      %add3A_288 = arith.addi %add3A_262, %add3A_287 : i32
      %lt3A_289 = arith.constant 160 : i32
      %lt3A_290 = arith.cmpi slt, %add3A_288, %lt3A_289 : i32
      %convert_element_type3A_291 = arith.extui %lt3A_290 : i1 to i32
      %cond3A_292 = arith.constant 0 : i32
      %cond3A_293 = arith.cmpi ne, %convert_element_type3A_291, %cond3A_292 : i32
      scf.if %cond3A_293 {
        %add3A_677 = arith.constant 5 : i32
        %add3A_678 = arith.addi %add3A_262, %add3A_677 : i32
        %jit3A = arith.constant 2 : i32
        %div3A = arith.divsi %add3A_678, %jit3A : i32
        %sign3A = arith.constant 0 : i32
        %sign3A_679 = arith.cmpi sgt, %add3A_678, %sign3A : i32
        %sign3A_680 = arith.extui %sign3A_679 : i1 to i32
        %sign3A_681 = arith.constant 0 : i32
        %sign3A_682 = arith.cmpi slt, %add3A_678, %sign3A_681 : i32
        %sign3A_683 = arith.extui %sign3A_682 : i1 to i32
        %sign3A_684 = arith.subi %sign3A_680, %sign3A_683 : i32
        %sign3A_685 = arith.constant 0 : i32
        %sign3A_686 = arith.cmpi sgt, %jit3A, %sign3A_685 : i32
        %sign3A_687 = arith.extui %sign3A_686 : i1 to i32
        %sign3A_688 = arith.constant 0 : i32
        %sign3A_689 = arith.cmpi slt, %jit3A, %sign3A_688 : i32
        %sign3A_690 = arith.extui %sign3A_689 : i1 to i32
        %sign3A_691 = arith.subi %sign3A_687, %sign3A_690 : i32
        %ne3A = arith.cmpi ne, %sign3A_684, %sign3A_691 : i32
        %rem3A = arith.remsi %add3A_678, %jit3A : i32
        %ne3A_692 = arith.constant 0 : i32
        %ne3A_693 = arith.cmpi ne, %rem3A, %ne3A_692 : i32
        %and3A = arith.andi %ne3A, %ne3A_693 : i1
        %sub3A = arith.constant 1 : i32
        %sub3A_694 = arith.subi %div3A, %sub3A : i32
        %select_n3A = arith.select %and3A, %sub3A_694, %div3A : i32
        %add3A_695 = arith.addi %mul3A_2, %select_n3A : i32
        %jit3A_696 = arith.constant 2 : i32
        %eq3A = arith.constant 0 : i32
        %eq3A_697 = arith.cmpi eq, %jit3A_696, %eq3A : i32
        %jit3A_698 = arith.constant 1 : i32
        %select_n3A_699 = arith.select %eq3A_697, %jit3A_698, %jit3A_696 : i32
        %rem3A_700 = arith.remsi %add3A_678, %select_n3A_699 : i32
        %ne3A_701 = arith.constant 0 : i32
        %ne3A_702 = arith.cmpi ne, %rem3A_700, %ne3A_701 : i32
        %lt3A_703 = arith.constant 0 : i32
        %lt3A_704 = arith.cmpi slt, %rem3A_700, %lt3A_703 : i32
        %lt3A_705 = arith.constant 0 : i32
        %lt3A_706 = arith.cmpi slt, %select_n3A_699, %lt3A_705 : i32
        %ne3A_707 = arith.xori %lt3A_704, %lt3A_706 : i1
        %and3A_708 = arith.andi %ne3A_707, %ne3A_702 : i1
        %add3A_709 = arith.addi %rem3A_700, %select_n3A_699 : i32
        %select_n3A_710 = arith.select %and3A_708, %add3A_709, %rem3A_700 : i32
        %mul3A_711 = arith.constant 64 : i32
        %mul3A_712 = arith.muli %select_n3A_710, %mul3A_711 : i32
        %lt3A_713 = arith.constant 2500 : i32
        %lt3A_714 = arith.cmpi slt, %add3A_695, %lt3A_713 : i32
        %convert_element_type3A_715 = arith.extui %lt3A_714 : i1 to i32
        %cond3A_716 = arith.constant 0 : i32
        %cond3A_717 = arith.cmpi ne, %convert_element_type3A_715, %cond3A_716 : i32
        scf.if %cond3A_717 {
          %dma_start3A_723 = arith.constant 6 : i32
          %dma_start3A_724 = arith.constant 0 : i32
          %dma_start3A_725 = tpu.memref_slice %arg12[%dma_start3A_723, %dma_start3A_724] : memref<10x64xi32, #tpu.memory_space<vmem>> -> memref<1x64xi32, #tpu.memory_space<vmem>>
          %dma_start3A_726 = tpu.memref_squeeze %dma_start3A_725 : memref<1x64xi32, #tpu.memory_space<vmem>> -> memref<64xi32, #tpu.memory_space<vmem>>
          %dma_start3A_727 = tpu.memref_slice %arg3[%add3A_695, %mul3A_712] : memref<2500x128xi32, #tpu.memory_space<hbm>> -> memref<1x64xi32, #tpu.memory_space<hbm>>
          %dma_start3A_728 = tpu.memref_squeeze %dma_start3A_727 : memref<1x64xi32, #tpu.memory_space<hbm>> -> memref<64xi32, #tpu.memory_space<hbm>>
          %dma_start3A_729 = arith.constant 0 : i32
          %dma_start3A_730 = tpu.memref_slice %arg12[%dma_start3A_723, %dma_start3A_729] : memref<10x64xi32, #tpu.memory_space<vmem>> -> memref<1x64xi32, #tpu.memory_space<vmem>>
          %dma_start3A_731 = tpu.memref_squeeze %dma_start3A_730 : memref<1x64xi32, #tpu.memory_space<vmem>> -> memref<64xi32, #tpu.memory_space<vmem>>
          %dma_start3A_732 = tpu.memref_slice %arg3[%add3A_695, %mul3A_712] : memref<2500x128xi32, #tpu.memory_space<hbm>> -> memref<1x64xi32, #tpu.memory_space<hbm>>
          %dma_start3A_733 = tpu.memref_squeeze %dma_start3A_732 : memref<1x64xi32, #tpu.memory_space<hbm>> -> memref<64xi32, #tpu.memory_space<hbm>>
          tpu.enqueue_dma source(%dma_start3A_733 : memref<64xi32, #tpu.memory_space<hbm>>) target(%dma_start3A_731 : memref<64xi32, #tpu.memory_space<vmem>>) target_semaphore(%arg28 : memref<!tpu.dma_semaphore, #tpu.memory_space<semaphore_mem>>)
          %dma_start3A_734 = arith.constant 6 : i32
          %dma_start3A_735 = arith.constant 0 : i32
          %dma_start3A_736 = tpu.memref_slice %arg13[%dma_start3A_734, %dma_start3A_735] : memref<10x64xi32, #tpu.memory_space<vmem>> -> memref<1x64xi32, #tpu.memory_space<vmem>>
          %dma_start3A_737 = tpu.memref_squeeze %dma_start3A_736 : memref<1x64xi32, #tpu.memory_space<vmem>> -> memref<64xi32, #tpu.memory_space<vmem>>
          %dma_start3A_738 = tpu.memref_slice %arg4[%add3A_695, %mul3A_712] : memref<2500x128xi32, #tpu.memory_space<hbm>> -> memref<1x64xi32, #tpu.memory_space<hbm>>
          %dma_start3A_739 = tpu.memref_squeeze %dma_start3A_738 : memref<1x64xi32, #tpu.memory_space<hbm>> -> memref<64xi32, #tpu.memory_space<hbm>>
          %dma_start3A_740 = arith.constant 0 : i32
          %dma_start3A_741 = tpu.memref_slice %arg13[%dma_start3A_734, %dma_start3A_740] : memref<10x64xi32, #tpu.memory_space<vmem>> -> memref<1x64xi32, #tpu.memory_space<vmem>>
          %dma_start3A_742 = tpu.memref_squeeze %dma_start3A_741 : memref<1x64xi32, #tpu.memory_space<vmem>> -> memref<64xi32, #tpu.memory_space<vmem>>
          %dma_start3A_743 = tpu.memref_slice %arg4[%add3A_695, %mul3A_712] : memref<2500x128xi32, #tpu.memory_space<hbm>> -> memref<1x64xi32, #tpu.memory_space<hbm>>
          %dma_start3A_744 = tpu.memref_squeeze %dma_start3A_743 : memref<1x64xi32, #tpu.memory_space<hbm>> -> memref<64xi32, #tpu.memory_space<hbm>>
          tpu.enqueue_dma source(%dma_start3A_744 : memref<64xi32, #tpu.memory_space<hbm>>) target(%dma_start3A_742 : memref<64xi32, #tpu.memory_space<vmem>>) target_semaphore(%arg28 : memref<!tpu.dma_semaphore, #tpu.memory_space<semaphore_mem>>)
        } else {
        }
        %ge3A_718 = arith.constant 2500 : i32
        %ge3A_719 = arith.cmpi sge, %add3A_695, %ge3A_718 : i32
        %convert_element_type3A_720 = arith.extui %ge3A_719 : i1 to i32
        %cond3A_721 = arith.constant 0 : i32
        %cond3A_722 = arith.cmpi ne, %convert_element_type3A_720, %cond3A_721 : i32
        scf.if %cond3A_722 {
          %sub3A_723 = arith.constant 2500 : i32
          %sub3A_724 = arith.subi %add3A_695, %sub3A_723 : i32
          %dma_start3A_725 = arith.constant 6 : i32
          %dma_start3A_726 = arith.constant 0 : i32
          %dma_start3A_727 = tpu.memref_slice %arg12[%dma_start3A_725, %dma_start3A_726] : memref<10x64xi32, #tpu.memory_space<vmem>> -> memref<1x64xi32, #tpu.memory_space<vmem>>
          %dma_start3A_728 = tpu.memref_squeeze %dma_start3A_727 : memref<1x64xi32, #tpu.memory_space<vmem>> -> memref<64xi32, #tpu.memory_space<vmem>>
          %dma_start3A_729 = tpu.memref_slice %arg5[%sub3A_724, %mul3A_712] : memref<60x128xi32, #tpu.memory_space<hbm>> -> memref<1x64xi32, #tpu.memory_space<hbm>>
          %dma_start3A_730 = tpu.memref_squeeze %dma_start3A_729 : memref<1x64xi32, #tpu.memory_space<hbm>> -> memref<64xi32, #tpu.memory_space<hbm>>
          %dma_start3A_731 = arith.constant 0 : i32
          %dma_start3A_732 = tpu.memref_slice %arg12[%dma_start3A_725, %dma_start3A_731] : memref<10x64xi32, #tpu.memory_space<vmem>> -> memref<1x64xi32, #tpu.memory_space<vmem>>
          %dma_start3A_733 = tpu.memref_squeeze %dma_start3A_732 : memref<1x64xi32, #tpu.memory_space<vmem>> -> memref<64xi32, #tpu.memory_space<vmem>>
          %dma_start3A_734 = tpu.memref_slice %arg5[%sub3A_724, %mul3A_712] : memref<60x128xi32, #tpu.memory_space<hbm>> -> memref<1x64xi32, #tpu.memory_space<hbm>>
          %dma_start3A_735 = tpu.memref_squeeze %dma_start3A_734 : memref<1x64xi32, #tpu.memory_space<hbm>> -> memref<64xi32, #tpu.memory_space<hbm>>
          tpu.enqueue_dma source(%dma_start3A_735 : memref<64xi32, #tpu.memory_space<hbm>>) target(%dma_start3A_733 : memref<64xi32, #tpu.memory_space<vmem>>) target_semaphore(%arg28 : memref<!tpu.dma_semaphore, #tpu.memory_space<semaphore_mem>>)
          %sub3A_736 = arith.constant 2500 : i32
          %sub3A_737 = arith.subi %add3A_695, %sub3A_736 : i32
          %dma_start3A_738 = arith.constant 6 : i32
          %dma_start3A_739 = arith.constant 0 : i32
          %dma_start3A_740 = tpu.memref_slice %arg13[%dma_start3A_738, %dma_start3A_739] : memref<10x64xi32, #tpu.memory_space<vmem>> -> memref<1x64xi32, #tpu.memory_space<vmem>>
          %dma_start3A_741 = tpu.memref_squeeze %dma_start3A_740 : memref<1x64xi32, #tpu.memory_space<vmem>> -> memref<64xi32, #tpu.memory_space<vmem>>
          %dma_start3A_742 = tpu.memref_slice %arg6[%sub3A_737, %mul3A_712] : memref<60x128xi32, #tpu.memory_space<hbm>> -> memref<1x64xi32, #tpu.memory_space<hbm>>
          %dma_start3A_743 = tpu.memref_squeeze %dma_start3A_742 : memref<1x64xi32, #tpu.memory_space<hbm>> -> memref<64xi32, #tpu.memory_space<hbm>>
          %dma_start3A_744 = arith.constant 0 : i32
          %dma_start3A_745 = tpu.memref_slice %arg13[%dma_start3A_738, %dma_start3A_744] : memref<10x64xi32, #tpu.memory_space<vmem>> -> memref<1x64xi32, #tpu.memory_space<vmem>>
          %dma_start3A_746 = tpu.memref_squeeze %dma_start3A_745 : memref<1x64xi32, #tpu.memory_space<vmem>> -> memref<64xi32, #tpu.memory_space<vmem>>
          %dma_start3A_747 = tpu.memref_slice %arg6[%sub3A_737, %mul3A_712] : memref<60x128xi32, #tpu.memory_space<hbm>> -> memref<1x64xi32, #tpu.memory_space<hbm>>
          %dma_start3A_748 = tpu.memref_squeeze %dma_start3A_747 : memref<1x64xi32, #tpu.memory_space<hbm>> -> memref<64xi32, #tpu.memory_space<hbm>>
          tpu.enqueue_dma source(%dma_start3A_748 : memref<64xi32, #tpu.memory_space<hbm>>) target(%dma_start3A_746 : memref<64xi32, #tpu.memory_space<vmem>>) target_semaphore(%arg28 : memref<!tpu.dma_semaphore, #tpu.memory_space<semaphore_mem>>)
        } else {
        }
      } else {
      }
      %add3A_294 = arith.constant 3 : i32
      %add3A_295 = arith.addi %add3A_262, %add3A_294 : i32
      %lt3A_296 = arith.constant 160 : i32
      %lt3A_297 = arith.cmpi slt, %add3A_295, %lt3A_296 : i32
      %convert_element_type3A_298 = arith.extui %lt3A_297 : i1 to i32
      %cond3A_299 = arith.constant 0 : i32
      %cond3A_300 = arith.cmpi ne, %convert_element_type3A_298, %cond3A_299 : i32
      scf.if %cond3A_300 {
        %dma_wait3A_677 = arith.constant 0 : i32
        %dma_wait3A_678 = arith.constant 4 : i32
        %dma_wait3A_679 = arith.constant 0 : i32
        %dma_wait3A_680 = tpu.memref_slice %arg12[%dma_wait3A_678, %dma_wait3A_679] : memref<10x64xi32, #tpu.memory_space<vmem>> -> memref<1x64xi32, #tpu.memory_space<vmem>>
        %dma_wait3A_681 = tpu.memref_squeeze %dma_wait3A_680 : memref<1x64xi32, #tpu.memory_space<vmem>> -> memref<64xi32, #tpu.memory_space<vmem>>
        %dma_wait3A_682 = arith.constant 0 : i32
        %dma_wait3A_683 = tpu.memref_slice %arg3[%dma_wait3A_677, %dma_wait3A_682] : memref<2500x128xi32, #tpu.memory_space<hbm>> -> memref<1x64xi32, #tpu.memory_space<hbm>>
        %dma_wait3A_684 = tpu.memref_squeeze %dma_wait3A_683 : memref<1x64xi32, #tpu.memory_space<hbm>> -> memref<64xi32, #tpu.memory_space<hbm>>
        %dma_wait3A_685 = arith.constant 0 : i32
        %dma_wait3A_686 = tpu.memref_slice %arg12[%dma_wait3A_678, %dma_wait3A_685] : memref<10x64xi32, #tpu.memory_space<vmem>> -> memref<1x64xi32, #tpu.memory_space<vmem>>
        %dma_wait3A_687 = tpu.memref_squeeze %dma_wait3A_686 : memref<1x64xi32, #tpu.memory_space<vmem>> -> memref<64xi32, #tpu.memory_space<vmem>>
        %dma_wait3A_688 = arith.constant 0 : i32
        %dma_wait3A_689 = tpu.memref_slice %arg3[%dma_wait3A_677, %dma_wait3A_688] : memref<2500x128xi32, #tpu.memory_space<hbm>> -> memref<1x64xi32, #tpu.memory_space<hbm>>
        %dma_wait3A_690 = tpu.memref_squeeze %dma_wait3A_689 : memref<1x64xi32, #tpu.memory_space<hbm>> -> memref<64xi32, #tpu.memory_space<hbm>>
        tpu.wait_dma2 semaphore(%arg26 : memref<!tpu.dma_semaphore, #tpu.memory_space<semaphore_mem>>) src(%dma_wait3A_690 : memref<64xi32, #tpu.memory_space<hbm>>) dst(%dma_wait3A_687 : memref<64xi32, #tpu.memory_space<vmem>>)
        %dma_wait3A_691 = arith.constant 0 : i32
        %dma_wait3A_692 = arith.constant 4 : i32
        %dma_wait3A_693 = arith.constant 0 : i32
        %dma_wait3A_694 = tpu.memref_slice %arg12[%dma_wait3A_692, %dma_wait3A_693] : memref<10x64xi32, #tpu.memory_space<vmem>> -> memref<1x64xi32, #tpu.memory_space<vmem>>
        %dma_wait3A_695 = tpu.memref_squeeze %dma_wait3A_694 : memref<1x64xi32, #tpu.memory_space<vmem>> -> memref<64xi32, #tpu.memory_space<vmem>>
        %dma_wait3A_696 = arith.constant 0 : i32
        %dma_wait3A_697 = tpu.memref_slice %arg3[%dma_wait3A_691, %dma_wait3A_696] : memref<2500x128xi32, #tpu.memory_space<hbm>> -> memref<1x64xi32, #tpu.memory_space<hbm>>
        %dma_wait3A_698 = tpu.memref_squeeze %dma_wait3A_697 : memref<1x64xi32, #tpu.memory_space<hbm>> -> memref<64xi32, #tpu.memory_space<hbm>>
        %dma_wait3A_699 = arith.constant 0 : i32
        %dma_wait3A_700 = tpu.memref_slice %arg12[%dma_wait3A_692, %dma_wait3A_699] : memref<10x64xi32, #tpu.memory_space<vmem>> -> memref<1x64xi32, #tpu.memory_space<vmem>>
        %dma_wait3A_701 = tpu.memref_squeeze %dma_wait3A_700 : memref<1x64xi32, #tpu.memory_space<vmem>> -> memref<64xi32, #tpu.memory_space<vmem>>
        %dma_wait3A_702 = arith.constant 0 : i32
        %dma_wait3A_703 = tpu.memref_slice %arg3[%dma_wait3A_691, %dma_wait3A_702] : memref<2500x128xi32, #tpu.memory_space<hbm>> -> memref<1x64xi32, #tpu.memory_space<hbm>>
        %dma_wait3A_704 = tpu.memref_squeeze %dma_wait3A_703 : memref<1x64xi32, #tpu.memory_space<hbm>> -> memref<64xi32, #tpu.memory_space<hbm>>
        tpu.wait_dma2 semaphore(%arg26 : memref<!tpu.dma_semaphore, #tpu.memory_space<semaphore_mem>>) src(%dma_wait3A_704 : memref<64xi32, #tpu.memory_space<hbm>>) dst(%dma_wait3A_701 : memref<64xi32, #tpu.memory_space<vmem>>)
        %dma_start3A_705 = arith.constant 4 : i32
        %dma_start3A_706 = arith.constant 0 : i32
        %dma_start3A_707 = tpu.memref_slice %arg12[%dma_start3A_705, %dma_start3A_706] : memref<10x64xi32, #tpu.memory_space<vmem>> -> memref<1x64xi32, #tpu.memory_space<vmem>>
        %dma_start3A_708 = tpu.memref_squeeze %dma_start3A_707 : memref<1x64xi32, #tpu.memory_space<vmem>> -> memref<64xi32, #tpu.memory_space<vmem>>
        %dma_start3A_709 = arith.constant 0 : i32
        %dma_start3A_710 = arith.constant 0 : i32
        %dma_start3A_711 = tpu.memref_slice %arg2[%dma_start3A_709, %dma_start3A_710] : memref<10240x128xf32, #tpu.memory_space<hbm>> -> memref<10240x128xf32, #tpu.memory_space<hbm>>
        tpu.enqueue_indirect_dma source(%dma_start3A_711 : memref<10240x128xf32, #tpu.memory_space<hbm>>) target(%arg18 : memref<64x128xf32, #tpu.memory_space<vmem>>) offsets(%dma_start3A_708 : memref<64xi32, #tpu.memory_space<vmem>>) semaphore(%arg36 : memref<!tpu.dma_semaphore, #tpu.memory_space<semaphore_mem>>)
      } else {
      }
      %mul3A_301 = arith.constant 10 : i32
      %mul3A_302 = arith.muli %mul3A_301, %add3A_217 : i32
      %add3A_303 = arith.constant 2 : i32
      %add3A_304 = arith.addi %mul3A_302, %add3A_303 : i32
      %dma_wait3A_305 = arith.constant 0 : i32
      %dma_wait3A_306 = arith.constant 0 : i32
      %dma_wait3A_307 = tpu.memref_slice %arg2[%dma_wait3A_305, %dma_wait3A_306] : memref<10240x128xf32, #tpu.memory_space<hbm>> -> memref<64x128xf32, #tpu.memory_space<hbm>>
      %dma_wait3A_308 = arith.constant 0 : i32
      %dma_wait3A_309 = arith.constant 0 : i32
      %dma_wait3A_310 = tpu.memref_slice %arg2[%dma_wait3A_308, %dma_wait3A_309] : memref<10240x128xf32, #tpu.memory_space<hbm>> -> memref<64x128xf32, #tpu.memory_space<hbm>>
      tpu.wait_dma2 semaphore(%arg34 : memref<!tpu.dma_semaphore, #tpu.memory_space<semaphore_mem>>) src(%dma_wait3A_310 : memref<64x128xf32, #tpu.memory_space<hbm>>) dst(%arg16 : memref<64x128xf32, #tpu.memory_space<vmem>>)
      %dma_start3A_311 = arith.constant 2 : i32
      %dma_start3A_312 = arith.constant 0 : i32
      %dma_start3A_313 = tpu.memref_slice %arg13[%dma_start3A_311, %dma_start3A_312] : memref<10x64xi32, #tpu.memory_space<vmem>> -> memref<1x64xi32, #tpu.memory_space<vmem>>
      %dma_start3A_314 = tpu.memref_squeeze %dma_start3A_313 : memref<1x64xi32, #tpu.memory_space<vmem>> -> memref<64xi32, #tpu.memory_space<vmem>>
      %dma_start3A_315 = arith.constant 0 : i32
      %dma_start3A_316 = arith.constant 0 : i32
      %dma_start3A_317 = tpu.memref_slice %arg20[%dma_start3A_315, %dma_start3A_316] : memref<10240x128xf32, #tpu.memory_space<vmem_shared>> -> memref<10240x128xf32, #tpu.memory_space<vmem_shared>>
      tpu.enqueue_indirect_dma source(%arg16 : memref<64x128xf32, #tpu.memory_space<vmem>>) target(%dma_start3A_317 : memref<10240x128xf32, #tpu.memory_space<vmem_shared>>) offsets(%dma_start3A_314 : memref<64xi32, #tpu.memory_space<vmem>>) semaphore(%arg39 : memref<!tpu.dma_semaphore, #tpu.memory_space<semaphore_mem>>) {add = true}
      %dma_start3A_318 = arith.constant 2 : i32
      %dma_start3A_319 = arith.constant 0 : i32
      %dma_start3A_320 = tpu.memref_slice %arg13[%dma_start3A_318, %dma_start3A_319] : memref<10x64xi32, #tpu.memory_space<vmem>> -> memref<1x64xi32, #tpu.memory_space<vmem>>
      %dma_start3A_321 = tpu.memref_squeeze %dma_start3A_320 : memref<1x64xi32, #tpu.memory_space<vmem>> -> memref<64xi32, #tpu.memory_space<vmem>>
      %dma_start3A_322 = arith.constant 0 : i32
      %dma_start3A_323 = tpu.memref_slice %arg21[%dma_start3A_322] : memref<10240xf32, #tpu.memory_space<vmem_shared>> -> memref<10240xf32, #tpu.memory_space<vmem_shared>>
      tpu.enqueue_indirect_dma source(%arg19 : memref<64xf32, #tpu.memory_space<vmem>>) target(%dma_start3A_323 : memref<10240xf32, #tpu.memory_space<vmem_shared>>) offsets(%dma_start3A_321 : memref<64xi32, #tpu.memory_space<vmem>>) semaphore(%arg39 : memref<!tpu.dma_semaphore, #tpu.memory_space<semaphore_mem>>) {add = true}
      %dma_wait3A_324 = arith.constant 0 : i32
      %dma_wait3A_325 = arith.constant 0 : i32
      %dma_wait3A_326 = tpu.memref_slice %arg20[%dma_wait3A_324, %dma_wait3A_325] : memref<10240x128xf32, #tpu.memory_space<vmem_shared>> -> memref<64x128xf32, #tpu.memory_space<vmem_shared>>
      %dma_wait3A_327 = arith.constant 0 : i32
      %dma_wait3A_328 = arith.constant 0 : i32
      %dma_wait3A_329 = tpu.memref_slice %arg20[%dma_wait3A_327, %dma_wait3A_328] : memref<10240x128xf32, #tpu.memory_space<vmem_shared>> -> memref<64x128xf32, #tpu.memory_space<vmem_shared>>
      tpu.wait_dma2 semaphore(%arg37 : memref<!tpu.dma_semaphore, #tpu.memory_space<semaphore_mem>>) src(%arg14 : memref<64x128xf32, #tpu.memory_space<vmem>>) dst(%dma_wait3A_329 : memref<64x128xf32, #tpu.memory_space<vmem_shared>>)
      %dma_wait3A_330 = arith.constant 0 : i32
      %dma_wait3A_331 = tpu.memref_slice %arg21[%dma_wait3A_330] : memref<10240xf32, #tpu.memory_space<vmem_shared>> -> memref<64xf32, #tpu.memory_space<vmem_shared>>
      %dma_wait3A_332 = arith.constant 0 : i32
      %dma_wait3A_333 = tpu.memref_slice %arg21[%dma_wait3A_332] : memref<10240xf32, #tpu.memory_space<vmem_shared>> -> memref<64xf32, #tpu.memory_space<vmem_shared>>
      tpu.wait_dma2 semaphore(%arg37 : memref<!tpu.dma_semaphore, #tpu.memory_space<semaphore_mem>>) src(%arg19 : memref<64xf32, #tpu.memory_space<vmem>>) dst(%dma_wait3A_333 : memref<64xf32, #tpu.memory_space<vmem_shared>>)
      %add3A_334 = arith.constant 5 : i32
      %add3A_335 = arith.addi %add3A_304, %add3A_334 : i32
      %lt3A_336 = arith.constant 160 : i32
      %lt3A_337 = arith.cmpi slt, %add3A_335, %lt3A_336 : i32
      %convert_element_type3A_338 = arith.extui %lt3A_337 : i1 to i32
      %cond3A_339 = arith.constant 0 : i32
      %cond3A_340 = arith.cmpi ne, %convert_element_type3A_338, %cond3A_339 : i32
      scf.if %cond3A_340 {
        %add3A_677 = arith.constant 5 : i32
        %add3A_678 = arith.addi %add3A_304, %add3A_677 : i32
        %jit3A = arith.constant 2 : i32
        %div3A = arith.divsi %add3A_678, %jit3A : i32
        %sign3A = arith.constant 0 : i32
        %sign3A_679 = arith.cmpi sgt, %add3A_678, %sign3A : i32
        %sign3A_680 = arith.extui %sign3A_679 : i1 to i32
        %sign3A_681 = arith.constant 0 : i32
        %sign3A_682 = arith.cmpi slt, %add3A_678, %sign3A_681 : i32
        %sign3A_683 = arith.extui %sign3A_682 : i1 to i32
        %sign3A_684 = arith.subi %sign3A_680, %sign3A_683 : i32
        %sign3A_685 = arith.constant 0 : i32
        %sign3A_686 = arith.cmpi sgt, %jit3A, %sign3A_685 : i32
        %sign3A_687 = arith.extui %sign3A_686 : i1 to i32
        %sign3A_688 = arith.constant 0 : i32
        %sign3A_689 = arith.cmpi slt, %jit3A, %sign3A_688 : i32
        %sign3A_690 = arith.extui %sign3A_689 : i1 to i32
        %sign3A_691 = arith.subi %sign3A_687, %sign3A_690 : i32
        %ne3A = arith.cmpi ne, %sign3A_684, %sign3A_691 : i32
        %rem3A = arith.remsi %add3A_678, %jit3A : i32
        %ne3A_692 = arith.constant 0 : i32
        %ne3A_693 = arith.cmpi ne, %rem3A, %ne3A_692 : i32
        %and3A = arith.andi %ne3A, %ne3A_693 : i1
        %sub3A = arith.constant 1 : i32
        %sub3A_694 = arith.subi %div3A, %sub3A : i32
        %select_n3A = arith.select %and3A, %sub3A_694, %div3A : i32
        %add3A_695 = arith.addi %mul3A_2, %select_n3A : i32
        %jit3A_696 = arith.constant 2 : i32
        %eq3A = arith.constant 0 : i32
        %eq3A_697 = arith.cmpi eq, %jit3A_696, %eq3A : i32
        %jit3A_698 = arith.constant 1 : i32
        %select_n3A_699 = arith.select %eq3A_697, %jit3A_698, %jit3A_696 : i32
        %rem3A_700 = arith.remsi %add3A_678, %select_n3A_699 : i32
        %ne3A_701 = arith.constant 0 : i32
        %ne3A_702 = arith.cmpi ne, %rem3A_700, %ne3A_701 : i32
        %lt3A_703 = arith.constant 0 : i32
        %lt3A_704 = arith.cmpi slt, %rem3A_700, %lt3A_703 : i32
        %lt3A_705 = arith.constant 0 : i32
        %lt3A_706 = arith.cmpi slt, %select_n3A_699, %lt3A_705 : i32
        %ne3A_707 = arith.xori %lt3A_704, %lt3A_706 : i1
        %and3A_708 = arith.andi %ne3A_707, %ne3A_702 : i1
        %add3A_709 = arith.addi %rem3A_700, %select_n3A_699 : i32
        %select_n3A_710 = arith.select %and3A_708, %add3A_709, %rem3A_700 : i32
        %mul3A_711 = arith.constant 64 : i32
        %mul3A_712 = arith.muli %select_n3A_710, %mul3A_711 : i32
        %lt3A_713 = arith.constant 2500 : i32
        %lt3A_714 = arith.cmpi slt, %add3A_695, %lt3A_713 : i32
        %convert_element_type3A_715 = arith.extui %lt3A_714 : i1 to i32
        %cond3A_716 = arith.constant 0 : i32
        %cond3A_717 = arith.cmpi ne, %convert_element_type3A_715, %cond3A_716 : i32
        scf.if %cond3A_717 {
          %dma_start3A_723 = arith.constant 7 : i32
          %dma_start3A_724 = arith.constant 0 : i32
          %dma_start3A_725 = tpu.memref_slice %arg12[%dma_start3A_723, %dma_start3A_724] : memref<10x64xi32, #tpu.memory_space<vmem>> -> memref<1x64xi32, #tpu.memory_space<vmem>>
          %dma_start3A_726 = tpu.memref_squeeze %dma_start3A_725 : memref<1x64xi32, #tpu.memory_space<vmem>> -> memref<64xi32, #tpu.memory_space<vmem>>
          %dma_start3A_727 = tpu.memref_slice %arg3[%add3A_695, %mul3A_712] : memref<2500x128xi32, #tpu.memory_space<hbm>> -> memref<1x64xi32, #tpu.memory_space<hbm>>
          %dma_start3A_728 = tpu.memref_squeeze %dma_start3A_727 : memref<1x64xi32, #tpu.memory_space<hbm>> -> memref<64xi32, #tpu.memory_space<hbm>>
          %dma_start3A_729 = arith.constant 0 : i32
          %dma_start3A_730 = tpu.memref_slice %arg12[%dma_start3A_723, %dma_start3A_729] : memref<10x64xi32, #tpu.memory_space<vmem>> -> memref<1x64xi32, #tpu.memory_space<vmem>>
          %dma_start3A_731 = tpu.memref_squeeze %dma_start3A_730 : memref<1x64xi32, #tpu.memory_space<vmem>> -> memref<64xi32, #tpu.memory_space<vmem>>
          %dma_start3A_732 = tpu.memref_slice %arg3[%add3A_695, %mul3A_712] : memref<2500x128xi32, #tpu.memory_space<hbm>> -> memref<1x64xi32, #tpu.memory_space<hbm>>
          %dma_start3A_733 = tpu.memref_squeeze %dma_start3A_732 : memref<1x64xi32, #tpu.memory_space<hbm>> -> memref<64xi32, #tpu.memory_space<hbm>>
          tpu.enqueue_dma source(%dma_start3A_733 : memref<64xi32, #tpu.memory_space<hbm>>) target(%dma_start3A_731 : memref<64xi32, #tpu.memory_space<vmem>>) target_semaphore(%arg29 : memref<!tpu.dma_semaphore, #tpu.memory_space<semaphore_mem>>)
          %dma_start3A_734 = arith.constant 7 : i32
          %dma_start3A_735 = arith.constant 0 : i32
          %dma_start3A_736 = tpu.memref_slice %arg13[%dma_start3A_734, %dma_start3A_735] : memref<10x64xi32, #tpu.memory_space<vmem>> -> memref<1x64xi32, #tpu.memory_space<vmem>>
          %dma_start3A_737 = tpu.memref_squeeze %dma_start3A_736 : memref<1x64xi32, #tpu.memory_space<vmem>> -> memref<64xi32, #tpu.memory_space<vmem>>
          %dma_start3A_738 = tpu.memref_slice %arg4[%add3A_695, %mul3A_712] : memref<2500x128xi32, #tpu.memory_space<hbm>> -> memref<1x64xi32, #tpu.memory_space<hbm>>
          %dma_start3A_739 = tpu.memref_squeeze %dma_start3A_738 : memref<1x64xi32, #tpu.memory_space<hbm>> -> memref<64xi32, #tpu.memory_space<hbm>>
          %dma_start3A_740 = arith.constant 0 : i32
          %dma_start3A_741 = tpu.memref_slice %arg13[%dma_start3A_734, %dma_start3A_740] : memref<10x64xi32, #tpu.memory_space<vmem>> -> memref<1x64xi32, #tpu.memory_space<vmem>>
          %dma_start3A_742 = tpu.memref_squeeze %dma_start3A_741 : memref<1x64xi32, #tpu.memory_space<vmem>> -> memref<64xi32, #tpu.memory_space<vmem>>
          %dma_start3A_743 = tpu.memref_slice %arg4[%add3A_695, %mul3A_712] : memref<2500x128xi32, #tpu.memory_space<hbm>> -> memref<1x64xi32, #tpu.memory_space<hbm>>
          %dma_start3A_744 = tpu.memref_squeeze %dma_start3A_743 : memref<1x64xi32, #tpu.memory_space<hbm>> -> memref<64xi32, #tpu.memory_space<hbm>>
          tpu.enqueue_dma source(%dma_start3A_744 : memref<64xi32, #tpu.memory_space<hbm>>) target(%dma_start3A_742 : memref<64xi32, #tpu.memory_space<vmem>>) target_semaphore(%arg29 : memref<!tpu.dma_semaphore, #tpu.memory_space<semaphore_mem>>)
        } else {
        }
        %ge3A_718 = arith.constant 2500 : i32
        %ge3A_719 = arith.cmpi sge, %add3A_695, %ge3A_718 : i32
        %convert_element_type3A_720 = arith.extui %ge3A_719 : i1 to i32
        %cond3A_721 = arith.constant 0 : i32
        %cond3A_722 = arith.cmpi ne, %convert_element_type3A_720, %cond3A_721 : i32
        scf.if %cond3A_722 {
          %sub3A_723 = arith.constant 2500 : i32
          %sub3A_724 = arith.subi %add3A_695, %sub3A_723 : i32
          %dma_start3A_725 = arith.constant 7 : i32
          %dma_start3A_726 = arith.constant 0 : i32
          %dma_start3A_727 = tpu.memref_slice %arg12[%dma_start3A_725, %dma_start3A_726] : memref<10x64xi32, #tpu.memory_space<vmem>> -> memref<1x64xi32, #tpu.memory_space<vmem>>
          %dma_start3A_728 = tpu.memref_squeeze %dma_start3A_727 : memref<1x64xi32, #tpu.memory_space<vmem>> -> memref<64xi32, #tpu.memory_space<vmem>>
          %dma_start3A_729 = tpu.memref_slice %arg5[%sub3A_724, %mul3A_712] : memref<60x128xi32, #tpu.memory_space<hbm>> -> memref<1x64xi32, #tpu.memory_space<hbm>>
          %dma_start3A_730 = tpu.memref_squeeze %dma_start3A_729 : memref<1x64xi32, #tpu.memory_space<hbm>> -> memref<64xi32, #tpu.memory_space<hbm>>
          %dma_start3A_731 = arith.constant 0 : i32
          %dma_start3A_732 = tpu.memref_slice %arg12[%dma_start3A_725, %dma_start3A_731] : memref<10x64xi32, #tpu.memory_space<vmem>> -> memref<1x64xi32, #tpu.memory_space<vmem>>
          %dma_start3A_733 = tpu.memref_squeeze %dma_start3A_732 : memref<1x64xi32, #tpu.memory_space<vmem>> -> memref<64xi32, #tpu.memory_space<vmem>>
          %dma_start3A_734 = tpu.memref_slice %arg5[%sub3A_724, %mul3A_712] : memref<60x128xi32, #tpu.memory_space<hbm>> -> memref<1x64xi32, #tpu.memory_space<hbm>>
          %dma_start3A_735 = tpu.memref_squeeze %dma_start3A_734 : memref<1x64xi32, #tpu.memory_space<hbm>> -> memref<64xi32, #tpu.memory_space<hbm>>
          tpu.enqueue_dma source(%dma_start3A_735 : memref<64xi32, #tpu.memory_space<hbm>>) target(%dma_start3A_733 : memref<64xi32, #tpu.memory_space<vmem>>) target_semaphore(%arg29 : memref<!tpu.dma_semaphore, #tpu.memory_space<semaphore_mem>>)
          %sub3A_736 = arith.constant 2500 : i32
          %sub3A_737 = arith.subi %add3A_695, %sub3A_736 : i32
          %dma_start3A_738 = arith.constant 7 : i32
          %dma_start3A_739 = arith.constant 0 : i32
          %dma_start3A_740 = tpu.memref_slice %arg13[%dma_start3A_738, %dma_start3A_739] : memref<10x64xi32, #tpu.memory_space<vmem>> -> memref<1x64xi32, #tpu.memory_space<vmem>>
          %dma_start3A_741 = tpu.memref_squeeze %dma_start3A_740 : memref<1x64xi32, #tpu.memory_space<vmem>> -> memref<64xi32, #tpu.memory_space<vmem>>
          %dma_start3A_742 = tpu.memref_slice %arg6[%sub3A_737, %mul3A_712] : memref<60x128xi32, #tpu.memory_space<hbm>> -> memref<1x64xi32, #tpu.memory_space<hbm>>
          %dma_start3A_743 = tpu.memref_squeeze %dma_start3A_742 : memref<1x64xi32, #tpu.memory_space<hbm>> -> memref<64xi32, #tpu.memory_space<hbm>>
          %dma_start3A_744 = arith.constant 0 : i32
          %dma_start3A_745 = tpu.memref_slice %arg13[%dma_start3A_738, %dma_start3A_744] : memref<10x64xi32, #tpu.memory_space<vmem>> -> memref<1x64xi32, #tpu.memory_space<vmem>>
          %dma_start3A_746 = tpu.memref_squeeze %dma_start3A_745 : memref<1x64xi32, #tpu.memory_space<vmem>> -> memref<64xi32, #tpu.memory_space<vmem>>
          %dma_start3A_747 = tpu.memref_slice %arg6[%sub3A_737, %mul3A_712] : memref<60x128xi32, #tpu.memory_space<hbm>> -> memref<1x64xi32, #tpu.memory_space<hbm>>
          %dma_start3A_748 = tpu.memref_squeeze %dma_start3A_747 : memref<1x64xi32, #tpu.memory_space<hbm>> -> memref<64xi32, #tpu.memory_space<hbm>>
          tpu.enqueue_dma source(%dma_start3A_748 : memref<64xi32, #tpu.memory_space<hbm>>) target(%dma_start3A_746 : memref<64xi32, #tpu.memory_space<vmem>>) target_semaphore(%arg29 : memref<!tpu.dma_semaphore, #tpu.memory_space<semaphore_mem>>)
        } else {
        }
      } else {
      }
      %add3A_341 = arith.constant 3 : i32
      %add3A_342 = arith.addi %add3A_304, %add3A_341 : i32
      %lt3A_343 = arith.constant 160 : i32
      %lt3A_344 = arith.cmpi slt, %add3A_342, %lt3A_343 : i32
      %convert_element_type3A_345 = arith.extui %lt3A_344 : i1 to i32
      %cond3A_346 = arith.constant 0 : i32
      %cond3A_347 = arith.cmpi ne, %convert_element_type3A_345, %cond3A_346 : i32
      scf.if %cond3A_347 {
        %dma_wait3A_677 = arith.constant 0 : i32
        %dma_wait3A_678 = arith.constant 5 : i32
        %dma_wait3A_679 = arith.constant 0 : i32
        %dma_wait3A_680 = tpu.memref_slice %arg12[%dma_wait3A_678, %dma_wait3A_679] : memref<10x64xi32, #tpu.memory_space<vmem>> -> memref<1x64xi32, #tpu.memory_space<vmem>>
        %dma_wait3A_681 = tpu.memref_squeeze %dma_wait3A_680 : memref<1x64xi32, #tpu.memory_space<vmem>> -> memref<64xi32, #tpu.memory_space<vmem>>
        %dma_wait3A_682 = arith.constant 0 : i32
        %dma_wait3A_683 = tpu.memref_slice %arg3[%dma_wait3A_677, %dma_wait3A_682] : memref<2500x128xi32, #tpu.memory_space<hbm>> -> memref<1x64xi32, #tpu.memory_space<hbm>>
        %dma_wait3A_684 = tpu.memref_squeeze %dma_wait3A_683 : memref<1x64xi32, #tpu.memory_space<hbm>> -> memref<64xi32, #tpu.memory_space<hbm>>
        %dma_wait3A_685 = arith.constant 0 : i32
        %dma_wait3A_686 = tpu.memref_slice %arg12[%dma_wait3A_678, %dma_wait3A_685] : memref<10x64xi32, #tpu.memory_space<vmem>> -> memref<1x64xi32, #tpu.memory_space<vmem>>
        %dma_wait3A_687 = tpu.memref_squeeze %dma_wait3A_686 : memref<1x64xi32, #tpu.memory_space<vmem>> -> memref<64xi32, #tpu.memory_space<vmem>>
        %dma_wait3A_688 = arith.constant 0 : i32
        %dma_wait3A_689 = tpu.memref_slice %arg3[%dma_wait3A_677, %dma_wait3A_688] : memref<2500x128xi32, #tpu.memory_space<hbm>> -> memref<1x64xi32, #tpu.memory_space<hbm>>
        %dma_wait3A_690 = tpu.memref_squeeze %dma_wait3A_689 : memref<1x64xi32, #tpu.memory_space<hbm>> -> memref<64xi32, #tpu.memory_space<hbm>>
        tpu.wait_dma2 semaphore(%arg27 : memref<!tpu.dma_semaphore, #tpu.memory_space<semaphore_mem>>) src(%dma_wait3A_690 : memref<64xi32, #tpu.memory_space<hbm>>) dst(%dma_wait3A_687 : memref<64xi32, #tpu.memory_space<vmem>>)
        %dma_wait3A_691 = arith.constant 0 : i32
        %dma_wait3A_692 = arith.constant 5 : i32
        %dma_wait3A_693 = arith.constant 0 : i32
        %dma_wait3A_694 = tpu.memref_slice %arg12[%dma_wait3A_692, %dma_wait3A_693] : memref<10x64xi32, #tpu.memory_space<vmem>> -> memref<1x64xi32, #tpu.memory_space<vmem>>
        %dma_wait3A_695 = tpu.memref_squeeze %dma_wait3A_694 : memref<1x64xi32, #tpu.memory_space<vmem>> -> memref<64xi32, #tpu.memory_space<vmem>>
        %dma_wait3A_696 = arith.constant 0 : i32
        %dma_wait3A_697 = tpu.memref_slice %arg3[%dma_wait3A_691, %dma_wait3A_696] : memref<2500x128xi32, #tpu.memory_space<hbm>> -> memref<1x64xi32, #tpu.memory_space<hbm>>
        %dma_wait3A_698 = tpu.memref_squeeze %dma_wait3A_697 : memref<1x64xi32, #tpu.memory_space<hbm>> -> memref<64xi32, #tpu.memory_space<hbm>>
        %dma_wait3A_699 = arith.constant 0 : i32
        %dma_wait3A_700 = tpu.memref_slice %arg12[%dma_wait3A_692, %dma_wait3A_699] : memref<10x64xi32, #tpu.memory_space<vmem>> -> memref<1x64xi32, #tpu.memory_space<vmem>>
        %dma_wait3A_701 = tpu.memref_squeeze %dma_wait3A_700 : memref<1x64xi32, #tpu.memory_space<vmem>> -> memref<64xi32, #tpu.memory_space<vmem>>
        %dma_wait3A_702 = arith.constant 0 : i32
        %dma_wait3A_703 = tpu.memref_slice %arg3[%dma_wait3A_691, %dma_wait3A_702] : memref<2500x128xi32, #tpu.memory_space<hbm>> -> memref<1x64xi32, #tpu.memory_space<hbm>>
        %dma_wait3A_704 = tpu.memref_squeeze %dma_wait3A_703 : memref<1x64xi32, #tpu.memory_space<hbm>> -> memref<64xi32, #tpu.memory_space<hbm>>
        tpu.wait_dma2 semaphore(%arg27 : memref<!tpu.dma_semaphore, #tpu.memory_space<semaphore_mem>>) src(%dma_wait3A_704 : memref<64xi32, #tpu.memory_space<hbm>>) dst(%dma_wait3A_701 : memref<64xi32, #tpu.memory_space<vmem>>)
        %dma_start3A_705 = arith.constant 5 : i32
        %dma_start3A_706 = arith.constant 0 : i32
        %dma_start3A_707 = tpu.memref_slice %arg12[%dma_start3A_705, %dma_start3A_706] : memref<10x64xi32, #tpu.memory_space<vmem>> -> memref<1x64xi32, #tpu.memory_space<vmem>>
        %dma_start3A_708 = tpu.memref_squeeze %dma_start3A_707 : memref<1x64xi32, #tpu.memory_space<vmem>> -> memref<64xi32, #tpu.memory_space<vmem>>
        %dma_start3A_709 = arith.constant 0 : i32
        %dma_start3A_710 = arith.constant 0 : i32
        %dma_start3A_711 = tpu.memref_slice %arg2[%dma_start3A_709, %dma_start3A_710] : memref<10240x128xf32, #tpu.memory_space<hbm>> -> memref<10240x128xf32, #tpu.memory_space<hbm>>
        tpu.enqueue_indirect_dma source(%dma_start3A_711 : memref<10240x128xf32, #tpu.memory_space<hbm>>) target(%arg14 : memref<64x128xf32, #tpu.memory_space<vmem>>) offsets(%dma_start3A_708 : memref<64xi32, #tpu.memory_space<vmem>>) semaphore(%arg32 : memref<!tpu.dma_semaphore, #tpu.memory_space<semaphore_mem>>)
      } else {
      }
      %mul3A_348 = arith.constant 10 : i32
      %mul3A_349 = arith.muli %mul3A_348, %add3A_217 : i32
      %add3A_350 = arith.constant 3 : i32
      %add3A_351 = arith.addi %mul3A_349, %add3A_350 : i32
      %dma_wait3A_352 = arith.constant 0 : i32
      %dma_wait3A_353 = arith.constant 0 : i32
      %dma_wait3A_354 = tpu.memref_slice %arg2[%dma_wait3A_352, %dma_wait3A_353] : memref<10240x128xf32, #tpu.memory_space<hbm>> -> memref<64x128xf32, #tpu.memory_space<hbm>>
      %dma_wait3A_355 = arith.constant 0 : i32
      %dma_wait3A_356 = arith.constant 0 : i32
      %dma_wait3A_357 = tpu.memref_slice %arg2[%dma_wait3A_355, %dma_wait3A_356] : memref<10240x128xf32, #tpu.memory_space<hbm>> -> memref<64x128xf32, #tpu.memory_space<hbm>>
      tpu.wait_dma2 semaphore(%arg35 : memref<!tpu.dma_semaphore, #tpu.memory_space<semaphore_mem>>) src(%dma_wait3A_357 : memref<64x128xf32, #tpu.memory_space<hbm>>) dst(%arg17 : memref<64x128xf32, #tpu.memory_space<vmem>>)
      %dma_start3A_358 = arith.constant 3 : i32
      %dma_start3A_359 = arith.constant 0 : i32
      %dma_start3A_360 = tpu.memref_slice %arg13[%dma_start3A_358, %dma_start3A_359] : memref<10x64xi32, #tpu.memory_space<vmem>> -> memref<1x64xi32, #tpu.memory_space<vmem>>
      %dma_start3A_361 = tpu.memref_squeeze %dma_start3A_360 : memref<1x64xi32, #tpu.memory_space<vmem>> -> memref<64xi32, #tpu.memory_space<vmem>>
      %dma_start3A_362 = arith.constant 0 : i32
      %dma_start3A_363 = arith.constant 0 : i32
      %dma_start3A_364 = tpu.memref_slice %arg20[%dma_start3A_362, %dma_start3A_363] : memref<10240x128xf32, #tpu.memory_space<vmem_shared>> -> memref<10240x128xf32, #tpu.memory_space<vmem_shared>>
      tpu.enqueue_indirect_dma source(%arg17 : memref<64x128xf32, #tpu.memory_space<vmem>>) target(%dma_start3A_364 : memref<10240x128xf32, #tpu.memory_space<vmem_shared>>) offsets(%dma_start3A_361 : memref<64xi32, #tpu.memory_space<vmem>>) semaphore(%arg40 : memref<!tpu.dma_semaphore, #tpu.memory_space<semaphore_mem>>) {add = true}
      %dma_start3A_365 = arith.constant 3 : i32
      %dma_start3A_366 = arith.constant 0 : i32
      %dma_start3A_367 = tpu.memref_slice %arg13[%dma_start3A_365, %dma_start3A_366] : memref<10x64xi32, #tpu.memory_space<vmem>> -> memref<1x64xi32, #tpu.memory_space<vmem>>
      %dma_start3A_368 = tpu.memref_squeeze %dma_start3A_367 : memref<1x64xi32, #tpu.memory_space<vmem>> -> memref<64xi32, #tpu.memory_space<vmem>>
      %dma_start3A_369 = arith.constant 0 : i32
      %dma_start3A_370 = tpu.memref_slice %arg21[%dma_start3A_369] : memref<10240xf32, #tpu.memory_space<vmem_shared>> -> memref<10240xf32, #tpu.memory_space<vmem_shared>>
      tpu.enqueue_indirect_dma source(%arg19 : memref<64xf32, #tpu.memory_space<vmem>>) target(%dma_start3A_370 : memref<10240xf32, #tpu.memory_space<vmem_shared>>) offsets(%dma_start3A_368 : memref<64xi32, #tpu.memory_space<vmem>>) semaphore(%arg40 : memref<!tpu.dma_semaphore, #tpu.memory_space<semaphore_mem>>) {add = true}
      %dma_wait3A_371 = arith.constant 0 : i32
      %dma_wait3A_372 = arith.constant 0 : i32
      %dma_wait3A_373 = tpu.memref_slice %arg20[%dma_wait3A_371, %dma_wait3A_372] : memref<10240x128xf32, #tpu.memory_space<vmem_shared>> -> memref<64x128xf32, #tpu.memory_space<vmem_shared>>
      %dma_wait3A_374 = arith.constant 0 : i32
      %dma_wait3A_375 = arith.constant 0 : i32
      %dma_wait3A_376 = tpu.memref_slice %arg20[%dma_wait3A_374, %dma_wait3A_375] : memref<10240x128xf32, #tpu.memory_space<vmem_shared>> -> memref<64x128xf32, #tpu.memory_space<vmem_shared>>
      tpu.wait_dma2 semaphore(%arg38 : memref<!tpu.dma_semaphore, #tpu.memory_space<semaphore_mem>>) src(%arg15 : memref<64x128xf32, #tpu.memory_space<vmem>>) dst(%dma_wait3A_376 : memref<64x128xf32, #tpu.memory_space<vmem_shared>>)
      %dma_wait3A_377 = arith.constant 0 : i32
      %dma_wait3A_378 = tpu.memref_slice %arg21[%dma_wait3A_377] : memref<10240xf32, #tpu.memory_space<vmem_shared>> -> memref<64xf32, #tpu.memory_space<vmem_shared>>
      %dma_wait3A_379 = arith.constant 0 : i32
      %dma_wait3A_380 = tpu.memref_slice %arg21[%dma_wait3A_379] : memref<10240xf32, #tpu.memory_space<vmem_shared>> -> memref<64xf32, #tpu.memory_space<vmem_shared>>
      tpu.wait_dma2 semaphore(%arg38 : memref<!tpu.dma_semaphore, #tpu.memory_space<semaphore_mem>>) src(%arg19 : memref<64xf32, #tpu.memory_space<vmem>>) dst(%dma_wait3A_380 : memref<64xf32, #tpu.memory_space<vmem_shared>>)
      %add3A_381 = arith.constant 5 : i32
      %add3A_382 = arith.addi %add3A_351, %add3A_381 : i32
      %lt3A_383 = arith.constant 160 : i32
      %lt3A_384 = arith.cmpi slt, %add3A_382, %lt3A_383 : i32
      %convert_element_type3A_385 = arith.extui %lt3A_384 : i1 to i32
      %cond3A_386 = arith.constant 0 : i32
      %cond3A_387 = arith.cmpi ne, %convert_element_type3A_385, %cond3A_386 : i32
      scf.if %cond3A_387 {
        %add3A_677 = arith.constant 5 : i32
        %add3A_678 = arith.addi %add3A_351, %add3A_677 : i32
        %jit3A = arith.constant 2 : i32
        %div3A = arith.divsi %add3A_678, %jit3A : i32
        %sign3A = arith.constant 0 : i32
        %sign3A_679 = arith.cmpi sgt, %add3A_678, %sign3A : i32
        %sign3A_680 = arith.extui %sign3A_679 : i1 to i32
        %sign3A_681 = arith.constant 0 : i32
        %sign3A_682 = arith.cmpi slt, %add3A_678, %sign3A_681 : i32
        %sign3A_683 = arith.extui %sign3A_682 : i1 to i32
        %sign3A_684 = arith.subi %sign3A_680, %sign3A_683 : i32
        %sign3A_685 = arith.constant 0 : i32
        %sign3A_686 = arith.cmpi sgt, %jit3A, %sign3A_685 : i32
        %sign3A_687 = arith.extui %sign3A_686 : i1 to i32
        %sign3A_688 = arith.constant 0 : i32
        %sign3A_689 = arith.cmpi slt, %jit3A, %sign3A_688 : i32
        %sign3A_690 = arith.extui %sign3A_689 : i1 to i32
        %sign3A_691 = arith.subi %sign3A_687, %sign3A_690 : i32
        %ne3A = arith.cmpi ne, %sign3A_684, %sign3A_691 : i32
        %rem3A = arith.remsi %add3A_678, %jit3A : i32
        %ne3A_692 = arith.constant 0 : i32
        %ne3A_693 = arith.cmpi ne, %rem3A, %ne3A_692 : i32
        %and3A = arith.andi %ne3A, %ne3A_693 : i1
        %sub3A = arith.constant 1 : i32
        %sub3A_694 = arith.subi %div3A, %sub3A : i32
        %select_n3A = arith.select %and3A, %sub3A_694, %div3A : i32
        %add3A_695 = arith.addi %mul3A_2, %select_n3A : i32
        %jit3A_696 = arith.constant 2 : i32
        %eq3A = arith.constant 0 : i32
        %eq3A_697 = arith.cmpi eq, %jit3A_696, %eq3A : i32
        %jit3A_698 = arith.constant 1 : i32
        %select_n3A_699 = arith.select %eq3A_697, %jit3A_698, %jit3A_696 : i32
        %rem3A_700 = arith.remsi %add3A_678, %select_n3A_699 : i32
        %ne3A_701 = arith.constant 0 : i32
        %ne3A_702 = arith.cmpi ne, %rem3A_700, %ne3A_701 : i32
        %lt3A_703 = arith.constant 0 : i32
        %lt3A_704 = arith.cmpi slt, %rem3A_700, %lt3A_703 : i32
        %lt3A_705 = arith.constant 0 : i32
        %lt3A_706 = arith.cmpi slt, %select_n3A_699, %lt3A_705 : i32
        %ne3A_707 = arith.xori %lt3A_704, %lt3A_706 : i1
        %and3A_708 = arith.andi %ne3A_707, %ne3A_702 : i1
        %add3A_709 = arith.addi %rem3A_700, %select_n3A_699 : i32
        %select_n3A_710 = arith.select %and3A_708, %add3A_709, %rem3A_700 : i32
        %mul3A_711 = arith.constant 64 : i32
        %mul3A_712 = arith.muli %select_n3A_710, %mul3A_711 : i32
        %lt3A_713 = arith.constant 2500 : i32
        %lt3A_714 = arith.cmpi slt, %add3A_695, %lt3A_713 : i32
        %convert_element_type3A_715 = arith.extui %lt3A_714 : i1 to i32
        %cond3A_716 = arith.constant 0 : i32
        %cond3A_717 = arith.cmpi ne, %convert_element_type3A_715, %cond3A_716 : i32
        scf.if %cond3A_717 {
          %dma_start3A_723 = arith.constant 8 : i32
          %dma_start3A_724 = arith.constant 0 : i32
          %dma_start3A_725 = tpu.memref_slice %arg12[%dma_start3A_723, %dma_start3A_724] : memref<10x64xi32, #tpu.memory_space<vmem>> -> memref<1x64xi32, #tpu.memory_space<vmem>>
          %dma_start3A_726 = tpu.memref_squeeze %dma_start3A_725 : memref<1x64xi32, #tpu.memory_space<vmem>> -> memref<64xi32, #tpu.memory_space<vmem>>
          %dma_start3A_727 = tpu.memref_slice %arg3[%add3A_695, %mul3A_712] : memref<2500x128xi32, #tpu.memory_space<hbm>> -> memref<1x64xi32, #tpu.memory_space<hbm>>
          %dma_start3A_728 = tpu.memref_squeeze %dma_start3A_727 : memref<1x64xi32, #tpu.memory_space<hbm>> -> memref<64xi32, #tpu.memory_space<hbm>>
          %dma_start3A_729 = arith.constant 0 : i32
          %dma_start3A_730 = tpu.memref_slice %arg12[%dma_start3A_723, %dma_start3A_729] : memref<10x64xi32, #tpu.memory_space<vmem>> -> memref<1x64xi32, #tpu.memory_space<vmem>>
          %dma_start3A_731 = tpu.memref_squeeze %dma_start3A_730 : memref<1x64xi32, #tpu.memory_space<vmem>> -> memref<64xi32, #tpu.memory_space<vmem>>
          %dma_start3A_732 = tpu.memref_slice %arg3[%add3A_695, %mul3A_712] : memref<2500x128xi32, #tpu.memory_space<hbm>> -> memref<1x64xi32, #tpu.memory_space<hbm>>
          %dma_start3A_733 = tpu.memref_squeeze %dma_start3A_732 : memref<1x64xi32, #tpu.memory_space<hbm>> -> memref<64xi32, #tpu.memory_space<hbm>>
          tpu.enqueue_dma source(%dma_start3A_733 : memref<64xi32, #tpu.memory_space<hbm>>) target(%dma_start3A_731 : memref<64xi32, #tpu.memory_space<vmem>>) target_semaphore(%arg30 : memref<!tpu.dma_semaphore, #tpu.memory_space<semaphore_mem>>)
          %dma_start3A_734 = arith.constant 8 : i32
          %dma_start3A_735 = arith.constant 0 : i32
          %dma_start3A_736 = tpu.memref_slice %arg13[%dma_start3A_734, %dma_start3A_735] : memref<10x64xi32, #tpu.memory_space<vmem>> -> memref<1x64xi32, #tpu.memory_space<vmem>>
          %dma_start3A_737 = tpu.memref_squeeze %dma_start3A_736 : memref<1x64xi32, #tpu.memory_space<vmem>> -> memref<64xi32, #tpu.memory_space<vmem>>
          %dma_start3A_738 = tpu.memref_slice %arg4[%add3A_695, %mul3A_712] : memref<2500x128xi32, #tpu.memory_space<hbm>> -> memref<1x64xi32, #tpu.memory_space<hbm>>
          %dma_start3A_739 = tpu.memref_squeeze %dma_start3A_738 : memref<1x64xi32, #tpu.memory_space<hbm>> -> memref<64xi32, #tpu.memory_space<hbm>>
          %dma_start3A_740 = arith.constant 0 : i32
          %dma_start3A_741 = tpu.memref_slice %arg13[%dma_start3A_734, %dma_start3A_740] : memref<10x64xi32, #tpu.memory_space<vmem>> -> memref<1x64xi32, #tpu.memory_space<vmem>>
          %dma_start3A_742 = tpu.memref_squeeze %dma_start3A_741 : memref<1x64xi32, #tpu.memory_space<vmem>> -> memref<64xi32, #tpu.memory_space<vmem>>
          %dma_start3A_743 = tpu.memref_slice %arg4[%add3A_695, %mul3A_712] : memref<2500x128xi32, #tpu.memory_space<hbm>> -> memref<1x64xi32, #tpu.memory_space<hbm>>
          %dma_start3A_744 = tpu.memref_squeeze %dma_start3A_743 : memref<1x64xi32, #tpu.memory_space<hbm>> -> memref<64xi32, #tpu.memory_space<hbm>>
          tpu.enqueue_dma source(%dma_start3A_744 : memref<64xi32, #tpu.memory_space<hbm>>) target(%dma_start3A_742 : memref<64xi32, #tpu.memory_space<vmem>>) target_semaphore(%arg30 : memref<!tpu.dma_semaphore, #tpu.memory_space<semaphore_mem>>)
        } else {
        }
        %ge3A_718 = arith.constant 2500 : i32
        %ge3A_719 = arith.cmpi sge, %add3A_695, %ge3A_718 : i32
        %convert_element_type3A_720 = arith.extui %ge3A_719 : i1 to i32
        %cond3A_721 = arith.constant 0 : i32
        %cond3A_722 = arith.cmpi ne, %convert_element_type3A_720, %cond3A_721 : i32
        scf.if %cond3A_722 {
          %sub3A_723 = arith.constant 2500 : i32
          %sub3A_724 = arith.subi %add3A_695, %sub3A_723 : i32
          %dma_start3A_725 = arith.constant 8 : i32
          %dma_start3A_726 = arith.constant 0 : i32
          %dma_start3A_727 = tpu.memref_slice %arg12[%dma_start3A_725, %dma_start3A_726] : memref<10x64xi32, #tpu.memory_space<vmem>> -> memref<1x64xi32, #tpu.memory_space<vmem>>
          %dma_start3A_728 = tpu.memref_squeeze %dma_start3A_727 : memref<1x64xi32, #tpu.memory_space<vmem>> -> memref<64xi32, #tpu.memory_space<vmem>>
          %dma_start3A_729 = tpu.memref_slice %arg5[%sub3A_724, %mul3A_712] : memref<60x128xi32, #tpu.memory_space<hbm>> -> memref<1x64xi32, #tpu.memory_space<hbm>>
          %dma_start3A_730 = tpu.memref_squeeze %dma_start3A_729 : memref<1x64xi32, #tpu.memory_space<hbm>> -> memref<64xi32, #tpu.memory_space<hbm>>
          %dma_start3A_731 = arith.constant 0 : i32
          %dma_start3A_732 = tpu.memref_slice %arg12[%dma_start3A_725, %dma_start3A_731] : memref<10x64xi32, #tpu.memory_space<vmem>> -> memref<1x64xi32, #tpu.memory_space<vmem>>
          %dma_start3A_733 = tpu.memref_squeeze %dma_start3A_732 : memref<1x64xi32, #tpu.memory_space<vmem>> -> memref<64xi32, #tpu.memory_space<vmem>>
          %dma_start3A_734 = tpu.memref_slice %arg5[%sub3A_724, %mul3A_712] : memref<60x128xi32, #tpu.memory_space<hbm>> -> memref<1x64xi32, #tpu.memory_space<hbm>>
          %dma_start3A_735 = tpu.memref_squeeze %dma_start3A_734 : memref<1x64xi32, #tpu.memory_space<hbm>> -> memref<64xi32, #tpu.memory_space<hbm>>
          tpu.enqueue_dma source(%dma_start3A_735 : memref<64xi32, #tpu.memory_space<hbm>>) target(%dma_start3A_733 : memref<64xi32, #tpu.memory_space<vmem>>) target_semaphore(%arg30 : memref<!tpu.dma_semaphore, #tpu.memory_space<semaphore_mem>>)
          %sub3A_736 = arith.constant 2500 : i32
          %sub3A_737 = arith.subi %add3A_695, %sub3A_736 : i32
          %dma_start3A_738 = arith.constant 8 : i32
          %dma_start3A_739 = arith.constant 0 : i32
          %dma_start3A_740 = tpu.memref_slice %arg13[%dma_start3A_738, %dma_start3A_739] : memref<10x64xi32, #tpu.memory_space<vmem>> -> memref<1x64xi32, #tpu.memory_space<vmem>>
          %dma_start3A_741 = tpu.memref_squeeze %dma_start3A_740 : memref<1x64xi32, #tpu.memory_space<vmem>> -> memref<64xi32, #tpu.memory_space<vmem>>
          %dma_start3A_742 = tpu.memref_slice %arg6[%sub3A_737, %mul3A_712] : memref<60x128xi32, #tpu.memory_space<hbm>> -> memref<1x64xi32, #tpu.memory_space<hbm>>
          %dma_start3A_743 = tpu.memref_squeeze %dma_start3A_742 : memref<1x64xi32, #tpu.memory_space<hbm>> -> memref<64xi32, #tpu.memory_space<hbm>>
          %dma_start3A_744 = arith.constant 0 : i32
          %dma_start3A_745 = tpu.memref_slice %arg13[%dma_start3A_738, %dma_start3A_744] : memref<10x64xi32, #tpu.memory_space<vmem>> -> memref<1x64xi32, #tpu.memory_space<vmem>>
          %dma_start3A_746 = tpu.memref_squeeze %dma_start3A_745 : memref<1x64xi32, #tpu.memory_space<vmem>> -> memref<64xi32, #tpu.memory_space<vmem>>
          %dma_start3A_747 = tpu.memref_slice %arg6[%sub3A_737, %mul3A_712] : memref<60x128xi32, #tpu.memory_space<hbm>> -> memref<1x64xi32, #tpu.memory_space<hbm>>
          %dma_start3A_748 = tpu.memref_squeeze %dma_start3A_747 : memref<1x64xi32, #tpu.memory_space<hbm>> -> memref<64xi32, #tpu.memory_space<hbm>>
          tpu.enqueue_dma source(%dma_start3A_748 : memref<64xi32, #tpu.memory_space<hbm>>) target(%dma_start3A_746 : memref<64xi32, #tpu.memory_space<vmem>>) target_semaphore(%arg30 : memref<!tpu.dma_semaphore, #tpu.memory_space<semaphore_mem>>)
        } else {
        }
      } else {
      }
      %add3A_388 = arith.constant 3 : i32
      %add3A_389 = arith.addi %add3A_351, %add3A_388 : i32
      %lt3A_390 = arith.constant 160 : i32
      %lt3A_391 = arith.cmpi slt, %add3A_389, %lt3A_390 : i32
      %convert_element_type3A_392 = arith.extui %lt3A_391 : i1 to i32
      %cond3A_393 = arith.constant 0 : i32
      %cond3A_394 = arith.cmpi ne, %convert_element_type3A_392, %cond3A_393 : i32
      scf.if %cond3A_394 {
        %dma_wait3A_677 = arith.constant 0 : i32
        %dma_wait3A_678 = arith.constant 6 : i32
        %dma_wait3A_679 = arith.constant 0 : i32
        %dma_wait3A_680 = tpu.memref_slice %arg12[%dma_wait3A_678, %dma_wait3A_679] : memref<10x64xi32, #tpu.memory_space<vmem>> -> memref<1x64xi32, #tpu.memory_space<vmem>>
        %dma_wait3A_681 = tpu.memref_squeeze %dma_wait3A_680 : memref<1x64xi32, #tpu.memory_space<vmem>> -> memref<64xi32, #tpu.memory_space<vmem>>
        %dma_wait3A_682 = arith.constant 0 : i32
        %dma_wait3A_683 = tpu.memref_slice %arg3[%dma_wait3A_677, %dma_wait3A_682] : memref<2500x128xi32, #tpu.memory_space<hbm>> -> memref<1x64xi32, #tpu.memory_space<hbm>>
        %dma_wait3A_684 = tpu.memref_squeeze %dma_wait3A_683 : memref<1x64xi32, #tpu.memory_space<hbm>> -> memref<64xi32, #tpu.memory_space<hbm>>
        %dma_wait3A_685 = arith.constant 0 : i32
        %dma_wait3A_686 = tpu.memref_slice %arg12[%dma_wait3A_678, %dma_wait3A_685] : memref<10x64xi32, #tpu.memory_space<vmem>> -> memref<1x64xi32, #tpu.memory_space<vmem>>
        %dma_wait3A_687 = tpu.memref_squeeze %dma_wait3A_686 : memref<1x64xi32, #tpu.memory_space<vmem>> -> memref<64xi32, #tpu.memory_space<vmem>>
        %dma_wait3A_688 = arith.constant 0 : i32
        %dma_wait3A_689 = tpu.memref_slice %arg3[%dma_wait3A_677, %dma_wait3A_688] : memref<2500x128xi32, #tpu.memory_space<hbm>> -> memref<1x64xi32, #tpu.memory_space<hbm>>
        %dma_wait3A_690 = tpu.memref_squeeze %dma_wait3A_689 : memref<1x64xi32, #tpu.memory_space<hbm>> -> memref<64xi32, #tpu.memory_space<hbm>>
        tpu.wait_dma2 semaphore(%arg28 : memref<!tpu.dma_semaphore, #tpu.memory_space<semaphore_mem>>) src(%dma_wait3A_690 : memref<64xi32, #tpu.memory_space<hbm>>) dst(%dma_wait3A_687 : memref<64xi32, #tpu.memory_space<vmem>>)
        %dma_wait3A_691 = arith.constant 0 : i32
        %dma_wait3A_692 = arith.constant 6 : i32
        %dma_wait3A_693 = arith.constant 0 : i32
        %dma_wait3A_694 = tpu.memref_slice %arg12[%dma_wait3A_692, %dma_wait3A_693] : memref<10x64xi32, #tpu.memory_space<vmem>> -> memref<1x64xi32, #tpu.memory_space<vmem>>
        %dma_wait3A_695 = tpu.memref_squeeze %dma_wait3A_694 : memref<1x64xi32, #tpu.memory_space<vmem>> -> memref<64xi32, #tpu.memory_space<vmem>>
        %dma_wait3A_696 = arith.constant 0 : i32
        %dma_wait3A_697 = tpu.memref_slice %arg3[%dma_wait3A_691, %dma_wait3A_696] : memref<2500x128xi32, #tpu.memory_space<hbm>> -> memref<1x64xi32, #tpu.memory_space<hbm>>
        %dma_wait3A_698 = tpu.memref_squeeze %dma_wait3A_697 : memref<1x64xi32, #tpu.memory_space<hbm>> -> memref<64xi32, #tpu.memory_space<hbm>>
        %dma_wait3A_699 = arith.constant 0 : i32
        %dma_wait3A_700 = tpu.memref_slice %arg12[%dma_wait3A_692, %dma_wait3A_699] : memref<10x64xi32, #tpu.memory_space<vmem>> -> memref<1x64xi32, #tpu.memory_space<vmem>>
        %dma_wait3A_701 = tpu.memref_squeeze %dma_wait3A_700 : memref<1x64xi32, #tpu.memory_space<vmem>> -> memref<64xi32, #tpu.memory_space<vmem>>
        %dma_wait3A_702 = arith.constant 0 : i32
        %dma_wait3A_703 = tpu.memref_slice %arg3[%dma_wait3A_691, %dma_wait3A_702] : memref<2500x128xi32, #tpu.memory_space<hbm>> -> memref<1x64xi32, #tpu.memory_space<hbm>>
        %dma_wait3A_704 = tpu.memref_squeeze %dma_wait3A_703 : memref<1x64xi32, #tpu.memory_space<hbm>> -> memref<64xi32, #tpu.memory_space<hbm>>
        tpu.wait_dma2 semaphore(%arg28 : memref<!tpu.dma_semaphore, #tpu.memory_space<semaphore_mem>>) src(%dma_wait3A_704 : memref<64xi32, #tpu.memory_space<hbm>>) dst(%dma_wait3A_701 : memref<64xi32, #tpu.memory_space<vmem>>)
        %dma_start3A_705 = arith.constant 6 : i32
        %dma_start3A_706 = arith.constant 0 : i32
        %dma_start3A_707 = tpu.memref_slice %arg12[%dma_start3A_705, %dma_start3A_706] : memref<10x64xi32, #tpu.memory_space<vmem>> -> memref<1x64xi32, #tpu.memory_space<vmem>>
        %dma_start3A_708 = tpu.memref_squeeze %dma_start3A_707 : memref<1x64xi32, #tpu.memory_space<vmem>> -> memref<64xi32, #tpu.memory_space<vmem>>
        %dma_start3A_709 = arith.constant 0 : i32
        %dma_start3A_710 = arith.constant 0 : i32
        %dma_start3A_711 = tpu.memref_slice %arg2[%dma_start3A_709, %dma_start3A_710] : memref<10240x128xf32, #tpu.memory_space<hbm>> -> memref<10240x128xf32, #tpu.memory_space<hbm>>
        tpu.enqueue_indirect_dma source(%dma_start3A_711 : memref<10240x128xf32, #tpu.memory_space<hbm>>) target(%arg15 : memref<64x128xf32, #tpu.memory_space<vmem>>) offsets(%dma_start3A_708 : memref<64xi32, #tpu.memory_space<vmem>>) semaphore(%arg33 : memref<!tpu.dma_semaphore, #tpu.memory_space<semaphore_mem>>)
      } else {
      }
      %mul3A_395 = arith.constant 10 : i32
      %mul3A_396 = arith.muli %mul3A_395, %add3A_217 : i32
      %add3A_397 = arith.constant 4 : i32
      %add3A_398 = arith.addi %mul3A_396, %add3A_397 : i32
      %dma_wait3A_399 = arith.constant 0 : i32
      %dma_wait3A_400 = arith.constant 0 : i32
      %dma_wait3A_401 = tpu.memref_slice %arg2[%dma_wait3A_399, %dma_wait3A_400] : memref<10240x128xf32, #tpu.memory_space<hbm>> -> memref<64x128xf32, #tpu.memory_space<hbm>>
      %dma_wait3A_402 = arith.constant 0 : i32
      %dma_wait3A_403 = arith.constant 0 : i32
      %dma_wait3A_404 = tpu.memref_slice %arg2[%dma_wait3A_402, %dma_wait3A_403] : memref<10240x128xf32, #tpu.memory_space<hbm>> -> memref<64x128xf32, #tpu.memory_space<hbm>>
      tpu.wait_dma2 semaphore(%arg36 : memref<!tpu.dma_semaphore, #tpu.memory_space<semaphore_mem>>) src(%dma_wait3A_404 : memref<64x128xf32, #tpu.memory_space<hbm>>) dst(%arg18 : memref<64x128xf32, #tpu.memory_space<vmem>>)
      %dma_start3A_405 = arith.constant 4 : i32
      %dma_start3A_406 = arith.constant 0 : i32
      %dma_start3A_407 = tpu.memref_slice %arg13[%dma_start3A_405, %dma_start3A_406] : memref<10x64xi32, #tpu.memory_space<vmem>> -> memref<1x64xi32, #tpu.memory_space<vmem>>
      %dma_start3A_408 = tpu.memref_squeeze %dma_start3A_407 : memref<1x64xi32, #tpu.memory_space<vmem>> -> memref<64xi32, #tpu.memory_space<vmem>>
      %dma_start3A_409 = arith.constant 0 : i32
      %dma_start3A_410 = arith.constant 0 : i32
      %dma_start3A_411 = tpu.memref_slice %arg20[%dma_start3A_409, %dma_start3A_410] : memref<10240x128xf32, #tpu.memory_space<vmem_shared>> -> memref<10240x128xf32, #tpu.memory_space<vmem_shared>>
      tpu.enqueue_indirect_dma source(%arg18 : memref<64x128xf32, #tpu.memory_space<vmem>>) target(%dma_start3A_411 : memref<10240x128xf32, #tpu.memory_space<vmem_shared>>) offsets(%dma_start3A_408 : memref<64xi32, #tpu.memory_space<vmem>>) semaphore(%arg41 : memref<!tpu.dma_semaphore, #tpu.memory_space<semaphore_mem>>) {add = true}
      %dma_start3A_412 = arith.constant 4 : i32
      %dma_start3A_413 = arith.constant 0 : i32
      %dma_start3A_414 = tpu.memref_slice %arg13[%dma_start3A_412, %dma_start3A_413] : memref<10x64xi32, #tpu.memory_space<vmem>> -> memref<1x64xi32, #tpu.memory_space<vmem>>
      %dma_start3A_415 = tpu.memref_squeeze %dma_start3A_414 : memref<1x64xi32, #tpu.memory_space<vmem>> -> memref<64xi32, #tpu.memory_space<vmem>>
      %dma_start3A_416 = arith.constant 0 : i32
      %dma_start3A_417 = tpu.memref_slice %arg21[%dma_start3A_416] : memref<10240xf32, #tpu.memory_space<vmem_shared>> -> memref<10240xf32, #tpu.memory_space<vmem_shared>>
      tpu.enqueue_indirect_dma source(%arg19 : memref<64xf32, #tpu.memory_space<vmem>>) target(%dma_start3A_417 : memref<10240xf32, #tpu.memory_space<vmem_shared>>) offsets(%dma_start3A_415 : memref<64xi32, #tpu.memory_space<vmem>>) semaphore(%arg41 : memref<!tpu.dma_semaphore, #tpu.memory_space<semaphore_mem>>) {add = true}
      %dma_wait3A_418 = arith.constant 0 : i32
      %dma_wait3A_419 = arith.constant 0 : i32
      %dma_wait3A_420 = tpu.memref_slice %arg20[%dma_wait3A_418, %dma_wait3A_419] : memref<10240x128xf32, #tpu.memory_space<vmem_shared>> -> memref<64x128xf32, #tpu.memory_space<vmem_shared>>
      %dma_wait3A_421 = arith.constant 0 : i32
      %dma_wait3A_422 = arith.constant 0 : i32
      %dma_wait3A_423 = tpu.memref_slice %arg20[%dma_wait3A_421, %dma_wait3A_422] : memref<10240x128xf32, #tpu.memory_space<vmem_shared>> -> memref<64x128xf32, #tpu.memory_space<vmem_shared>>
      tpu.wait_dma2 semaphore(%arg39 : memref<!tpu.dma_semaphore, #tpu.memory_space<semaphore_mem>>) src(%arg16 : memref<64x128xf32, #tpu.memory_space<vmem>>) dst(%dma_wait3A_423 : memref<64x128xf32, #tpu.memory_space<vmem_shared>>)
      %dma_wait3A_424 = arith.constant 0 : i32
      %dma_wait3A_425 = tpu.memref_slice %arg21[%dma_wait3A_424] : memref<10240xf32, #tpu.memory_space<vmem_shared>> -> memref<64xf32, #tpu.memory_space<vmem_shared>>
      %dma_wait3A_426 = arith.constant 0 : i32
      %dma_wait3A_427 = tpu.memref_slice %arg21[%dma_wait3A_426] : memref<10240xf32, #tpu.memory_space<vmem_shared>> -> memref<64xf32, #tpu.memory_space<vmem_shared>>
      tpu.wait_dma2 semaphore(%arg39 : memref<!tpu.dma_semaphore, #tpu.memory_space<semaphore_mem>>) src(%arg19 : memref<64xf32, #tpu.memory_space<vmem>>) dst(%dma_wait3A_427 : memref<64xf32, #tpu.memory_space<vmem_shared>>)
      %add3A_428 = arith.constant 5 : i32
      %add3A_429 = arith.addi %add3A_398, %add3A_428 : i32
      %lt3A_430 = arith.constant 160 : i32
      %lt3A_431 = arith.cmpi slt, %add3A_429, %lt3A_430 : i32
      %convert_element_type3A_432 = arith.extui %lt3A_431 : i1 to i32
      %cond3A_433 = arith.constant 0 : i32
      %cond3A_434 = arith.cmpi ne, %convert_element_type3A_432, %cond3A_433 : i32
      scf.if %cond3A_434 {
        %add3A_677 = arith.constant 5 : i32
        %add3A_678 = arith.addi %add3A_398, %add3A_677 : i32
        %jit3A = arith.constant 2 : i32
        %div3A = arith.divsi %add3A_678, %jit3A : i32
        %sign3A = arith.constant 0 : i32
        %sign3A_679 = arith.cmpi sgt, %add3A_678, %sign3A : i32
        %sign3A_680 = arith.extui %sign3A_679 : i1 to i32
        %sign3A_681 = arith.constant 0 : i32
        %sign3A_682 = arith.cmpi slt, %add3A_678, %sign3A_681 : i32
        %sign3A_683 = arith.extui %sign3A_682 : i1 to i32
        %sign3A_684 = arith.subi %sign3A_680, %sign3A_683 : i32
        %sign3A_685 = arith.constant 0 : i32
        %sign3A_686 = arith.cmpi sgt, %jit3A, %sign3A_685 : i32
        %sign3A_687 = arith.extui %sign3A_686 : i1 to i32
        %sign3A_688 = arith.constant 0 : i32
        %sign3A_689 = arith.cmpi slt, %jit3A, %sign3A_688 : i32
        %sign3A_690 = arith.extui %sign3A_689 : i1 to i32
        %sign3A_691 = arith.subi %sign3A_687, %sign3A_690 : i32
        %ne3A = arith.cmpi ne, %sign3A_684, %sign3A_691 : i32
        %rem3A = arith.remsi %add3A_678, %jit3A : i32
        %ne3A_692 = arith.constant 0 : i32
        %ne3A_693 = arith.cmpi ne, %rem3A, %ne3A_692 : i32
        %and3A = arith.andi %ne3A, %ne3A_693 : i1
        %sub3A = arith.constant 1 : i32
        %sub3A_694 = arith.subi %div3A, %sub3A : i32
        %select_n3A = arith.select %and3A, %sub3A_694, %div3A : i32
        %add3A_695 = arith.addi %mul3A_2, %select_n3A : i32
        %jit3A_696 = arith.constant 2 : i32
        %eq3A = arith.constant 0 : i32
        %eq3A_697 = arith.cmpi eq, %jit3A_696, %eq3A : i32
        %jit3A_698 = arith.constant 1 : i32
        %select_n3A_699 = arith.select %eq3A_697, %jit3A_698, %jit3A_696 : i32
        %rem3A_700 = arith.remsi %add3A_678, %select_n3A_699 : i32
        %ne3A_701 = arith.constant 0 : i32
        %ne3A_702 = arith.cmpi ne, %rem3A_700, %ne3A_701 : i32
        %lt3A_703 = arith.constant 0 : i32
        %lt3A_704 = arith.cmpi slt, %rem3A_700, %lt3A_703 : i32
        %lt3A_705 = arith.constant 0 : i32
        %lt3A_706 = arith.cmpi slt, %select_n3A_699, %lt3A_705 : i32
        %ne3A_707 = arith.xori %lt3A_704, %lt3A_706 : i1
        %and3A_708 = arith.andi %ne3A_707, %ne3A_702 : i1
        %add3A_709 = arith.addi %rem3A_700, %select_n3A_699 : i32
        %select_n3A_710 = arith.select %and3A_708, %add3A_709, %rem3A_700 : i32
        %mul3A_711 = arith.constant 64 : i32
        %mul3A_712 = arith.muli %select_n3A_710, %mul3A_711 : i32
        %lt3A_713 = arith.constant 2500 : i32
        %lt3A_714 = arith.cmpi slt, %add3A_695, %lt3A_713 : i32
        %convert_element_type3A_715 = arith.extui %lt3A_714 : i1 to i32
        %cond3A_716 = arith.constant 0 : i32
        %cond3A_717 = arith.cmpi ne, %convert_element_type3A_715, %cond3A_716 : i32
        scf.if %cond3A_717 {
          %dma_start3A_723 = arith.constant 9 : i32
          %dma_start3A_724 = arith.constant 0 : i32
          %dma_start3A_725 = tpu.memref_slice %arg12[%dma_start3A_723, %dma_start3A_724] : memref<10x64xi32, #tpu.memory_space<vmem>> -> memref<1x64xi32, #tpu.memory_space<vmem>>
          %dma_start3A_726 = tpu.memref_squeeze %dma_start3A_725 : memref<1x64xi32, #tpu.memory_space<vmem>> -> memref<64xi32, #tpu.memory_space<vmem>>
          %dma_start3A_727 = tpu.memref_slice %arg3[%add3A_695, %mul3A_712] : memref<2500x128xi32, #tpu.memory_space<hbm>> -> memref<1x64xi32, #tpu.memory_space<hbm>>
          %dma_start3A_728 = tpu.memref_squeeze %dma_start3A_727 : memref<1x64xi32, #tpu.memory_space<hbm>> -> memref<64xi32, #tpu.memory_space<hbm>>
          %dma_start3A_729 = arith.constant 0 : i32
          %dma_start3A_730 = tpu.memref_slice %arg12[%dma_start3A_723, %dma_start3A_729] : memref<10x64xi32, #tpu.memory_space<vmem>> -> memref<1x64xi32, #tpu.memory_space<vmem>>
          %dma_start3A_731 = tpu.memref_squeeze %dma_start3A_730 : memref<1x64xi32, #tpu.memory_space<vmem>> -> memref<64xi32, #tpu.memory_space<vmem>>
          %dma_start3A_732 = tpu.memref_slice %arg3[%add3A_695, %mul3A_712] : memref<2500x128xi32, #tpu.memory_space<hbm>> -> memref<1x64xi32, #tpu.memory_space<hbm>>
          %dma_start3A_733 = tpu.memref_squeeze %dma_start3A_732 : memref<1x64xi32, #tpu.memory_space<hbm>> -> memref<64xi32, #tpu.memory_space<hbm>>
          tpu.enqueue_dma source(%dma_start3A_733 : memref<64xi32, #tpu.memory_space<hbm>>) target(%dma_start3A_731 : memref<64xi32, #tpu.memory_space<vmem>>) target_semaphore(%arg31 : memref<!tpu.dma_semaphore, #tpu.memory_space<semaphore_mem>>)
          %dma_start3A_734 = arith.constant 9 : i32
          %dma_start3A_735 = arith.constant 0 : i32
          %dma_start3A_736 = tpu.memref_slice %arg13[%dma_start3A_734, %dma_start3A_735] : memref<10x64xi32, #tpu.memory_space<vmem>> -> memref<1x64xi32, #tpu.memory_space<vmem>>
          %dma_start3A_737 = tpu.memref_squeeze %dma_start3A_736 : memref<1x64xi32, #tpu.memory_space<vmem>> -> memref<64xi32, #tpu.memory_space<vmem>>
          %dma_start3A_738 = tpu.memref_slice %arg4[%add3A_695, %mul3A_712] : memref<2500x128xi32, #tpu.memory_space<hbm>> -> memref<1x64xi32, #tpu.memory_space<hbm>>
          %dma_start3A_739 = tpu.memref_squeeze %dma_start3A_738 : memref<1x64xi32, #tpu.memory_space<hbm>> -> memref<64xi32, #tpu.memory_space<hbm>>
          %dma_start3A_740 = arith.constant 0 : i32
          %dma_start3A_741 = tpu.memref_slice %arg13[%dma_start3A_734, %dma_start3A_740] : memref<10x64xi32, #tpu.memory_space<vmem>> -> memref<1x64xi32, #tpu.memory_space<vmem>>
          %dma_start3A_742 = tpu.memref_squeeze %dma_start3A_741 : memref<1x64xi32, #tpu.memory_space<vmem>> -> memref<64xi32, #tpu.memory_space<vmem>>
          %dma_start3A_743 = tpu.memref_slice %arg4[%add3A_695, %mul3A_712] : memref<2500x128xi32, #tpu.memory_space<hbm>> -> memref<1x64xi32, #tpu.memory_space<hbm>>
          %dma_start3A_744 = tpu.memref_squeeze %dma_start3A_743 : memref<1x64xi32, #tpu.memory_space<hbm>> -> memref<64xi32, #tpu.memory_space<hbm>>
          tpu.enqueue_dma source(%dma_start3A_744 : memref<64xi32, #tpu.memory_space<hbm>>) target(%dma_start3A_742 : memref<64xi32, #tpu.memory_space<vmem>>) target_semaphore(%arg31 : memref<!tpu.dma_semaphore, #tpu.memory_space<semaphore_mem>>)
        } else {
        }
        %ge3A_718 = arith.constant 2500 : i32
        %ge3A_719 = arith.cmpi sge, %add3A_695, %ge3A_718 : i32
        %convert_element_type3A_720 = arith.extui %ge3A_719 : i1 to i32
        %cond3A_721 = arith.constant 0 : i32
        %cond3A_722 = arith.cmpi ne, %convert_element_type3A_720, %cond3A_721 : i32
        scf.if %cond3A_722 {
          %sub3A_723 = arith.constant 2500 : i32
          %sub3A_724 = arith.subi %add3A_695, %sub3A_723 : i32
          %dma_start3A_725 = arith.constant 9 : i32
          %dma_start3A_726 = arith.constant 0 : i32
          %dma_start3A_727 = tpu.memref_slice %arg12[%dma_start3A_725, %dma_start3A_726] : memref<10x64xi32, #tpu.memory_space<vmem>> -> memref<1x64xi32, #tpu.memory_space<vmem>>
          %dma_start3A_728 = tpu.memref_squeeze %dma_start3A_727 : memref<1x64xi32, #tpu.memory_space<vmem>> -> memref<64xi32, #tpu.memory_space<vmem>>
          %dma_start3A_729 = tpu.memref_slice %arg5[%sub3A_724, %mul3A_712] : memref<60x128xi32, #tpu.memory_space<hbm>> -> memref<1x64xi32, #tpu.memory_space<hbm>>
          %dma_start3A_730 = tpu.memref_squeeze %dma_start3A_729 : memref<1x64xi32, #tpu.memory_space<hbm>> -> memref<64xi32, #tpu.memory_space<hbm>>
          %dma_start3A_731 = arith.constant 0 : i32
          %dma_start3A_732 = tpu.memref_slice %arg12[%dma_start3A_725, %dma_start3A_731] : memref<10x64xi32, #tpu.memory_space<vmem>> -> memref<1x64xi32, #tpu.memory_space<vmem>>
          %dma_start3A_733 = tpu.memref_squeeze %dma_start3A_732 : memref<1x64xi32, #tpu.memory_space<vmem>> -> memref<64xi32, #tpu.memory_space<vmem>>
          %dma_start3A_734 = tpu.memref_slice %arg5[%sub3A_724, %mul3A_712] : memref<60x128xi32, #tpu.memory_space<hbm>> -> memref<1x64xi32, #tpu.memory_space<hbm>>
          %dma_start3A_735 = tpu.memref_squeeze %dma_start3A_734 : memref<1x64xi32, #tpu.memory_space<hbm>> -> memref<64xi32, #tpu.memory_space<hbm>>
          tpu.enqueue_dma source(%dma_start3A_735 : memref<64xi32, #tpu.memory_space<hbm>>) target(%dma_start3A_733 : memref<64xi32, #tpu.memory_space<vmem>>) target_semaphore(%arg31 : memref<!tpu.dma_semaphore, #tpu.memory_space<semaphore_mem>>)
          %sub3A_736 = arith.constant 2500 : i32
          %sub3A_737 = arith.subi %add3A_695, %sub3A_736 : i32
          %dma_start3A_738 = arith.constant 9 : i32
          %dma_start3A_739 = arith.constant 0 : i32
          %dma_start3A_740 = tpu.memref_slice %arg13[%dma_start3A_738, %dma_start3A_739] : memref<10x64xi32, #tpu.memory_space<vmem>> -> memref<1x64xi32, #tpu.memory_space<vmem>>
          %dma_start3A_741 = tpu.memref_squeeze %dma_start3A_740 : memref<1x64xi32, #tpu.memory_space<vmem>> -> memref<64xi32, #tpu.memory_space<vmem>>
          %dma_start3A_742 = tpu.memref_slice %arg6[%sub3A_737, %mul3A_712] : memref<60x128xi32, #tpu.memory_space<hbm>> -> memref<1x64xi32, #tpu.memory_space<hbm>>
          %dma_start3A_743 = tpu.memref_squeeze %dma_start3A_742 : memref<1x64xi32, #tpu.memory_space<hbm>> -> memref<64xi32, #tpu.memory_space<hbm>>
          %dma_start3A_744 = arith.constant 0 : i32
          %dma_start3A_745 = tpu.memref_slice %arg13[%dma_start3A_738, %dma_start3A_744] : memref<10x64xi32, #tpu.memory_space<vmem>> -> memref<1x64xi32, #tpu.memory_space<vmem>>
          %dma_start3A_746 = tpu.memref_squeeze %dma_start3A_745 : memref<1x64xi32, #tpu.memory_space<vmem>> -> memref<64xi32, #tpu.memory_space<vmem>>
          %dma_start3A_747 = tpu.memref_slice %arg6[%sub3A_737, %mul3A_712] : memref<60x128xi32, #tpu.memory_space<hbm>> -> memref<1x64xi32, #tpu.memory_space<hbm>>
          %dma_start3A_748 = tpu.memref_squeeze %dma_start3A_747 : memref<1x64xi32, #tpu.memory_space<hbm>> -> memref<64xi32, #tpu.memory_space<hbm>>
          tpu.enqueue_dma source(%dma_start3A_748 : memref<64xi32, #tpu.memory_space<hbm>>) target(%dma_start3A_746 : memref<64xi32, #tpu.memory_space<vmem>>) target_semaphore(%arg31 : memref<!tpu.dma_semaphore, #tpu.memory_space<semaphore_mem>>)
        } else {
        }
      } else {
      }
      %add3A_435 = arith.constant 3 : i32
      %add3A_436 = arith.addi %add3A_398, %add3A_435 : i32
      %lt3A_437 = arith.constant 160 : i32
      %lt3A_438 = arith.cmpi slt, %add3A_436, %lt3A_437 : i32
      %convert_element_type3A_439 = arith.extui %lt3A_438 : i1 to i32
      %cond3A_440 = arith.constant 0 : i32
      %cond3A_441 = arith.cmpi ne, %convert_element_type3A_439, %cond3A_440 : i32
      scf.if %cond3A_441 {
        %dma_wait3A_677 = arith.constant 0 : i32
        %dma_wait3A_678 = arith.constant 7 : i32
        %dma_wait3A_679 = arith.constant 0 : i32
        %dma_wait3A_680 = tpu.memref_slice %arg12[%dma_wait3A_678, %dma_wait3A_679] : memref<10x64xi32, #tpu.memory_space<vmem>> -> memref<1x64xi32, #tpu.memory_space<vmem>>
        %dma_wait3A_681 = tpu.memref_squeeze %dma_wait3A_680 : memref<1x64xi32, #tpu.memory_space<vmem>> -> memref<64xi32, #tpu.memory_space<vmem>>
        %dma_wait3A_682 = arith.constant 0 : i32
        %dma_wait3A_683 = tpu.memref_slice %arg3[%dma_wait3A_677, %dma_wait3A_682] : memref<2500x128xi32, #tpu.memory_space<hbm>> -> memref<1x64xi32, #tpu.memory_space<hbm>>
        %dma_wait3A_684 = tpu.memref_squeeze %dma_wait3A_683 : memref<1x64xi32, #tpu.memory_space<hbm>> -> memref<64xi32, #tpu.memory_space<hbm>>
        %dma_wait3A_685 = arith.constant 0 : i32
        %dma_wait3A_686 = tpu.memref_slice %arg12[%dma_wait3A_678, %dma_wait3A_685] : memref<10x64xi32, #tpu.memory_space<vmem>> -> memref<1x64xi32, #tpu.memory_space<vmem>>
        %dma_wait3A_687 = tpu.memref_squeeze %dma_wait3A_686 : memref<1x64xi32, #tpu.memory_space<vmem>> -> memref<64xi32, #tpu.memory_space<vmem>>
        %dma_wait3A_688 = arith.constant 0 : i32
        %dma_wait3A_689 = tpu.memref_slice %arg3[%dma_wait3A_677, %dma_wait3A_688] : memref<2500x128xi32, #tpu.memory_space<hbm>> -> memref<1x64xi32, #tpu.memory_space<hbm>>
        %dma_wait3A_690 = tpu.memref_squeeze %dma_wait3A_689 : memref<1x64xi32, #tpu.memory_space<hbm>> -> memref<64xi32, #tpu.memory_space<hbm>>
        tpu.wait_dma2 semaphore(%arg29 : memref<!tpu.dma_semaphore, #tpu.memory_space<semaphore_mem>>) src(%dma_wait3A_690 : memref<64xi32, #tpu.memory_space<hbm>>) dst(%dma_wait3A_687 : memref<64xi32, #tpu.memory_space<vmem>>)
        %dma_wait3A_691 = arith.constant 0 : i32
        %dma_wait3A_692 = arith.constant 7 : i32
        %dma_wait3A_693 = arith.constant 0 : i32
        %dma_wait3A_694 = tpu.memref_slice %arg12[%dma_wait3A_692, %dma_wait3A_693] : memref<10x64xi32, #tpu.memory_space<vmem>> -> memref<1x64xi32, #tpu.memory_space<vmem>>
        %dma_wait3A_695 = tpu.memref_squeeze %dma_wait3A_694 : memref<1x64xi32, #tpu.memory_space<vmem>> -> memref<64xi32, #tpu.memory_space<vmem>>
        %dma_wait3A_696 = arith.constant 0 : i32
        %dma_wait3A_697 = tpu.memref_slice %arg3[%dma_wait3A_691, %dma_wait3A_696] : memref<2500x128xi32, #tpu.memory_space<hbm>> -> memref<1x64xi32, #tpu.memory_space<hbm>>
        %dma_wait3A_698 = tpu.memref_squeeze %dma_wait3A_697 : memref<1x64xi32, #tpu.memory_space<hbm>> -> memref<64xi32, #tpu.memory_space<hbm>>
        %dma_wait3A_699 = arith.constant 0 : i32
        %dma_wait3A_700 = tpu.memref_slice %arg12[%dma_wait3A_692, %dma_wait3A_699] : memref<10x64xi32, #tpu.memory_space<vmem>> -> memref<1x64xi32, #tpu.memory_space<vmem>>
        %dma_wait3A_701 = tpu.memref_squeeze %dma_wait3A_700 : memref<1x64xi32, #tpu.memory_space<vmem>> -> memref<64xi32, #tpu.memory_space<vmem>>
        %dma_wait3A_702 = arith.constant 0 : i32
        %dma_wait3A_703 = tpu.memref_slice %arg3[%dma_wait3A_691, %dma_wait3A_702] : memref<2500x128xi32, #tpu.memory_space<hbm>> -> memref<1x64xi32, #tpu.memory_space<hbm>>
        %dma_wait3A_704 = tpu.memref_squeeze %dma_wait3A_703 : memref<1x64xi32, #tpu.memory_space<hbm>> -> memref<64xi32, #tpu.memory_space<hbm>>
        tpu.wait_dma2 semaphore(%arg29 : memref<!tpu.dma_semaphore, #tpu.memory_space<semaphore_mem>>) src(%dma_wait3A_704 : memref<64xi32, #tpu.memory_space<hbm>>) dst(%dma_wait3A_701 : memref<64xi32, #tpu.memory_space<vmem>>)
        %dma_start3A_705 = arith.constant 7 : i32
        %dma_start3A_706 = arith.constant 0 : i32
        %dma_start3A_707 = tpu.memref_slice %arg12[%dma_start3A_705, %dma_start3A_706] : memref<10x64xi32, #tpu.memory_space<vmem>> -> memref<1x64xi32, #tpu.memory_space<vmem>>
        %dma_start3A_708 = tpu.memref_squeeze %dma_start3A_707 : memref<1x64xi32, #tpu.memory_space<vmem>> -> memref<64xi32, #tpu.memory_space<vmem>>
        %dma_start3A_709 = arith.constant 0 : i32
        %dma_start3A_710 = arith.constant 0 : i32
        %dma_start3A_711 = tpu.memref_slice %arg2[%dma_start3A_709, %dma_start3A_710] : memref<10240x128xf32, #tpu.memory_space<hbm>> -> memref<10240x128xf32, #tpu.memory_space<hbm>>
        tpu.enqueue_indirect_dma source(%dma_start3A_711 : memref<10240x128xf32, #tpu.memory_space<hbm>>) target(%arg16 : memref<64x128xf32, #tpu.memory_space<vmem>>) offsets(%dma_start3A_708 : memref<64xi32, #tpu.memory_space<vmem>>) semaphore(%arg34 : memref<!tpu.dma_semaphore, #tpu.memory_space<semaphore_mem>>)
      } else {
      }
      %mul3A_442 = arith.constant 10 : i32
      %mul3A_443 = arith.muli %mul3A_442, %add3A_217 : i32
      %add3A_444 = arith.constant 5 : i32
      %add3A_445 = arith.addi %mul3A_443, %add3A_444 : i32
      %dma_wait3A_446 = arith.constant 0 : i32
      %dma_wait3A_447 = arith.constant 0 : i32
      %dma_wait3A_448 = tpu.memref_slice %arg2[%dma_wait3A_446, %dma_wait3A_447] : memref<10240x128xf32, #tpu.memory_space<hbm>> -> memref<64x128xf32, #tpu.memory_space<hbm>>
      %dma_wait3A_449 = arith.constant 0 : i32
      %dma_wait3A_450 = arith.constant 0 : i32
      %dma_wait3A_451 = tpu.memref_slice %arg2[%dma_wait3A_449, %dma_wait3A_450] : memref<10240x128xf32, #tpu.memory_space<hbm>> -> memref<64x128xf32, #tpu.memory_space<hbm>>
      tpu.wait_dma2 semaphore(%arg32 : memref<!tpu.dma_semaphore, #tpu.memory_space<semaphore_mem>>) src(%dma_wait3A_451 : memref<64x128xf32, #tpu.memory_space<hbm>>) dst(%arg14 : memref<64x128xf32, #tpu.memory_space<vmem>>)
      %dma_start3A_452 = arith.constant 5 : i32
      %dma_start3A_453 = arith.constant 0 : i32
      %dma_start3A_454 = tpu.memref_slice %arg13[%dma_start3A_452, %dma_start3A_453] : memref<10x64xi32, #tpu.memory_space<vmem>> -> memref<1x64xi32, #tpu.memory_space<vmem>>
      %dma_start3A_455 = tpu.memref_squeeze %dma_start3A_454 : memref<1x64xi32, #tpu.memory_space<vmem>> -> memref<64xi32, #tpu.memory_space<vmem>>
      %dma_start3A_456 = arith.constant 0 : i32
      %dma_start3A_457 = arith.constant 0 : i32
      %dma_start3A_458 = tpu.memref_slice %arg20[%dma_start3A_456, %dma_start3A_457] : memref<10240x128xf32, #tpu.memory_space<vmem_shared>> -> memref<10240x128xf32, #tpu.memory_space<vmem_shared>>
      tpu.enqueue_indirect_dma source(%arg14 : memref<64x128xf32, #tpu.memory_space<vmem>>) target(%dma_start3A_458 : memref<10240x128xf32, #tpu.memory_space<vmem_shared>>) offsets(%dma_start3A_455 : memref<64xi32, #tpu.memory_space<vmem>>) semaphore(%arg37 : memref<!tpu.dma_semaphore, #tpu.memory_space<semaphore_mem>>) {add = true}
      %dma_start3A_459 = arith.constant 5 : i32
      %dma_start3A_460 = arith.constant 0 : i32
      %dma_start3A_461 = tpu.memref_slice %arg13[%dma_start3A_459, %dma_start3A_460] : memref<10x64xi32, #tpu.memory_space<vmem>> -> memref<1x64xi32, #tpu.memory_space<vmem>>
      %dma_start3A_462 = tpu.memref_squeeze %dma_start3A_461 : memref<1x64xi32, #tpu.memory_space<vmem>> -> memref<64xi32, #tpu.memory_space<vmem>>
      %dma_start3A_463 = arith.constant 0 : i32
      %dma_start3A_464 = tpu.memref_slice %arg21[%dma_start3A_463] : memref<10240xf32, #tpu.memory_space<vmem_shared>> -> memref<10240xf32, #tpu.memory_space<vmem_shared>>
      tpu.enqueue_indirect_dma source(%arg19 : memref<64xf32, #tpu.memory_space<vmem>>) target(%dma_start3A_464 : memref<10240xf32, #tpu.memory_space<vmem_shared>>) offsets(%dma_start3A_462 : memref<64xi32, #tpu.memory_space<vmem>>) semaphore(%arg37 : memref<!tpu.dma_semaphore, #tpu.memory_space<semaphore_mem>>) {add = true}
      %dma_wait3A_465 = arith.constant 0 : i32
      %dma_wait3A_466 = arith.constant 0 : i32
      %dma_wait3A_467 = tpu.memref_slice %arg20[%dma_wait3A_465, %dma_wait3A_466] : memref<10240x128xf32, #tpu.memory_space<vmem_shared>> -> memref<64x128xf32, #tpu.memory_space<vmem_shared>>
      %dma_wait3A_468 = arith.constant 0 : i32
      %dma_wait3A_469 = arith.constant 0 : i32
      %dma_wait3A_470 = tpu.memref_slice %arg20[%dma_wait3A_468, %dma_wait3A_469] : memref<10240x128xf32, #tpu.memory_space<vmem_shared>> -> memref<64x128xf32, #tpu.memory_space<vmem_shared>>
      tpu.wait_dma2 semaphore(%arg40 : memref<!tpu.dma_semaphore, #tpu.memory_space<semaphore_mem>>) src(%arg17 : memref<64x128xf32, #tpu.memory_space<vmem>>) dst(%dma_wait3A_470 : memref<64x128xf32, #tpu.memory_space<vmem_shared>>)
      %dma_wait3A_471 = arith.constant 0 : i32
      %dma_wait3A_472 = tpu.memref_slice %arg21[%dma_wait3A_471] : memref<10240xf32, #tpu.memory_space<vmem_shared>> -> memref<64xf32, #tpu.memory_space<vmem_shared>>
      %dma_wait3A_473 = arith.constant 0 : i32
      %dma_wait3A_474 = tpu.memref_slice %arg21[%dma_wait3A_473] : memref<10240xf32, #tpu.memory_space<vmem_shared>> -> memref<64xf32, #tpu.memory_space<vmem_shared>>
      tpu.wait_dma2 semaphore(%arg40 : memref<!tpu.dma_semaphore, #tpu.memory_space<semaphore_mem>>) src(%arg19 : memref<64xf32, #tpu.memory_space<vmem>>) dst(%dma_wait3A_474 : memref<64xf32, #tpu.memory_space<vmem_shared>>)
      %add3A_475 = arith.constant 5 : i32
      %add3A_476 = arith.addi %add3A_445, %add3A_475 : i32
      %lt3A_477 = arith.constant 160 : i32
      %lt3A_478 = arith.cmpi slt, %add3A_476, %lt3A_477 : i32
      %convert_element_type3A_479 = arith.extui %lt3A_478 : i1 to i32
      %cond3A_480 = arith.constant 0 : i32
      %cond3A_481 = arith.cmpi ne, %convert_element_type3A_479, %cond3A_480 : i32
      scf.if %cond3A_481 {
        %add3A_677 = arith.constant 5 : i32
        %add3A_678 = arith.addi %add3A_445, %add3A_677 : i32
        %jit3A = arith.constant 2 : i32
        %div3A = arith.divsi %add3A_678, %jit3A : i32
        %sign3A = arith.constant 0 : i32
        %sign3A_679 = arith.cmpi sgt, %add3A_678, %sign3A : i32
        %sign3A_680 = arith.extui %sign3A_679 : i1 to i32
        %sign3A_681 = arith.constant 0 : i32
        %sign3A_682 = arith.cmpi slt, %add3A_678, %sign3A_681 : i32
        %sign3A_683 = arith.extui %sign3A_682 : i1 to i32
        %sign3A_684 = arith.subi %sign3A_680, %sign3A_683 : i32
        %sign3A_685 = arith.constant 0 : i32
        %sign3A_686 = arith.cmpi sgt, %jit3A, %sign3A_685 : i32
        %sign3A_687 = arith.extui %sign3A_686 : i1 to i32
        %sign3A_688 = arith.constant 0 : i32
        %sign3A_689 = arith.cmpi slt, %jit3A, %sign3A_688 : i32
        %sign3A_690 = arith.extui %sign3A_689 : i1 to i32
        %sign3A_691 = arith.subi %sign3A_687, %sign3A_690 : i32
        %ne3A = arith.cmpi ne, %sign3A_684, %sign3A_691 : i32
        %rem3A = arith.remsi %add3A_678, %jit3A : i32
        %ne3A_692 = arith.constant 0 : i32
        %ne3A_693 = arith.cmpi ne, %rem3A, %ne3A_692 : i32
        %and3A = arith.andi %ne3A, %ne3A_693 : i1
        %sub3A = arith.constant 1 : i32
        %sub3A_694 = arith.subi %div3A, %sub3A : i32
        %select_n3A = arith.select %and3A, %sub3A_694, %div3A : i32
        %add3A_695 = arith.addi %mul3A_2, %select_n3A : i32
        %jit3A_696 = arith.constant 2 : i32
        %eq3A = arith.constant 0 : i32
        %eq3A_697 = arith.cmpi eq, %jit3A_696, %eq3A : i32
        %jit3A_698 = arith.constant 1 : i32
        %select_n3A_699 = arith.select %eq3A_697, %jit3A_698, %jit3A_696 : i32
        %rem3A_700 = arith.remsi %add3A_678, %select_n3A_699 : i32
        %ne3A_701 = arith.constant 0 : i32
        %ne3A_702 = arith.cmpi ne, %rem3A_700, %ne3A_701 : i32
        %lt3A_703 = arith.constant 0 : i32
        %lt3A_704 = arith.cmpi slt, %rem3A_700, %lt3A_703 : i32
        %lt3A_705 = arith.constant 0 : i32
        %lt3A_706 = arith.cmpi slt, %select_n3A_699, %lt3A_705 : i32
        %ne3A_707 = arith.xori %lt3A_704, %lt3A_706 : i1
        %and3A_708 = arith.andi %ne3A_707, %ne3A_702 : i1
        %add3A_709 = arith.addi %rem3A_700, %select_n3A_699 : i32
        %select_n3A_710 = arith.select %and3A_708, %add3A_709, %rem3A_700 : i32
        %mul3A_711 = arith.constant 64 : i32
        %mul3A_712 = arith.muli %select_n3A_710, %mul3A_711 : i32
        %lt3A_713 = arith.constant 2500 : i32
        %lt3A_714 = arith.cmpi slt, %add3A_695, %lt3A_713 : i32
        %convert_element_type3A_715 = arith.extui %lt3A_714 : i1 to i32
        %cond3A_716 = arith.constant 0 : i32
        %cond3A_717 = arith.cmpi ne, %convert_element_type3A_715, %cond3A_716 : i32
        scf.if %cond3A_717 {
          %dma_start3A_723 = arith.constant 0 : i32
          %dma_start3A_724 = arith.constant 0 : i32
          %dma_start3A_725 = tpu.memref_slice %arg12[%dma_start3A_723, %dma_start3A_724] : memref<10x64xi32, #tpu.memory_space<vmem>> -> memref<1x64xi32, #tpu.memory_space<vmem>>
          %dma_start3A_726 = tpu.memref_squeeze %dma_start3A_725 : memref<1x64xi32, #tpu.memory_space<vmem>> -> memref<64xi32, #tpu.memory_space<vmem>>
          %dma_start3A_727 = tpu.memref_slice %arg3[%add3A_695, %mul3A_712] : memref<2500x128xi32, #tpu.memory_space<hbm>> -> memref<1x64xi32, #tpu.memory_space<hbm>>
          %dma_start3A_728 = tpu.memref_squeeze %dma_start3A_727 : memref<1x64xi32, #tpu.memory_space<hbm>> -> memref<64xi32, #tpu.memory_space<hbm>>
          %dma_start3A_729 = arith.constant 0 : i32
          %dma_start3A_730 = tpu.memref_slice %arg12[%dma_start3A_723, %dma_start3A_729] : memref<10x64xi32, #tpu.memory_space<vmem>> -> memref<1x64xi32, #tpu.memory_space<vmem>>
          %dma_start3A_731 = tpu.memref_squeeze %dma_start3A_730 : memref<1x64xi32, #tpu.memory_space<vmem>> -> memref<64xi32, #tpu.memory_space<vmem>>
          %dma_start3A_732 = tpu.memref_slice %arg3[%add3A_695, %mul3A_712] : memref<2500x128xi32, #tpu.memory_space<hbm>> -> memref<1x64xi32, #tpu.memory_space<hbm>>
          %dma_start3A_733 = tpu.memref_squeeze %dma_start3A_732 : memref<1x64xi32, #tpu.memory_space<hbm>> -> memref<64xi32, #tpu.memory_space<hbm>>
          tpu.enqueue_dma source(%dma_start3A_733 : memref<64xi32, #tpu.memory_space<hbm>>) target(%dma_start3A_731 : memref<64xi32, #tpu.memory_space<vmem>>) target_semaphore(%arg22 : memref<!tpu.dma_semaphore, #tpu.memory_space<semaphore_mem>>)
          %dma_start3A_734 = arith.constant 0 : i32
          %dma_start3A_735 = arith.constant 0 : i32
          %dma_start3A_736 = tpu.memref_slice %arg13[%dma_start3A_734, %dma_start3A_735] : memref<10x64xi32, #tpu.memory_space<vmem>> -> memref<1x64xi32, #tpu.memory_space<vmem>>
          %dma_start3A_737 = tpu.memref_squeeze %dma_start3A_736 : memref<1x64xi32, #tpu.memory_space<vmem>> -> memref<64xi32, #tpu.memory_space<vmem>>
          %dma_start3A_738 = tpu.memref_slice %arg4[%add3A_695, %mul3A_712] : memref<2500x128xi32, #tpu.memory_space<hbm>> -> memref<1x64xi32, #tpu.memory_space<hbm>>
          %dma_start3A_739 = tpu.memref_squeeze %dma_start3A_738 : memref<1x64xi32, #tpu.memory_space<hbm>> -> memref<64xi32, #tpu.memory_space<hbm>>
          %dma_start3A_740 = arith.constant 0 : i32
          %dma_start3A_741 = tpu.memref_slice %arg13[%dma_start3A_734, %dma_start3A_740] : memref<10x64xi32, #tpu.memory_space<vmem>> -> memref<1x64xi32, #tpu.memory_space<vmem>>
          %dma_start3A_742 = tpu.memref_squeeze %dma_start3A_741 : memref<1x64xi32, #tpu.memory_space<vmem>> -> memref<64xi32, #tpu.memory_space<vmem>>
          %dma_start3A_743 = tpu.memref_slice %arg4[%add3A_695, %mul3A_712] : memref<2500x128xi32, #tpu.memory_space<hbm>> -> memref<1x64xi32, #tpu.memory_space<hbm>>
          %dma_start3A_744 = tpu.memref_squeeze %dma_start3A_743 : memref<1x64xi32, #tpu.memory_space<hbm>> -> memref<64xi32, #tpu.memory_space<hbm>>
          tpu.enqueue_dma source(%dma_start3A_744 : memref<64xi32, #tpu.memory_space<hbm>>) target(%dma_start3A_742 : memref<64xi32, #tpu.memory_space<vmem>>) target_semaphore(%arg22 : memref<!tpu.dma_semaphore, #tpu.memory_space<semaphore_mem>>)
        } else {
        }
        %ge3A_718 = arith.constant 2500 : i32
        %ge3A_719 = arith.cmpi sge, %add3A_695, %ge3A_718 : i32
        %convert_element_type3A_720 = arith.extui %ge3A_719 : i1 to i32
        %cond3A_721 = arith.constant 0 : i32
        %cond3A_722 = arith.cmpi ne, %convert_element_type3A_720, %cond3A_721 : i32
        scf.if %cond3A_722 {
          %sub3A_723 = arith.constant 2500 : i32
          %sub3A_724 = arith.subi %add3A_695, %sub3A_723 : i32
          %dma_start3A_725 = arith.constant 0 : i32
          %dma_start3A_726 = arith.constant 0 : i32
          %dma_start3A_727 = tpu.memref_slice %arg12[%dma_start3A_725, %dma_start3A_726] : memref<10x64xi32, #tpu.memory_space<vmem>> -> memref<1x64xi32, #tpu.memory_space<vmem>>
          %dma_start3A_728 = tpu.memref_squeeze %dma_start3A_727 : memref<1x64xi32, #tpu.memory_space<vmem>> -> memref<64xi32, #tpu.memory_space<vmem>>
          %dma_start3A_729 = tpu.memref_slice %arg5[%sub3A_724, %mul3A_712] : memref<60x128xi32, #tpu.memory_space<hbm>> -> memref<1x64xi32, #tpu.memory_space<hbm>>
          %dma_start3A_730 = tpu.memref_squeeze %dma_start3A_729 : memref<1x64xi32, #tpu.memory_space<hbm>> -> memref<64xi32, #tpu.memory_space<hbm>>
          %dma_start3A_731 = arith.constant 0 : i32
          %dma_start3A_732 = tpu.memref_slice %arg12[%dma_start3A_725, %dma_start3A_731] : memref<10x64xi32, #tpu.memory_space<vmem>> -> memref<1x64xi32, #tpu.memory_space<vmem>>
          %dma_start3A_733 = tpu.memref_squeeze %dma_start3A_732 : memref<1x64xi32, #tpu.memory_space<vmem>> -> memref<64xi32, #tpu.memory_space<vmem>>
          %dma_start3A_734 = tpu.memref_slice %arg5[%sub3A_724, %mul3A_712] : memref<60x128xi32, #tpu.memory_space<hbm>> -> memref<1x64xi32, #tpu.memory_space<hbm>>
          %dma_start3A_735 = tpu.memref_squeeze %dma_start3A_734 : memref<1x64xi32, #tpu.memory_space<hbm>> -> memref<64xi32, #tpu.memory_space<hbm>>
          tpu.enqueue_dma source(%dma_start3A_735 : memref<64xi32, #tpu.memory_space<hbm>>) target(%dma_start3A_733 : memref<64xi32, #tpu.memory_space<vmem>>) target_semaphore(%arg22 : memref<!tpu.dma_semaphore, #tpu.memory_space<semaphore_mem>>)
          %sub3A_736 = arith.constant 2500 : i32
          %sub3A_737 = arith.subi %add3A_695, %sub3A_736 : i32
          %dma_start3A_738 = arith.constant 0 : i32
          %dma_start3A_739 = arith.constant 0 : i32
          %dma_start3A_740 = tpu.memref_slice %arg13[%dma_start3A_738, %dma_start3A_739] : memref<10x64xi32, #tpu.memory_space<vmem>> -> memref<1x64xi32, #tpu.memory_space<vmem>>
          %dma_start3A_741 = tpu.memref_squeeze %dma_start3A_740 : memref<1x64xi32, #tpu.memory_space<vmem>> -> memref<64xi32, #tpu.memory_space<vmem>>
          %dma_start3A_742 = tpu.memref_slice %arg6[%sub3A_737, %mul3A_712] : memref<60x128xi32, #tpu.memory_space<hbm>> -> memref<1x64xi32, #tpu.memory_space<hbm>>
          %dma_start3A_743 = tpu.memref_squeeze %dma_start3A_742 : memref<1x64xi32, #tpu.memory_space<hbm>> -> memref<64xi32, #tpu.memory_space<hbm>>
          %dma_start3A_744 = arith.constant 0 : i32
          %dma_start3A_745 = tpu.memref_slice %arg13[%dma_start3A_738, %dma_start3A_744] : memref<10x64xi32, #tpu.memory_space<vmem>> -> memref<1x64xi32, #tpu.memory_space<vmem>>
          %dma_start3A_746 = tpu.memref_squeeze %dma_start3A_745 : memref<1x64xi32, #tpu.memory_space<vmem>> -> memref<64xi32, #tpu.memory_space<vmem>>
          %dma_start3A_747 = tpu.memref_slice %arg6[%sub3A_737, %mul3A_712] : memref<60x128xi32, #tpu.memory_space<hbm>> -> memref<1x64xi32, #tpu.memory_space<hbm>>
          %dma_start3A_748 = tpu.memref_squeeze %dma_start3A_747 : memref<1x64xi32, #tpu.memory_space<hbm>> -> memref<64xi32, #tpu.memory_space<hbm>>
          tpu.enqueue_dma source(%dma_start3A_748 : memref<64xi32, #tpu.memory_space<hbm>>) target(%dma_start3A_746 : memref<64xi32, #tpu.memory_space<vmem>>) target_semaphore(%arg22 : memref<!tpu.dma_semaphore, #tpu.memory_space<semaphore_mem>>)
        } else {
        }
      } else {
      }
      %add3A_482 = arith.constant 3 : i32
      %add3A_483 = arith.addi %add3A_445, %add3A_482 : i32
      %lt3A_484 = arith.constant 160 : i32
      %lt3A_485 = arith.cmpi slt, %add3A_483, %lt3A_484 : i32
      %convert_element_type3A_486 = arith.extui %lt3A_485 : i1 to i32
      %cond3A_487 = arith.constant 0 : i32
      %cond3A_488 = arith.cmpi ne, %convert_element_type3A_486, %cond3A_487 : i32
      scf.if %cond3A_488 {
        %dma_wait3A_677 = arith.constant 0 : i32
        %dma_wait3A_678 = arith.constant 8 : i32
        %dma_wait3A_679 = arith.constant 0 : i32
        %dma_wait3A_680 = tpu.memref_slice %arg12[%dma_wait3A_678, %dma_wait3A_679] : memref<10x64xi32, #tpu.memory_space<vmem>> -> memref<1x64xi32, #tpu.memory_space<vmem>>
        %dma_wait3A_681 = tpu.memref_squeeze %dma_wait3A_680 : memref<1x64xi32, #tpu.memory_space<vmem>> -> memref<64xi32, #tpu.memory_space<vmem>>
        %dma_wait3A_682 = arith.constant 0 : i32
        %dma_wait3A_683 = tpu.memref_slice %arg3[%dma_wait3A_677, %dma_wait3A_682] : memref<2500x128xi32, #tpu.memory_space<hbm>> -> memref<1x64xi32, #tpu.memory_space<hbm>>
        %dma_wait3A_684 = tpu.memref_squeeze %dma_wait3A_683 : memref<1x64xi32, #tpu.memory_space<hbm>> -> memref<64xi32, #tpu.memory_space<hbm>>
        %dma_wait3A_685 = arith.constant 0 : i32
        %dma_wait3A_686 = tpu.memref_slice %arg12[%dma_wait3A_678, %dma_wait3A_685] : memref<10x64xi32, #tpu.memory_space<vmem>> -> memref<1x64xi32, #tpu.memory_space<vmem>>
        %dma_wait3A_687 = tpu.memref_squeeze %dma_wait3A_686 : memref<1x64xi32, #tpu.memory_space<vmem>> -> memref<64xi32, #tpu.memory_space<vmem>>
        %dma_wait3A_688 = arith.constant 0 : i32
        %dma_wait3A_689 = tpu.memref_slice %arg3[%dma_wait3A_677, %dma_wait3A_688] : memref<2500x128xi32, #tpu.memory_space<hbm>> -> memref<1x64xi32, #tpu.memory_space<hbm>>
        %dma_wait3A_690 = tpu.memref_squeeze %dma_wait3A_689 : memref<1x64xi32, #tpu.memory_space<hbm>> -> memref<64xi32, #tpu.memory_space<hbm>>
        tpu.wait_dma2 semaphore(%arg30 : memref<!tpu.dma_semaphore, #tpu.memory_space<semaphore_mem>>) src(%dma_wait3A_690 : memref<64xi32, #tpu.memory_space<hbm>>) dst(%dma_wait3A_687 : memref<64xi32, #tpu.memory_space<vmem>>)
        %dma_wait3A_691 = arith.constant 0 : i32
        %dma_wait3A_692 = arith.constant 8 : i32
        %dma_wait3A_693 = arith.constant 0 : i32
        %dma_wait3A_694 = tpu.memref_slice %arg12[%dma_wait3A_692, %dma_wait3A_693] : memref<10x64xi32, #tpu.memory_space<vmem>> -> memref<1x64xi32, #tpu.memory_space<vmem>>
        %dma_wait3A_695 = tpu.memref_squeeze %dma_wait3A_694 : memref<1x64xi32, #tpu.memory_space<vmem>> -> memref<64xi32, #tpu.memory_space<vmem>>
        %dma_wait3A_696 = arith.constant 0 : i32
        %dma_wait3A_697 = tpu.memref_slice %arg3[%dma_wait3A_691, %dma_wait3A_696] : memref<2500x128xi32, #tpu.memory_space<hbm>> -> memref<1x64xi32, #tpu.memory_space<hbm>>
        %dma_wait3A_698 = tpu.memref_squeeze %dma_wait3A_697 : memref<1x64xi32, #tpu.memory_space<hbm>> -> memref<64xi32, #tpu.memory_space<hbm>>
        %dma_wait3A_699 = arith.constant 0 : i32
        %dma_wait3A_700 = tpu.memref_slice %arg12[%dma_wait3A_692, %dma_wait3A_699] : memref<10x64xi32, #tpu.memory_space<vmem>> -> memref<1x64xi32, #tpu.memory_space<vmem>>
        %dma_wait3A_701 = tpu.memref_squeeze %dma_wait3A_700 : memref<1x64xi32, #tpu.memory_space<vmem>> -> memref<64xi32, #tpu.memory_space<vmem>>
        %dma_wait3A_702 = arith.constant 0 : i32
        %dma_wait3A_703 = tpu.memref_slice %arg3[%dma_wait3A_691, %dma_wait3A_702] : memref<2500x128xi32, #tpu.memory_space<hbm>> -> memref<1x64xi32, #tpu.memory_space<hbm>>
        %dma_wait3A_704 = tpu.memref_squeeze %dma_wait3A_703 : memref<1x64xi32, #tpu.memory_space<hbm>> -> memref<64xi32, #tpu.memory_space<hbm>>
        tpu.wait_dma2 semaphore(%arg30 : memref<!tpu.dma_semaphore, #tpu.memory_space<semaphore_mem>>) src(%dma_wait3A_704 : memref<64xi32, #tpu.memory_space<hbm>>) dst(%dma_wait3A_701 : memref<64xi32, #tpu.memory_space<vmem>>)
        %dma_start3A_705 = arith.constant 8 : i32
        %dma_start3A_706 = arith.constant 0 : i32
        %dma_start3A_707 = tpu.memref_slice %arg12[%dma_start3A_705, %dma_start3A_706] : memref<10x64xi32, #tpu.memory_space<vmem>> -> memref<1x64xi32, #tpu.memory_space<vmem>>
        %dma_start3A_708 = tpu.memref_squeeze %dma_start3A_707 : memref<1x64xi32, #tpu.memory_space<vmem>> -> memref<64xi32, #tpu.memory_space<vmem>>
        %dma_start3A_709 = arith.constant 0 : i32
        %dma_start3A_710 = arith.constant 0 : i32
        %dma_start3A_711 = tpu.memref_slice %arg2[%dma_start3A_709, %dma_start3A_710] : memref<10240x128xf32, #tpu.memory_space<hbm>> -> memref<10240x128xf32, #tpu.memory_space<hbm>>
        tpu.enqueue_indirect_dma source(%dma_start3A_711 : memref<10240x128xf32, #tpu.memory_space<hbm>>) target(%arg17 : memref<64x128xf32, #tpu.memory_space<vmem>>) offsets(%dma_start3A_708 : memref<64xi32, #tpu.memory_space<vmem>>) semaphore(%arg35 : memref<!tpu.dma_semaphore, #tpu.memory_space<semaphore_mem>>)
      } else {
      }
      %mul3A_489 = arith.constant 10 : i32
      %mul3A_490 = arith.muli %mul3A_489, %add3A_217 : i32
      %add3A_491 = arith.constant 6 : i32
      %add3A_492 = arith.addi %mul3A_490, %add3A_491 : i32
      %dma_wait3A_493 = arith.constant 0 : i32
      %dma_wait3A_494 = arith.constant 0 : i32
      %dma_wait3A_495 = tpu.memref_slice %arg2[%dma_wait3A_493, %dma_wait3A_494] : memref<10240x128xf32, #tpu.memory_space<hbm>> -> memref<64x128xf32, #tpu.memory_space<hbm>>
      %dma_wait3A_496 = arith.constant 0 : i32
      %dma_wait3A_497 = arith.constant 0 : i32
      %dma_wait3A_498 = tpu.memref_slice %arg2[%dma_wait3A_496, %dma_wait3A_497] : memref<10240x128xf32, #tpu.memory_space<hbm>> -> memref<64x128xf32, #tpu.memory_space<hbm>>
      tpu.wait_dma2 semaphore(%arg33 : memref<!tpu.dma_semaphore, #tpu.memory_space<semaphore_mem>>) src(%dma_wait3A_498 : memref<64x128xf32, #tpu.memory_space<hbm>>) dst(%arg15 : memref<64x128xf32, #tpu.memory_space<vmem>>)
      %dma_start3A_499 = arith.constant 6 : i32
      %dma_start3A_500 = arith.constant 0 : i32
      %dma_start3A_501 = tpu.memref_slice %arg13[%dma_start3A_499, %dma_start3A_500] : memref<10x64xi32, #tpu.memory_space<vmem>> -> memref<1x64xi32, #tpu.memory_space<vmem>>
      %dma_start3A_502 = tpu.memref_squeeze %dma_start3A_501 : memref<1x64xi32, #tpu.memory_space<vmem>> -> memref<64xi32, #tpu.memory_space<vmem>>
      %dma_start3A_503 = arith.constant 0 : i32
      %dma_start3A_504 = arith.constant 0 : i32
      %dma_start3A_505 = tpu.memref_slice %arg20[%dma_start3A_503, %dma_start3A_504] : memref<10240x128xf32, #tpu.memory_space<vmem_shared>> -> memref<10240x128xf32, #tpu.memory_space<vmem_shared>>
      tpu.enqueue_indirect_dma source(%arg15 : memref<64x128xf32, #tpu.memory_space<vmem>>) target(%dma_start3A_505 : memref<10240x128xf32, #tpu.memory_space<vmem_shared>>) offsets(%dma_start3A_502 : memref<64xi32, #tpu.memory_space<vmem>>) semaphore(%arg38 : memref<!tpu.dma_semaphore, #tpu.memory_space<semaphore_mem>>) {add = true}
      %dma_start3A_506 = arith.constant 6 : i32
      %dma_start3A_507 = arith.constant 0 : i32
      %dma_start3A_508 = tpu.memref_slice %arg13[%dma_start3A_506, %dma_start3A_507] : memref<10x64xi32, #tpu.memory_space<vmem>> -> memref<1x64xi32, #tpu.memory_space<vmem>>
      %dma_start3A_509 = tpu.memref_squeeze %dma_start3A_508 : memref<1x64xi32, #tpu.memory_space<vmem>> -> memref<64xi32, #tpu.memory_space<vmem>>
      %dma_start3A_510 = arith.constant 0 : i32
      %dma_start3A_511 = tpu.memref_slice %arg21[%dma_start3A_510] : memref<10240xf32, #tpu.memory_space<vmem_shared>> -> memref<10240xf32, #tpu.memory_space<vmem_shared>>
      tpu.enqueue_indirect_dma source(%arg19 : memref<64xf32, #tpu.memory_space<vmem>>) target(%dma_start3A_511 : memref<10240xf32, #tpu.memory_space<vmem_shared>>) offsets(%dma_start3A_509 : memref<64xi32, #tpu.memory_space<vmem>>) semaphore(%arg38 : memref<!tpu.dma_semaphore, #tpu.memory_space<semaphore_mem>>) {add = true}
      %dma_wait3A_512 = arith.constant 0 : i32
      %dma_wait3A_513 = arith.constant 0 : i32
      %dma_wait3A_514 = tpu.memref_slice %arg20[%dma_wait3A_512, %dma_wait3A_513] : memref<10240x128xf32, #tpu.memory_space<vmem_shared>> -> memref<64x128xf32, #tpu.memory_space<vmem_shared>>
      %dma_wait3A_515 = arith.constant 0 : i32
      %dma_wait3A_516 = arith.constant 0 : i32
      %dma_wait3A_517 = tpu.memref_slice %arg20[%dma_wait3A_515, %dma_wait3A_516] : memref<10240x128xf32, #tpu.memory_space<vmem_shared>> -> memref<64x128xf32, #tpu.memory_space<vmem_shared>>
      tpu.wait_dma2 semaphore(%arg41 : memref<!tpu.dma_semaphore, #tpu.memory_space<semaphore_mem>>) src(%arg18 : memref<64x128xf32, #tpu.memory_space<vmem>>) dst(%dma_wait3A_517 : memref<64x128xf32, #tpu.memory_space<vmem_shared>>)
      %dma_wait3A_518 = arith.constant 0 : i32
      %dma_wait3A_519 = tpu.memref_slice %arg21[%dma_wait3A_518] : memref<10240xf32, #tpu.memory_space<vmem_shared>> -> memref<64xf32, #tpu.memory_space<vmem_shared>>
      %dma_wait3A_520 = arith.constant 0 : i32
      %dma_wait3A_521 = tpu.memref_slice %arg21[%dma_wait3A_520] : memref<10240xf32, #tpu.memory_space<vmem_shared>> -> memref<64xf32, #tpu.memory_space<vmem_shared>>
      tpu.wait_dma2 semaphore(%arg41 : memref<!tpu.dma_semaphore, #tpu.memory_space<semaphore_mem>>) src(%arg19 : memref<64xf32, #tpu.memory_space<vmem>>) dst(%dma_wait3A_521 : memref<64xf32, #tpu.memory_space<vmem_shared>>)
      %add3A_522 = arith.constant 5 : i32
      %add3A_523 = arith.addi %add3A_492, %add3A_522 : i32
      %lt3A_524 = arith.constant 160 : i32
      %lt3A_525 = arith.cmpi slt, %add3A_523, %lt3A_524 : i32
      %convert_element_type3A_526 = arith.extui %lt3A_525 : i1 to i32
      %cond3A_527 = arith.constant 0 : i32
      %cond3A_528 = arith.cmpi ne, %convert_element_type3A_526, %cond3A_527 : i32
      scf.if %cond3A_528 {
        %add3A_677 = arith.constant 5 : i32
        %add3A_678 = arith.addi %add3A_492, %add3A_677 : i32
        %jit3A = arith.constant 2 : i32
        %div3A = arith.divsi %add3A_678, %jit3A : i32
        %sign3A = arith.constant 0 : i32
        %sign3A_679 = arith.cmpi sgt, %add3A_678, %sign3A : i32
        %sign3A_680 = arith.extui %sign3A_679 : i1 to i32
        %sign3A_681 = arith.constant 0 : i32
        %sign3A_682 = arith.cmpi slt, %add3A_678, %sign3A_681 : i32
        %sign3A_683 = arith.extui %sign3A_682 : i1 to i32
        %sign3A_684 = arith.subi %sign3A_680, %sign3A_683 : i32
        %sign3A_685 = arith.constant 0 : i32
        %sign3A_686 = arith.cmpi sgt, %jit3A, %sign3A_685 : i32
        %sign3A_687 = arith.extui %sign3A_686 : i1 to i32
        %sign3A_688 = arith.constant 0 : i32
        %sign3A_689 = arith.cmpi slt, %jit3A, %sign3A_688 : i32
        %sign3A_690 = arith.extui %sign3A_689 : i1 to i32
        %sign3A_691 = arith.subi %sign3A_687, %sign3A_690 : i32
        %ne3A = arith.cmpi ne, %sign3A_684, %sign3A_691 : i32
        %rem3A = arith.remsi %add3A_678, %jit3A : i32
        %ne3A_692 = arith.constant 0 : i32
        %ne3A_693 = arith.cmpi ne, %rem3A, %ne3A_692 : i32
        %and3A = arith.andi %ne3A, %ne3A_693 : i1
        %sub3A = arith.constant 1 : i32
        %sub3A_694 = arith.subi %div3A, %sub3A : i32
        %select_n3A = arith.select %and3A, %sub3A_694, %div3A : i32
        %add3A_695 = arith.addi %mul3A_2, %select_n3A : i32
        %jit3A_696 = arith.constant 2 : i32
        %eq3A = arith.constant 0 : i32
        %eq3A_697 = arith.cmpi eq, %jit3A_696, %eq3A : i32
        %jit3A_698 = arith.constant 1 : i32
        %select_n3A_699 = arith.select %eq3A_697, %jit3A_698, %jit3A_696 : i32
        %rem3A_700 = arith.remsi %add3A_678, %select_n3A_699 : i32
        %ne3A_701 = arith.constant 0 : i32
        %ne3A_702 = arith.cmpi ne, %rem3A_700, %ne3A_701 : i32
        %lt3A_703 = arith.constant 0 : i32
        %lt3A_704 = arith.cmpi slt, %rem3A_700, %lt3A_703 : i32
        %lt3A_705 = arith.constant 0 : i32
        %lt3A_706 = arith.cmpi slt, %select_n3A_699, %lt3A_705 : i32
        %ne3A_707 = arith.xori %lt3A_704, %lt3A_706 : i1
        %and3A_708 = arith.andi %ne3A_707, %ne3A_702 : i1
        %add3A_709 = arith.addi %rem3A_700, %select_n3A_699 : i32
        %select_n3A_710 = arith.select %and3A_708, %add3A_709, %rem3A_700 : i32
        %mul3A_711 = arith.constant 64 : i32
        %mul3A_712 = arith.muli %select_n3A_710, %mul3A_711 : i32
        %lt3A_713 = arith.constant 2500 : i32
        %lt3A_714 = arith.cmpi slt, %add3A_695, %lt3A_713 : i32
        %convert_element_type3A_715 = arith.extui %lt3A_714 : i1 to i32
        %cond3A_716 = arith.constant 0 : i32
        %cond3A_717 = arith.cmpi ne, %convert_element_type3A_715, %cond3A_716 : i32
        scf.if %cond3A_717 {
          %dma_start3A_723 = arith.constant 1 : i32
          %dma_start3A_724 = arith.constant 0 : i32
          %dma_start3A_725 = tpu.memref_slice %arg12[%dma_start3A_723, %dma_start3A_724] : memref<10x64xi32, #tpu.memory_space<vmem>> -> memref<1x64xi32, #tpu.memory_space<vmem>>
          %dma_start3A_726 = tpu.memref_squeeze %dma_start3A_725 : memref<1x64xi32, #tpu.memory_space<vmem>> -> memref<64xi32, #tpu.memory_space<vmem>>
          %dma_start3A_727 = tpu.memref_slice %arg3[%add3A_695, %mul3A_712] : memref<2500x128xi32, #tpu.memory_space<hbm>> -> memref<1x64xi32, #tpu.memory_space<hbm>>
          %dma_start3A_728 = tpu.memref_squeeze %dma_start3A_727 : memref<1x64xi32, #tpu.memory_space<hbm>> -> memref<64xi32, #tpu.memory_space<hbm>>
          %dma_start3A_729 = arith.constant 0 : i32
          %dma_start3A_730 = tpu.memref_slice %arg12[%dma_start3A_723, %dma_start3A_729] : memref<10x64xi32, #tpu.memory_space<vmem>> -> memref<1x64xi32, #tpu.memory_space<vmem>>
          %dma_start3A_731 = tpu.memref_squeeze %dma_start3A_730 : memref<1x64xi32, #tpu.memory_space<vmem>> -> memref<64xi32, #tpu.memory_space<vmem>>
          %dma_start3A_732 = tpu.memref_slice %arg3[%add3A_695, %mul3A_712] : memref<2500x128xi32, #tpu.memory_space<hbm>> -> memref<1x64xi32, #tpu.memory_space<hbm>>
          %dma_start3A_733 = tpu.memref_squeeze %dma_start3A_732 : memref<1x64xi32, #tpu.memory_space<hbm>> -> memref<64xi32, #tpu.memory_space<hbm>>
          tpu.enqueue_dma source(%dma_start3A_733 : memref<64xi32, #tpu.memory_space<hbm>>) target(%dma_start3A_731 : memref<64xi32, #tpu.memory_space<vmem>>) target_semaphore(%arg23 : memref<!tpu.dma_semaphore, #tpu.memory_space<semaphore_mem>>)
          %dma_start3A_734 = arith.constant 1 : i32
          %dma_start3A_735 = arith.constant 0 : i32
          %dma_start3A_736 = tpu.memref_slice %arg13[%dma_start3A_734, %dma_start3A_735] : memref<10x64xi32, #tpu.memory_space<vmem>> -> memref<1x64xi32, #tpu.memory_space<vmem>>
          %dma_start3A_737 = tpu.memref_squeeze %dma_start3A_736 : memref<1x64xi32, #tpu.memory_space<vmem>> -> memref<64xi32, #tpu.memory_space<vmem>>
          %dma_start3A_738 = tpu.memref_slice %arg4[%add3A_695, %mul3A_712] : memref<2500x128xi32, #tpu.memory_space<hbm>> -> memref<1x64xi32, #tpu.memory_space<hbm>>
          %dma_start3A_739 = tpu.memref_squeeze %dma_start3A_738 : memref<1x64xi32, #tpu.memory_space<hbm>> -> memref<64xi32, #tpu.memory_space<hbm>>
          %dma_start3A_740 = arith.constant 0 : i32
          %dma_start3A_741 = tpu.memref_slice %arg13[%dma_start3A_734, %dma_start3A_740] : memref<10x64xi32, #tpu.memory_space<vmem>> -> memref<1x64xi32, #tpu.memory_space<vmem>>
          %dma_start3A_742 = tpu.memref_squeeze %dma_start3A_741 : memref<1x64xi32, #tpu.memory_space<vmem>> -> memref<64xi32, #tpu.memory_space<vmem>>
          %dma_start3A_743 = tpu.memref_slice %arg4[%add3A_695, %mul3A_712] : memref<2500x128xi32, #tpu.memory_space<hbm>> -> memref<1x64xi32, #tpu.memory_space<hbm>>
          %dma_start3A_744 = tpu.memref_squeeze %dma_start3A_743 : memref<1x64xi32, #tpu.memory_space<hbm>> -> memref<64xi32, #tpu.memory_space<hbm>>
          tpu.enqueue_dma source(%dma_start3A_744 : memref<64xi32, #tpu.memory_space<hbm>>) target(%dma_start3A_742 : memref<64xi32, #tpu.memory_space<vmem>>) target_semaphore(%arg23 : memref<!tpu.dma_semaphore, #tpu.memory_space<semaphore_mem>>)
        } else {
        }
        %ge3A_718 = arith.constant 2500 : i32
        %ge3A_719 = arith.cmpi sge, %add3A_695, %ge3A_718 : i32
        %convert_element_type3A_720 = arith.extui %ge3A_719 : i1 to i32
        %cond3A_721 = arith.constant 0 : i32
        %cond3A_722 = arith.cmpi ne, %convert_element_type3A_720, %cond3A_721 : i32
        scf.if %cond3A_722 {
          %sub3A_723 = arith.constant 2500 : i32
          %sub3A_724 = arith.subi %add3A_695, %sub3A_723 : i32
          %dma_start3A_725 = arith.constant 1 : i32
          %dma_start3A_726 = arith.constant 0 : i32
          %dma_start3A_727 = tpu.memref_slice %arg12[%dma_start3A_725, %dma_start3A_726] : memref<10x64xi32, #tpu.memory_space<vmem>> -> memref<1x64xi32, #tpu.memory_space<vmem>>
          %dma_start3A_728 = tpu.memref_squeeze %dma_start3A_727 : memref<1x64xi32, #tpu.memory_space<vmem>> -> memref<64xi32, #tpu.memory_space<vmem>>
          %dma_start3A_729 = tpu.memref_slice %arg5[%sub3A_724, %mul3A_712] : memref<60x128xi32, #tpu.memory_space<hbm>> -> memref<1x64xi32, #tpu.memory_space<hbm>>
          %dma_start3A_730 = tpu.memref_squeeze %dma_start3A_729 : memref<1x64xi32, #tpu.memory_space<hbm>> -> memref<64xi32, #tpu.memory_space<hbm>>
          %dma_start3A_731 = arith.constant 0 : i32
          %dma_start3A_732 = tpu.memref_slice %arg12[%dma_start3A_725, %dma_start3A_731] : memref<10x64xi32, #tpu.memory_space<vmem>> -> memref<1x64xi32, #tpu.memory_space<vmem>>
          %dma_start3A_733 = tpu.memref_squeeze %dma_start3A_732 : memref<1x64xi32, #tpu.memory_space<vmem>> -> memref<64xi32, #tpu.memory_space<vmem>>
          %dma_start3A_734 = tpu.memref_slice %arg5[%sub3A_724, %mul3A_712] : memref<60x128xi32, #tpu.memory_space<hbm>> -> memref<1x64xi32, #tpu.memory_space<hbm>>
          %dma_start3A_735 = tpu.memref_squeeze %dma_start3A_734 : memref<1x64xi32, #tpu.memory_space<hbm>> -> memref<64xi32, #tpu.memory_space<hbm>>
          tpu.enqueue_dma source(%dma_start3A_735 : memref<64xi32, #tpu.memory_space<hbm>>) target(%dma_start3A_733 : memref<64xi32, #tpu.memory_space<vmem>>) target_semaphore(%arg23 : memref<!tpu.dma_semaphore, #tpu.memory_space<semaphore_mem>>)
          %sub3A_736 = arith.constant 2500 : i32
          %sub3A_737 = arith.subi %add3A_695, %sub3A_736 : i32
          %dma_start3A_738 = arith.constant 1 : i32
          %dma_start3A_739 = arith.constant 0 : i32
          %dma_start3A_740 = tpu.memref_slice %arg13[%dma_start3A_738, %dma_start3A_739] : memref<10x64xi32, #tpu.memory_space<vmem>> -> memref<1x64xi32, #tpu.memory_space<vmem>>
          %dma_start3A_741 = tpu.memref_squeeze %dma_start3A_740 : memref<1x64xi32, #tpu.memory_space<vmem>> -> memref<64xi32, #tpu.memory_space<vmem>>
          %dma_start3A_742 = tpu.memref_slice %arg6[%sub3A_737, %mul3A_712] : memref<60x128xi32, #tpu.memory_space<hbm>> -> memref<1x64xi32, #tpu.memory_space<hbm>>
          %dma_start3A_743 = tpu.memref_squeeze %dma_start3A_742 : memref<1x64xi32, #tpu.memory_space<hbm>> -> memref<64xi32, #tpu.memory_space<hbm>>
          %dma_start3A_744 = arith.constant 0 : i32
          %dma_start3A_745 = tpu.memref_slice %arg13[%dma_start3A_738, %dma_start3A_744] : memref<10x64xi32, #tpu.memory_space<vmem>> -> memref<1x64xi32, #tpu.memory_space<vmem>>
          %dma_start3A_746 = tpu.memref_squeeze %dma_start3A_745 : memref<1x64xi32, #tpu.memory_space<vmem>> -> memref<64xi32, #tpu.memory_space<vmem>>
          %dma_start3A_747 = tpu.memref_slice %arg6[%sub3A_737, %mul3A_712] : memref<60x128xi32, #tpu.memory_space<hbm>> -> memref<1x64xi32, #tpu.memory_space<hbm>>
          %dma_start3A_748 = tpu.memref_squeeze %dma_start3A_747 : memref<1x64xi32, #tpu.memory_space<hbm>> -> memref<64xi32, #tpu.memory_space<hbm>>
          tpu.enqueue_dma source(%dma_start3A_748 : memref<64xi32, #tpu.memory_space<hbm>>) target(%dma_start3A_746 : memref<64xi32, #tpu.memory_space<vmem>>) target_semaphore(%arg23 : memref<!tpu.dma_semaphore, #tpu.memory_space<semaphore_mem>>)
        } else {
        }
      } else {
      }
      %add3A_529 = arith.constant 3 : i32
      %add3A_530 = arith.addi %add3A_492, %add3A_529 : i32
      %lt3A_531 = arith.constant 160 : i32
      %lt3A_532 = arith.cmpi slt, %add3A_530, %lt3A_531 : i32
      %convert_element_type3A_533 = arith.extui %lt3A_532 : i1 to i32
      %cond3A_534 = arith.constant 0 : i32
      %cond3A_535 = arith.cmpi ne, %convert_element_type3A_533, %cond3A_534 : i32
      scf.if %cond3A_535 {
        %dma_wait3A_677 = arith.constant 0 : i32
        %dma_wait3A_678 = arith.constant 9 : i32
        %dma_wait3A_679 = arith.constant 0 : i32
        %dma_wait3A_680 = tpu.memref_slice %arg12[%dma_wait3A_678, %dma_wait3A_679] : memref<10x64xi32, #tpu.memory_space<vmem>> -> memref<1x64xi32, #tpu.memory_space<vmem>>
        %dma_wait3A_681 = tpu.memref_squeeze %dma_wait3A_680 : memref<1x64xi32, #tpu.memory_space<vmem>> -> memref<64xi32, #tpu.memory_space<vmem>>
        %dma_wait3A_682 = arith.constant 0 : i32
        %dma_wait3A_683 = tpu.memref_slice %arg3[%dma_wait3A_677, %dma_wait3A_682] : memref<2500x128xi32, #tpu.memory_space<hbm>> -> memref<1x64xi32, #tpu.memory_space<hbm>>
        %dma_wait3A_684 = tpu.memref_squeeze %dma_wait3A_683 : memref<1x64xi32, #tpu.memory_space<hbm>> -> memref<64xi32, #tpu.memory_space<hbm>>
        %dma_wait3A_685 = arith.constant 0 : i32
        %dma_wait3A_686 = tpu.memref_slice %arg12[%dma_wait3A_678, %dma_wait3A_685] : memref<10x64xi32, #tpu.memory_space<vmem>> -> memref<1x64xi32, #tpu.memory_space<vmem>>
        %dma_wait3A_687 = tpu.memref_squeeze %dma_wait3A_686 : memref<1x64xi32, #tpu.memory_space<vmem>> -> memref<64xi32, #tpu.memory_space<vmem>>
        %dma_wait3A_688 = arith.constant 0 : i32
        %dma_wait3A_689 = tpu.memref_slice %arg3[%dma_wait3A_677, %dma_wait3A_688] : memref<2500x128xi32, #tpu.memory_space<hbm>> -> memref<1x64xi32, #tpu.memory_space<hbm>>
        %dma_wait3A_690 = tpu.memref_squeeze %dma_wait3A_689 : memref<1x64xi32, #tpu.memory_space<hbm>> -> memref<64xi32, #tpu.memory_space<hbm>>
        tpu.wait_dma2 semaphore(%arg31 : memref<!tpu.dma_semaphore, #tpu.memory_space<semaphore_mem>>) src(%dma_wait3A_690 : memref<64xi32, #tpu.memory_space<hbm>>) dst(%dma_wait3A_687 : memref<64xi32, #tpu.memory_space<vmem>>)
        %dma_wait3A_691 = arith.constant 0 : i32
        %dma_wait3A_692 = arith.constant 9 : i32
        %dma_wait3A_693 = arith.constant 0 : i32
        %dma_wait3A_694 = tpu.memref_slice %arg12[%dma_wait3A_692, %dma_wait3A_693] : memref<10x64xi32, #tpu.memory_space<vmem>> -> memref<1x64xi32, #tpu.memory_space<vmem>>
        %dma_wait3A_695 = tpu.memref_squeeze %dma_wait3A_694 : memref<1x64xi32, #tpu.memory_space<vmem>> -> memref<64xi32, #tpu.memory_space<vmem>>
        %dma_wait3A_696 = arith.constant 0 : i32
        %dma_wait3A_697 = tpu.memref_slice %arg3[%dma_wait3A_691, %dma_wait3A_696] : memref<2500x128xi32, #tpu.memory_space<hbm>> -> memref<1x64xi32, #tpu.memory_space<hbm>>
        %dma_wait3A_698 = tpu.memref_squeeze %dma_wait3A_697 : memref<1x64xi32, #tpu.memory_space<hbm>> -> memref<64xi32, #tpu.memory_space<hbm>>
        %dma_wait3A_699 = arith.constant 0 : i32
        %dma_wait3A_700 = tpu.memref_slice %arg12[%dma_wait3A_692, %dma_wait3A_699] : memref<10x64xi32, #tpu.memory_space<vmem>> -> memref<1x64xi32, #tpu.memory_space<vmem>>
        %dma_wait3A_701 = tpu.memref_squeeze %dma_wait3A_700 : memref<1x64xi32, #tpu.memory_space<vmem>> -> memref<64xi32, #tpu.memory_space<vmem>>
        %dma_wait3A_702 = arith.constant 0 : i32
        %dma_wait3A_703 = tpu.memref_slice %arg3[%dma_wait3A_691, %dma_wait3A_702] : memref<2500x128xi32, #tpu.memory_space<hbm>> -> memref<1x64xi32, #tpu.memory_space<hbm>>
        %dma_wait3A_704 = tpu.memref_squeeze %dma_wait3A_703 : memref<1x64xi32, #tpu.memory_space<hbm>> -> memref<64xi32, #tpu.memory_space<hbm>>
        tpu.wait_dma2 semaphore(%arg31 : memref<!tpu.dma_semaphore, #tpu.memory_space<semaphore_mem>>) src(%dma_wait3A_704 : memref<64xi32, #tpu.memory_space<hbm>>) dst(%dma_wait3A_701 : memref<64xi32, #tpu.memory_space<vmem>>)
        %dma_start3A_705 = arith.constant 9 : i32
        %dma_start3A_706 = arith.constant 0 : i32
        %dma_start3A_707 = tpu.memref_slice %arg12[%dma_start3A_705, %dma_start3A_706] : memref<10x64xi32, #tpu.memory_space<vmem>> -> memref<1x64xi32, #tpu.memory_space<vmem>>
        %dma_start3A_708 = tpu.memref_squeeze %dma_start3A_707 : memref<1x64xi32, #tpu.memory_space<vmem>> -> memref<64xi32, #tpu.memory_space<vmem>>
        %dma_start3A_709 = arith.constant 0 : i32
        %dma_start3A_710 = arith.constant 0 : i32
        %dma_start3A_711 = tpu.memref_slice %arg2[%dma_start3A_709, %dma_start3A_710] : memref<10240x128xf32, #tpu.memory_space<hbm>> -> memref<10240x128xf32, #tpu.memory_space<hbm>>
        tpu.enqueue_indirect_dma source(%dma_start3A_711 : memref<10240x128xf32, #tpu.memory_space<hbm>>) target(%arg18 : memref<64x128xf32, #tpu.memory_space<vmem>>) offsets(%dma_start3A_708 : memref<64xi32, #tpu.memory_space<vmem>>) semaphore(%arg36 : memref<!tpu.dma_semaphore, #tpu.memory_space<semaphore_mem>>)
      } else {
      }
      %mul3A_536 = arith.constant 10 : i32
      %mul3A_537 = arith.muli %mul3A_536, %add3A_217 : i32
      %add3A_538 = arith.constant 7 : i32
      %add3A_539 = arith.addi %mul3A_537, %add3A_538 : i32
      %dma_wait3A_540 = arith.constant 0 : i32
      %dma_wait3A_541 = arith.constant 0 : i32
      %dma_wait3A_542 = tpu.memref_slice %arg2[%dma_wait3A_540, %dma_wait3A_541] : memref<10240x128xf32, #tpu.memory_space<hbm>> -> memref<64x128xf32, #tpu.memory_space<hbm>>
      %dma_wait3A_543 = arith.constant 0 : i32
      %dma_wait3A_544 = arith.constant 0 : i32
      %dma_wait3A_545 = tpu.memref_slice %arg2[%dma_wait3A_543, %dma_wait3A_544] : memref<10240x128xf32, #tpu.memory_space<hbm>> -> memref<64x128xf32, #tpu.memory_space<hbm>>
      tpu.wait_dma2 semaphore(%arg34 : memref<!tpu.dma_semaphore, #tpu.memory_space<semaphore_mem>>) src(%dma_wait3A_545 : memref<64x128xf32, #tpu.memory_space<hbm>>) dst(%arg16 : memref<64x128xf32, #tpu.memory_space<vmem>>)
      %dma_start3A_546 = arith.constant 7 : i32
      %dma_start3A_547 = arith.constant 0 : i32
      %dma_start3A_548 = tpu.memref_slice %arg13[%dma_start3A_546, %dma_start3A_547] : memref<10x64xi32, #tpu.memory_space<vmem>> -> memref<1x64xi32, #tpu.memory_space<vmem>>
      %dma_start3A_549 = tpu.memref_squeeze %dma_start3A_548 : memref<1x64xi32, #tpu.memory_space<vmem>> -> memref<64xi32, #tpu.memory_space<vmem>>
      %dma_start3A_550 = arith.constant 0 : i32
      %dma_start3A_551 = arith.constant 0 : i32
      %dma_start3A_552 = tpu.memref_slice %arg20[%dma_start3A_550, %dma_start3A_551] : memref<10240x128xf32, #tpu.memory_space<vmem_shared>> -> memref<10240x128xf32, #tpu.memory_space<vmem_shared>>
      tpu.enqueue_indirect_dma source(%arg16 : memref<64x128xf32, #tpu.memory_space<vmem>>) target(%dma_start3A_552 : memref<10240x128xf32, #tpu.memory_space<vmem_shared>>) offsets(%dma_start3A_549 : memref<64xi32, #tpu.memory_space<vmem>>) semaphore(%arg39 : memref<!tpu.dma_semaphore, #tpu.memory_space<semaphore_mem>>) {add = true}
      %dma_start3A_553 = arith.constant 7 : i32
      %dma_start3A_554 = arith.constant 0 : i32
      %dma_start3A_555 = tpu.memref_slice %arg13[%dma_start3A_553, %dma_start3A_554] : memref<10x64xi32, #tpu.memory_space<vmem>> -> memref<1x64xi32, #tpu.memory_space<vmem>>
      %dma_start3A_556 = tpu.memref_squeeze %dma_start3A_555 : memref<1x64xi32, #tpu.memory_space<vmem>> -> memref<64xi32, #tpu.memory_space<vmem>>
      %dma_start3A_557 = arith.constant 0 : i32
      %dma_start3A_558 = tpu.memref_slice %arg21[%dma_start3A_557] : memref<10240xf32, #tpu.memory_space<vmem_shared>> -> memref<10240xf32, #tpu.memory_space<vmem_shared>>
      tpu.enqueue_indirect_dma source(%arg19 : memref<64xf32, #tpu.memory_space<vmem>>) target(%dma_start3A_558 : memref<10240xf32, #tpu.memory_space<vmem_shared>>) offsets(%dma_start3A_556 : memref<64xi32, #tpu.memory_space<vmem>>) semaphore(%arg39 : memref<!tpu.dma_semaphore, #tpu.memory_space<semaphore_mem>>) {add = true}
      %dma_wait3A_559 = arith.constant 0 : i32
      %dma_wait3A_560 = arith.constant 0 : i32
      %dma_wait3A_561 = tpu.memref_slice %arg20[%dma_wait3A_559, %dma_wait3A_560] : memref<10240x128xf32, #tpu.memory_space<vmem_shared>> -> memref<64x128xf32, #tpu.memory_space<vmem_shared>>
      %dma_wait3A_562 = arith.constant 0 : i32
      %dma_wait3A_563 = arith.constant 0 : i32
      %dma_wait3A_564 = tpu.memref_slice %arg20[%dma_wait3A_562, %dma_wait3A_563] : memref<10240x128xf32, #tpu.memory_space<vmem_shared>> -> memref<64x128xf32, #tpu.memory_space<vmem_shared>>
      tpu.wait_dma2 semaphore(%arg37 : memref<!tpu.dma_semaphore, #tpu.memory_space<semaphore_mem>>) src(%arg14 : memref<64x128xf32, #tpu.memory_space<vmem>>) dst(%dma_wait3A_564 : memref<64x128xf32, #tpu.memory_space<vmem_shared>>)
      %dma_wait3A_565 = arith.constant 0 : i32
      %dma_wait3A_566 = tpu.memref_slice %arg21[%dma_wait3A_565] : memref<10240xf32, #tpu.memory_space<vmem_shared>> -> memref<64xf32, #tpu.memory_space<vmem_shared>>
      %dma_wait3A_567 = arith.constant 0 : i32
      %dma_wait3A_568 = tpu.memref_slice %arg21[%dma_wait3A_567] : memref<10240xf32, #tpu.memory_space<vmem_shared>> -> memref<64xf32, #tpu.memory_space<vmem_shared>>
      tpu.wait_dma2 semaphore(%arg37 : memref<!tpu.dma_semaphore, #tpu.memory_space<semaphore_mem>>) src(%arg19 : memref<64xf32, #tpu.memory_space<vmem>>) dst(%dma_wait3A_568 : memref<64xf32, #tpu.memory_space<vmem_shared>>)
      %add3A_569 = arith.constant 5 : i32
      %add3A_570 = arith.addi %add3A_539, %add3A_569 : i32
      %lt3A_571 = arith.constant 160 : i32
      %lt3A_572 = arith.cmpi slt, %add3A_570, %lt3A_571 : i32
      %convert_element_type3A_573 = arith.extui %lt3A_572 : i1 to i32
      %cond3A_574 = arith.constant 0 : i32
      %cond3A_575 = arith.cmpi ne, %convert_element_type3A_573, %cond3A_574 : i32
      scf.if %cond3A_575 {
        %add3A_677 = arith.constant 5 : i32
        %add3A_678 = arith.addi %add3A_539, %add3A_677 : i32
        %jit3A = arith.constant 2 : i32
        %div3A = arith.divsi %add3A_678, %jit3A : i32
        %sign3A = arith.constant 0 : i32
        %sign3A_679 = arith.cmpi sgt, %add3A_678, %sign3A : i32
        %sign3A_680 = arith.extui %sign3A_679 : i1 to i32
        %sign3A_681 = arith.constant 0 : i32
        %sign3A_682 = arith.cmpi slt, %add3A_678, %sign3A_681 : i32
        %sign3A_683 = arith.extui %sign3A_682 : i1 to i32
        %sign3A_684 = arith.subi %sign3A_680, %sign3A_683 : i32
        %sign3A_685 = arith.constant 0 : i32
        %sign3A_686 = arith.cmpi sgt, %jit3A, %sign3A_685 : i32
        %sign3A_687 = arith.extui %sign3A_686 : i1 to i32
        %sign3A_688 = arith.constant 0 : i32
        %sign3A_689 = arith.cmpi slt, %jit3A, %sign3A_688 : i32
        %sign3A_690 = arith.extui %sign3A_689 : i1 to i32
        %sign3A_691 = arith.subi %sign3A_687, %sign3A_690 : i32
        %ne3A = arith.cmpi ne, %sign3A_684, %sign3A_691 : i32
        %rem3A = arith.remsi %add3A_678, %jit3A : i32
        %ne3A_692 = arith.constant 0 : i32
        %ne3A_693 = arith.cmpi ne, %rem3A, %ne3A_692 : i32
        %and3A = arith.andi %ne3A, %ne3A_693 : i1
        %sub3A = arith.constant 1 : i32
        %sub3A_694 = arith.subi %div3A, %sub3A : i32
        %select_n3A = arith.select %and3A, %sub3A_694, %div3A : i32
        %add3A_695 = arith.addi %mul3A_2, %select_n3A : i32
        %jit3A_696 = arith.constant 2 : i32
        %eq3A = arith.constant 0 : i32
        %eq3A_697 = arith.cmpi eq, %jit3A_696, %eq3A : i32
        %jit3A_698 = arith.constant 1 : i32
        %select_n3A_699 = arith.select %eq3A_697, %jit3A_698, %jit3A_696 : i32
        %rem3A_700 = arith.remsi %add3A_678, %select_n3A_699 : i32
        %ne3A_701 = arith.constant 0 : i32
        %ne3A_702 = arith.cmpi ne, %rem3A_700, %ne3A_701 : i32
        %lt3A_703 = arith.constant 0 : i32
        %lt3A_704 = arith.cmpi slt, %rem3A_700, %lt3A_703 : i32
        %lt3A_705 = arith.constant 0 : i32
        %lt3A_706 = arith.cmpi slt, %select_n3A_699, %lt3A_705 : i32
        %ne3A_707 = arith.xori %lt3A_704, %lt3A_706 : i1
        %and3A_708 = arith.andi %ne3A_707, %ne3A_702 : i1
        %add3A_709 = arith.addi %rem3A_700, %select_n3A_699 : i32
        %select_n3A_710 = arith.select %and3A_708, %add3A_709, %rem3A_700 : i32
        %mul3A_711 = arith.constant 64 : i32
        %mul3A_712 = arith.muli %select_n3A_710, %mul3A_711 : i32
        %lt3A_713 = arith.constant 2500 : i32
        %lt3A_714 = arith.cmpi slt, %add3A_695, %lt3A_713 : i32
        %convert_element_type3A_715 = arith.extui %lt3A_714 : i1 to i32
        %cond3A_716 = arith.constant 0 : i32
        %cond3A_717 = arith.cmpi ne, %convert_element_type3A_715, %cond3A_716 : i32
        scf.if %cond3A_717 {
          %dma_start3A_723 = arith.constant 2 : i32
          %dma_start3A_724 = arith.constant 0 : i32
          %dma_start3A_725 = tpu.memref_slice %arg12[%dma_start3A_723, %dma_start3A_724] : memref<10x64xi32, #tpu.memory_space<vmem>> -> memref<1x64xi32, #tpu.memory_space<vmem>>
          %dma_start3A_726 = tpu.memref_squeeze %dma_start3A_725 : memref<1x64xi32, #tpu.memory_space<vmem>> -> memref<64xi32, #tpu.memory_space<vmem>>
          %dma_start3A_727 = tpu.memref_slice %arg3[%add3A_695, %mul3A_712] : memref<2500x128xi32, #tpu.memory_space<hbm>> -> memref<1x64xi32, #tpu.memory_space<hbm>>
          %dma_start3A_728 = tpu.memref_squeeze %dma_start3A_727 : memref<1x64xi32, #tpu.memory_space<hbm>> -> memref<64xi32, #tpu.memory_space<hbm>>
          %dma_start3A_729 = arith.constant 0 : i32
          %dma_start3A_730 = tpu.memref_slice %arg12[%dma_start3A_723, %dma_start3A_729] : memref<10x64xi32, #tpu.memory_space<vmem>> -> memref<1x64xi32, #tpu.memory_space<vmem>>
          %dma_start3A_731 = tpu.memref_squeeze %dma_start3A_730 : memref<1x64xi32, #tpu.memory_space<vmem>> -> memref<64xi32, #tpu.memory_space<vmem>>
          %dma_start3A_732 = tpu.memref_slice %arg3[%add3A_695, %mul3A_712] : memref<2500x128xi32, #tpu.memory_space<hbm>> -> memref<1x64xi32, #tpu.memory_space<hbm>>
          %dma_start3A_733 = tpu.memref_squeeze %dma_start3A_732 : memref<1x64xi32, #tpu.memory_space<hbm>> -> memref<64xi32, #tpu.memory_space<hbm>>
          tpu.enqueue_dma source(%dma_start3A_733 : memref<64xi32, #tpu.memory_space<hbm>>) target(%dma_start3A_731 : memref<64xi32, #tpu.memory_space<vmem>>) target_semaphore(%arg24 : memref<!tpu.dma_semaphore, #tpu.memory_space<semaphore_mem>>)
          %dma_start3A_734 = arith.constant 2 : i32
          %dma_start3A_735 = arith.constant 0 : i32
          %dma_start3A_736 = tpu.memref_slice %arg13[%dma_start3A_734, %dma_start3A_735] : memref<10x64xi32, #tpu.memory_space<vmem>> -> memref<1x64xi32, #tpu.memory_space<vmem>>
          %dma_start3A_737 = tpu.memref_squeeze %dma_start3A_736 : memref<1x64xi32, #tpu.memory_space<vmem>> -> memref<64xi32, #tpu.memory_space<vmem>>
          %dma_start3A_738 = tpu.memref_slice %arg4[%add3A_695, %mul3A_712] : memref<2500x128xi32, #tpu.memory_space<hbm>> -> memref<1x64xi32, #tpu.memory_space<hbm>>
          %dma_start3A_739 = tpu.memref_squeeze %dma_start3A_738 : memref<1x64xi32, #tpu.memory_space<hbm>> -> memref<64xi32, #tpu.memory_space<hbm>>
          %dma_start3A_740 = arith.constant 0 : i32
          %dma_start3A_741 = tpu.memref_slice %arg13[%dma_start3A_734, %dma_start3A_740] : memref<10x64xi32, #tpu.memory_space<vmem>> -> memref<1x64xi32, #tpu.memory_space<vmem>>
          %dma_start3A_742 = tpu.memref_squeeze %dma_start3A_741 : memref<1x64xi32, #tpu.memory_space<vmem>> -> memref<64xi32, #tpu.memory_space<vmem>>
          %dma_start3A_743 = tpu.memref_slice %arg4[%add3A_695, %mul3A_712] : memref<2500x128xi32, #tpu.memory_space<hbm>> -> memref<1x64xi32, #tpu.memory_space<hbm>>
          %dma_start3A_744 = tpu.memref_squeeze %dma_start3A_743 : memref<1x64xi32, #tpu.memory_space<hbm>> -> memref<64xi32, #tpu.memory_space<hbm>>
          tpu.enqueue_dma source(%dma_start3A_744 : memref<64xi32, #tpu.memory_space<hbm>>) target(%dma_start3A_742 : memref<64xi32, #tpu.memory_space<vmem>>) target_semaphore(%arg24 : memref<!tpu.dma_semaphore, #tpu.memory_space<semaphore_mem>>)
        } else {
        }
        %ge3A_718 = arith.constant 2500 : i32
        %ge3A_719 = arith.cmpi sge, %add3A_695, %ge3A_718 : i32
        %convert_element_type3A_720 = arith.extui %ge3A_719 : i1 to i32
        %cond3A_721 = arith.constant 0 : i32
        %cond3A_722 = arith.cmpi ne, %convert_element_type3A_720, %cond3A_721 : i32
        scf.if %cond3A_722 {
          %sub3A_723 = arith.constant 2500 : i32
          %sub3A_724 = arith.subi %add3A_695, %sub3A_723 : i32
          %dma_start3A_725 = arith.constant 2 : i32
          %dma_start3A_726 = arith.constant 0 : i32
          %dma_start3A_727 = tpu.memref_slice %arg12[%dma_start3A_725, %dma_start3A_726] : memref<10x64xi32, #tpu.memory_space<vmem>> -> memref<1x64xi32, #tpu.memory_space<vmem>>
          %dma_start3A_728 = tpu.memref_squeeze %dma_start3A_727 : memref<1x64xi32, #tpu.memory_space<vmem>> -> memref<64xi32, #tpu.memory_space<vmem>>
          %dma_start3A_729 = tpu.memref_slice %arg5[%sub3A_724, %mul3A_712] : memref<60x128xi32, #tpu.memory_space<hbm>> -> memref<1x64xi32, #tpu.memory_space<hbm>>
          %dma_start3A_730 = tpu.memref_squeeze %dma_start3A_729 : memref<1x64xi32, #tpu.memory_space<hbm>> -> memref<64xi32, #tpu.memory_space<hbm>>
          %dma_start3A_731 = arith.constant 0 : i32
          %dma_start3A_732 = tpu.memref_slice %arg12[%dma_start3A_725, %dma_start3A_731] : memref<10x64xi32, #tpu.memory_space<vmem>> -> memref<1x64xi32, #tpu.memory_space<vmem>>
          %dma_start3A_733 = tpu.memref_squeeze %dma_start3A_732 : memref<1x64xi32, #tpu.memory_space<vmem>> -> memref<64xi32, #tpu.memory_space<vmem>>
          %dma_start3A_734 = tpu.memref_slice %arg5[%sub3A_724, %mul3A_712] : memref<60x128xi32, #tpu.memory_space<hbm>> -> memref<1x64xi32, #tpu.memory_space<hbm>>
          %dma_start3A_735 = tpu.memref_squeeze %dma_start3A_734 : memref<1x64xi32, #tpu.memory_space<hbm>> -> memref<64xi32, #tpu.memory_space<hbm>>
          tpu.enqueue_dma source(%dma_start3A_735 : memref<64xi32, #tpu.memory_space<hbm>>) target(%dma_start3A_733 : memref<64xi32, #tpu.memory_space<vmem>>) target_semaphore(%arg24 : memref<!tpu.dma_semaphore, #tpu.memory_space<semaphore_mem>>)
          %sub3A_736 = arith.constant 2500 : i32
          %sub3A_737 = arith.subi %add3A_695, %sub3A_736 : i32
          %dma_start3A_738 = arith.constant 2 : i32
          %dma_start3A_739 = arith.constant 0 : i32
          %dma_start3A_740 = tpu.memref_slice %arg13[%dma_start3A_738, %dma_start3A_739] : memref<10x64xi32, #tpu.memory_space<vmem>> -> memref<1x64xi32, #tpu.memory_space<vmem>>
          %dma_start3A_741 = tpu.memref_squeeze %dma_start3A_740 : memref<1x64xi32, #tpu.memory_space<vmem>> -> memref<64xi32, #tpu.memory_space<vmem>>
          %dma_start3A_742 = tpu.memref_slice %arg6[%sub3A_737, %mul3A_712] : memref<60x128xi32, #tpu.memory_space<hbm>> -> memref<1x64xi32, #tpu.memory_space<hbm>>
          %dma_start3A_743 = tpu.memref_squeeze %dma_start3A_742 : memref<1x64xi32, #tpu.memory_space<hbm>> -> memref<64xi32, #tpu.memory_space<hbm>>
          %dma_start3A_744 = arith.constant 0 : i32
          %dma_start3A_745 = tpu.memref_slice %arg13[%dma_start3A_738, %dma_start3A_744] : memref<10x64xi32, #tpu.memory_space<vmem>> -> memref<1x64xi32, #tpu.memory_space<vmem>>
          %dma_start3A_746 = tpu.memref_squeeze %dma_start3A_745 : memref<1x64xi32, #tpu.memory_space<vmem>> -> memref<64xi32, #tpu.memory_space<vmem>>
          %dma_start3A_747 = tpu.memref_slice %arg6[%sub3A_737, %mul3A_712] : memref<60x128xi32, #tpu.memory_space<hbm>> -> memref<1x64xi32, #tpu.memory_space<hbm>>
          %dma_start3A_748 = tpu.memref_squeeze %dma_start3A_747 : memref<1x64xi32, #tpu.memory_space<hbm>> -> memref<64xi32, #tpu.memory_space<hbm>>
          tpu.enqueue_dma source(%dma_start3A_748 : memref<64xi32, #tpu.memory_space<hbm>>) target(%dma_start3A_746 : memref<64xi32, #tpu.memory_space<vmem>>) target_semaphore(%arg24 : memref<!tpu.dma_semaphore, #tpu.memory_space<semaphore_mem>>)
        } else {
        }
      } else {
      }
      %add3A_576 = arith.constant 3 : i32
      %add3A_577 = arith.addi %add3A_539, %add3A_576 : i32
      %lt3A_578 = arith.constant 160 : i32
      %lt3A_579 = arith.cmpi slt, %add3A_577, %lt3A_578 : i32
      %convert_element_type3A_580 = arith.extui %lt3A_579 : i1 to i32
      %cond3A_581 = arith.constant 0 : i32
      %cond3A_582 = arith.cmpi ne, %convert_element_type3A_580, %cond3A_581 : i32
      scf.if %cond3A_582 {
        %dma_wait3A_677 = arith.constant 0 : i32
        %dma_wait3A_678 = arith.constant 0 : i32
        %dma_wait3A_679 = arith.constant 0 : i32
        %dma_wait3A_680 = tpu.memref_slice %arg12[%dma_wait3A_678, %dma_wait3A_679] : memref<10x64xi32, #tpu.memory_space<vmem>> -> memref<1x64xi32, #tpu.memory_space<vmem>>
        %dma_wait3A_681 = tpu.memref_squeeze %dma_wait3A_680 : memref<1x64xi32, #tpu.memory_space<vmem>> -> memref<64xi32, #tpu.memory_space<vmem>>
        %dma_wait3A_682 = arith.constant 0 : i32
        %dma_wait3A_683 = tpu.memref_slice %arg3[%dma_wait3A_677, %dma_wait3A_682] : memref<2500x128xi32, #tpu.memory_space<hbm>> -> memref<1x64xi32, #tpu.memory_space<hbm>>
        %dma_wait3A_684 = tpu.memref_squeeze %dma_wait3A_683 : memref<1x64xi32, #tpu.memory_space<hbm>> -> memref<64xi32, #tpu.memory_space<hbm>>
        %dma_wait3A_685 = arith.constant 0 : i32
        %dma_wait3A_686 = tpu.memref_slice %arg12[%dma_wait3A_678, %dma_wait3A_685] : memref<10x64xi32, #tpu.memory_space<vmem>> -> memref<1x64xi32, #tpu.memory_space<vmem>>
        %dma_wait3A_687 = tpu.memref_squeeze %dma_wait3A_686 : memref<1x64xi32, #tpu.memory_space<vmem>> -> memref<64xi32, #tpu.memory_space<vmem>>
        %dma_wait3A_688 = arith.constant 0 : i32
        %dma_wait3A_689 = tpu.memref_slice %arg3[%dma_wait3A_677, %dma_wait3A_688] : memref<2500x128xi32, #tpu.memory_space<hbm>> -> memref<1x64xi32, #tpu.memory_space<hbm>>
        %dma_wait3A_690 = tpu.memref_squeeze %dma_wait3A_689 : memref<1x64xi32, #tpu.memory_space<hbm>> -> memref<64xi32, #tpu.memory_space<hbm>>
        tpu.wait_dma2 semaphore(%arg22 : memref<!tpu.dma_semaphore, #tpu.memory_space<semaphore_mem>>) src(%dma_wait3A_690 : memref<64xi32, #tpu.memory_space<hbm>>) dst(%dma_wait3A_687 : memref<64xi32, #tpu.memory_space<vmem>>)
        %dma_wait3A_691 = arith.constant 0 : i32
        %dma_wait3A_692 = arith.constant 0 : i32
        %dma_wait3A_693 = arith.constant 0 : i32
        %dma_wait3A_694 = tpu.memref_slice %arg12[%dma_wait3A_692, %dma_wait3A_693] : memref<10x64xi32, #tpu.memory_space<vmem>> -> memref<1x64xi32, #tpu.memory_space<vmem>>
        %dma_wait3A_695 = tpu.memref_squeeze %dma_wait3A_694 : memref<1x64xi32, #tpu.memory_space<vmem>> -> memref<64xi32, #tpu.memory_space<vmem>>
        %dma_wait3A_696 = arith.constant 0 : i32
        %dma_wait3A_697 = tpu.memref_slice %arg3[%dma_wait3A_691, %dma_wait3A_696] : memref<2500x128xi32, #tpu.memory_space<hbm>> -> memref<1x64xi32, #tpu.memory_space<hbm>>
        %dma_wait3A_698 = tpu.memref_squeeze %dma_wait3A_697 : memref<1x64xi32, #tpu.memory_space<hbm>> -> memref<64xi32, #tpu.memory_space<hbm>>
        %dma_wait3A_699 = arith.constant 0 : i32
        %dma_wait3A_700 = tpu.memref_slice %arg12[%dma_wait3A_692, %dma_wait3A_699] : memref<10x64xi32, #tpu.memory_space<vmem>> -> memref<1x64xi32, #tpu.memory_space<vmem>>
        %dma_wait3A_701 = tpu.memref_squeeze %dma_wait3A_700 : memref<1x64xi32, #tpu.memory_space<vmem>> -> memref<64xi32, #tpu.memory_space<vmem>>
        %dma_wait3A_702 = arith.constant 0 : i32
        %dma_wait3A_703 = tpu.memref_slice %arg3[%dma_wait3A_691, %dma_wait3A_702] : memref<2500x128xi32, #tpu.memory_space<hbm>> -> memref<1x64xi32, #tpu.memory_space<hbm>>
        %dma_wait3A_704 = tpu.memref_squeeze %dma_wait3A_703 : memref<1x64xi32, #tpu.memory_space<hbm>> -> memref<64xi32, #tpu.memory_space<hbm>>
        tpu.wait_dma2 semaphore(%arg22 : memref<!tpu.dma_semaphore, #tpu.memory_space<semaphore_mem>>) src(%dma_wait3A_704 : memref<64xi32, #tpu.memory_space<hbm>>) dst(%dma_wait3A_701 : memref<64xi32, #tpu.memory_space<vmem>>)
        %dma_start3A_705 = arith.constant 0 : i32
        %dma_start3A_706 = arith.constant 0 : i32
        %dma_start3A_707 = tpu.memref_slice %arg12[%dma_start3A_705, %dma_start3A_706] : memref<10x64xi32, #tpu.memory_space<vmem>> -> memref<1x64xi32, #tpu.memory_space<vmem>>
        %dma_start3A_708 = tpu.memref_squeeze %dma_start3A_707 : memref<1x64xi32, #tpu.memory_space<vmem>> -> memref<64xi32, #tpu.memory_space<vmem>>
        %dma_start3A_709 = arith.constant 0 : i32
        %dma_start3A_710 = arith.constant 0 : i32
        %dma_start3A_711 = tpu.memref_slice %arg2[%dma_start3A_709, %dma_start3A_710] : memref<10240x128xf32, #tpu.memory_space<hbm>> -> memref<10240x128xf32, #tpu.memory_space<hbm>>
        tpu.enqueue_indirect_dma source(%dma_start3A_711 : memref<10240x128xf32, #tpu.memory_space<hbm>>) target(%arg14 : memref<64x128xf32, #tpu.memory_space<vmem>>) offsets(%dma_start3A_708 : memref<64xi32, #tpu.memory_space<vmem>>) semaphore(%arg32 : memref<!tpu.dma_semaphore, #tpu.memory_space<semaphore_mem>>)
      } else {
      }
      %mul3A_583 = arith.constant 10 : i32
      %mul3A_584 = arith.muli %mul3A_583, %add3A_217 : i32
      %add3A_585 = arith.constant 8 : i32
      %add3A_586 = arith.addi %mul3A_584, %add3A_585 : i32
      %dma_wait3A_587 = arith.constant 0 : i32
      %dma_wait3A_588 = arith.constant 0 : i32
      %dma_wait3A_589 = tpu.memref_slice %arg2[%dma_wait3A_587, %dma_wait3A_588] : memref<10240x128xf32, #tpu.memory_space<hbm>> -> memref<64x128xf32, #tpu.memory_space<hbm>>
      %dma_wait3A_590 = arith.constant 0 : i32
      %dma_wait3A_591 = arith.constant 0 : i32
      %dma_wait3A_592 = tpu.memref_slice %arg2[%dma_wait3A_590, %dma_wait3A_591] : memref<10240x128xf32, #tpu.memory_space<hbm>> -> memref<64x128xf32, #tpu.memory_space<hbm>>
      tpu.wait_dma2 semaphore(%arg35 : memref<!tpu.dma_semaphore, #tpu.memory_space<semaphore_mem>>) src(%dma_wait3A_592 : memref<64x128xf32, #tpu.memory_space<hbm>>) dst(%arg17 : memref<64x128xf32, #tpu.memory_space<vmem>>)
      %dma_start3A_593 = arith.constant 8 : i32
      %dma_start3A_594 = arith.constant 0 : i32
      %dma_start3A_595 = tpu.memref_slice %arg13[%dma_start3A_593, %dma_start3A_594] : memref<10x64xi32, #tpu.memory_space<vmem>> -> memref<1x64xi32, #tpu.memory_space<vmem>>
      %dma_start3A_596 = tpu.memref_squeeze %dma_start3A_595 : memref<1x64xi32, #tpu.memory_space<vmem>> -> memref<64xi32, #tpu.memory_space<vmem>>
      %dma_start3A_597 = arith.constant 0 : i32
      %dma_start3A_598 = arith.constant 0 : i32
      %dma_start3A_599 = tpu.memref_slice %arg20[%dma_start3A_597, %dma_start3A_598] : memref<10240x128xf32, #tpu.memory_space<vmem_shared>> -> memref<10240x128xf32, #tpu.memory_space<vmem_shared>>
      tpu.enqueue_indirect_dma source(%arg17 : memref<64x128xf32, #tpu.memory_space<vmem>>) target(%dma_start3A_599 : memref<10240x128xf32, #tpu.memory_space<vmem_shared>>) offsets(%dma_start3A_596 : memref<64xi32, #tpu.memory_space<vmem>>) semaphore(%arg40 : memref<!tpu.dma_semaphore, #tpu.memory_space<semaphore_mem>>) {add = true}
      %dma_start3A_600 = arith.constant 8 : i32
      %dma_start3A_601 = arith.constant 0 : i32
      %dma_start3A_602 = tpu.memref_slice %arg13[%dma_start3A_600, %dma_start3A_601] : memref<10x64xi32, #tpu.memory_space<vmem>> -> memref<1x64xi32, #tpu.memory_space<vmem>>
      %dma_start3A_603 = tpu.memref_squeeze %dma_start3A_602 : memref<1x64xi32, #tpu.memory_space<vmem>> -> memref<64xi32, #tpu.memory_space<vmem>>
      %dma_start3A_604 = arith.constant 0 : i32
      %dma_start3A_605 = tpu.memref_slice %arg21[%dma_start3A_604] : memref<10240xf32, #tpu.memory_space<vmem_shared>> -> memref<10240xf32, #tpu.memory_space<vmem_shared>>
      tpu.enqueue_indirect_dma source(%arg19 : memref<64xf32, #tpu.memory_space<vmem>>) target(%dma_start3A_605 : memref<10240xf32, #tpu.memory_space<vmem_shared>>) offsets(%dma_start3A_603 : memref<64xi32, #tpu.memory_space<vmem>>) semaphore(%arg40 : memref<!tpu.dma_semaphore, #tpu.memory_space<semaphore_mem>>) {add = true}
      %dma_wait3A_606 = arith.constant 0 : i32
      %dma_wait3A_607 = arith.constant 0 : i32
      %dma_wait3A_608 = tpu.memref_slice %arg20[%dma_wait3A_606, %dma_wait3A_607] : memref<10240x128xf32, #tpu.memory_space<vmem_shared>> -> memref<64x128xf32, #tpu.memory_space<vmem_shared>>
      %dma_wait3A_609 = arith.constant 0 : i32
      %dma_wait3A_610 = arith.constant 0 : i32
      %dma_wait3A_611 = tpu.memref_slice %arg20[%dma_wait3A_609, %dma_wait3A_610] : memref<10240x128xf32, #tpu.memory_space<vmem_shared>> -> memref<64x128xf32, #tpu.memory_space<vmem_shared>>
      tpu.wait_dma2 semaphore(%arg38 : memref<!tpu.dma_semaphore, #tpu.memory_space<semaphore_mem>>) src(%arg15 : memref<64x128xf32, #tpu.memory_space<vmem>>) dst(%dma_wait3A_611 : memref<64x128xf32, #tpu.memory_space<vmem_shared>>)
      %dma_wait3A_612 = arith.constant 0 : i32
      %dma_wait3A_613 = tpu.memref_slice %arg21[%dma_wait3A_612] : memref<10240xf32, #tpu.memory_space<vmem_shared>> -> memref<64xf32, #tpu.memory_space<vmem_shared>>
      %dma_wait3A_614 = arith.constant 0 : i32
      %dma_wait3A_615 = tpu.memref_slice %arg21[%dma_wait3A_614] : memref<10240xf32, #tpu.memory_space<vmem_shared>> -> memref<64xf32, #tpu.memory_space<vmem_shared>>
      tpu.wait_dma2 semaphore(%arg38 : memref<!tpu.dma_semaphore, #tpu.memory_space<semaphore_mem>>) src(%arg19 : memref<64xf32, #tpu.memory_space<vmem>>) dst(%dma_wait3A_615 : memref<64xf32, #tpu.memory_space<vmem_shared>>)
      %add3A_616 = arith.constant 5 : i32
      %add3A_617 = arith.addi %add3A_586, %add3A_616 : i32
      %lt3A_618 = arith.constant 160 : i32
      %lt3A_619 = arith.cmpi slt, %add3A_617, %lt3A_618 : i32
      %convert_element_type3A_620 = arith.extui %lt3A_619 : i1 to i32
      %cond3A_621 = arith.constant 0 : i32
      %cond3A_622 = arith.cmpi ne, %convert_element_type3A_620, %cond3A_621 : i32
      scf.if %cond3A_622 {
        %add3A_677 = arith.constant 5 : i32
        %add3A_678 = arith.addi %add3A_586, %add3A_677 : i32
        %jit3A = arith.constant 2 : i32
        %div3A = arith.divsi %add3A_678, %jit3A : i32
        %sign3A = arith.constant 0 : i32
        %sign3A_679 = arith.cmpi sgt, %add3A_678, %sign3A : i32
        %sign3A_680 = arith.extui %sign3A_679 : i1 to i32
        %sign3A_681 = arith.constant 0 : i32
        %sign3A_682 = arith.cmpi slt, %add3A_678, %sign3A_681 : i32
        %sign3A_683 = arith.extui %sign3A_682 : i1 to i32
        %sign3A_684 = arith.subi %sign3A_680, %sign3A_683 : i32
        %sign3A_685 = arith.constant 0 : i32
        %sign3A_686 = arith.cmpi sgt, %jit3A, %sign3A_685 : i32
        %sign3A_687 = arith.extui %sign3A_686 : i1 to i32
        %sign3A_688 = arith.constant 0 : i32
        %sign3A_689 = arith.cmpi slt, %jit3A, %sign3A_688 : i32
        %sign3A_690 = arith.extui %sign3A_689 : i1 to i32
        %sign3A_691 = arith.subi %sign3A_687, %sign3A_690 : i32
        %ne3A = arith.cmpi ne, %sign3A_684, %sign3A_691 : i32
        %rem3A = arith.remsi %add3A_678, %jit3A : i32
        %ne3A_692 = arith.constant 0 : i32
        %ne3A_693 = arith.cmpi ne, %rem3A, %ne3A_692 : i32
        %and3A = arith.andi %ne3A, %ne3A_693 : i1
        %sub3A = arith.constant 1 : i32
        %sub3A_694 = arith.subi %div3A, %sub3A : i32
        %select_n3A = arith.select %and3A, %sub3A_694, %div3A : i32
        %add3A_695 = arith.addi %mul3A_2, %select_n3A : i32
        %jit3A_696 = arith.constant 2 : i32
        %eq3A = arith.constant 0 : i32
        %eq3A_697 = arith.cmpi eq, %jit3A_696, %eq3A : i32
        %jit3A_698 = arith.constant 1 : i32
        %select_n3A_699 = arith.select %eq3A_697, %jit3A_698, %jit3A_696 : i32
        %rem3A_700 = arith.remsi %add3A_678, %select_n3A_699 : i32
        %ne3A_701 = arith.constant 0 : i32
        %ne3A_702 = arith.cmpi ne, %rem3A_700, %ne3A_701 : i32
        %lt3A_703 = arith.constant 0 : i32
        %lt3A_704 = arith.cmpi slt, %rem3A_700, %lt3A_703 : i32
        %lt3A_705 = arith.constant 0 : i32
        %lt3A_706 = arith.cmpi slt, %select_n3A_699, %lt3A_705 : i32
        %ne3A_707 = arith.xori %lt3A_704, %lt3A_706 : i1
        %and3A_708 = arith.andi %ne3A_707, %ne3A_702 : i1
        %add3A_709 = arith.addi %rem3A_700, %select_n3A_699 : i32
        %select_n3A_710 = arith.select %and3A_708, %add3A_709, %rem3A_700 : i32
        %mul3A_711 = arith.constant 64 : i32
        %mul3A_712 = arith.muli %select_n3A_710, %mul3A_711 : i32
        %lt3A_713 = arith.constant 2500 : i32
        %lt3A_714 = arith.cmpi slt, %add3A_695, %lt3A_713 : i32
        %convert_element_type3A_715 = arith.extui %lt3A_714 : i1 to i32
        %cond3A_716 = arith.constant 0 : i32
        %cond3A_717 = arith.cmpi ne, %convert_element_type3A_715, %cond3A_716 : i32
        scf.if %cond3A_717 {
          %dma_start3A_723 = arith.constant 3 : i32
          %dma_start3A_724 = arith.constant 0 : i32
          %dma_start3A_725 = tpu.memref_slice %arg12[%dma_start3A_723, %dma_start3A_724] : memref<10x64xi32, #tpu.memory_space<vmem>> -> memref<1x64xi32, #tpu.memory_space<vmem>>
          %dma_start3A_726 = tpu.memref_squeeze %dma_start3A_725 : memref<1x64xi32, #tpu.memory_space<vmem>> -> memref<64xi32, #tpu.memory_space<vmem>>
          %dma_start3A_727 = tpu.memref_slice %arg3[%add3A_695, %mul3A_712] : memref<2500x128xi32, #tpu.memory_space<hbm>> -> memref<1x64xi32, #tpu.memory_space<hbm>>
          %dma_start3A_728 = tpu.memref_squeeze %dma_start3A_727 : memref<1x64xi32, #tpu.memory_space<hbm>> -> memref<64xi32, #tpu.memory_space<hbm>>
          %dma_start3A_729 = arith.constant 0 : i32
          %dma_start3A_730 = tpu.memref_slice %arg12[%dma_start3A_723, %dma_start3A_729] : memref<10x64xi32, #tpu.memory_space<vmem>> -> memref<1x64xi32, #tpu.memory_space<vmem>>
          %dma_start3A_731 = tpu.memref_squeeze %dma_start3A_730 : memref<1x64xi32, #tpu.memory_space<vmem>> -> memref<64xi32, #tpu.memory_space<vmem>>
          %dma_start3A_732 = tpu.memref_slice %arg3[%add3A_695, %mul3A_712] : memref<2500x128xi32, #tpu.memory_space<hbm>> -> memref<1x64xi32, #tpu.memory_space<hbm>>
          %dma_start3A_733 = tpu.memref_squeeze %dma_start3A_732 : memref<1x64xi32, #tpu.memory_space<hbm>> -> memref<64xi32, #tpu.memory_space<hbm>>
          tpu.enqueue_dma source(%dma_start3A_733 : memref<64xi32, #tpu.memory_space<hbm>>) target(%dma_start3A_731 : memref<64xi32, #tpu.memory_space<vmem>>) target_semaphore(%arg25 : memref<!tpu.dma_semaphore, #tpu.memory_space<semaphore_mem>>)
          %dma_start3A_734 = arith.constant 3 : i32
          %dma_start3A_735 = arith.constant 0 : i32
          %dma_start3A_736 = tpu.memref_slice %arg13[%dma_start3A_734, %dma_start3A_735] : memref<10x64xi32, #tpu.memory_space<vmem>> -> memref<1x64xi32, #tpu.memory_space<vmem>>
          %dma_start3A_737 = tpu.memref_squeeze %dma_start3A_736 : memref<1x64xi32, #tpu.memory_space<vmem>> -> memref<64xi32, #tpu.memory_space<vmem>>
          %dma_start3A_738 = tpu.memref_slice %arg4[%add3A_695, %mul3A_712] : memref<2500x128xi32, #tpu.memory_space<hbm>> -> memref<1x64xi32, #tpu.memory_space<hbm>>
          %dma_start3A_739 = tpu.memref_squeeze %dma_start3A_738 : memref<1x64xi32, #tpu.memory_space<hbm>> -> memref<64xi32, #tpu.memory_space<hbm>>
          %dma_start3A_740 = arith.constant 0 : i32
          %dma_start3A_741 = tpu.memref_slice %arg13[%dma_start3A_734, %dma_start3A_740] : memref<10x64xi32, #tpu.memory_space<vmem>> -> memref<1x64xi32, #tpu.memory_space<vmem>>
          %dma_start3A_742 = tpu.memref_squeeze %dma_start3A_741 : memref<1x64xi32, #tpu.memory_space<vmem>> -> memref<64xi32, #tpu.memory_space<vmem>>
          %dma_start3A_743 = tpu.memref_slice %arg4[%add3A_695, %mul3A_712] : memref<2500x128xi32, #tpu.memory_space<hbm>> -> memref<1x64xi32, #tpu.memory_space<hbm>>
          %dma_start3A_744 = tpu.memref_squeeze %dma_start3A_743 : memref<1x64xi32, #tpu.memory_space<hbm>> -> memref<64xi32, #tpu.memory_space<hbm>>
          tpu.enqueue_dma source(%dma_start3A_744 : memref<64xi32, #tpu.memory_space<hbm>>) target(%dma_start3A_742 : memref<64xi32, #tpu.memory_space<vmem>>) target_semaphore(%arg25 : memref<!tpu.dma_semaphore, #tpu.memory_space<semaphore_mem>>)
        } else {
        }
        %ge3A_718 = arith.constant 2500 : i32
        %ge3A_719 = arith.cmpi sge, %add3A_695, %ge3A_718 : i32
        %convert_element_type3A_720 = arith.extui %ge3A_719 : i1 to i32
        %cond3A_721 = arith.constant 0 : i32
        %cond3A_722 = arith.cmpi ne, %convert_element_type3A_720, %cond3A_721 : i32
        scf.if %cond3A_722 {
          %sub3A_723 = arith.constant 2500 : i32
          %sub3A_724 = arith.subi %add3A_695, %sub3A_723 : i32
          %dma_start3A_725 = arith.constant 3 : i32
          %dma_start3A_726 = arith.constant 0 : i32
          %dma_start3A_727 = tpu.memref_slice %arg12[%dma_start3A_725, %dma_start3A_726] : memref<10x64xi32, #tpu.memory_space<vmem>> -> memref<1x64xi32, #tpu.memory_space<vmem>>
          %dma_start3A_728 = tpu.memref_squeeze %dma_start3A_727 : memref<1x64xi32, #tpu.memory_space<vmem>> -> memref<64xi32, #tpu.memory_space<vmem>>
          %dma_start3A_729 = tpu.memref_slice %arg5[%sub3A_724, %mul3A_712] : memref<60x128xi32, #tpu.memory_space<hbm>> -> memref<1x64xi32, #tpu.memory_space<hbm>>
          %dma_start3A_730 = tpu.memref_squeeze %dma_start3A_729 : memref<1x64xi32, #tpu.memory_space<hbm>> -> memref<64xi32, #tpu.memory_space<hbm>>
          %dma_start3A_731 = arith.constant 0 : i32
          %dma_start3A_732 = tpu.memref_slice %arg12[%dma_start3A_725, %dma_start3A_731] : memref<10x64xi32, #tpu.memory_space<vmem>> -> memref<1x64xi32, #tpu.memory_space<vmem>>
          %dma_start3A_733 = tpu.memref_squeeze %dma_start3A_732 : memref<1x64xi32, #tpu.memory_space<vmem>> -> memref<64xi32, #tpu.memory_space<vmem>>
          %dma_start3A_734 = tpu.memref_slice %arg5[%sub3A_724, %mul3A_712] : memref<60x128xi32, #tpu.memory_space<hbm>> -> memref<1x64xi32, #tpu.memory_space<hbm>>
          %dma_start3A_735 = tpu.memref_squeeze %dma_start3A_734 : memref<1x64xi32, #tpu.memory_space<hbm>> -> memref<64xi32, #tpu.memory_space<hbm>>
          tpu.enqueue_dma source(%dma_start3A_735 : memref<64xi32, #tpu.memory_space<hbm>>) target(%dma_start3A_733 : memref<64xi32, #tpu.memory_space<vmem>>) target_semaphore(%arg25 : memref<!tpu.dma_semaphore, #tpu.memory_space<semaphore_mem>>)
          %sub3A_736 = arith.constant 2500 : i32
          %sub3A_737 = arith.subi %add3A_695, %sub3A_736 : i32
          %dma_start3A_738 = arith.constant 3 : i32
          %dma_start3A_739 = arith.constant 0 : i32
          %dma_start3A_740 = tpu.memref_slice %arg13[%dma_start3A_738, %dma_start3A_739] : memref<10x64xi32, #tpu.memory_space<vmem>> -> memref<1x64xi32, #tpu.memory_space<vmem>>
          %dma_start3A_741 = tpu.memref_squeeze %dma_start3A_740 : memref<1x64xi32, #tpu.memory_space<vmem>> -> memref<64xi32, #tpu.memory_space<vmem>>
          %dma_start3A_742 = tpu.memref_slice %arg6[%sub3A_737, %mul3A_712] : memref<60x128xi32, #tpu.memory_space<hbm>> -> memref<1x64xi32, #tpu.memory_space<hbm>>
          %dma_start3A_743 = tpu.memref_squeeze %dma_start3A_742 : memref<1x64xi32, #tpu.memory_space<hbm>> -> memref<64xi32, #tpu.memory_space<hbm>>
          %dma_start3A_744 = arith.constant 0 : i32
          %dma_start3A_745 = tpu.memref_slice %arg13[%dma_start3A_738, %dma_start3A_744] : memref<10x64xi32, #tpu.memory_space<vmem>> -> memref<1x64xi32, #tpu.memory_space<vmem>>
          %dma_start3A_746 = tpu.memref_squeeze %dma_start3A_745 : memref<1x64xi32, #tpu.memory_space<vmem>> -> memref<64xi32, #tpu.memory_space<vmem>>
          %dma_start3A_747 = tpu.memref_slice %arg6[%sub3A_737, %mul3A_712] : memref<60x128xi32, #tpu.memory_space<hbm>> -> memref<1x64xi32, #tpu.memory_space<hbm>>
          %dma_start3A_748 = tpu.memref_squeeze %dma_start3A_747 : memref<1x64xi32, #tpu.memory_space<hbm>> -> memref<64xi32, #tpu.memory_space<hbm>>
          tpu.enqueue_dma source(%dma_start3A_748 : memref<64xi32, #tpu.memory_space<hbm>>) target(%dma_start3A_746 : memref<64xi32, #tpu.memory_space<vmem>>) target_semaphore(%arg25 : memref<!tpu.dma_semaphore, #tpu.memory_space<semaphore_mem>>)
        } else {
        }
      } else {
      }
      %add3A_623 = arith.constant 3 : i32
      %add3A_624 = arith.addi %add3A_586, %add3A_623 : i32
      %lt3A_625 = arith.constant 160 : i32
      %lt3A_626 = arith.cmpi slt, %add3A_624, %lt3A_625 : i32
      %convert_element_type3A_627 = arith.extui %lt3A_626 : i1 to i32
      %cond3A_628 = arith.constant 0 : i32
      %cond3A_629 = arith.cmpi ne, %convert_element_type3A_627, %cond3A_628 : i32
      scf.if %cond3A_629 {
        %dma_wait3A_677 = arith.constant 0 : i32
        %dma_wait3A_678 = arith.constant 1 : i32
        %dma_wait3A_679 = arith.constant 0 : i32
        %dma_wait3A_680 = tpu.memref_slice %arg12[%dma_wait3A_678, %dma_wait3A_679] : memref<10x64xi32, #tpu.memory_space<vmem>> -> memref<1x64xi32, #tpu.memory_space<vmem>>
        %dma_wait3A_681 = tpu.memref_squeeze %dma_wait3A_680 : memref<1x64xi32, #tpu.memory_space<vmem>> -> memref<64xi32, #tpu.memory_space<vmem>>
        %dma_wait3A_682 = arith.constant 0 : i32
        %dma_wait3A_683 = tpu.memref_slice %arg3[%dma_wait3A_677, %dma_wait3A_682] : memref<2500x128xi32, #tpu.memory_space<hbm>> -> memref<1x64xi32, #tpu.memory_space<hbm>>
        %dma_wait3A_684 = tpu.memref_squeeze %dma_wait3A_683 : memref<1x64xi32, #tpu.memory_space<hbm>> -> memref<64xi32, #tpu.memory_space<hbm>>
        %dma_wait3A_685 = arith.constant 0 : i32
        %dma_wait3A_686 = tpu.memref_slice %arg12[%dma_wait3A_678, %dma_wait3A_685] : memref<10x64xi32, #tpu.memory_space<vmem>> -> memref<1x64xi32, #tpu.memory_space<vmem>>
        %dma_wait3A_687 = tpu.memref_squeeze %dma_wait3A_686 : memref<1x64xi32, #tpu.memory_space<vmem>> -> memref<64xi32, #tpu.memory_space<vmem>>
        %dma_wait3A_688 = arith.constant 0 : i32
        %dma_wait3A_689 = tpu.memref_slice %arg3[%dma_wait3A_677, %dma_wait3A_688] : memref<2500x128xi32, #tpu.memory_space<hbm>> -> memref<1x64xi32, #tpu.memory_space<hbm>>
        %dma_wait3A_690 = tpu.memref_squeeze %dma_wait3A_689 : memref<1x64xi32, #tpu.memory_space<hbm>> -> memref<64xi32, #tpu.memory_space<hbm>>
        tpu.wait_dma2 semaphore(%arg23 : memref<!tpu.dma_semaphore, #tpu.memory_space<semaphore_mem>>) src(%dma_wait3A_690 : memref<64xi32, #tpu.memory_space<hbm>>) dst(%dma_wait3A_687 : memref<64xi32, #tpu.memory_space<vmem>>)
        %dma_wait3A_691 = arith.constant 0 : i32
        %dma_wait3A_692 = arith.constant 1 : i32
        %dma_wait3A_693 = arith.constant 0 : i32
        %dma_wait3A_694 = tpu.memref_slice %arg12[%dma_wait3A_692, %dma_wait3A_693] : memref<10x64xi32, #tpu.memory_space<vmem>> -> memref<1x64xi32, #tpu.memory_space<vmem>>
        %dma_wait3A_695 = tpu.memref_squeeze %dma_wait3A_694 : memref<1x64xi32, #tpu.memory_space<vmem>> -> memref<64xi32, #tpu.memory_space<vmem>>
        %dma_wait3A_696 = arith.constant 0 : i32
        %dma_wait3A_697 = tpu.memref_slice %arg3[%dma_wait3A_691, %dma_wait3A_696] : memref<2500x128xi32, #tpu.memory_space<hbm>> -> memref<1x64xi32, #tpu.memory_space<hbm>>
        %dma_wait3A_698 = tpu.memref_squeeze %dma_wait3A_697 : memref<1x64xi32, #tpu.memory_space<hbm>> -> memref<64xi32, #tpu.memory_space<hbm>>
        %dma_wait3A_699 = arith.constant 0 : i32
        %dma_wait3A_700 = tpu.memref_slice %arg12[%dma_wait3A_692, %dma_wait3A_699] : memref<10x64xi32, #tpu.memory_space<vmem>> -> memref<1x64xi32, #tpu.memory_space<vmem>>
        %dma_wait3A_701 = tpu.memref_squeeze %dma_wait3A_700 : memref<1x64xi32, #tpu.memory_space<vmem>> -> memref<64xi32, #tpu.memory_space<vmem>>
        %dma_wait3A_702 = arith.constant 0 : i32
        %dma_wait3A_703 = tpu.memref_slice %arg3[%dma_wait3A_691, %dma_wait3A_702] : memref<2500x128xi32, #tpu.memory_space<hbm>> -> memref<1x64xi32, #tpu.memory_space<hbm>>
        %dma_wait3A_704 = tpu.memref_squeeze %dma_wait3A_703 : memref<1x64xi32, #tpu.memory_space<hbm>> -> memref<64xi32, #tpu.memory_space<hbm>>
        tpu.wait_dma2 semaphore(%arg23 : memref<!tpu.dma_semaphore, #tpu.memory_space<semaphore_mem>>) src(%dma_wait3A_704 : memref<64xi32, #tpu.memory_space<hbm>>) dst(%dma_wait3A_701 : memref<64xi32, #tpu.memory_space<vmem>>)
        %dma_start3A_705 = arith.constant 1 : i32
        %dma_start3A_706 = arith.constant 0 : i32
        %dma_start3A_707 = tpu.memref_slice %arg12[%dma_start3A_705, %dma_start3A_706] : memref<10x64xi32, #tpu.memory_space<vmem>> -> memref<1x64xi32, #tpu.memory_space<vmem>>
        %dma_start3A_708 = tpu.memref_squeeze %dma_start3A_707 : memref<1x64xi32, #tpu.memory_space<vmem>> -> memref<64xi32, #tpu.memory_space<vmem>>
        %dma_start3A_709 = arith.constant 0 : i32
        %dma_start3A_710 = arith.constant 0 : i32
        %dma_start3A_711 = tpu.memref_slice %arg2[%dma_start3A_709, %dma_start3A_710] : memref<10240x128xf32, #tpu.memory_space<hbm>> -> memref<10240x128xf32, #tpu.memory_space<hbm>>
        tpu.enqueue_indirect_dma source(%dma_start3A_711 : memref<10240x128xf32, #tpu.memory_space<hbm>>) target(%arg15 : memref<64x128xf32, #tpu.memory_space<vmem>>) offsets(%dma_start3A_708 : memref<64xi32, #tpu.memory_space<vmem>>) semaphore(%arg33 : memref<!tpu.dma_semaphore, #tpu.memory_space<semaphore_mem>>)
      } else {
      }
      %mul3A_630 = arith.constant 10 : i32
      %mul3A_631 = arith.muli %mul3A_630, %add3A_217 : i32
      %add3A_632 = arith.constant 9 : i32
      %add3A_633 = arith.addi %mul3A_631, %add3A_632 : i32
      %dma_wait3A_634 = arith.constant 0 : i32
      %dma_wait3A_635 = arith.constant 0 : i32
      %dma_wait3A_636 = tpu.memref_slice %arg2[%dma_wait3A_634, %dma_wait3A_635] : memref<10240x128xf32, #tpu.memory_space<hbm>> -> memref<64x128xf32, #tpu.memory_space<hbm>>
      %dma_wait3A_637 = arith.constant 0 : i32
      %dma_wait3A_638 = arith.constant 0 : i32
      %dma_wait3A_639 = tpu.memref_slice %arg2[%dma_wait3A_637, %dma_wait3A_638] : memref<10240x128xf32, #tpu.memory_space<hbm>> -> memref<64x128xf32, #tpu.memory_space<hbm>>
      tpu.wait_dma2 semaphore(%arg36 : memref<!tpu.dma_semaphore, #tpu.memory_space<semaphore_mem>>) src(%dma_wait3A_639 : memref<64x128xf32, #tpu.memory_space<hbm>>) dst(%arg18 : memref<64x128xf32, #tpu.memory_space<vmem>>)
      %dma_start3A_640 = arith.constant 9 : i32
      %dma_start3A_641 = arith.constant 0 : i32
      %dma_start3A_642 = tpu.memref_slice %arg13[%dma_start3A_640, %dma_start3A_641] : memref<10x64xi32, #tpu.memory_space<vmem>> -> memref<1x64xi32, #tpu.memory_space<vmem>>
      %dma_start3A_643 = tpu.memref_squeeze %dma_start3A_642 : memref<1x64xi32, #tpu.memory_space<vmem>> -> memref<64xi32, #tpu.memory_space<vmem>>
      %dma_start3A_644 = arith.constant 0 : i32
      %dma_start3A_645 = arith.constant 0 : i32
      %dma_start3A_646 = tpu.memref_slice %arg20[%dma_start3A_644, %dma_start3A_645] : memref<10240x128xf32, #tpu.memory_space<vmem_shared>> -> memref<10240x128xf32, #tpu.memory_space<vmem_shared>>
      tpu.enqueue_indirect_dma source(%arg18 : memref<64x128xf32, #tpu.memory_space<vmem>>) target(%dma_start3A_646 : memref<10240x128xf32, #tpu.memory_space<vmem_shared>>) offsets(%dma_start3A_643 : memref<64xi32, #tpu.memory_space<vmem>>) semaphore(%arg41 : memref<!tpu.dma_semaphore, #tpu.memory_space<semaphore_mem>>) {add = true}
      %dma_start3A_647 = arith.constant 9 : i32
      %dma_start3A_648 = arith.constant 0 : i32
      %dma_start3A_649 = tpu.memref_slice %arg13[%dma_start3A_647, %dma_start3A_648] : memref<10x64xi32, #tpu.memory_space<vmem>> -> memref<1x64xi32, #tpu.memory_space<vmem>>
      %dma_start3A_650 = tpu.memref_squeeze %dma_start3A_649 : memref<1x64xi32, #tpu.memory_space<vmem>> -> memref<64xi32, #tpu.memory_space<vmem>>
      %dma_start3A_651 = arith.constant 0 : i32
      %dma_start3A_652 = tpu.memref_slice %arg21[%dma_start3A_651] : memref<10240xf32, #tpu.memory_space<vmem_shared>> -> memref<10240xf32, #tpu.memory_space<vmem_shared>>
      tpu.enqueue_indirect_dma source(%arg19 : memref<64xf32, #tpu.memory_space<vmem>>) target(%dma_start3A_652 : memref<10240xf32, #tpu.memory_space<vmem_shared>>) offsets(%dma_start3A_650 : memref<64xi32, #tpu.memory_space<vmem>>) semaphore(%arg41 : memref<!tpu.dma_semaphore, #tpu.memory_space<semaphore_mem>>) {add = true}
      %dma_wait3A_653 = arith.constant 0 : i32
      %dma_wait3A_654 = arith.constant 0 : i32
      %dma_wait3A_655 = tpu.memref_slice %arg20[%dma_wait3A_653, %dma_wait3A_654] : memref<10240x128xf32, #tpu.memory_space<vmem_shared>> -> memref<64x128xf32, #tpu.memory_space<vmem_shared>>
      %dma_wait3A_656 = arith.constant 0 : i32
      %dma_wait3A_657 = arith.constant 0 : i32
      %dma_wait3A_658 = tpu.memref_slice %arg20[%dma_wait3A_656, %dma_wait3A_657] : memref<10240x128xf32, #tpu.memory_space<vmem_shared>> -> memref<64x128xf32, #tpu.memory_space<vmem_shared>>
      tpu.wait_dma2 semaphore(%arg39 : memref<!tpu.dma_semaphore, #tpu.memory_space<semaphore_mem>>) src(%arg16 : memref<64x128xf32, #tpu.memory_space<vmem>>) dst(%dma_wait3A_658 : memref<64x128xf32, #tpu.memory_space<vmem_shared>>)
      %dma_wait3A_659 = arith.constant 0 : i32
      %dma_wait3A_660 = tpu.memref_slice %arg21[%dma_wait3A_659] : memref<10240xf32, #tpu.memory_space<vmem_shared>> -> memref<64xf32, #tpu.memory_space<vmem_shared>>
      %dma_wait3A_661 = arith.constant 0 : i32
      %dma_wait3A_662 = tpu.memref_slice %arg21[%dma_wait3A_661] : memref<10240xf32, #tpu.memory_space<vmem_shared>> -> memref<64xf32, #tpu.memory_space<vmem_shared>>
      tpu.wait_dma2 semaphore(%arg39 : memref<!tpu.dma_semaphore, #tpu.memory_space<semaphore_mem>>) src(%arg19 : memref<64xf32, #tpu.memory_space<vmem>>) dst(%dma_wait3A_662 : memref<64xf32, #tpu.memory_space<vmem_shared>>)
      %add3A_663 = arith.constant 5 : i32
      %add3A_664 = arith.addi %add3A_633, %add3A_663 : i32
      %lt3A_665 = arith.constant 160 : i32
      %lt3A_666 = arith.cmpi slt, %add3A_664, %lt3A_665 : i32
      %convert_element_type3A_667 = arith.extui %lt3A_666 : i1 to i32
      %cond3A_668 = arith.constant 0 : i32
      %cond3A_669 = arith.cmpi ne, %convert_element_type3A_667, %cond3A_668 : i32
      scf.if %cond3A_669 {
        %add3A_677 = arith.constant 5 : i32
        %add3A_678 = arith.addi %add3A_633, %add3A_677 : i32
        %jit3A = arith.constant 2 : i32
        %div3A = arith.divsi %add3A_678, %jit3A : i32
        %sign3A = arith.constant 0 : i32
        %sign3A_679 = arith.cmpi sgt, %add3A_678, %sign3A : i32
        %sign3A_680 = arith.extui %sign3A_679 : i1 to i32
        %sign3A_681 = arith.constant 0 : i32
        %sign3A_682 = arith.cmpi slt, %add3A_678, %sign3A_681 : i32
        %sign3A_683 = arith.extui %sign3A_682 : i1 to i32
        %sign3A_684 = arith.subi %sign3A_680, %sign3A_683 : i32
        %sign3A_685 = arith.constant 0 : i32
        %sign3A_686 = arith.cmpi sgt, %jit3A, %sign3A_685 : i32
        %sign3A_687 = arith.extui %sign3A_686 : i1 to i32
        %sign3A_688 = arith.constant 0 : i32
        %sign3A_689 = arith.cmpi slt, %jit3A, %sign3A_688 : i32
        %sign3A_690 = arith.extui %sign3A_689 : i1 to i32
        %sign3A_691 = arith.subi %sign3A_687, %sign3A_690 : i32
        %ne3A = arith.cmpi ne, %sign3A_684, %sign3A_691 : i32
        %rem3A = arith.remsi %add3A_678, %jit3A : i32
        %ne3A_692 = arith.constant 0 : i32
        %ne3A_693 = arith.cmpi ne, %rem3A, %ne3A_692 : i32
        %and3A = arith.andi %ne3A, %ne3A_693 : i1
        %sub3A = arith.constant 1 : i32
        %sub3A_694 = arith.subi %div3A, %sub3A : i32
        %select_n3A = arith.select %and3A, %sub3A_694, %div3A : i32
        %add3A_695 = arith.addi %mul3A_2, %select_n3A : i32
        %jit3A_696 = arith.constant 2 : i32
        %eq3A = arith.constant 0 : i32
        %eq3A_697 = arith.cmpi eq, %jit3A_696, %eq3A : i32
        %jit3A_698 = arith.constant 1 : i32
        %select_n3A_699 = arith.select %eq3A_697, %jit3A_698, %jit3A_696 : i32
        %rem3A_700 = arith.remsi %add3A_678, %select_n3A_699 : i32
        %ne3A_701 = arith.constant 0 : i32
        %ne3A_702 = arith.cmpi ne, %rem3A_700, %ne3A_701 : i32
        %lt3A_703 = arith.constant 0 : i32
        %lt3A_704 = arith.cmpi slt, %rem3A_700, %lt3A_703 : i32
        %lt3A_705 = arith.constant 0 : i32
        %lt3A_706 = arith.cmpi slt, %select_n3A_699, %lt3A_705 : i32
        %ne3A_707 = arith.xori %lt3A_704, %lt3A_706 : i1
        %and3A_708 = arith.andi %ne3A_707, %ne3A_702 : i1
        %add3A_709 = arith.addi %rem3A_700, %select_n3A_699 : i32
        %select_n3A_710 = arith.select %and3A_708, %add3A_709, %rem3A_700 : i32
        %mul3A_711 = arith.constant 64 : i32
        %mul3A_712 = arith.muli %select_n3A_710, %mul3A_711 : i32
        %lt3A_713 = arith.constant 2500 : i32
        %lt3A_714 = arith.cmpi slt, %add3A_695, %lt3A_713 : i32
        %convert_element_type3A_715 = arith.extui %lt3A_714 : i1 to i32
        %cond3A_716 = arith.constant 0 : i32
        %cond3A_717 = arith.cmpi ne, %convert_element_type3A_715, %cond3A_716 : i32
        scf.if %cond3A_717 {
          %dma_start3A_723 = arith.constant 4 : i32
          %dma_start3A_724 = arith.constant 0 : i32
          %dma_start3A_725 = tpu.memref_slice %arg12[%dma_start3A_723, %dma_start3A_724] : memref<10x64xi32, #tpu.memory_space<vmem>> -> memref<1x64xi32, #tpu.memory_space<vmem>>
          %dma_start3A_726 = tpu.memref_squeeze %dma_start3A_725 : memref<1x64xi32, #tpu.memory_space<vmem>> -> memref<64xi32, #tpu.memory_space<vmem>>
          %dma_start3A_727 = tpu.memref_slice %arg3[%add3A_695, %mul3A_712] : memref<2500x128xi32, #tpu.memory_space<hbm>> -> memref<1x64xi32, #tpu.memory_space<hbm>>
          %dma_start3A_728 = tpu.memref_squeeze %dma_start3A_727 : memref<1x64xi32, #tpu.memory_space<hbm>> -> memref<64xi32, #tpu.memory_space<hbm>>
          %dma_start3A_729 = arith.constant 0 : i32
          %dma_start3A_730 = tpu.memref_slice %arg12[%dma_start3A_723, %dma_start3A_729] : memref<10x64xi32, #tpu.memory_space<vmem>> -> memref<1x64xi32, #tpu.memory_space<vmem>>
          %dma_start3A_731 = tpu.memref_squeeze %dma_start3A_730 : memref<1x64xi32, #tpu.memory_space<vmem>> -> memref<64xi32, #tpu.memory_space<vmem>>
          %dma_start3A_732 = tpu.memref_slice %arg3[%add3A_695, %mul3A_712] : memref<2500x128xi32, #tpu.memory_space<hbm>> -> memref<1x64xi32, #tpu.memory_space<hbm>>
          %dma_start3A_733 = tpu.memref_squeeze %dma_start3A_732 : memref<1x64xi32, #tpu.memory_space<hbm>> -> memref<64xi32, #tpu.memory_space<hbm>>
          tpu.enqueue_dma source(%dma_start3A_733 : memref<64xi32, #tpu.memory_space<hbm>>) target(%dma_start3A_731 : memref<64xi32, #tpu.memory_space<vmem>>) target_semaphore(%arg26 : memref<!tpu.dma_semaphore, #tpu.memory_space<semaphore_mem>>)
          %dma_start3A_734 = arith.constant 4 : i32
          %dma_start3A_735 = arith.constant 0 : i32
          %dma_start3A_736 = tpu.memref_slice %arg13[%dma_start3A_734, %dma_start3A_735] : memref<10x64xi32, #tpu.memory_space<vmem>> -> memref<1x64xi32, #tpu.memory_space<vmem>>
          %dma_start3A_737 = tpu.memref_squeeze %dma_start3A_736 : memref<1x64xi32, #tpu.memory_space<vmem>> -> memref<64xi32, #tpu.memory_space<vmem>>
          %dma_start3A_738 = tpu.memref_slice %arg4[%add3A_695, %mul3A_712] : memref<2500x128xi32, #tpu.memory_space<hbm>> -> memref<1x64xi32, #tpu.memory_space<hbm>>
          %dma_start3A_739 = tpu.memref_squeeze %dma_start3A_738 : memref<1x64xi32, #tpu.memory_space<hbm>> -> memref<64xi32, #tpu.memory_space<hbm>>
          %dma_start3A_740 = arith.constant 0 : i32
          %dma_start3A_741 = tpu.memref_slice %arg13[%dma_start3A_734, %dma_start3A_740] : memref<10x64xi32, #tpu.memory_space<vmem>> -> memref<1x64xi32, #tpu.memory_space<vmem>>
          %dma_start3A_742 = tpu.memref_squeeze %dma_start3A_741 : memref<1x64xi32, #tpu.memory_space<vmem>> -> memref<64xi32, #tpu.memory_space<vmem>>
          %dma_start3A_743 = tpu.memref_slice %arg4[%add3A_695, %mul3A_712] : memref<2500x128xi32, #tpu.memory_space<hbm>> -> memref<1x64xi32, #tpu.memory_space<hbm>>
          %dma_start3A_744 = tpu.memref_squeeze %dma_start3A_743 : memref<1x64xi32, #tpu.memory_space<hbm>> -> memref<64xi32, #tpu.memory_space<hbm>>
          tpu.enqueue_dma source(%dma_start3A_744 : memref<64xi32, #tpu.memory_space<hbm>>) target(%dma_start3A_742 : memref<64xi32, #tpu.memory_space<vmem>>) target_semaphore(%arg26 : memref<!tpu.dma_semaphore, #tpu.memory_space<semaphore_mem>>)
        } else {
        }
        %ge3A_718 = arith.constant 2500 : i32
        %ge3A_719 = arith.cmpi sge, %add3A_695, %ge3A_718 : i32
        %convert_element_type3A_720 = arith.extui %ge3A_719 : i1 to i32
        %cond3A_721 = arith.constant 0 : i32
        %cond3A_722 = arith.cmpi ne, %convert_element_type3A_720, %cond3A_721 : i32
        scf.if %cond3A_722 {
          %sub3A_723 = arith.constant 2500 : i32
          %sub3A_724 = arith.subi %add3A_695, %sub3A_723 : i32
          %dma_start3A_725 = arith.constant 4 : i32
          %dma_start3A_726 = arith.constant 0 : i32
          %dma_start3A_727 = tpu.memref_slice %arg12[%dma_start3A_725, %dma_start3A_726] : memref<10x64xi32, #tpu.memory_space<vmem>> -> memref<1x64xi32, #tpu.memory_space<vmem>>
          %dma_start3A_728 = tpu.memref_squeeze %dma_start3A_727 : memref<1x64xi32, #tpu.memory_space<vmem>> -> memref<64xi32, #tpu.memory_space<vmem>>
          %dma_start3A_729 = tpu.memref_slice %arg5[%sub3A_724, %mul3A_712] : memref<60x128xi32, #tpu.memory_space<hbm>> -> memref<1x64xi32, #tpu.memory_space<hbm>>
          %dma_start3A_730 = tpu.memref_squeeze %dma_start3A_729 : memref<1x64xi32, #tpu.memory_space<hbm>> -> memref<64xi32, #tpu.memory_space<hbm>>
          %dma_start3A_731 = arith.constant 0 : i32
          %dma_start3A_732 = tpu.memref_slice %arg12[%dma_start3A_725, %dma_start3A_731] : memref<10x64xi32, #tpu.memory_space<vmem>> -> memref<1x64xi32, #tpu.memory_space<vmem>>
          %dma_start3A_733 = tpu.memref_squeeze %dma_start3A_732 : memref<1x64xi32, #tpu.memory_space<vmem>> -> memref<64xi32, #tpu.memory_space<vmem>>
          %dma_start3A_734 = tpu.memref_slice %arg5[%sub3A_724, %mul3A_712] : memref<60x128xi32, #tpu.memory_space<hbm>> -> memref<1x64xi32, #tpu.memory_space<hbm>>
          %dma_start3A_735 = tpu.memref_squeeze %dma_start3A_734 : memref<1x64xi32, #tpu.memory_space<hbm>> -> memref<64xi32, #tpu.memory_space<hbm>>
          tpu.enqueue_dma source(%dma_start3A_735 : memref<64xi32, #tpu.memory_space<hbm>>) target(%dma_start3A_733 : memref<64xi32, #tpu.memory_space<vmem>>) target_semaphore(%arg26 : memref<!tpu.dma_semaphore, #tpu.memory_space<semaphore_mem>>)
          %sub3A_736 = arith.constant 2500 : i32
          %sub3A_737 = arith.subi %add3A_695, %sub3A_736 : i32
          %dma_start3A_738 = arith.constant 4 : i32
          %dma_start3A_739 = arith.constant 0 : i32
          %dma_start3A_740 = tpu.memref_slice %arg13[%dma_start3A_738, %dma_start3A_739] : memref<10x64xi32, #tpu.memory_space<vmem>> -> memref<1x64xi32, #tpu.memory_space<vmem>>
          %dma_start3A_741 = tpu.memref_squeeze %dma_start3A_740 : memref<1x64xi32, #tpu.memory_space<vmem>> -> memref<64xi32, #tpu.memory_space<vmem>>
          %dma_start3A_742 = tpu.memref_slice %arg6[%sub3A_737, %mul3A_712] : memref<60x128xi32, #tpu.memory_space<hbm>> -> memref<1x64xi32, #tpu.memory_space<hbm>>
          %dma_start3A_743 = tpu.memref_squeeze %dma_start3A_742 : memref<1x64xi32, #tpu.memory_space<hbm>> -> memref<64xi32, #tpu.memory_space<hbm>>
          %dma_start3A_744 = arith.constant 0 : i32
          %dma_start3A_745 = tpu.memref_slice %arg13[%dma_start3A_738, %dma_start3A_744] : memref<10x64xi32, #tpu.memory_space<vmem>> -> memref<1x64xi32, #tpu.memory_space<vmem>>
          %dma_start3A_746 = tpu.memref_squeeze %dma_start3A_745 : memref<1x64xi32, #tpu.memory_space<vmem>> -> memref<64xi32, #tpu.memory_space<vmem>>
          %dma_start3A_747 = tpu.memref_slice %arg6[%sub3A_737, %mul3A_712] : memref<60x128xi32, #tpu.memory_space<hbm>> -> memref<1x64xi32, #tpu.memory_space<hbm>>
          %dma_start3A_748 = tpu.memref_squeeze %dma_start3A_747 : memref<1x64xi32, #tpu.memory_space<hbm>> -> memref<64xi32, #tpu.memory_space<hbm>>
          tpu.enqueue_dma source(%dma_start3A_748 : memref<64xi32, #tpu.memory_space<hbm>>) target(%dma_start3A_746 : memref<64xi32, #tpu.memory_space<vmem>>) target_semaphore(%arg26 : memref<!tpu.dma_semaphore, #tpu.memory_space<semaphore_mem>>)
        } else {
        }
      } else {
      }
      %add3A_670 = arith.constant 3 : i32
      %add3A_671 = arith.addi %add3A_633, %add3A_670 : i32
      %lt3A_672 = arith.constant 160 : i32
      %lt3A_673 = arith.cmpi slt, %add3A_671, %lt3A_672 : i32
      %convert_element_type3A_674 = arith.extui %lt3A_673 : i1 to i32
      %cond3A_675 = arith.constant 0 : i32
      %cond3A_676 = arith.cmpi ne, %convert_element_type3A_674, %cond3A_675 : i32
      scf.if %cond3A_676 {
        %dma_wait3A_677 = arith.constant 0 : i32
        %dma_wait3A_678 = arith.constant 2 : i32
        %dma_wait3A_679 = arith.constant 0 : i32
        %dma_wait3A_680 = tpu.memref_slice %arg12[%dma_wait3A_678, %dma_wait3A_679] : memref<10x64xi32, #tpu.memory_space<vmem>> -> memref<1x64xi32, #tpu.memory_space<vmem>>
        %dma_wait3A_681 = tpu.memref_squeeze %dma_wait3A_680 : memref<1x64xi32, #tpu.memory_space<vmem>> -> memref<64xi32, #tpu.memory_space<vmem>>
        %dma_wait3A_682 = arith.constant 0 : i32
        %dma_wait3A_683 = tpu.memref_slice %arg3[%dma_wait3A_677, %dma_wait3A_682] : memref<2500x128xi32, #tpu.memory_space<hbm>> -> memref<1x64xi32, #tpu.memory_space<hbm>>
        %dma_wait3A_684 = tpu.memref_squeeze %dma_wait3A_683 : memref<1x64xi32, #tpu.memory_space<hbm>> -> memref<64xi32, #tpu.memory_space<hbm>>
        %dma_wait3A_685 = arith.constant 0 : i32
        %dma_wait3A_686 = tpu.memref_slice %arg12[%dma_wait3A_678, %dma_wait3A_685] : memref<10x64xi32, #tpu.memory_space<vmem>> -> memref<1x64xi32, #tpu.memory_space<vmem>>
        %dma_wait3A_687 = tpu.memref_squeeze %dma_wait3A_686 : memref<1x64xi32, #tpu.memory_space<vmem>> -> memref<64xi32, #tpu.memory_space<vmem>>
        %dma_wait3A_688 = arith.constant 0 : i32
        %dma_wait3A_689 = tpu.memref_slice %arg3[%dma_wait3A_677, %dma_wait3A_688] : memref<2500x128xi32, #tpu.memory_space<hbm>> -> memref<1x64xi32, #tpu.memory_space<hbm>>
        %dma_wait3A_690 = tpu.memref_squeeze %dma_wait3A_689 : memref<1x64xi32, #tpu.memory_space<hbm>> -> memref<64xi32, #tpu.memory_space<hbm>>
        tpu.wait_dma2 semaphore(%arg24 : memref<!tpu.dma_semaphore, #tpu.memory_space<semaphore_mem>>) src(%dma_wait3A_690 : memref<64xi32, #tpu.memory_space<hbm>>) dst(%dma_wait3A_687 : memref<64xi32, #tpu.memory_space<vmem>>)
        %dma_wait3A_691 = arith.constant 0 : i32
        %dma_wait3A_692 = arith.constant 2 : i32
        %dma_wait3A_693 = arith.constant 0 : i32
        %dma_wait3A_694 = tpu.memref_slice %arg12[%dma_wait3A_692, %dma_wait3A_693] : memref<10x64xi32, #tpu.memory_space<vmem>> -> memref<1x64xi32, #tpu.memory_space<vmem>>
        %dma_wait3A_695 = tpu.memref_squeeze %dma_wait3A_694 : memref<1x64xi32, #tpu.memory_space<vmem>> -> memref<64xi32, #tpu.memory_space<vmem>>
        %dma_wait3A_696 = arith.constant 0 : i32
        %dma_wait3A_697 = tpu.memref_slice %arg3[%dma_wait3A_691, %dma_wait3A_696] : memref<2500x128xi32, #tpu.memory_space<hbm>> -> memref<1x64xi32, #tpu.memory_space<hbm>>
        %dma_wait3A_698 = tpu.memref_squeeze %dma_wait3A_697 : memref<1x64xi32, #tpu.memory_space<hbm>> -> memref<64xi32, #tpu.memory_space<hbm>>
        %dma_wait3A_699 = arith.constant 0 : i32
        %dma_wait3A_700 = tpu.memref_slice %arg12[%dma_wait3A_692, %dma_wait3A_699] : memref<10x64xi32, #tpu.memory_space<vmem>> -> memref<1x64xi32, #tpu.memory_space<vmem>>
        %dma_wait3A_701 = tpu.memref_squeeze %dma_wait3A_700 : memref<1x64xi32, #tpu.memory_space<vmem>> -> memref<64xi32, #tpu.memory_space<vmem>>
        %dma_wait3A_702 = arith.constant 0 : i32
        %dma_wait3A_703 = tpu.memref_slice %arg3[%dma_wait3A_691, %dma_wait3A_702] : memref<2500x128xi32, #tpu.memory_space<hbm>> -> memref<1x64xi32, #tpu.memory_space<hbm>>
        %dma_wait3A_704 = tpu.memref_squeeze %dma_wait3A_703 : memref<1x64xi32, #tpu.memory_space<hbm>> -> memref<64xi32, #tpu.memory_space<hbm>>
        tpu.wait_dma2 semaphore(%arg24 : memref<!tpu.dma_semaphore, #tpu.memory_space<semaphore_mem>>) src(%dma_wait3A_704 : memref<64xi32, #tpu.memory_space<hbm>>) dst(%dma_wait3A_701 : memref<64xi32, #tpu.memory_space<vmem>>)
        %dma_start3A_705 = arith.constant 2 : i32
        %dma_start3A_706 = arith.constant 0 : i32
        %dma_start3A_707 = tpu.memref_slice %arg12[%dma_start3A_705, %dma_start3A_706] : memref<10x64xi32, #tpu.memory_space<vmem>> -> memref<1x64xi32, #tpu.memory_space<vmem>>
        %dma_start3A_708 = tpu.memref_squeeze %dma_start3A_707 : memref<1x64xi32, #tpu.memory_space<vmem>> -> memref<64xi32, #tpu.memory_space<vmem>>
        %dma_start3A_709 = arith.constant 0 : i32
        %dma_start3A_710 = arith.constant 0 : i32
        %dma_start3A_711 = tpu.memref_slice %arg2[%dma_start3A_709, %dma_start3A_710] : memref<10240x128xf32, #tpu.memory_space<hbm>> -> memref<10240x128xf32, #tpu.memory_space<hbm>>
        tpu.enqueue_indirect_dma source(%dma_start3A_711 : memref<10240x128xf32, #tpu.memory_space<hbm>>) target(%arg16 : memref<64x128xf32, #tpu.memory_space<vmem>>) offsets(%dma_start3A_708 : memref<64xi32, #tpu.memory_space<vmem>>) semaphore(%arg34 : memref<!tpu.dma_semaphore, #tpu.memory_space<semaphore_mem>>)
      } else {
      }
    }
    %scan3A_177 = arith.constant 16 : i32
    %dma_wait3A_178 = arith.constant 0 : i32
    %dma_wait3A_179 = arith.constant 0 : i32
    %dma_wait3A_180 = tpu.memref_slice %arg20[%dma_wait3A_178, %dma_wait3A_179] : memref<10240x128xf32, #tpu.memory_space<vmem_shared>> -> memref<64x128xf32, #tpu.memory_space<vmem_shared>>
    %dma_wait3A_181 = arith.constant 0 : i32
    %dma_wait3A_182 = arith.constant 0 : i32
    %dma_wait3A_183 = tpu.memref_slice %arg20[%dma_wait3A_181, %dma_wait3A_182] : memref<10240x128xf32, #tpu.memory_space<vmem_shared>> -> memref<64x128xf32, #tpu.memory_space<vmem_shared>>
    tpu.wait_dma2 semaphore(%arg40 : memref<!tpu.dma_semaphore, #tpu.memory_space<semaphore_mem>>) src(%arg17 : memref<64x128xf32, #tpu.memory_space<vmem>>) dst(%dma_wait3A_183 : memref<64x128xf32, #tpu.memory_space<vmem_shared>>)
    %dma_wait3A_184 = arith.constant 0 : i32
    %dma_wait3A_185 = tpu.memref_slice %arg21[%dma_wait3A_184] : memref<10240xf32, #tpu.memory_space<vmem_shared>> -> memref<64xf32, #tpu.memory_space<vmem_shared>>
    %dma_wait3A_186 = arith.constant 0 : i32
    %dma_wait3A_187 = tpu.memref_slice %arg21[%dma_wait3A_186] : memref<10240xf32, #tpu.memory_space<vmem_shared>> -> memref<64xf32, #tpu.memory_space<vmem_shared>>
    tpu.wait_dma2 semaphore(%arg40 : memref<!tpu.dma_semaphore, #tpu.memory_space<semaphore_mem>>) src(%arg19 : memref<64xf32, #tpu.memory_space<vmem>>) dst(%dma_wait3A_187 : memref<64xf32, #tpu.memory_space<vmem_shared>>)
    %dma_wait3A_188 = arith.constant 0 : i32
    %dma_wait3A_189 = arith.constant 0 : i32
    %dma_wait3A_190 = tpu.memref_slice %arg20[%dma_wait3A_188, %dma_wait3A_189] : memref<10240x128xf32, #tpu.memory_space<vmem_shared>> -> memref<64x128xf32, #tpu.memory_space<vmem_shared>>
    %dma_wait3A_191 = arith.constant 0 : i32
    %dma_wait3A_192 = arith.constant 0 : i32
    %dma_wait3A_193 = tpu.memref_slice %arg20[%dma_wait3A_191, %dma_wait3A_192] : memref<10240x128xf32, #tpu.memory_space<vmem_shared>> -> memref<64x128xf32, #tpu.memory_space<vmem_shared>>
    tpu.wait_dma2 semaphore(%arg41 : memref<!tpu.dma_semaphore, #tpu.memory_space<semaphore_mem>>) src(%arg18 : memref<64x128xf32, #tpu.memory_space<vmem>>) dst(%dma_wait3A_193 : memref<64x128xf32, #tpu.memory_space<vmem_shared>>)
    %dma_wait3A_194 = arith.constant 0 : i32
    %dma_wait3A_195 = tpu.memref_slice %arg21[%dma_wait3A_194] : memref<10240xf32, #tpu.memory_space<vmem_shared>> -> memref<64xf32, #tpu.memory_space<vmem_shared>>
    %dma_wait3A_196 = arith.constant 0 : i32
    %dma_wait3A_197 = tpu.memref_slice %arg21[%dma_wait3A_196] : memref<10240xf32, #tpu.memory_space<vmem_shared>> -> memref<64xf32, #tpu.memory_space<vmem_shared>>
    tpu.wait_dma2 semaphore(%arg41 : memref<!tpu.dma_semaphore, #tpu.memory_space<semaphore_mem>>) src(%arg19 : memref<64xf32, #tpu.memory_space<vmem>>) dst(%dma_wait3A_197 : memref<64xf32, #tpu.memory_space<vmem_shared>>)
    %barrier3A_198 = arith.constant 0 : index
    tpu.barrier barrier_id(%barrier3A_198)
    %scan3A_199 = arith.constant 0 : i32
    %scan3A_200 = arith.constant 10 : i32
    %scan3A_201 = arith.addi %scan3A_199, %scan3A_200 : i32
    %scan3A_202 = arith.constant 1 : i32
    scf.for %scan3A_213 = %scan3A_199 to %scan3A_201 step %scan3A_202  : i32 {
      %mul3A_214 = arith.constant 64 : i32
      %mul3A_215 = arith.muli %scan3A_213, %mul3A_214 : i32
      %add3A_216 = arith.constant 0 : i32
      %add3A_217 = arith.addi %add3A_216, %mul3A_215 : i32
      %mul3A_218 = arith.constant 640 : i32
      %mul3A_219 = arith.muli %arg1, %mul3A_218 : i32
      %add3A_220 = arith.addi %mul3A_219, %add3A_217 : i32
      %mul3A_221 = arith.constant 640 : i32
      %mul3A_222 = arith.muli %arg1, %mul3A_221 : i32
      %add3A_223 = arith.addi %mul3A_222, %add3A_217 : i32
      %dma_start3A_224 = arith.constant 0 : i32
      %dma_start3A_225 = tpu.memref_slice %arg10[%arg0, %add3A_223, %dma_start3A_224] : memref<2x10240x128xf32, #tpu.memory_space<hbm>> -> memref<1x64x128xf32, #tpu.memory_space<hbm>>
      %dma_start3A_226 = tpu.memref_squeeze %dma_start3A_225 : memref<1x64x128xf32, #tpu.memory_space<hbm>> -> memref<64x128xf32, #tpu.memory_space<hbm>>
      %dma_start3A_227 = arith.constant 0 : i32
      %dma_start3A_228 = tpu.memref_slice %arg20[%add3A_220, %dma_start3A_227] : memref<10240x128xf32, #tpu.memory_space<vmem_shared>> -> memref<64x128xf32, #tpu.memory_space<vmem_shared>>
      tpu.enqueue_dma source(%dma_start3A_228 : memref<64x128xf32, #tpu.memory_space<vmem_shared>>) target(%dma_start3A_226 : memref<64x128xf32, #tpu.memory_space<hbm>>) target_semaphore(%arg42 : memref<!tpu.dma_semaphore, #tpu.memory_space<semaphore_mem>>)
    }
    %scan3A_203 = arith.constant 10 : i32
    %mul3A_204 = arith.constant 640 : i32
    %mul3A_205 = arith.muli %arg1, %mul3A_204 : i32
    %mul3A_206 = arith.constant 640 : i32
    %mul3A_207 = arith.muli %arg1, %mul3A_206 : i32
    "tpu.region"() ({
      %run_scoped3A = tpu.sem_alloc : memref<!tpu.dma_semaphore, #tpu.memory_space<semaphore_mem>>
      %dma_start3A_213 = tpu.memref_slice %arg11[%arg0, %mul3A_207] : memref<2x10240xf32, #tpu.memory_space<hbm>> -> memref<1x640xf32, #tpu.memory_space<hbm>>
      %dma_start3A_214 = tpu.memref_squeeze %dma_start3A_213 : memref<1x640xf32, #tpu.memory_space<hbm>> -> memref<640xf32, #tpu.memory_space<hbm>>
      %dma_start3A_215 = tpu.memref_slice %arg21[%mul3A_205] : memref<10240xf32, #tpu.memory_space<vmem_shared>> -> memref<640xf32, #tpu.memory_space<vmem_shared>>
      tpu.enqueue_dma source(%dma_start3A_215 : memref<640xf32, #tpu.memory_space<vmem_shared>>) target(%dma_start3A_214 : memref<640xf32, #tpu.memory_space<hbm>>) target_semaphore(%run_scoped3A : memref<!tpu.dma_semaphore, #tpu.memory_space<semaphore_mem>>)
      %dma_wait3A_216 = tpu.memref_slice %arg11[%arg0, %mul3A_207] : memref<2x10240xf32, #tpu.memory_space<hbm>> -> memref<1x640xf32, #tpu.memory_space<hbm>>
      %dma_wait3A_217 = tpu.memref_squeeze %dma_wait3A_216 : memref<1x640xf32, #tpu.memory_space<hbm>> -> memref<640xf32, #tpu.memory_space<hbm>>
      %dma_wait3A_218 = tpu.memref_slice %arg21[%mul3A_205] : memref<10240xf32, #tpu.memory_space<vmem_shared>> -> memref<640xf32, #tpu.memory_space<vmem_shared>>
      tpu.wait_dma2 semaphore(%run_scoped3A : memref<!tpu.dma_semaphore, #tpu.memory_space<semaphore_mem>>) src(%dma_wait3A_218 : memref<640xf32, #tpu.memory_space<vmem_shared>>) dst(%dma_wait3A_217 : memref<640xf32, #tpu.memory_space<hbm>>)
      tpu.yield
    }) : () -> ()
    %scan3A_208 = arith.constant 0 : i32
    %scan3A_209 = arith.constant 10 : i32
    %scan3A_210 = arith.addi %scan3A_208, %scan3A_209 : i32
    %scan3A_211 = arith.constant 1 : i32
    scf.for %scan3A_213 = %scan3A_208 to %scan3A_210 step %scan3A_211  : i32 {
      %mul3A_214 = arith.constant 64 : i32
      %mul3A_215 = arith.muli %scan3A_213, %mul3A_214 : i32
      %add3A_216 = arith.constant 0 : i32
      %add3A_217 = arith.addi %add3A_216, %mul3A_215 : i32
      %dma_wait3A_218 = arith.constant 0 : i32
      %dma_wait3A_219 = arith.constant 0 : i32
      %dma_wait3A_220 = tpu.memref_slice %arg10[%arg0, %dma_wait3A_218, %dma_wait3A_219] : memref<2x10240x128xf32, #tpu.memory_space<hbm>> -> memref<1x64x128xf32, #tpu.memory_space<hbm>>
      %dma_wait3A_221 = tpu.memref_squeeze %dma_wait3A_220 : memref<1x64x128xf32, #tpu.memory_space<hbm>> -> memref<64x128xf32, #tpu.memory_space<hbm>>
      %dma_wait3A_222 = arith.constant 0 : i32
      %dma_wait3A_223 = arith.constant 0 : i32
      %dma_wait3A_224 = tpu.memref_slice %arg20[%dma_wait3A_222, %dma_wait3A_223] : memref<10240x128xf32, #tpu.memory_space<vmem_shared>> -> memref<64x128xf32, #tpu.memory_space<vmem_shared>>
      tpu.wait_dma2 semaphore(%arg42 : memref<!tpu.dma_semaphore, #tpu.memory_space<semaphore_mem>>) src(%dma_wait3A_224 : memref<64x128xf32, #tpu.memory_space<vmem_shared>>) dst(%dma_wait3A_221 : memref<64x128xf32, #tpu.memory_space<hbm>>)
    }
    %scan3A_212 = arith.constant 10 : i32
    return
  }
}

module attributes {stable_mosaic.version = 14 : i64} {
  func.func @_scale_body(%arg0: i32, %arg1: memref<2048x128xf32, #tpu.memory_space<vmem>>, %arg2: memref<2x2048xf32, #tpu.memory_space<vmem>>, %arg3: memref<2048x128xf32, #tpu.memory_space<vmem>>) attributes {dimension_semantics = [#tpu.dimension_semantics<arbitrary>], iteration_bounds = array<i64: 5>, scalar_prefetch = 0 : i64, scratch_operands = 0 : i64, tpu.core_type = #tpu.core_type<tc>, window_params = [{transform_indices = @transform_0, window_bounds = array<i64: 2048, 128>}, {transform_indices = @transform_1, window_bounds = array<i64: 2, 2048>}, {transform_indices = @transform_2, window_bounds = array<i64: 2048, 128>}]} {
    %get3A = arith.constant 0 : index
    %get3A_0 = arith.constant 0 : index
    %get3A_1 = vector.load %arg2[%get3A, %get3A_0] : memref<2x2048xf32, #tpu.memory_space<vmem>>, vector<1x2048xf32>
    %get3A_2 = vector.shape_cast %get3A_1 : vector<1x2048xf32> to vector<2048xf32>
    %get3A_3 = arith.constant 1 : index
    %get3A_4 = arith.constant 0 : index
    %get3A_5 = vector.load %arg2[%get3A_3, %get3A_4] : memref<2x2048xf32, #tpu.memory_space<vmem>>, vector<1x2048xf32>
    %get3A_6 = vector.shape_cast %get3A_5 : vector<1x2048xf32> to vector<2048xf32>
    %add3A = arith.addf %get3A_2, %get3A_6 : vector<2048xf32>
    %max3A = arith.constant 1.000000e+00 : f32
    %max3A_7 = vector.broadcast %max3A : f32 to vector<2048xf32>
    %max3A_8 = arith.maximumf %add3A, %max3A_7 : vector<2048xf32>
    %rsqrt3A = math.rsqrt %max3A_8 : vector<2048xf32>
    %get3A_9 = arith.constant 0 : index
    %get3A_10 = arith.constant 0 : index
    %get3A_11 = vector.load %arg1[%get3A_9, %get3A_10] : memref<2048x128xf32, #tpu.memory_space<vmem>>, vector<2048x128xf32>
    %broadcast_in_dim3A = vector.shape_cast %rsqrt3A : vector<2048xf32> to vector<2048x1xf32>
    %mul3A = vector.broadcast %broadcast_in_dim3A : vector<2048x1xf32> to vector<2048x128xf32>
    %mul3A_12 = arith.mulf %get3A_11, %mul3A : vector<2048x128xf32>
    %swap3A = arith.constant 0 : index
    %swap3A_13 = arith.constant 0 : index
    %swap3A_14 = vector.load %arg3[%swap3A, %swap3A_13] : memref<2048x128xf32, #tpu.memory_space<vmem>>, vector<2048x128xf32>
    tpu.vector_store %arg3[%swap3A, %swap3A_13], %mul3A_12 {strides = array<i32>} : memref<2048x128xf32, #tpu.memory_space<vmem>>, vector<2048x128xf32>,
    return
  }
  func.func @transform_0(%arg0: i32) -> (i32, i32) {
    %c0_i32 = arith.constant 0 : i32
    %c0_i32_0 = arith.constant 0 : i32
    return %arg0, %c0_i32 : i32, i32
  }
  func.func @transform_1(%arg0: i32) -> (i32, i32) {
    %c0_i32 = arith.constant 0 : i32
    %c0_i32_0 = arith.constant 0 : i32
    return %c0_i32, %arg0 : i32, i32
  }
  func.func @transform_2(%arg0: i32) -> (i32, i32) {
    %c0_i32 = arith.constant 0 : i32
    %c0_i32_0 = arith.constant 0 : i32
    return %arg0, %c0_i32 : i32, i32
  }
}

module attributes {stable_mosaic.version = 14 : i64} {
  func.func @_out_body(%arg0: i32, %arg1: memref<2x2048x128xf32, #tpu.memory_space<vmem>>, %arg2: memref<2x2048xf32, #tpu.memory_space<vmem>>, %arg3: memref<128x128xf32, #tpu.memory_space<vmem>>, %arg4: memref<1x128xf32, #tpu.memory_space<vmem>>, %arg5: memref<2048x128xf32, #tpu.memory_space<vmem>>) attributes {dimension_semantics = [#tpu.dimension_semantics<arbitrary>], iteration_bounds = array<i64: 5>, scalar_prefetch = 0 : i64, scratch_operands = 0 : i64, tpu.core_type = #tpu.core_type<tc>, window_params = [{transform_indices = @transform_0, window_bounds = array<i64: 2, 2048, 128>}, {transform_indices = @transform_1, window_bounds = array<i64: 2, 2048>}, {pipeline_mode = #tpu.pipeline_mode<synchronous>, transform_indices = @transform_2, window_bounds = array<i64: 128, 128>}, {pipeline_mode = #tpu.pipeline_mode<synchronous>, transform_indices = @transform_3, window_bounds = array<i64: 1, 128>}, {transform_indices = @transform_4, window_bounds = array<i64: 2048, 128>}]} {
    %get3A = arith.constant 0 : index
    %get3A_0 = arith.constant 0 : index
    %get3A_1 = arith.constant 0 : index
    %get3A_2 = vector.load %arg1[%get3A, %get3A_0, %get3A_1] : memref<2x2048x128xf32, #tpu.memory_space<vmem>>, vector<1x2048x128xf32>
    %get3A_3 = vector.shape_cast %get3A_2 : vector<1x2048x128xf32> to vector<2048x128xf32>
    %get3A_4 = arith.constant 1 : index
    %get3A_5 = arith.constant 0 : index
    %get3A_6 = arith.constant 0 : index
    %get3A_7 = vector.load %arg1[%get3A_4, %get3A_5, %get3A_6] : memref<2x2048x128xf32, #tpu.memory_space<vmem>>, vector<1x2048x128xf32>
    %get3A_8 = vector.shape_cast %get3A_7 : vector<1x2048x128xf32> to vector<2048x128xf32>
    %add3A = arith.addf %get3A_3, %get3A_8 : vector<2048x128xf32>
    %get3A_9 = arith.constant 0 : index
    %get3A_10 = arith.constant 0 : index
    %get3A_11 = vector.load %arg2[%get3A_9, %get3A_10] : memref<2x2048xf32, #tpu.memory_space<vmem>>, vector<1x2048xf32>
    %get3A_12 = vector.shape_cast %get3A_11 : vector<1x2048xf32> to vector<2048xf32>
    %get3A_13 = arith.constant 1 : index
    %get3A_14 = arith.constant 0 : index
    %get3A_15 = vector.load %arg2[%get3A_13, %get3A_14] : memref<2x2048xf32, #tpu.memory_space<vmem>>, vector<1x2048xf32>
    %get3A_16 = vector.shape_cast %get3A_15 : vector<1x2048xf32> to vector<2048xf32>
    %add3A_17 = arith.addf %get3A_12, %get3A_16 : vector<2048xf32>
    %max3A = arith.constant 1.000000e+00 : f32
    %max3A_18 = vector.broadcast %max3A : f32 to vector<2048xf32>
    %max3A_19 = arith.maximumf %add3A_17, %max3A_18 : vector<2048xf32>
    %rsqrt3A = math.rsqrt %max3A_19 : vector<2048xf32>
    %broadcast_in_dim3A = vector.shape_cast %rsqrt3A : vector<2048xf32> to vector<2048x1xf32>
    %mul3A = vector.broadcast %broadcast_in_dim3A : vector<2048x1xf32> to vector<2048x128xf32>
    %mul3A_20 = arith.mulf %add3A, %mul3A : vector<2048x128xf32>
    %get3A_21 = arith.constant 0 : index
    %get3A_22 = arith.constant 0 : index
    %get3A_23 = vector.load %arg3[%get3A_21, %get3A_22] : memref<128x128xf32, #tpu.memory_space<vmem>>, vector<128x128xf32>
    %dot_general3A = arith.constant dense<0.000000e+00> : vector<2048x128xf32>
    %dot_general3A_24 = tpu.matmul %mul3A_20, %get3A_23, %dot_general3A {dimension_numbers = #tpu.dot_dimension_numbers<[1], [0], [0], [1], [0, 0, 1, 1], [], []>, transpose_lhs_hint = false} : vector<2048x128xf32>, vector<128x128xf32>, vector<2048x128xf32> -> vector<2048x128xf32>
    %get3A_25 = arith.constant 0 : index
    %get3A_26 = arith.constant 0 : index
    %get3A_27 = vector.load %arg4[%get3A_25, %get3A_26] : memref<1x128xf32, #tpu.memory_space<vmem>>, vector<1x128xf32>
    %add3A_28 = vector.broadcast %get3A_27 : vector<1x128xf32> to vector<2048x128xf32>
    %add3A_29 = arith.addf %dot_general3A_24, %add3A_28 : vector<2048x128xf32>
    %max3A_30 = arith.constant 0.000000e+00 : f32
    %max3A_31 = vector.broadcast %max3A_30 : f32 to vector<2048x128xf32>
    %max3A_32 = arith.maximumf %add3A_29, %max3A_31 : vector<2048x128xf32>
    %swap3A = arith.constant 0 : index
    %swap3A_33 = arith.constant 0 : index
    %swap3A_34 = vector.load %arg5[%swap3A, %swap3A_33] : memref<2048x128xf32, #tpu.memory_space<vmem>>, vector<2048x128xf32>
    tpu.vector_store %arg5[%swap3A, %swap3A_33], %max3A_32 {strides = array<i32>} : memref<2048x128xf32, #tpu.memory_space<vmem>>, vector<2048x128xf32>,
    return
  }
  func.func @transform_0(%arg0: i32) -> (i32, i32, i32) {
    %c0_i32 = arith.constant 0 : i32
    %c0_i32_0 = arith.constant 0 : i32
    %c0_i32_1 = arith.constant 0 : i32
    return %c0_i32, %arg0, %c0_i32_0 : i32, i32, i32
  }
  func.func @transform_1(%arg0: i32) -> (i32, i32) {
    %c0_i32 = arith.constant 0 : i32
    %c0_i32_0 = arith.constant 0 : i32
    return %c0_i32, %arg0 : i32, i32
  }
  func.func @transform_2(%arg0: i32) -> (i32, i32) {
    %c0_i32 = arith.constant 0 : i32
    %c0_i32_0 = arith.constant 0 : i32
    %c0_i32_1 = arith.constant 0 : i32
    return %c0_i32, %c0_i32_0 : i32, i32
  }
  func.func @transform_3(%arg0: i32) -> (i32, i32) {
    %c0_i32 = arith.constant 0 : i32
    %c0_i32_0 = arith.constant 0 : i32
    %c0_i32_1 = arith.constant 0 : i32
    return %c0_i32, %c0_i32_0 : i32, i32
  }
  func.func @transform_4(%arg0: i32) -> (i32, i32) {
    %c0_i32 = arith.constant 0 : i32
    %c0_i32_0 = arith.constant 0 : i32
    return %arg0, %c0_i32 : i32, i32
  }
}

</mosaic_0001>

<sc_bundles>
// kernel: kernel.6.cloned.1.call-start
scs
__scs_entry_jumppad:
0x0: {  	(pc) =	sbr.rel $0x88, $3  }
0x1: {  	(tag) =	ssettag $0x0;
	lr =	simm.s32 $0x1  }
0x2: {  	[smem:$0x3F9D] =	sst lr;
	_ =	strace $0xD0000000  }
0x3: {  	_ = 	snop  }
0x4: {  	_ = 	snop  }
0x5: {  	_ = 	snop  }
0x6: {  	_ = 	snop  }
0x7: {  	_ = 	snop  }
__scs_overlays_trampoline_lowered:
0x8: {  	[smem:$0x3FAC] =	sst s0  }
0x9: {  	[smem:$0x3FAD] =	sst s1  }
0xa: {  	[smem:$0x3FAE] =	sst s2  }
0xb: {  	[smem:$0x3FAF] =	sst s3  }
0xc: {  	[smem:$0x3FB0] =	sst s4  }
0xd: {  	[smem:$0x3FB1] =	sst s5  }
0xe: {  	[smem:$0x3FB2] =	sst s6  }
0xf: {  	[smem:$0x3FB3] =	sst s7  }
0x10: {  	[smem:$0x3FB4] =	sst s8  }
0x11: {  	[smem:$0x3FB5] =	sst s9;
	s0 =	simm.s32 @!p0 $0x0  }
0x12: {  	s1 =	sld [smem:$0x3F9B];
	s0 =	simm.s32 @p0 $0x1  }
0x13: {  	[smem:$0x3FB6] =	sst s0;
	s0 =	simm.s32 @!p1 $0x0  }
0x14: {  	s2 =	sld [smem:$0x3F9A];
	s0 =	simm.s32 @p1 $0x1  }
0x15: {  	[smem:$0x3FB7] =	sst s0;
	s0 =	simm.s32 @!p2 $0x0  }
0x16: {  	s3 =	sld [smem:$0x3FDB];
	s0 =	simm.s32 @p2 $0x1  }
0x17: {  	s4 =	simm.s32 $0x1BF5;
	[smem:$0x3FB9] =	sst s0  }
0x18: {  	s0 =	sld [smem:$0x3F9C];
	_ =	swait.ge [sflag:s4], $0x0  }
0x19: {  	s7 =	sld [smem:$0x3F9D]  }
0x1a: {  	s8 =	sadd.s32 $0xFFFFE003, lr  }
0x1b: {  	s9 =	sadd.s32 $0xFFFFFEF7, lr;
	s5 =	simm.s32 $0xFFFFFFFF;
	p2 =	slt.u32 s8, $0xFFFFF086  }
0x1c: {  	p1 =	slt.u32 s9, $0xF7A;
	s5 =	simm.s32 @!p2 $0x0  }
0x1d: {  	s5 =	simm.s32 @p1 $0x1;
	p0 =	seq.s32 s7, s2  }
0x1e: {  	s7 =	smul.u32 @!p0 $0xF7A, s2;
	p2 =	seq.s32 @!p0 s5, $0x0  }
0x1f: {  	s9 =	smul.u32 $0xF7A, s1;
	s8 =	simm.s32 @!p0 $0x1BF5;
	p2 =	por !p2, p0  }
0x20: {  	[sflag:s8] =	ssyncset.s32 @!p0 $0xFFFFF086;
	s6 =	sadd.s32 @!p0 s3, s7;
	s7 =	simm.s32 @!p0 $0x108  }
0x21: {  	s3 =	sadd.s32 s3, s9;
	s6 =	sadd.s32 @!p0 $0x88, s6;
	s7 =	simm.s32 @p2 $0x1082  }
0x22: {  	[simem:s7], [sflag:s8] =	dma.local @!p0 [hbm:s6], $0xF7A  }
0x23: {  	s9 =	sor.u32 $0xD0000000, s2;
	s6 =	simm.s32 $0x108;
	_ =	swait.ge @!p0 [sflag:s8], $0x0  }
0x24: {  	s3 =	sadd.s32 $0x88, s3;
	s6 =	simm.s32 @!p1 $0x1082;
	[sflag:s4] =	ssyncset.s32 $0xFFFFF086  }
0x25: {  	[simem:s6], [sflag:s4] =	dma.local [hbm:s3], $0xF7A  }
0x26: {  	[smem:$0x3F9D] =	sst s1;
	(tag) =	ssettag s2;
	_ =	strace s9  }
0x27: {  	s1 =	sld [smem:$0x3FAD]  }
0x28: {  	s2 =	sld [smem:$0x3FAE]  }
0x29: {  	s4 =	sld [smem:$0x3FB0]  }
0x2a: {  	p0 =	seq.s32 s5, $0x0;
	s5 =	sld [smem:$0x3FB1]  }
0x2b: {  	s6 =	sld [smem:$0x3FB2]  }
0x2c: {  	s7 =	sld [smem:$0x3FB3]  }
0x2d: {  	s3 =	simm.s32 $0x108;
	s8 =	sld [smem:$0x3FB4]  }
0x2e: {  	s3 =	simm.s32 @!p0 $0x1082;
	s9 =	sld [smem:$0x3FB5]  }
0x2f: {  	lr =	sadd.s32 s0, s3;
	s0 =	sld [smem:$0x3FAC]  }
0x30: {  	s3 =	sld [smem:$0x3FAF]  }
0x31: {  	[smem:$0x3FB8] =	sst s10  }
0x32: {  	s10 =	sld [smem:$0x3FB6];
	_ =	sdelay $0x3  }
0x33: {  	p0 =	seq.s32 s10, $0x1;
	s10 =	sld [smem:$0x3FB8];
	_ =	sdelay $0x3  }
0x34: {  	[smem:$0x3FB8] =	sst s10  }
0x35: {  	s10 =	sld [smem:$0x3FB7];
	_ =	sdelay $0x3  }
0x36: {  	p1 =	seq.s32 s10, $0x1;
	s10 =	sld [smem:$0x3FB8];
	_ =	sdelay $0x3  }
0x37: {  	[smem:$0x3FB8] =	sst s10  }
0x38: {  	s10 =	sld [smem:$0x3FB9]  }
0x39: {  	_ = 	snop;
	(pc) =	sbr.ind lr, $3  }
0x3a: {  	_ = 	snop  }
0x3b: {  	_ = 	snop  }
0x3c: {  	p2 =	seq.s32 s10, $0x1;
	s10 =	sld [smem:$0x3FB8]  }
0x3d: {  	_ =	shalt  }
0x3e: {  	_ =	shalt  }
0x3f: {  	_ =	shalt  }
0x40: {  	_ =	shalt  }
0x41: {  	_ =	shalt  }
0x42: {  	_ =	shalt  }
0x43: {  	_ =	shalt  }
0x44: {  	_ =	shalt  }
0x45: {  	_ =	shalt  }
0x46: {  	_ =	shalt  }
0x47: {  	_ =	shalt  }
0x48: {  	_ =	shalt  }
0x49: {  	_ =	shalt  }
0x4a: {  	_ =	shalt  }
0x4b: {  	_ =	shalt  }
0x4c: {  	_ =	shalt  }
0x4d: {  	_ =	shalt  }
0x4e: {  	_ =	shalt  }
0x4f: {  	_ =	shalt  }
0x50: {  	_ =	shalt  }
0x51: {  	_ =	shalt  }
0x52: {  	_ =	shalt  }
0x53: {  	_ =	shalt  }
0x54: {  	_ =	shalt  }
0x55: {  	_ =	shalt  }
0x56: {  	_ =	shalt  }
0x57: {  	_ =	shalt  }
0x58: {  	_ =	shalt  }
0x59: {  	_ =	shalt  }
0x5a: {  	_ =	shalt  }
0x5b: {  	_ =	shalt  }
0x5c: {  	_ =	shalt  }
0x5d: {  	_ =	shalt  }
0x5e: {  	_ =	shalt  }
0x5f: {  	_ =	shalt  }
0x60: {  	_ =	shalt  }
0x61: {  	_ =	shalt  }
0x62: {  	_ =	shalt  }
0x63: {  	_ =	shalt  }
0x64: {  	_ =	shalt  }
0x65: {  	_ =	shalt  }
0x66: {  	_ =	shalt  }
0x67: {  	_ =	shalt  }
0x68: {  	_ =	shalt  }
0x69: {  	_ =	shalt  }
0x6a: {  	_ =	shalt  }
0x6b: {  	_ =	shalt  }
0x6c: {  	_ =	shalt  }
0x6d: {  	_ =	shalt  }
0x6e: {  	_ =	shalt  }
0x6f: {  	_ =	shalt  }
0x70: {  	_ =	shalt  }
0x71: {  	_ =	shalt  }
0x72: {  	_ =	shalt  }
0x73: {  	_ =	shalt  }
0x74: {  	_ =	shalt  }
0x75: {  	_ =	shalt  }
0x76: {  	_ =	shalt  }
0x77: {  	_ =	shalt  }
0x78: {  	_ =	shalt  }
0x79: {  	_ =	shalt  }
0x7a: {  	_ =	shalt  }
0x7b: {  	_ =	shalt  }
0x7c: {  	_ =	shalt  }
0x7d: {  	_ =	shalt  }
0x7e: {  	_ =	shalt  }
0x7f: {  	_ =	shalt  }
0x80: {  	_ =	shalt  }
0x81: {  	_ =	shalt  }
0x82: {  	_ =	shalt  }
0x83: {  	_ =	shalt  }
0x84: {  	_ =	shalt  }
0x85: {  	_ =	shalt  }
0x86: {  	_ =	shalt  }
0x87: {  	_ =	shalt  }
.Lfunc_end0:
.L_simem_size_0:
called_computation_lowered:
.L_overlay_start_0:
0x88: {  	s2 =	sld [smem:$0x3FD9]  }
0x89: {  	s3 =	sld [smem:$0x3FFE];
	_ =	sdelay $0x1  }
0x8a: {  	s1 =	srdreg.scid  }
0x8b: {  	s0 =	sand.u32 $0x1, s1  }
0x8c: {  	s17 =	sshll.u32 s0, $0xA;
	s2 =	sadd.s32 s3, s2  }
0x8d: {  	s2 =	sadd.s32 s2, s17  }
0x8e: {  	[smem:$0x3FC4] =	sst s2  }
0x8f: {  	_ = 	snop  }
0x90: {  	s2 =	sld [smem:$0x3FD0];
	(tm) =	ssettm $0x1  }
0x91: {  	s18 =	sld [smem:$0x3FFB];
	_ =	sdelay $0x3  }
0x92: {  	_ =	strace s18  }
0x93: {  	s3 =	sld [smem:$0x3FFC];
	_ =	sdelay $0x3  }
0x94: {  	_ =	strace s3  }
0x95: {  	s3 =	sld [smem:$0x3FFD];
	_ =	sdelay $0x3  }
0x96: {  	_ =	strace s3  }
0x97: {  	_ =	strace $0x8FFFFFFF  }
0x98: {  	s19 =	sld [smem:$0x3FDB];
	_ =	sdelay $0x1  }
0x99: {  	s4 =	simm.s32 $_scs_section_size  }
0x9a: {  	s5 =	simm.s32 $_size__tile_overlayer_lowered;
	s6 =	simm.s32 $_tile_overlayer_lowered  }
0x9b: {  	s22 =	simm.s32 $0x1BFF;
	s21 =	sshll.u32 s6, $0x1;
	s3 =	sadd.s32 s4, s19  }
0x9c: {  	s7 =	simm.s32 $0x0;
	s20 =	sshll.u32 s5, $0x1;
	s5 =	sadd.s32 s21, s3  }
0x9d: {  	[timem:s7], [sflag:s22] =	dma.local [hbm:s5], s20  }
0x9e: {  	_ =	swait.ge [sflag:s22], s20  }
0x9f: {  	s4 =	ssub.s32 $0x0, s20;
	[sflag:s22] =	ssyncset.done $0x0  }
0xa0: {  	[sflag:s22] =	ssyncadd.s32 s4;
	_ =	sdelay $0x1  }
0xa1: {  	s23 =	simm.s32 $0x1B8B  }
0xa2: {  	_ =	swait.ge [sflag:s23], $0x1  }
0xa3: {  	[sflag:s23] =	ssyncset.done $0x0  }
0xa4: {  	s25 =	simm.s32 $0x1B8E;
	s24 =	sld [smem:$0x3FFE];
	[sflag:s23] =	ssyncadd.s32 $0xFFFFFFFF  }
0xa5: {  	s26 =	simm.s32 $execute0_lowered;
	[smem:$0x3FD2] =	sst s25  }
0xa6: {  	s5 =	sshll.u32 s26, $0x1;
	_ =	strace $0x80000046;
	[dreg:$0x1] =	wrdreg $0xFFFFFFFF  }
0xa7: {  	s28 =	simm.s32 $_size_execute0_lowered;
	s3 =	sadd.s32 s3, s5;
	[dreg:$0x0] =	wrdreg $0x0  }
0xa8: {  	s5 =	sshll.u32 s28, $0x1;
	[dreg:$0x2] =	wrdreg s3  }
0xa9: {  	[dreg:$0x3] =	wrdreg s5  }
0xaa: {  	[dreg:$0x4] =	wrdreg $0xC0  }
0xab: {  	_ =	task [dreg:s7], $0x5FFFF  }
0xac: {  	[dreg:$0x1] =	wrdreg $0xFFFFFFFF  }
0xad: {  	[dreg:$0x0] =	wrdreg $0x60  }
0xae: {  	[dreg:$0x2] =	wrdreg s2  }
0xaf: {  	[dreg:$0x3] =	wrdreg s24  }
0xb0: {  	[dreg:$0x4] =	wrdreg $0x4800  }
0xb1: {  	[dreg:$0x5] =	wrdreg $0x9  }
0xb2: {  	_ =	task.clear_ibuf [dreg:s7], $0x6FFFF;
	_ =	strace $0x90000046  }
0xb3: {  	s29 =	simm.s32 $0x9;
	_ =	strace $0x80000048  }
0xb4: {  	_ =	swait.ge [sflag:s29], $0x1  }
0xb5: {  	[sflag:s29] =	ssyncadd.s32 $0xFFFFFFFF  }
0xb6: {  	_ =	strace $0x90000048  }
0xb7: {  	_ =	sfence  }
0xb8: {  	s30 =	sld [smem:$0x0];
	_ =	sdelay $0x2  }
0xb9: {  	s31 =	sshll.u32 s1, $0xD;
	s1 =	sshrl.u32 s1, $0x2  }
0xba: {  	s3 =	sand.u32 $0x4000, s31;
	s1 =	sadd.s32 s1, s30  }
0xbb: {  	s0 =	sor.u32 s3, s0;
	s1 =	sshll.u32 s1, $0x11  }
0xbc: {  	s0 =	sor.u32 s1, s0  }
0xbd: {  	s0 =	sadd.s32 $0x8F2B, s0  }
0xbe: {  	[sflag:s0] =	ssyncadd.remote.s32 $0x1  }
0xbf: {  	_ =	sfence.sel $0xFFFF  }
0xc0: {  	[dreg:$0x0] =	wrdreg $0xFFFFFFFF;
	(pc) =	sbr.abs _section_cstart, $3  }
0xc1: {  	[dreg:$0x1] =	wrdreg $0xFFFFFFFF  }
0xc2: {  	_ =	task.clear_ibuf [dreg:s7], $0x2FFFF;
	_ =	strace $0x9FFFFFFF  }
0xc3: {  	(tm) =	ssettm $0x7FFFFFFF  }
tec
execute0_lowered:
.L_overlay_start_1:
0x0: {  	(tag) =	ssettag $0x1  }
0x1: {  	s0 =	rddreg [dreg:$0x0]  }
0x2: {  	s2 =	rddreg [dreg:$0x1]  }
0x3: {  	s1 =	rddreg [dreg:$0x2]  }
0x4: {  	s3 =	srdreg.scid;
	s6 =	stileid.u32;
	s18 =	simm.s32 $0x80  }
0x5: {  	s19 =	simm.s32 $0x100;
	s20 =	simm.s32 $0x180;
	s21 =	simm.s32 $0x200  }
0x6: {  	s22 =	simm.s32 $0x2;
	s28 =	simm.s32 $0x4;
	s11 =	smul.u32 $0x500, s6  }
0x7: {  	s31 =	simm.s32 $0x0;
	s7 =	sand.u32 $0x1, s3;
	s10 =	smul.u32 $0xA00, s6  }
0x8: {  	s3 =	simm.s32 $0x0;
	s23 =	sadd.s32 $0x2200, s2;
	s14 =	smul.u32 $0x2800, s6  }
0x9: {  	s24 =	sadd.s32 $0x2400, s2;
	s17 =	smul.u32 $0x50, s6;
	s30 =	sshll.u32 s6, $0x6  }
0xa: {  	s4 =	sshll.u32 s7, $0x4;
	[smem:$0x7FF] =	sst s3;
	s12 =	smul.u32 $0x28000, s7  }
0xb: {  	s9 =	sshll.u32 s7, $0x7;
	s13 =	ssub.s32 $0x2, s7;
	s15 =	smul.u32 $0x5000, s7  }
0xc: {  	s26 =	smul.u32 $0x500, s7;
	_ =	strace $0x80000047;
	[dreg:$0x4] =	wrdreg s23  }
0xd: {  	s5 =	sor.u32 s6, s4;
	s4 =	sadd.s32 $0x1E00, s2;
	[dreg:$0x5] =	wrdreg s24  }
0xe: {  	s9 =	sor.u32 s9, s11;
	s25 =	sshrl.u32 s13, $0x1;
	s10 =	sshrl.u32 s10, $0x2  }
0xf: {  	s23 =	simm.s32 $0x280;
	s24 =	simm.s32 $0x300;
	s8 =	smul.u32 $0x500, s5  }
0x10: {  	s9 =	sshrl.u32 s9, $0x3;
	s16 =	sadd.s32 s10, s1;
	s10 =	sadd.s32 s14, s12  }
0x11: {  	s29 =	sadd.s32 s17, s26;
	s14 =	simm.s32 $0x5;
	s17 =	simm.s32 $0x1  }
.Ltmp0:
0x12: {  	s26 =	simm.s32 $0x3;
	s2 =	sadd.s32 s9, s2;
	(pc) =	sbr.rel .LBB2_1-.Ltmp0, $4  }
0x13: {  	s9 =	ssub.s32 s13, s25;
	s13 =	simm.s32 $0x400;
	s16 =	sshrl.u32 s16, $0x3  }
0x14: {  	s25 =	simm.s32 $0x380;
	s7 =	sadd.s32 s0, s8;
	s0 =	sadd.s32 s15, s0  }
0x15: {  	s8 =	sadd.s32 $0x2600, s2;
	s9 =	smax.u32 s9, $0x1;
	s0 =	sadd.s32 s11, s0  }
0x16: {  	s15 =	sor.u32 $0x1C05, s30;
	s2 =	sadd.s32 $0x80, s0;
	s0 =	sor.u32 $0x8, s29  }
.LBB2_4:
0x17: {  	_ =	swait.ge [sflag:s28], $0x80  }
0x18: {  	[sflag:s28] =	ssyncset.done $0x0  }
0x19: {  	[sflag:s28] =	ssyncadd.s32 $0xFFFFFF80  }
0x1a: {  	_ =	swait.ge [sflag:s28], $0x80  }
0x1b: {  	[sflag:s28] =	ssyncset.done $0x0  }
0x1c: {  	[sflag:s28] =	ssyncadd.s32 $0xFFFFFF80  }
0x1d: {  	_ =	swait.ge [sflag:s28], $0x80  }
0x1e: {  	[sflag:s28] =	ssyncset.done $0x0  }
0x1f: {  	[sflag:s28] =	ssyncadd.s32 $0xFFFFFF80  }
0x20: {  	_ =	swait.ge [sflag:s28], $0x80  }
0x21: {  	s31 =	sadd.s32 $0x1, s31;
	[sflag:s28] =	ssyncset.done $0x0  }
0x22: {  	s5 =	simm.s32 $0x20;
	p0 =	sne.s32 s31, s9;
	[sflag:s28] =	ssyncadd.s32 $0xFFFFFF80  }
.Ltmp1:
0x23: {  	s6 =	simm.s32 $0x10;
	[bflag:$0x0] =	sbarrier.arrive $0xFFFF;
	(pc) =	sbr.rel @!p0 .LBB2_5-.Ltmp1, $4  }
0x24: {  	[hbm:s8@s5], [sflag:s15] =	dma.strided [spmem:s16@s6], $0x50, s17, $0x10   }
0x25: {  	_ =	swait.ge [sflag:s14], $0x50  }
0x26: {  	[sflag:s14] =	ssyncset.done $0x0  }
0x27: {  	[sflag:s14] =	ssyncadd.s32 $0xFFFFFFB0  }
.LBB2_1:
0x28: {  	[tilespmem:s3], [sflag:$0x1] =	stream.linear.gather [hbm4b:s7+s3], $0x200, $0x38;
	[tilespmem:$0x700] =	vst v63  }
0x29: {  	s5 =	rddreg [dreg:$0x4]  }
0x2a: {  	[tilespmem:s13], [sflag:$0x5] =	stream.linear.gather [hbm4b:s5+s3], $0x80, $0x38;
	[tilespmem:$0x700] =	vst v63  }
0x2b: {  	_ =	swait.ge [sflag:s14], $0x80  }
0x2c: {  	[sflag:s14] =	ssyncset.done $0x0  }
0x2d: {  	s30 =	rddreg [dreg:$0x5];
	[sflag:s14] =	ssyncadd.s32 $0xFFFFFF80  }
0x2e: {  	[spmem:s16], [sflag:s15] =	dma.local [hbm:s30], $0x50  }
0x2f: {  	_ =	swait.ge [sflag:s14], $0x50  }
0x30: {  	[sflag:s14] =	ssyncset.done $0x0  }
0x31: {  	s12 =	smov.u32 s0;
	[sflag:s14] =	ssyncadd.s32 $0xFFFFFFB0  }
0x32: {  	s11 =	smov.u32 s2;
	s29 =	simm.s32 $0x0;
	[bflag:$0x0] =	sbarrier.arrive $0xFFFF  }
.LBB2_2:
0x33: {  	_ =	swait.ge [sflag:s17], $0x200  }
0x34: {  	[sflag:s17] =	ssyncset.done $0x0  }
0x35: {  	[sflag:s17] =	ssyncadd.s32 $0xFFFFFE00  }
0x36: {  	[spmem:s1] =	stream.indirect.scatter.add.f32 [tilespmem:s13], [sflag:$0x3], $0x1, s3, s18, $0xb8;
	[tilespmem:$0x700] =	vst v63  }
0x37: {  	_ = 	snop  }
0x38: {  	[spmem:s1] =	stream.indirect.scatter.add.f32 [tilespmem:s13], [sflag:$0x3], $0x1, s18, s18, $0xb8;
	[tilespmem:$0x700] =	vst v63  }
0x39: {  	p0 =	seq.s32 s29, $0x0  }
0x3a: {  	[spmem:s1] =	stream.indirect.scatter.add.f32 [tilespmem:s13], [sflag:$0x3], $0x1, s19, s18, $0xb8;
	[tilespmem:$0x700] =	vst v63  }
0x3b: {  	s30 =	simm.s32 @!p0 $0x4  }
0x3c: {  	[spmem:s1] =	stream.indirect.scatter.add.f32 [tilespmem:s13], [sflag:$0x3], $0x1, s20, s18, $0xb8;
	[tilespmem:$0x700] =	vst v63  }
0x3d: {  	_ =	swait.ge @!p0 [sflag:s30], $0x80  }
0x3e: {  	[sflag:s30] =	ssyncset.done @!p0 $0x0  }
0x3f: {  	[sflag:s30] =	ssyncadd.s32 @!p0 $0xFFFFFF80  }
0x40: {  	_ =	swait.ge @!p0 [sflag:s30], $0x80  }
0x41: {  	[sflag:s30] =	ssyncset.done @!p0 $0x0  }
0x42: {  	s5 =	sadd.s32 $0xFFFFFFFC, s12;
	[sflag:s30] =	ssyncadd.s32 @!p0 $0xFFFFFF80  }
0x43: {  	p1 =	sgt.u32 s5, $0x9C3;
	_ =	swait.ge @!p0 [sflag:s30], $0x80  }
0x44: {  	s5 =	sadd.s32 @p1 s29, s10;
	[sflag:s30] =	ssyncset.done @!p0 $0x0  }
0x45: {  	s5 =	sadd.s32 @p1 $0xFFFB2000, s5;
	[sflag:s30] =	ssyncadd.s32 @!p0 $0xFFFFFF80  }
0x46: {  	s5 =	sshrl.u32 @p1 s5, $0x3;
	_ =	swait.ge @!p0 [sflag:s30], $0x80  }
0x47: {  	s6 =	sadd.s32 @!p1 $0xFFFFFFC0, s11;
	s5 =	sadd.s32 @p1 s4, s5;
	[sflag:s30] =	ssyncset.done @!p0 $0x0  }
0x48: {  	s6 =	smov.u32 @p1 s5;
	[sflag:s30] =	ssyncadd.s32 @!p0 $0xFFFFFF80  }
0x49: {  	[tilespmem:s21], [sflag:$0x2] =	stream.linear.gather [hbm4b:s6+s3], $0x200, $0x38;
	[tilespmem:$0x700] =	vst v63  }
0x4a: {  	_ =	swait.ge [sflag:s22], $0x200  }
0x4b: {  	[sflag:s22] =	ssyncset.done $0x0  }
0x4c: {  	[sflag:s22] =	ssyncadd.s32 $0xFFFFFE00  }
0x4d: {  	[spmem:s1] =	stream.indirect.scatter.add.f32 [tilespmem:s13], [sflag:$0x4], $0x1, s21, s18, $0xb8;
	[tilespmem:$0x700] =	vst v63  }
0x4e: {  	_ = 	snop  }
0x4f: {  	[spmem:s1] =	stream.indirect.scatter.add.f32 [tilespmem:s13], [sflag:$0x4], $0x1, s23, s18, $0xb8;
	[tilespmem:$0x700] =	vst v63  }
0x50: {  	_ = 	snop  }
0x51: {  	[spmem:s1] =	stream.indirect.scatter.add.f32 [tilespmem:s13], [sflag:$0x4], $0x1, s24, s18, $0xb8;
	[tilespmem:$0x700] =	vst v63  }
0x52: {  	_ = 	snop  }
0x53: {  	[spmem:s1] =	stream.indirect.scatter.add.f32 [tilespmem:s13], [sflag:$0x4], $0x1, s25, s18, $0xb8;
	[tilespmem:$0x700] =	vst v63  }
0x54: {  	_ =	swait.ge [sflag:s26], $0x80  }
0x55: {  	[sflag:s26] =	ssyncset.done $0x0  }
0x56: {  	[sflag:s26] =	ssyncadd.s32 $0xFFFFFF80  }
0x57: {  	_ =	swait.ge [sflag:s26], $0x80  }
0x58: {  	[sflag:s26] =	ssyncset.done $0x0  }
0x59: {  	[sflag:s26] =	ssyncadd.s32 $0xFFFFFF80  }
0x5a: {  	p0 =	seq.s32 s29, $0x2400;
	_ =	swait.ge [sflag:s26], $0x80  }
.Ltmp2:
0x5b: {  	[sflag:s26] =	ssyncset.done $0x0;
	(pc) =	sbr.rel @p0 .LBB2_4-.Ltmp2, $4  }
0x5c: {  	[sflag:s26] =	ssyncadd.s32 $0xFFFFFF80  }
0x5d: {  	_ =	swait.ge [sflag:s26], $0x80  }
0x5e: {  	[sflag:s26] =	ssyncset.done $0x0  }
0x5f: {  	[sflag:s26] =	ssyncadd.s32 $0xFFFFFF80  }
0x60: {  	s5 =	sadd.s32 s29, s10  }
.Ltmp3:
0x61: {  	s5 =	sadd.s32 $0xFFFB2200, s5;
	(pc) =	sbr.rel .LBB2_2-.Ltmp3, $4  }
0x62: {  	s5 =	sshrl.u32 s5, $0x3  }
0x63: {  	p0 =	slt.u32 s12, $0x9C4;
	s29 =	sadd.s32 $0x400, s29;
	s5 =	sadd.s32 s4, s5  }
0x64: {  	s12 =	sadd.s32 $0x8, s12;
	s5 =	smov.u32 @p0 s11;
	s11 =	sadd.s32 $0x80, s11  }
0x65: {  	[tilespmem:s3], [sflag:$0x1] =	stream.linear.gather [hbm4b:s5+s3], $0x200, $0x38;
	[tilespmem:$0x700] =	vst v63  }
.LBB2_5:
0x66: {  	_ =	sfence.sel $0x180000  }
0x67: {  	[bflag:$0x0] =	sbarrier.arrive $0xFFFF  }
0x68: {  	_ =	strace $0x90000047  }
0x69: {  	s0 =	stileid.u32;
	[bflag:$0x2] =	sbarrier.arrive $0xFFFF  }
0x6a: {  	p0 =	sne.s32 s0, $0x0;
	s0 =	rddreg [dreg:$0x3]  }
0x6b: {  	s0 =	sadd.s32 @!p0 $0x100000, s0  }
0x6c: {  	[sflag:s0] =	ssyncadd.tile.s32 @!p0 $0x1;
	_ =	shalt  }
.Lfunc_end2:
_tile_overlayer_lowered:
.L_overlay_start_2:
0x6d: {  	(tag) =	ssettag $0x2  }
0x6e: {  	s0 =	rddreg [dreg:$0x0];
	s2 =	stileid.u32  }
0x6f: {  	s1 =	rddreg [dreg:$0x1];
	p0 =	sne.s32 s2, $0x0  }
0x70: {  	s3 =	rddreg [dreg:$0x2];
	[bflag:$0x3] =	sbarrier.arrive $0xFFFF;
	s2 =	simm.s32 @!p0 $0x1C05  }
0x71: {  	[timem:s3], [sflag:s2] =	dma.local @!p0 [hbm:s0], s1  }
0x72: {  	s0 =	simm.s32 @!p0 $0x5  }
0x73: {  	_ =	swait.ge @!p0 [sflag:s0], s1  }
0x74: {  	s1 =	ssub.s32 @!p0 $0x0, s1;
	[sflag:s0] =	ssyncset.done @!p0 $0x0  }
0x75: {  	[sflag:s0] =	ssyncadd.s32 @!p0 s1  }
0x76: {  	[bflag:$0x3] =	sbarrier.arrive $0xFFFF  }
0x77: {  	_ =	shalt  }

// kernel: kernel.9.cloned.1.call-start
scs
__scs_entry_jumppad:
0x0: {  	(pc) =	sbr.rel $0x88, $3  }
0x1: {  	(tag) =	ssettag $0x0;
	lr =	simm.s32 $0x1  }
0x2: {  	[smem:$0x3F9D] =	sst lr;
	_ =	strace $0xD0000000  }
0x3: {  	_ = 	snop  }
0x4: {  	_ = 	snop  }
0x5: {  	_ = 	snop  }
0x6: {  	_ = 	snop  }
0x7: {  	_ = 	snop  }
__scs_overlays_trampoline_lowered:
0x8: {  	[smem:$0x3FAC] =	sst s0  }
0x9: {  	[smem:$0x3FAD] =	sst s1  }
0xa: {  	[smem:$0x3FAE] =	sst s2  }
0xb: {  	[smem:$0x3FAF] =	sst s3  }
0xc: {  	[smem:$0x3FB0] =	sst s4  }
0xd: {  	[smem:$0x3FB1] =	sst s5  }
0xe: {  	[smem:$0x3FB2] =	sst s6  }
0xf: {  	[smem:$0x3FB3] =	sst s7  }
0x10: {  	[smem:$0x3FB4] =	sst s8  }
0x11: {  	[smem:$0x3FB5] =	sst s9;
	s0 =	simm.s32 @!p0 $0x0  }
0x12: {  	s1 =	sld [smem:$0x3F9B];
	s0 =	simm.s32 @p0 $0x1  }
0x13: {  	[smem:$0x3FB6] =	sst s0;
	s0 =	simm.s32 @!p1 $0x0  }
0x14: {  	s2 =	sld [smem:$0x3F9A];
	s0 =	simm.s32 @p1 $0x1  }
0x15: {  	[smem:$0x3FB7] =	sst s0;
	s0 =	simm.s32 @!p2 $0x0  }
0x16: {  	s3 =	sld [smem:$0x3FDB];
	s0 =	simm.s32 @p2 $0x1  }
0x17: {  	s4 =	simm.s32 $0x1BF5;
	[smem:$0x3FB9] =	sst s0  }
0x18: {  	s0 =	sld [smem:$0x3F9C];
	_ =	swait.ge [sflag:s4], $0x0  }
0x19: {  	s7 =	sld [smem:$0x3F9D]  }
0x1a: {  	s8 =	sadd.s32 $0xFFFFE003, lr  }
0x1b: {  	s9 =	sadd.s32 $0xFFFFFEF7, lr;
	s5 =	simm.s32 $0xFFFFFFFF;
	p2 =	slt.u32 s8, $0xFFFFF086  }
0x1c: {  	p1 =	slt.u32 s9, $0xF7A;
	s5 =	simm.s32 @!p2 $0x0  }
0x1d: {  	s5 =	simm.s32 @p1 $0x1;
	p0 =	seq.s32 s7, s2  }
0x1e: {  	s7 =	smul.u32 @!p0 $0xF7A, s2;
	p2 =	seq.s32 @!p0 s5, $0x0  }
0x1f: {  	s9 =	smul.u32 $0xF7A, s1;
	s8 =	simm.s32 @!p0 $0x1BF5;
	p2 =	por !p2, p0  }
0x20: {  	[sflag:s8] =	ssyncset.s32 @!p0 $0xFFFFF086;
	s6 =	sadd.s32 @!p0 s3, s7;
	s7 =	simm.s32 @!p0 $0x108  }
0x21: {  	s3 =	sadd.s32 s3, s9;
	s6 =	sadd.s32 @!p0 $0x88, s6;
	s7 =	simm.s32 @p2 $0x1082  }
0x22: {  	[simem:s7], [sflag:s8] =	dma.local @!p0 [hbm:s6], $0xF7A  }
0x23: {  	s9 =	sor.u32 $0xD0000000, s2;
	s6 =	simm.s32 $0x108;
	_ =	swait.ge @!p0 [sflag:s8], $0x0  }
0x24: {  	s3 =	sadd.s32 $0x88, s3;
	s6 =	simm.s32 @!p1 $0x1082;
	[sflag:s4] =	ssyncset.s32 $0xFFFFF086  }
0x25: {  	[simem:s6], [sflag:s4] =	dma.local [hbm:s3], $0xF7A  }
0x26: {  	[smem:$0x3F9D] =	sst s1;
	(tag) =	ssettag s2;
	_ =	strace s9  }
0x27: {  	s1 =	sld [smem:$0x3FAD]  }
0x28: {  	s2 =	sld [smem:$0x3FAE]  }
0x29: {  	s4 =	sld [smem:$0x3FB0]  }
0x2a: {  	p0 =	seq.s32 s5, $0x0;
	s5 =	sld [smem:$0x3FB1]  }
0x2b: {  	s6 =	sld [smem:$0x3FB2]  }
0x2c: {  	s7 =	sld [smem:$0x3FB3]  }
0x2d: {  	s3 =	simm.s32 $0x108;
	s8 =	sld [smem:$0x3FB4]  }
0x2e: {  	s3 =	simm.s32 @!p0 $0x1082;
	s9 =	sld [smem:$0x3FB5]  }
0x2f: {  	lr =	sadd.s32 s0, s3;
	s0 =	sld [smem:$0x3FAC]  }
0x30: {  	s3 =	sld [smem:$0x3FAF]  }
0x31: {  	[smem:$0x3FB8] =	sst s10  }
0x32: {  	s10 =	sld [smem:$0x3FB6];
	_ =	sdelay $0x3  }
0x33: {  	p0 =	seq.s32 s10, $0x1;
	s10 =	sld [smem:$0x3FB8];
	_ =	sdelay $0x3  }
0x34: {  	[smem:$0x3FB8] =	sst s10  }
0x35: {  	s10 =	sld [smem:$0x3FB7];
	_ =	sdelay $0x3  }
0x36: {  	p1 =	seq.s32 s10, $0x1;
	s10 =	sld [smem:$0x3FB8];
	_ =	sdelay $0x3  }
0x37: {  	[smem:$0x3FB8] =	sst s10  }
0x38: {  	s10 =	sld [smem:$0x3FB9]  }
0x39: {  	_ = 	snop;
	(pc) =	sbr.ind lr, $3  }
0x3a: {  	_ = 	snop  }
0x3b: {  	_ = 	snop  }
0x3c: {  	p2 =	seq.s32 s10, $0x1;
	s10 =	sld [smem:$0x3FB8]  }
0x3d: {  	_ =	shalt  }
0x3e: {  	_ =	shalt  }
0x3f: {  	_ =	shalt  }
0x40: {  	_ =	shalt  }
0x41: {  	_ =	shalt  }
0x42: {  	_ =	shalt  }
0x43: {  	_ =	shalt  }
0x44: {  	_ =	shalt  }
0x45: {  	_ =	shalt  }
0x46: {  	_ =	shalt  }
0x47: {  	_ =	shalt  }
0x48: {  	_ =	shalt  }
0x49: {  	_ =	shalt  }
0x4a: {  	_ =	shalt  }
0x4b: {  	_ =	shalt  }
0x4c: {  	_ =	shalt  }
0x4d: {  	_ =	shalt  }
0x4e: {  	_ =	shalt  }
0x4f: {  	_ =	shalt  }
0x50: {  	_ =	shalt  }
0x51: {  	_ =	shalt  }
0x52: {  	_ =	shalt  }
0x53: {  	_ =	shalt  }
0x54: {  	_ =	shalt  }
0x55: {  	_ =	shalt  }
0x56: {  	_ =	shalt  }
0x57: {  	_ =	shalt  }
0x58: {  	_ =	shalt  }
0x59: {  	_ =	shalt  }
0x5a: {  	_ =	shalt  }
0x5b: {  	_ =	shalt  }
0x5c: {  	_ =	shalt  }
0x5d: {  	_ =	shalt  }
0x5e: {  	_ =	shalt  }
0x5f: {  	_ =	shalt  }
0x60: {  	_ =	shalt  }
0x61: {  	_ =	shalt  }
0x62: {  	_ =	shalt  }
0x63: {  	_ =	shalt  }
0x64: {  	_ =	shalt  }
0x65: {  	_ =	shalt  }
0x66: {  	_ =	shalt  }
0x67: {  	_ =	shalt  }
0x68: {  	_ =	shalt  }
0x69: {  	_ =	shalt  }
0x6a: {  	_ =	shalt  }
0x6b: {  	_ =	shalt  }
0x6c: {  	_ =	shalt  }
0x6d: {  	_ =	shalt  }
0x6e: {  	_ =	shalt  }
0x6f: {  	_ =	shalt  }
0x70: {  	_ =	shalt  }
0x71: {  	_ =	shalt  }
0x72: {  	_ =	shalt  }
0x73: {  	_ =	shalt  }
0x74: {  	_ =	shalt  }
0x75: {  	_ =	shalt  }
0x76: {  	_ =	shalt  }
0x77: {  	_ =	shalt  }
0x78: {  	_ =	shalt  }
0x79: {  	_ =	shalt  }
0x7a: {  	_ =	shalt  }
0x7b: {  	_ =	shalt  }
0x7c: {  	_ =	shalt  }
0x7d: {  	_ =	shalt  }
0x7e: {  	_ =	shalt  }
0x7f: {  	_ =	shalt  }
0x80: {  	_ =	shalt  }
0x81: {  	_ =	shalt  }
0x82: {  	_ =	shalt  }
0x83: {  	_ =	shalt  }
0x84: {  	_ =	shalt  }
0x85: {  	_ =	shalt  }
0x86: {  	_ =	shalt  }
0x87: {  	_ =	shalt  }
.Lfunc_end0:
.L_simem_size_0:
called_computation.1_lowered:
.L_overlay_start_0:
0x88: {  	s2 =	sld [smem:$0x3FD9]  }
0x89: {  	s3 =	sld [smem:$0x3FFE];
	_ =	sdelay $0x1  }
0x8a: {  	s1 =	srdreg.scid  }
0x8b: {  	s0 =	sand.u32 $0x1, s1  }
0x8c: {  	s17 =	sshll.u32 s0, $0xA;
	s2 =	sadd.s32 s3, s2  }
0x8d: {  	s2 =	sadd.s32 s2, s17  }
0x8e: {  	[smem:$0x3FC4] =	sst s2  }
0x8f: {  	_ = 	snop  }
0x90: {  	s2 =	sld [smem:$0x3FD0];
	(tm) =	ssettm $0x1  }
0x91: {  	s18 =	sld [smem:$0x3FFB];
	_ =	sdelay $0x3  }
0x92: {  	_ =	strace s18  }
0x93: {  	s3 =	sld [smem:$0x3FFC];
	_ =	sdelay $0x3  }
0x94: {  	_ =	strace s3  }
0x95: {  	s3 =	sld [smem:$0x3FFD];
	_ =	sdelay $0x3  }
0x96: {  	_ =	strace s3  }
0x97: {  	_ =	strace $0x8FFFFFFF  }
0x98: {  	s19 =	sld [smem:$0x3FDB];
	_ =	sdelay $0x1  }
0x99: {  	s4 =	simm.s32 $_scs_section_size  }
0x9a: {  	s5 =	simm.s32 $_size__tile_overlayer_lowered;
	s6 =	simm.s32 $_tile_overlayer_lowered  }
0x9b: {  	s22 =	simm.s32 $0x1BFF;
	s21 =	sshll.u32 s6, $0x1;
	s3 =	sadd.s32 s4, s19  }
0x9c: {  	s7 =	simm.s32 $0x0;
	s20 =	sshll.u32 s5, $0x1;
	s5 =	sadd.s32 s21, s3  }
0x9d: {  	[timem:s7], [sflag:s22] =	dma.local [hbm:s5], s20  }
0x9e: {  	_ =	swait.ge [sflag:s22], s20  }
0x9f: {  	s4 =	ssub.s32 $0x0, s20;
	[sflag:s22] =	ssyncset.done $0x0  }
0xa0: {  	[sflag:s22] =	ssyncadd.s32 s4;
	_ =	sdelay $0x1  }
0xa1: {  	s23 =	simm.s32 $0x1B8B  }
0xa2: {  	_ =	swait.ge [sflag:s23], $0x1  }
0xa3: {  	[sflag:s23] =	ssyncset.done $0x0  }
0xa4: {  	s25 =	simm.s32 $0x1B8E;
	s24 =	sld [smem:$0x3FFE];
	[sflag:s23] =	ssyncadd.s32 $0xFFFFFFFF  }
0xa5: {  	s26 =	simm.s32 $execute0_lowered;
	[smem:$0x3FD2] =	sst s25  }
0xa6: {  	s5 =	sshll.u32 s26, $0x1;
	_ =	strace $0x80000049;
	[dreg:$0x1] =	wrdreg $0xFFFFFFFF  }
0xa7: {  	s28 =	simm.s32 $_size_execute0_lowered;
	s3 =	sadd.s32 s3, s5;
	[dreg:$0x0] =	wrdreg $0x0  }
0xa8: {  	s5 =	sshll.u32 s28, $0x1;
	[dreg:$0x2] =	wrdreg s3  }
0xa9: {  	[dreg:$0x3] =	wrdreg s5  }
0xaa: {  	[dreg:$0x4] =	wrdreg $0xC0  }
0xab: {  	_ =	task [dreg:s7], $0x5FFFF  }
0xac: {  	[dreg:$0x1] =	wrdreg $0xFFFFFFFF  }
0xad: {  	[dreg:$0x0] =	wrdreg $0x60  }
0xae: {  	[dreg:$0x2] =	wrdreg s24  }
0xaf: {  	[dreg:$0x3] =	wrdreg s2  }
0xb0: {  	[dreg:$0x4] =	wrdreg $0xB0800  }
0xb1: {  	[dreg:$0x5] =	wrdreg $0x1F0800  }
0xb2: {  	[dreg:$0x6] =	wrdreg $0x9  }
0xb3: {  	_ =	task.clear_ibuf [dreg:s7], $0x7FFFF;
	_ =	strace $0x90000049  }
0xb4: {  	s29 =	simm.s32 $0x9;
	_ =	strace $0x8000004B  }
0xb5: {  	_ =	swait.ge [sflag:s29], $0x1  }
0xb6: {  	[sflag:s29] =	ssyncadd.s32 $0xFFFFFFFF  }
0xb7: {  	_ =	strace $0x9000004B  }
0xb8: {  	_ =	sfence  }
0xb9: {  	s30 =	sld [smem:$0x0];
	_ =	sdelay $0x2  }
0xba: {  	s31 =	sshll.u32 s1, $0xD;
	s1 =	sshrl.u32 s1, $0x2  }
0xbb: {  	s3 =	sand.u32 $0x4000, s31;
	s1 =	sadd.s32 s1, s30  }
0xbc: {  	s0 =	sor.u32 s3, s0;
	s1 =	sshll.u32 s1, $0x11  }
0xbd: {  	s0 =	sor.u32 s1, s0  }
0xbe: {  	s0 =	sadd.s32 $0x8F2B, s0  }
0xbf: {  	[sflag:s0] =	ssyncadd.remote.s32 $0x1  }
0xc0: {  	_ =	sfence.sel $0xFFFF  }
0xc1: {  	[dreg:$0x0] =	wrdreg $0xFFFFFFFF;
	(pc) =	sbr.abs _section_cstart, $3  }
0xc2: {  	[dreg:$0x1] =	wrdreg $0xFFFFFFFF  }
0xc3: {  	_ =	task.clear_ibuf [dreg:s7], $0x2FFFF;
	_ =	strace $0x9FFFFFFF  }
0xc4: {  	(tm) =	ssettm $0x7FFFFFFF  }
0xc5: {  	_ =	shalt  }
tec
execute0_lowered:
.L_overlay_start_1:
0x0: {  	(tag) =	ssettag $0x1  }
0x1: {  	s22 =	stileid.u32  }
0x2: {  	s2 =	smul.u32 $0x280, s22  }
0x3: {  	s4 =	smul.u32 $0x14000, s22  }
0x4: {  	s0 =	srdreg.scid;
	s25 =	simm.s32 $0x0;
	s14 =	smul.u32 $0x500, s22  }
0x5: {  	s3 =	sand.u32 $0x1, s0;
	s0 =	rddreg [dreg:$0x0];
	s31 =	smul.u32 $0x50, s22  }
0x6: {  	[smem:$0x7FF] =	sst s25;
	s12 =	smul.u32 $0x140000, s3  }
0x7: {  	s1 =	ssub.s32 $0x2, s3;
	s13 =	sadd.s32 $0x34E00, s0;
	s26 =	smul.u32 $0x5000, s3  }
0x8: {  	s28 =	sshll.u32 s3, $0x7;
	s30 =	sshll.u32 s3, $0x4;
	s3 =	smul.u32 $0x500, s3  }
0x9: {  	s5 =	sshrl.u32 s1, $0x1;
	s15 =	sshll.u32 s2, $0x7;
	s4 =	sadd.s32 s12, s4  }
0xa: {  	s29 =	sor.u32 s28, s14;
	s24 =	sadd.s32 $0x4000, s15;
	s6 =	sshrl.u32 s4, $0x3  }
0xb: {  	s4 =	sor.u32 $0x2000, s15;
	s7 =	sadd.s32 s12, s24;
	s6 =	sadd.s32 s13, s6  }
0xc: {  	s16 =	sadd.s32 s12, s4;
	s7 =	sshrl.u32 s7, $0x3;
	[dreg:$0x5] =	wrdreg s6  }
0xd: {  	s8 =	sshrl.u32 s16, $0x3;
	s6 =	sadd.s32 $0x6000, s15;
	s7 =	sadd.s32 s13, s7  }
0xe: {  	s8 =	sadd.s32 s13, s8;
	[dreg:$0x7] =	wrdreg s7;
	s17 =	sadd.s32 s12, s6  }
0xf: {  	s7 =	sadd.s32 $0x8000, s15;
	[dreg:$0x6] =	wrdreg s8;
	s9 =	sshrl.u32 s17, $0x3  }
0x10: {  	s8 =	sadd.s32 $0xA000, s15;
	s18 =	sadd.s32 s12, s7;
	s9 =	sadd.s32 s13, s9  }
0x11: {  	s10 =	sadd.s32 s12, s8;
	s11 =	sshrl.u32 s18, $0x3;
	s18 =	sadd.s32 $0x12000, s15  }
0x12: {  	[dreg:$0x8] =	wrdreg s9;
	s10 =	sshrl.u32 s10, $0x3;
	s11 =	sadd.s32 s13, s11  }
0x13: {  	s9 =	sadd.s32 $0xC000, s15;
	[dreg:$0x9] =	wrdreg s11;
	s10 =	sadd.s32 s13, s10  }
0x14: {  	s19 =	sadd.s32 s12, s9;
	s11 =	sadd.s32 $0x10000, s15;
	[dreg:$0xa] =	wrdreg s10  }
0x15: {  	s16 =	sshrl.u32 s19, $0x3;
	s10 =	sadd.s32 $0xE000, s15;
	s17 =	sadd.s32 s12, s11  }
0x16: {  	s19 =	sadd.s32 s14, s26;
	s15 =	rddreg [dreg:$0x1];
	s14 =	sor.u32 s22, s30  }
0x17: {  	s16 =	sadd.s32 s13, s16;
	s20 =	sadd.s32 s12, s10;
	s17 =	sshrl.u32 s17, $0x3  }
0x18: {  	s12 =	sadd.s32 s12, s18;
	[dreg:$0xb] =	wrdreg s16;
	s23 =	sadd.s32 s13, s17  }
0x19: {  	s16 =	sshrl.u32 s20, $0x3;
	s12 =	sshrl.u32 s12, $0x3;
	[dreg:$0xd] =	wrdreg s23  }
0x1a: {  	s21 =	sadd.s32 s13, s16;
	s12 =	sadd.s32 s13, s12;
	s13 =	rddreg [dreg:$0x2]  }
0x1b: {  	s14 =	smul.u32 $0x500, s14;
	s17 =	sshrl.u32 s29, $0x3;
	s16 =	rddreg [dreg:$0x3]  }
0x1c: {  	s1 =	ssub.s32 s1, s5;
	s20 =	sadd.s32 s17, s0;
	[dreg:$0xc] =	wrdreg s21  }
0x1d: {  	s17 =	sadd.s32 $0x3000, s0;
	s28 =	sadd.s32 s15, s14;
	[dreg:$0xe] =	wrdreg s12  }
0x1e: {  	s29 =	sadd.s32 s17, s14;
	_ =	strace $0x8000004A;
	[dreg:$0x13] =	wrdreg s28  }
0x1f: {  	s12 =	sor.u32 $0x8, s14;
	s2 =	sadd.s32 s2, s16;
	[dreg:$0x14] =	wrdreg s29  }
0x20: {  	s5 =	sadd.s32 s31, s3;
	s23 =	sadd.s32 s15, s12;
	[dreg:$0x19] =	wrdreg s2  }
0x21: {  	s21 =	sor.u32 $0x10, s14;
	s3 =	sadd.s32 s17, s12;
	[dreg:$0xf] =	wrdreg s23  }
0x22: {  	s25 =	sadd.s32 s15, s21;
	[dreg:$0x10] =	wrdreg s3  }
0x23: {  	s30 =	sor.u32 $0x18, s14;
	s26 =	sadd.s32 s17, s21;
	[dreg:$0x11] =	wrdreg s25  }
0x24: {  	s31 =	smul.u32 $0x50000, s22;
	s12 =	sadd.s32 s15, s30;
	[dreg:$0x12] =	wrdreg s26  }
0x25: {  	s29 =	sadd.s32 $0x2600, s0;
	[dreg:$0x15] =	wrdreg s12  }
0x26: {  	s28 =	sshrl.u32 s31, $0x2;
	s31 =	sadd.s32 $0x2400, s0;
	[dreg:$0x1b] =	wrdreg s29  }
0x27: {  	s2 =	sadd.s32 $0x84E00, s20;
	[dreg:$0x1d] =	wrdreg s31  }
0x28: {  	s14 =	sor.u32 $0x20, s14;
	s3 =	sadd.s32 s17, s30;
	[dreg:$0x1e] =	wrdreg s2  }
0x29: {  	s25 =	sadd.s32 s15, s14;
	[dreg:$0x16] =	wrdreg s3  }
0x2a: {  	s26 =	sadd.s32 s17, s14;
	[dreg:$0x17] =	wrdreg s25  }
0x2b: {  	s16 =	sadd.s32 s24, s13;
	s30 =	sadd.s32 $0x2200, s0;
	[dreg:$0x18] =	wrdreg s26  }
0x2c: {  	s20 =	sadd.s32 s6, s13;
	s12 =	smax.u32 s1, $0x1;
	[dreg:$0x1c] =	wrdreg s30  }
0x2d: {  	s21 =	sadd.s32 s7, s13;
	s31 =	sor.u32 $0x7, s5;
	[dreg:$0x1f] =	wrdreg s12  }
0x2e: {  	s23 =	sadd.s32 s28, s13;
	s1 =	sshrl.u32 s16, $0x3;
	[smem:$0x7EB] =	sst s31  }
0x2f: {  	s28 =	sadd.s32 s10, s13;
	s10 =	sshrl.u32 s20, $0x3;
	[smem:$0x7ED] =	sst s1  }
0x30: {  	s29 =	sadd.s32 s11, s13;
	s11 =	sshrl.u32 s21, $0x3;
	[smem:$0x7EE] =	sst s10  }
0x31: {  	s24 =	sadd.s32 s8, s13;
	s25 =	sadd.s32 $0xCE00, s0;
	[smem:$0x7EF] =	sst s11  }
0x32: {  	s3 =	sadd.s32 $0x1E00, s0;
	s0 =	sadd.s32 $0x1E08, s0;
	[dreg:$0x1a] =	wrdreg s23  }
0x33: {  	s12 =	sshrl.u32 s24, $0x3;
	[smem:$0x7EA] =	sst s0  }
0x34: {  	s16 =	sshrl.u32 s29, $0x3;
	[smem:$0x7F0] =	sst s12  }
0x35: {  	s30 =	sadd.s32 s18, s13;
	s18 =	sadd.s32 $0x2000, s23;
	[smem:$0x7F3] =	sst s16  }
0x36: {  	s20 =	sadd.s32 $0x4000, s23;
	[smem:$0x7F5] =	sst s18  }
0x37: {  	s22 =	simm.s32 $0x0;
	s21 =	sadd.s32 $0x6000, s23;
	[smem:$0x7F6] =	sst s20  }
0x38: {  	s8 =	simm.s32 $0x16;
	s24 =	sadd.s32 $0x8000, s23;
	[smem:$0x7F7] =	sst s21  }
0x39: {  	s7 =	simm.s32 $0x1;
	s29 =	sadd.s32 $0xE000, s23;
	[smem:$0x7F8] =	sst s24  }
0x3a: {  	s14 =	sadd.s32 s4, s13;
	s31 =	sadd.s32 $0x12000, s23;
	[smem:$0x7FB] =	sst s29  }
0x3b: {  	s26 =	sadd.s32 s9, s13;
	s0 =	sshrl.u32 s14, $0x3;
	[smem:$0x7FD] =	sst s31  }
0x3c: {  	s5 =	smov.u32 s17;
	s13 =	sshrl.u32 s26, $0x3;
	[smem:$0x7EC] =	sst s0  }
0x3d: {  	s2 =	simm.s32 $0x5000;
	s14 =	sshrl.u32 s28, $0x3;
	[smem:$0x7F1] =	sst s13  }
.Ltmp0:
0x3e: {  	s17 =	sshrl.u32 s30, $0x3;
	[smem:$0x7F2] =	sst s14;
	(pc) =	sbr.rel .LBB2_1-.Ltmp0, $4  }
0x3f: {  	s11 =	simm.s32 $0xB000;
	s26 =	sadd.s32 $0xA000, s23;
	[smem:$0x7F4] =	sst s17  }
0x40: {  	s10 =	simm.s32 $0x15;
	s28 =	sadd.s32 $0xC000, s23;
	[smem:$0x7F9] =	sst s26  }
0x41: {  	s30 =	sadd.s32 $0x10000, s23;
	s21 =	simm.s32 $0x40;
	[smem:$0x7FA] =	sst s28  }
0x42: {  	[smem:$0x7FC] =	sst s30;
	s14 =	simm.s32 $0xA00;
	s0 =	simm.s32 $0x0  }
.LBB2_4:
0x43: {  	s1 =	simm.s32 $0x13  }
0x44: {  	_ =	swait.ge [sflag:s1], $0x2000  }
0x45: {  	[sflag:s1] =	ssyncset.done $0x0  }
0x46: {  	[sflag:s1] =	ssyncadd.s32 $0xFFFFE000  }
0x47: {  	_ =	swait.ge [sflag:s1], $0x40  }
0x48: {  	[sflag:s1] =	ssyncset.done $0x0  }
0x49: {  	s26 =	simm.s32 $0x14;
	[sflag:s1] =	ssyncadd.s32 $0xFFFFFFC0  }
0x4a: {  	_ =	swait.ge [sflag:s26], $0x2000  }
0x4b: {  	[sflag:s26] =	ssyncset.done $0x0  }
0x4c: {  	[sflag:s26] =	ssyncadd.s32 $0xFFFFE000  }
0x4d: {  	_ =	swait.ge [sflag:s26], $0x40  }
0x4e: {  	[sflag:s26] =	ssyncset.done $0x0  }
0x4f: {  	[sflag:s26] =	ssyncadd.s32 $0xFFFFFFC0  }
0x50: {  	[bflag:$0x0] =	sbarrier.arrive $0xFFFF  }
0x51: {  	s28 =	sld [smem:$0x7E7];
	_ =	sdelay $0x1  }
0x52: {  	s23 =	rddreg [dreg:$0x1a]  }
0x53: {  	s6 =	rddreg [dreg:$0x5];
	s4 =	sshrl.u32 s23, $0x3;
	s1 =	sor.u32 $0x1C15, s28  }
0x54: {  	[hbm:s6], [sflag:s1] =	dma.local [spmem:s4], $0x400  }
0x55: {  	s6 =	sld [smem:$0x7EC];
	_ =	sdelay $0x1  }
0x56: {  	s4 =	rddreg [dreg:$0x6]  }
0x57: {  	[hbm:s4], [sflag:s1] =	dma.local [spmem:s6], $0x400  }
0x58: {  	s6 =	sld [smem:$0x7ED];
	_ =	sdelay $0x1  }
0x59: {  	s4 =	rddreg [dreg:$0x7]  }
0x5a: {  	[hbm:s4], [sflag:s1] =	dma.local [spmem:s6], $0x400  }
0x5b: {  	s6 =	sld [smem:$0x7EE];
	_ =	sdelay $0x1  }
0x5c: {  	s4 =	rddreg [dreg:$0x8]  }
0x5d: {  	[hbm:s4], [sflag:s1] =	dma.local [spmem:s6], $0x400  }
0x5e: {  	s6 =	sld [smem:$0x7EF];
	_ =	sdelay $0x1  }
0x5f: {  	s4 =	rddreg [dreg:$0x9]  }
0x60: {  	[hbm:s4], [sflag:s1] =	dma.local [spmem:s6], $0x400  }
0x61: {  	s6 =	sld [smem:$0x7F0];
	_ =	sdelay $0x1  }
0x62: {  	s4 =	rddreg [dreg:$0xa]  }
0x63: {  	[hbm:s4], [sflag:s1] =	dma.local [spmem:s6], $0x400  }
0x64: {  	s6 =	sld [smem:$0x7F1];
	_ =	sdelay $0x1  }
0x65: {  	s4 =	rddreg [dreg:$0xb]  }
0x66: {  	[hbm:s4], [sflag:s1] =	dma.local [spmem:s6], $0x400  }
0x67: {  	s6 =	sld [smem:$0x7F2];
	_ =	sdelay $0x1  }
0x68: {  	s4 =	rddreg [dreg:$0xc]  }
0x69: {  	[hbm:s4], [sflag:s1] =	dma.local [spmem:s6], $0x400  }
0x6a: {  	s6 =	sld [smem:$0x7F3];
	_ =	sdelay $0x1  }
0x6b: {  	s4 =	rddreg [dreg:$0xd]  }
0x6c: {  	[hbm:s4], [sflag:s1] =	dma.local [spmem:s6], $0x400  }
0x6d: {  	s6 =	sld [smem:$0x7F4];
	_ =	sdelay $0x1  }
0x6e: {  	s4 =	rddreg [dreg:$0xe]  }
0x6f: {  	[hbm:s4], [sflag:s1] =	dma.local [spmem:s6], $0x400  }
0x70: {  	s6 =	sld [smem:$0x7E8]  }
0x71: {  	s8 =	sld [smem:$0x7E9];
	_ =	sdelay $0x1  }
0x72: {  	s7 =	simm.s32 $0x1;
	s29 =	simm.s32 $0x20;
	s1 =	rddreg [dreg:$0x1e]  }
0x73: {  	[hbm:s1@s29], [sflag:s6] =	dma.strided [spmem:s8@s0], $0x50, s7, $0x10   }
0x74: {  	s8 =	simm.s32 $0x16  }
0x75: {  	_ =	swait.ge [sflag:s8], $0x50  }
0x76: {  	[sflag:s8] =	ssyncset.done $0x0  }
0x77: {  	s10 =	simm.s32 $0x15;
	[sflag:s8] =	ssyncadd.s32 $0xFFFFFFB0  }
0x78: {  	_ =	swait.ge [sflag:s10], $0x400  }
0x79: {  	[sflag:s10] =	ssyncset.done $0x0  }
0x7a: {  	[sflag:s10] =	ssyncadd.s32 $0xFFFFFC00  }
0x7b: {  	_ =	swait.ge [sflag:s10], $0x400  }
0x7c: {  	[sflag:s10] =	ssyncset.done $0x0  }
0x7d: {  	[sflag:s10] =	ssyncadd.s32 $0xFFFFFC00  }
0x7e: {  	_ =	swait.ge [sflag:s10], $0x400  }
0x7f: {  	[sflag:s10] =	ssyncset.done $0x0  }
0x80: {  	[sflag:s10] =	ssyncadd.s32 $0xFFFFFC00  }
0x81: {  	_ =	swait.ge [sflag:s10], $0x400  }
0x82: {  	[sflag:s10] =	ssyncset.done $0x0  }
0x83: {  	[sflag:s10] =	ssyncadd.s32 $0xFFFFFC00  }
0x84: {  	_ =	swait.ge [sflag:s10], $0x400  }
0x85: {  	[sflag:s10] =	ssyncset.done $0x0  }
0x86: {  	[sflag:s10] =	ssyncadd.s32 $0xFFFFFC00  }
0x87: {  	_ =	swait.ge [sflag:s10], $0x400  }
0x88: {  	[sflag:s10] =	ssyncset.done $0x0  }
0x89: {  	[sflag:s10] =	ssyncadd.s32 $0xFFFFFC00  }
0x8a: {  	_ =	swait.ge [sflag:s10], $0x400  }
0x8b: {  	[sflag:s10] =	ssyncset.done $0x0  }
0x8c: {  	[sflag:s10] =	ssyncadd.s32 $0xFFFFFC00  }
0x8d: {  	_ =	swait.ge [sflag:s10], $0x400  }
0x8e: {  	[sflag:s10] =	ssyncset.done $0x0  }
0x8f: {  	[sflag:s10] =	ssyncadd.s32 $0xFFFFFC00  }
0x90: {  	_ =	swait.ge [sflag:s10], $0x400  }
0x91: {  	[sflag:s10] =	ssyncset.done $0x0  }
0x92: {  	[sflag:s10] =	ssyncadd.s32 $0xFFFFFC00  }
0x93: {  	_ =	swait.ge [sflag:s10], $0x400  }
0x94: {  	s30 =	sld [smem:$0x7E6];
	_ =	sdelay $0x2  }
0x95: {  	s31 =	rddreg [dreg:$0x1f];
	s0 =	sadd.s32 $0x1, s30  }
0x96: {  	p0 =	sne.s32 s0, s31  }
.Ltmp1:
0x97: {  	_ = 	snop;
	(pc) =	sbr.rel @!p0 .LBB2_5-.Ltmp1, $3  }
0x98: {  	_ =	sdelay $0x1  }
0x99: {  	[sflag:s10] =	ssyncset.done $0x0  }
0x9a: {  	s22 =	simm.s32 $0x0;
	s14 =	simm.s32 $0xA00;
	[sflag:s10] =	ssyncadd.s32 $0xFFFFFC00  }
.LBB2_1:
0x9b: {  	[smem:$0x7E6] =	sst s0  }
0x9c: {  	s1 =	rddreg [dreg:$0x13]  }
0x9d: {  	[tilespmem:s22], [sflag:$0x1] =	stream.linear.gather [hbm4b:s1+s22], $0x40, $0x38;
	[tilespmem:$0x1F300] =	vst v63  }
0x9e: {  	s30 =	rddreg [dreg:$0x14];
	s4 =	simm.s32 $0x800  }
0x9f: {  	[tilespmem:s4], [sflag:$0x1] =	stream.linear.gather [hbm4b:s30+s22], $0x40, $0x38;
	[tilespmem:$0x1F300] =	vst v63  }
0xa0: {  	s31 =	rddreg [dreg:$0xf];
	s4 =	simm.s32 $0x80  }
0xa1: {  	[tilespmem:s4], [sflag:$0x2] =	stream.linear.gather [hbm4b:s31+s22], $0x40, $0x38;
	[tilespmem:$0x1F300] =	vst v63  }
0xa2: {  	s0 =	rddreg [dreg:$0x10];
	s6 =	simm.s32 $0x880  }
0xa3: {  	[tilespmem:s6], [sflag:$0x2] =	stream.linear.gather [hbm4b:s0+s22], $0x40, $0x38;
	[tilespmem:$0x1F300] =	vst v63  }
0xa4: {  	s9 =	simm.s32 $0x100;
	s6 =	rddreg [dreg:$0x11]  }
0xa5: {  	[tilespmem:s9], [sflag:$0x3] =	stream.linear.gather [hbm4b:s6+s22], $0x40, $0x38;
	[tilespmem:$0x1F300] =	vst v63  }
0xa6: {  	s12 =	rddreg [dreg:$0x12];
	s13 =	simm.s32 $0x900  }
0xa7: {  	[tilespmem:s13], [sflag:$0x3] =	stream.linear.gather [hbm4b:s12+s22], $0x40, $0x38;
	[tilespmem:$0x1F300] =	vst v63  }
0xa8: {  	s16 =	rddreg [dreg:$0x15];
	s17 =	simm.s32 $0x180  }
0xa9: {  	[tilespmem:s17], [sflag:$0x4] =	stream.linear.gather [hbm4b:s16+s22], $0x40, $0x38;
	[tilespmem:$0x1F300] =	vst v63  }
0xaa: {  	s18 =	rddreg [dreg:$0x16];
	s20 =	simm.s32 $0x980  }
0xab: {  	[tilespmem:s20], [sflag:$0x4] =	stream.linear.gather [hbm4b:s18+s22], $0x40, $0x38;
	[tilespmem:$0x1F300] =	vst v63  }
0xac: {  	s24 =	rddreg [dreg:$0x17];
	s26 =	simm.s32 $0x200  }
0xad: {  	[tilespmem:s26], [sflag:$0x5] =	stream.linear.gather [hbm4b:s24+s22], $0x40, $0x38;
	[tilespmem:$0x1F300] =	vst v63  }
0xae: {  	s28 =	rddreg [dreg:$0x18]  }
0xaf: {  	[tilespmem:s14], [sflag:$0x5] =	stream.linear.gather [hbm4b:s28+s22], $0x40, $0x38;
	[tilespmem:$0x1F300] =	vst v63  }
0xb0: {  	_ =	swait.ge [sflag:s7], $0x40  }
0xb1: {  	[sflag:s7] =	ssyncset.done $0x0  }
0xb2: {  	[sflag:s7] =	ssyncadd.s32 $0xFFFFFFC0  }
0xb3: {  	_ =	swait.ge [sflag:s7], $0x40  }
0xb4: {  	[sflag:s7] =	ssyncset.done $0x0  }
0xb5: {  	s30 =	simm.s32 $0x1000;
	s31 =	simm.s32 $0x2;
	[sflag:s7] =	ssyncadd.s32 $0xFFFFFFC0  }
0xb6: {  	[tilespmem:s30], [sflag:$0xB] =	stream.indirect.gather [hbm4b:s25+s21], $0x80, s22, s21, $0xb8;
	[tilespmem:$0x1F300] =	vst v63  }
0xb7: {  	_ =	swait.ge [sflag:s31], $0x40  }
0xb8: {  	[sflag:s31] =	ssyncset.done $0x0  }
0xb9: {  	[sflag:s31] =	ssyncadd.s32 $0xFFFFFFC0  }
0xba: {  	_ =	swait.ge [sflag:s31], $0x40  }
0xbb: {  	[sflag:s31] =	ssyncset.done $0x0  }
0xbc: {  	s1 =	simm.s32 $0x3000;
	[sflag:s31] =	ssyncadd.s32 $0xFFFFFFC0  }
0xbd: {  	[tilespmem:s1], [sflag:$0xC] =	stream.indirect.gather [hbm4b:s25+s21], $0x80, s4, s21, $0xb8;
	[tilespmem:$0x1F300] =	vst v63  }
0xbe: {  	s4 =	simm.s32 $0x3  }
0xbf: {  	_ =	swait.ge [sflag:s4], $0x40  }
0xc0: {  	[sflag:s4] =	ssyncset.done $0x0  }
0xc1: {  	[sflag:s4] =	ssyncadd.s32 $0xFFFFFFC0  }
0xc2: {  	_ =	swait.ge [sflag:s4], $0x40  }
0xc3: {  	[sflag:s4] =	ssyncset.done $0x0  }
0xc4: {  	[sflag:s4] =	ssyncadd.s32 $0xFFFFFFC0  }
0xc5: {  	[tilespmem:s2], [sflag:$0xD] =	stream.indirect.gather [hbm4b:s25+s21], $0x80, s9, s21, $0xb8;
	[tilespmem:$0x1F300] =	vst v63  }
0xc6: {  	s7 =	stileid.u32;
	s6 =	rddreg [dreg:$0x1c]  }
0xc7: {  	[tilespmem:s11], [sflag:$0x16] =	stream.linear.gather [hbm4b:s6+s22], $0x80, $0x38;
	[tilespmem:$0x1F300] =	vst v63  }
0xc8: {  	s9 =	sshll.u32 s7, $0x6;
	_ =	swait.ge [sflag:s8], $0x80  }
0xc9: {  	[smem:$0x7E7] =	sst s9  }
0xca: {  	s11 =	rddreg [dreg:$0x19]  }
0xcb: {  	s0 =	sor.u32 $0x1C16, s9;
	s13 =	rddreg [dreg:$0x1d]  }
0xcc: {  	[sflag:s8] =	ssyncset.done $0x0;
	[smem:$0x7E8] =	sst s0;
	s12 =	sshrl.u32 s11, $0x3  }
0xcd: {  	[sflag:s8] =	ssyncadd.s32 $0xFFFFFF80;
	[smem:$0x7E9] =	sst s12  }
0xce: {  	[spmem:s12], [sflag:s0] =	dma.local [hbm:s13], $0x50  }
0xcf: {  	_ =	swait.ge [sflag:s8], $0x50  }
0xd0: {  	[sflag:s8] =	ssyncset.done $0x0  }
0xd1: {  	s16 =	simm.s32 $0x7000;
	s14 =	rddreg [dreg:$0x1b];
	[sflag:s8] =	ssyncadd.s32 $0xFFFFFFB0  }
0xd2: {  	[tilespmem:s16], [sflag:$0x16] =	stream.linear.gather [hbm4b:s14+s22], $0x2000, $0x38;
	[tilespmem:$0x1F300] =	vst v63  }
0xd3: {  	_ =	swait.ge [sflag:s8], $0x2000  }
0xd4: {  	[sflag:s8] =	ssyncset.done $0x0  }
0xd5: {  	s17 =	sld [smem:$0x7F5];
	[sflag:s8] =	ssyncadd.s32 $0xFFFFE000  }
0xd6: {  	[spmem:s23] =	stream.linear.scatter [tilespmem:s16], [sflag:$0x15], $0x2000, $0x38;
	[tilespmem:$0x1F300] =	vst v63  }
0xd7: {  	s18 =	sld [smem:$0x7F6]  }
0xd8: {  	[spmem:s17] =	stream.linear.scatter [tilespmem:s16], [sflag:$0x15], $0x2000, $0x38;
	[tilespmem:$0x1F300] =	vst v63  }
0xd9: {  	s20 =	sld [smem:$0x7F7]  }
0xda: {  	[spmem:s18] =	stream.linear.scatter [tilespmem:s16], [sflag:$0x15], $0x2000, $0x38;
	[tilespmem:$0x1F300] =	vst v63  }
0xdb: {  	s23 =	sld [smem:$0x7F8]  }
0xdc: {  	[spmem:s20] =	stream.linear.scatter [tilespmem:s16], [sflag:$0x15], $0x2000, $0x38;
	[tilespmem:$0x1F300] =	vst v63  }
0xdd: {  	s24 =	sld [smem:$0x7F9]  }
0xde: {  	[spmem:s23] =	stream.linear.scatter [tilespmem:s16], [sflag:$0x15], $0x2000, $0x38;
	[tilespmem:$0x1F300] =	vst v63  }
0xdf: {  	s26 =	sld [smem:$0x7FA]  }
0xe0: {  	[spmem:s24] =	stream.linear.scatter [tilespmem:s16], [sflag:$0x15], $0x2000, $0x38;
	[tilespmem:$0x1F300] =	vst v63  }
0xe1: {  	s28 =	sld [smem:$0x7FB]  }
0xe2: {  	[spmem:s26] =	stream.linear.scatter [tilespmem:s16], [sflag:$0x15], $0x2000, $0x38;
	[tilespmem:$0x1F300] =	vst v63  }
0xe3: {  	s30 =	sld [smem:$0x7FC]  }
0xe4: {  	[spmem:s28] =	stream.linear.scatter [tilespmem:s16], [sflag:$0x15], $0x2000, $0x38;
	[tilespmem:$0x1F300] =	vst v63  }
0xe5: {  	s31 =	sld [smem:$0x7FD]  }
0xe6: {  	[spmem:s30] =	stream.linear.scatter [tilespmem:s16], [sflag:$0x15], $0x2000, $0x38;
	[tilespmem:$0x1F300] =	vst v63  }
0xe7: {  	_ = 	snop  }
0xe8: {  	[spmem:s31] =	stream.linear.scatter [tilespmem:s16], [sflag:$0x15], $0x2000, $0x38;
	[tilespmem:$0x1F300] =	vst v63  }
0xe9: {  	_ =	swait.ge [sflag:s10], $0x2000  }
0xea: {  	[sflag:s10] =	ssyncset.done $0x0  }
0xeb: {  	[sflag:s10] =	ssyncadd.s32 $0xFFFFE000  }
0xec: {  	_ =	swait.ge [sflag:s10], $0x2000  }
0xed: {  	[sflag:s10] =	ssyncset.done $0x0  }
0xee: {  	[sflag:s10] =	ssyncadd.s32 $0xFFFFE000  }
0xef: {  	_ =	swait.ge [sflag:s10], $0x2000  }
0xf0: {  	[sflag:s10] =	ssyncset.done $0x0  }
0xf1: {  	[sflag:s10] =	ssyncadd.s32 $0xFFFFE000  }
0xf2: {  	_ =	swait.ge [sflag:s10], $0x2000  }
0xf3: {  	[sflag:s10] =	ssyncset.done $0x0  }
0xf4: {  	[sflag:s10] =	ssyncadd.s32 $0xFFFFE000  }
0xf5: {  	_ =	swait.ge [sflag:s10], $0x2000  }
0xf6: {  	[sflag:s10] =	ssyncset.done $0x0  }
0xf7: {  	[sflag:s10] =	ssyncadd.s32 $0xFFFFE000  }
0xf8: {  	_ =	swait.ge [sflag:s10], $0x2000  }
0xf9: {  	[sflag:s10] =	ssyncset.done $0x0  }
0xfa: {  	[sflag:s10] =	ssyncadd.s32 $0xFFFFE000  }
0xfb: {  	_ =	swait.ge [sflag:s10], $0x2000  }
0xfc: {  	[sflag:s10] =	ssyncset.done $0x0  }
0xfd: {  	[sflag:s10] =	ssyncadd.s32 $0xFFFFE000  }
0xfe: {  	_ =	swait.ge [sflag:s10], $0x2000  }
0xff: {  	[sflag:s10] =	ssyncset.done $0x0  }
0x100: {  	[sflag:s10] =	ssyncadd.s32 $0xFFFFE000  }
0x101: {  	_ =	swait.ge [sflag:s10], $0x2000  }
0x102: {  	[sflag:s10] =	ssyncset.done $0x0  }
0x103: {  	[sflag:s10] =	ssyncadd.s32 $0xFFFFE000  }
0x104: {  	_ =	swait.ge [sflag:s10], $0x2000  }
0x105: {  	[sflag:s10] =	ssyncset.done $0x0  }
0x106: {  	[sflag:s10] =	ssyncadd.s32 $0xFFFFE000  }
0x107: {  	s29 =	simm.s32 $0x0;
	[bflag:$0x0] =	sbarrier.arrive $0xFFFF  }
0x108: {  	s2 =	smov.u32 s3;
	s20 =	simm.s32 $0x5000;
	s8 =	sld [smem:$0x7EB]  }
.LBB2_2:
0x109: {  	s13 =	simm.s32 $0xB  }
0x10a: {  	_ =	swait.ge [sflag:s13], $0x2000  }
0x10b: {  	[sflag:s13] =	ssyncset.done $0x0  }
0x10c: {  	[sflag:s13] =	ssyncadd.s32 $0xFFFFE000  }
0x10d: {  	s1 =	simm.s32 $0x800;
	s0 =	simm.s32 $0x1000;
	s14 =	rddreg [dreg:$0x2]  }
0x10e: {  	[spmem:s14] =	stream.indirect.scatter.add.f32 [tilespmem:s0], [sflag:$0x10], $0x80, s1, s21, $0xb8;
	[tilespmem:$0x1F300] =	vst v63  }
0x10f: {  	s16 =	simm.s32 $0xB000;
	p0 =	seq.s32 s29, $0x0;
	s3 =	rddreg [dreg:$0x3]  }
0x110: {  	[spmem:s3] =	stream.indirect.scatter.add.f32 [tilespmem:s16], [sflag:$0x10], $0x1, s1, s21, $0xb8;
	[tilespmem:$0x1F300] =	vst v63  }
0x111: {  	s1 =	simm.s32 @!p0 $0x13  }
0x112: {  	_ =	swait.ge @!p0 [sflag:s1], $0x2000  }
0x113: {  	[sflag:s1] =	ssyncset.done @!p0 $0x0  }
0x114: {  	s10 =	sadd.s32 $0xFFFFFFFB, s8;
	[sflag:s1] =	ssyncadd.s32 @!p0 $0xFFFFE000  }
0x115: {  	p1 =	sgt.u32 s10, $0x9C3;
	_ =	swait.ge @!p0 [sflag:s1], $0x40  }
0x116: {  	s10 =	sadd.s32 @p1 s29, s19;
	s26 =	sld [smem:$0x7EA]  }
0x117: {  	s24 =	sadd.s32 @p1 $0xFFF63E0, s10;
	[sflag:s1] =	ssyncset.done @!p0 $0x0  }
0x118: {  	s30 =	simm.s32 @p1 $0x280;
	[sflag:s1] =	ssyncadd.s32 @!p0 $0xFFFFFFC0;
	s1 =	sand.u32 @p1 $0xFFFFFF0, s24  }
0x119: {  	s10 =	sadd.s32 s29, s19;
	s24 =	simm.s32 @p1 $0x0;
	s1 =	sadd.s32 @p1 s1, s26  }
0x11a: {  	[tilespmem:s30], [sflag:$0x6] =	stream.linear.gather @p1 [hbm4b:s1+s24], $0x40, $0x38;
	[tilespmem:$0x1F300] =	vst v63  }
0x11b: {  	s24 =	sadd.s32 $0x20, s10;
	s30 =	sadd.s32 @!p1 $0x20, s29  }
0x11c: {  	s24 =	sand.u32 @!p1 $0xFF80, s24;
	s30 =	sand.u32 @!p1 $0x70, s30  }
0x11d: {  	s24 =	sor.u32 @!p1 s24, s30  }
0x11e: {  	s24 =	sor.u32 @!p1 $0x8, s24  }
0x11f: {  	s23 =	simm.s32 @!p1 $0x0;
	s28 =	simm.s32 @!p1 $0x280;
	s30 =	sadd.s32 @!p1 s15, s24  }
0x120: {  	[tilespmem:s28], [sflag:$0x6] =	stream.linear.gather @!p1 [hbm4b:s30+s23], $0x40, $0x38;
	[tilespmem:$0x1F300] =	vst v63  }
0x121: {  	s23 =	sadd.s32 @!p1 s5, s24  }
0x122: {  	s17 =	simm.s32 $0xA80;
	s18 =	simm.s32 $0x4;
	s23 =	smov.u32 @p1 s1  }
0x123: {  	[tilespmem:s17], [sflag:$0x6] =	stream.linear.gather [hbm4b:s23+s22], $0x40, $0x38;
	[tilespmem:$0x1F300] =	vst v63  }
0x124: {  	_ =	swait.ge [sflag:s18], $0x40  }
0x125: {  	[sflag:s18] =	ssyncset.done $0x0  }
0x126: {  	[sflag:s18] =	ssyncadd.s32 $0xFFFFFFC0  }
0x127: {  	_ =	swait.ge [sflag:s18], $0x40  }
0x128: {  	s24 =	simm.s32 $0x7000;
	[sflag:s18] =	ssyncset.done $0x0  }
0x129: {  	s23 =	simm.s32 $0x180;
	[sflag:s18] =	ssyncadd.s32 $0xFFFFFFC0;
	s18 =	simm.s32 $0xC  }
0x12a: {  	[tilespmem:s24], [sflag:$0xE] =	stream.indirect.gather [hbm4b:s25+s21], $0x80, s23, s21, $0xb8;
	[tilespmem:$0x1F300] =	vst v63  }
0x12b: {  	_ =	swait.ge [sflag:s18], $0x2000  }
0x12c: {  	[sflag:s18] =	ssyncset.done $0x0  }
0x12d: {  	s28 =	simm.s32 $0x880;
	s30 =	simm.s32 $0x3000;
	[sflag:s18] =	ssyncadd.s32 $0xFFFFE000  }
0x12e: {  	[spmem:s14] =	stream.indirect.scatter.add.f32 [tilespmem:s30], [sflag:$0x11], $0x80, s28, s21, $0xb8;
	[tilespmem:$0x1F300] =	vst v63  }
0x12f: {  	s16 =	simm.s32 $0xB000;
	s1 =	simm.s32 @!p0 $0x14  }
0x130: {  	[spmem:s3] =	stream.indirect.scatter.add.f32 [tilespmem:s16], [sflag:$0x11], $0x1, s28, s21, $0xb8;
	[tilespmem:$0x1F300] =	vst v63  }
0x131: {  	_ =	swait.ge @!p0 [sflag:s1], $0x2000  }
0x132: {  	s4 =	sadd.s32 $0xFFFFFFFC, s8;
	[sflag:s1] =	ssyncset.done @!p0 $0x0  }
0x133: {  	p1 =	sgt.u32 s4, $0x9C3;
	[sflag:s1] =	ssyncadd.s32 @!p0 $0xFFFFE000  }
0x134: {  	s23 =	sadd.s32 @p1 s29, s19;
	_ =	swait.ge @!p0 [sflag:s1], $0x40  }
0x135: {  	s23 =	sadd.s32 @p1 $0xFFF63F0, s23;
	[sflag:s1] =	ssyncset.done @!p0 $0x0  }
0x136: {  	[sflag:s1] =	ssyncadd.s32 @!p0 $0xFFFFFFC0;
	s1 =	sand.u32 @p1 $0xFFFFFF0, s23  }
0x137: {  	s24 =	simm.s32 @p1 $0x0;
	s28 =	simm.s32 @p1 $0x300;
	s23 =	sadd.s32 @p1 s2, s1  }
0x138: {  	[tilespmem:s28], [sflag:$0x7] =	stream.linear.gather @p1 [hbm4b:s23+s24], $0x40, $0x38;
	[tilespmem:$0x1F300] =	vst v63  }
0x139: {  	s30 =	sadd.s32 @!p1 $0x30, s29;
	s28 =	sadd.s32 $0x30, s10  }
0x13a: {  	s30 =	sand.u32 @!p1 $0x70, s30;
	s28 =	sand.u32 @!p1 $0xFF80, s28  }
0x13b: {  	s11 =	sor.u32 @!p1 s30, s28  }
0x13c: {  	s7 =	simm.s32 @!p1 $0x0;
	s6 =	simm.s32 @!p1 $0x300;
	s4 =	sadd.s32 @!p1 s15, s11  }
0x13d: {  	[tilespmem:s6], [sflag:$0x7] =	stream.linear.gather @!p1 [hbm4b:s4+s7], $0x40, $0x38;
	[tilespmem:$0x1F300] =	vst v63  }
0x13e: {  	s4 =	sadd.s32 @!p1 s5, s11  }
0x13f: {  	s9 =	simm.s32 $0x5;
	s6 =	simm.s32 $0xB00;
	s4 =	smov.u32 @p1 s23  }
0x140: {  	[tilespmem:s6], [sflag:$0x7] =	stream.linear.gather [hbm4b:s4+s22], $0x40, $0x38;
	[tilespmem:$0x1F300] =	vst v63  }
0x141: {  	_ =	swait.ge [sflag:s9], $0x40  }
0x142: {  	[sflag:s9] =	ssyncset.done $0x0  }
0x143: {  	[sflag:s9] =	ssyncadd.s32 $0xFFFFFFC0  }
0x144: {  	_ =	swait.ge [sflag:s9], $0x40  }
0x145: {  	s0 =	simm.s32 $0xD;
	[sflag:s9] =	ssyncset.done $0x0  }
0x146: {  	s17 =	simm.s32 $0x9000;
	s11 =	simm.s32 $0x200;
	[sflag:s9] =	ssyncadd.s32 $0xFFFFFFC0  }
0x147: {  	[tilespmem:s17], [sflag:$0xF] =	stream.indirect.gather [hbm4b:s25+s21], $0x80, s11, s21, $0xb8;
	[tilespmem:$0x1F300] =	vst v63  }
0x148: {  	_ =	swait.ge [sflag:s0], $0x2000  }
0x149: {  	[sflag:s0] =	ssyncset.done $0x0  }
0x14a: {  	s23 =	simm.s32 $0x900;
	[sflag:s0] =	ssyncadd.s32 $0xFFFFE000  }
0x14b: {  	[spmem:s14] =	stream.indirect.scatter.add.f32 [tilespmem:s20], [sflag:$0x12], $0x80, s23, s21, $0xb8;
	[tilespmem:$0x1F300] =	vst v63  }
0x14c: {  	s9 =	simm.s32 $0x10  }
0x14d: {  	[spmem:s3] =	stream.indirect.scatter.add.f32 [tilespmem:s16], [sflag:$0x12], $0x1, s23, s21, $0xb8;
	[tilespmem:$0x1F300] =	vst v63  }
0x14e: {  	_ =	swait.ge [sflag:s9], $0x2000  }
0x14f: {  	[sflag:s9] =	ssyncset.done $0x0  }
0x150: {  	[sflag:s9] =	ssyncadd.s32 $0xFFFFE000  }
0x151: {  	_ =	swait.ge [sflag:s9], $0x40  }
0x152: {  	[sflag:s9] =	ssyncset.done $0x0  }
0x153: {  	s1 =	sadd.s32 @p1 s1, s26;
	s4 =	simm.s32 @p1 $0x380;
	[sflag:s9] =	ssyncadd.s32 $0xFFFFFFC0  }
0x154: {  	[tilespmem:s4], [sflag:$0x8] =	stream.linear.gather @p1 [hbm4b:s1+s24], $0x40, $0x38;
	[tilespmem:$0x1F300] =	vst v63  }
0x155: {  	s4 =	sor.u32 @!p1 s28, s30  }
0x156: {  	s4 =	sor.u32 @!p1 $0x8, s4  }
0x157: {  	s11 =	simm.s32 @!p1 $0x380;
	s6 =	sadd.s32 @!p1 s15, s4;
	s4 =	sadd.s32 @!p1 s5, s4  }
0x158: {  	[tilespmem:s11], [sflag:$0x8] =	stream.linear.gather @!p1 [hbm4b:s6+s7], $0x40, $0x38;
	[tilespmem:$0x1F300] =	vst v63  }
0x159: {  	s30 =	simm.s32 $0xB80;
	s4 =	smov.u32 @p1 s1;
	s6 =	simm.s32 $0x6  }
0x15a: {  	[tilespmem:s30], [sflag:$0x8] =	stream.linear.gather [hbm4b:s4+s22], $0x40, $0x38;
	[tilespmem:$0x1F300] =	vst v63  }
0x15b: {  	_ =	swait.ge [sflag:s6], $0x40  }
0x15c: {  	[sflag:s6] =	ssyncset.done $0x0  }
0x15d: {  	[sflag:s6] =	ssyncadd.s32 $0xFFFFFFC0  }
0x15e: {  	_ =	swait.ge [sflag:s6], $0x40  }
0x15f: {  	[sflag:s6] =	ssyncset.done $0x0  }
0x160: {  	s12 =	simm.s32 $0x1000;
	s7 =	simm.s32 $0x280;
	[sflag:s6] =	ssyncadd.s32 $0xFFFFFFC0  }
0x161: {  	[tilespmem:s12], [sflag:$0xB] =	stream.indirect.gather [hbm4b:s25+s21], $0x80, s7, s21, $0xb8;
	[tilespmem:$0x1F300] =	vst v63  }
0x162: {  	s12 =	simm.s32 $0xE  }
0x163: {  	_ =	swait.ge [sflag:s12], $0x2000  }
0x164: {  	[sflag:s12] =	ssyncset.done $0x0  }
0x165: {  	s31 =	simm.s32 $0x7000;
	s11 =	simm.s32 $0x980;
	[sflag:s12] =	ssyncadd.s32 $0xFFFFE000  }
0x166: {  	[spmem:s14] =	stream.indirect.scatter.add.f32 [tilespmem:s31], [sflag:$0x13], $0x80, s11, s21, $0xb8;
	[tilespmem:$0x1F300] =	vst v63  }
0x167: {  	s23 =	sadd.s32 $0xFFFFFFFD, s8;
	s31 =	simm.s32 $0x11  }
0x168: {  	[spmem:s3] =	stream.indirect.scatter.add.f32 [tilespmem:s16], [sflag:$0x13], $0x1, s11, s21, $0xb8;
	[tilespmem:$0x1F300] =	vst v63  }
0x169: {  	p0 =	sgt.u32 s23, $0x9C3;
	_ =	swait.ge [sflag:s31], $0x2000  }
0x16a: {  	s1 =	sadd.s32 @p0 s29, s19;
	[sflag:s31] =	ssyncset.done $0x0  }
0x16b: {  	s1 =	sadd.s32 @p0 $0xFFF6400, s1;
	[sflag:s31] =	ssyncadd.s32 $0xFFFFE000  }
0x16c: {  	s1 =	sand.u32 @p0 $0xFFFFFF0, s1;
	_ =	swait.ge [sflag:s31], $0x40  }
0x16d: {  	s4 =	sadd.s32 @p0 s2, s1;
	[sflag:s31] =	ssyncset.done $0x0  }
0x16e: {  	s6 =	simm.s32 @p0 $0x0;
	s7 =	simm.s32 @p0 $0x400;
	[sflag:s31] =	ssyncadd.s32 $0xFFFFFFC0  }
0x16f: {  	[tilespmem:s7], [sflag:$0x9] =	stream.linear.gather @p0 [hbm4b:s4+s6], $0x40, $0x38;
	[tilespmem:$0x1F300] =	vst v63  }
0x170: {  	s11 =	sadd.s32 @!p0 $0x40, s29;
	s7 =	sadd.s32 $0x40, s10  }
0x171: {  	s11 =	sand.u32 @!p0 $0x70, s11;
	s7 =	sand.u32 @!p0 $0xFF80, s7  }
0x172: {  	s28 =	simm.s32 @!p0 $0x0;
	s23 =	sor.u32 @!p0 s11, s7  }
0x173: {  	s30 =	simm.s32 @!p0 $0x400;
	s24 =	sadd.s32 @!p0 s15, s23;
	s23 =	sadd.s32 @!p0 s5, s23  }
0x174: {  	[tilespmem:s30], [sflag:$0x9] =	stream.linear.gather @!p0 [hbm4b:s24+s28], $0x40, $0x38;
	[tilespmem:$0x1F300] =	vst v63  }
0x175: {  	s23 =	smov.u32 @p0 s4;
	s24 =	simm.s32 $0xC00;
	s30 =	simm.s32 $0x7  }
0x176: {  	[tilespmem:s24], [sflag:$0x9] =	stream.linear.gather [hbm4b:s23+s22], $0x40, $0x38;
	[tilespmem:$0x1F300] =	vst v63  }
0x177: {  	_ =	swait.ge [sflag:s30], $0x40  }
0x178: {  	[sflag:s30] =	ssyncset.done $0x0  }
0x179: {  	[sflag:s30] =	ssyncadd.s32 $0xFFFFFFC0  }
0x17a: {  	_ =	swait.ge [sflag:s30], $0x40  }
0x17b: {  	[sflag:s30] =	ssyncset.done $0x0  }
0x17c: {  	s16 =	simm.s32 $0x300;
	s23 =	simm.s32 $0x3000;
	[sflag:s30] =	ssyncadd.s32 $0xFFFFFFC0  }
0x17d: {  	[tilespmem:s23], [sflag:$0xC] =	stream.indirect.gather [hbm4b:s25+s21], $0x80, s16, s21, $0xb8;
	[tilespmem:$0x1F300] =	vst v63  }
0x17e: {  	s16 =	simm.s32 $0xF  }
0x17f: {  	_ =	swait.ge [sflag:s16], $0x2000  }
0x180: {  	[sflag:s16] =	ssyncset.done $0x0  }
0x181: {  	s17 =	simm.s32 $0x9000;
	s24 =	simm.s32 $0xA00;
	[sflag:s16] =	ssyncadd.s32 $0xFFFFE000  }
0x182: {  	[spmem:s14] =	stream.indirect.scatter.add.f32 [tilespmem:s17], [sflag:$0x14], $0x80, s24, s21, $0xb8;
	[tilespmem:$0x1F300] =	vst v63  }
0x183: {  	s30 =	simm.s32 $0xB000;
	s17 =	simm.s32 $0x12  }
0x184: {  	[spmem:s3] =	stream.indirect.scatter.add.f32 [tilespmem:s30], [sflag:$0x14], $0x1, s24, s21, $0xb8;
	[tilespmem:$0x1F300] =	vst v63  }
0x185: {  	_ =	swait.ge [sflag:s17], $0x2000  }
0x186: {  	[sflag:s17] =	ssyncset.done $0x0  }
0x187: {  	[sflag:s17] =	ssyncadd.s32 $0xFFFFE000  }
0x188: {  	_ =	swait.ge [sflag:s17], $0x40  }
0x189: {  	[sflag:s17] =	ssyncset.done $0x0  }
0x18a: {  	s1 =	sadd.s32 @p0 s1, s26;
	s4 =	simm.s32 @p0 $0x480;
	[sflag:s17] =	ssyncadd.s32 $0xFFFFFFC0  }
0x18b: {  	[tilespmem:s4], [sflag:$0xA] =	stream.linear.gather @p0 [hbm4b:s1+s6], $0x40, $0x38;
	[tilespmem:$0x1F300] =	vst v63  }
0x18c: {  	s4 =	sor.u32 @!p0 s7, s11  }
0x18d: {  	s4 =	sor.u32 @!p0 $0x8, s4  }
0x18e: {  	s7 =	simm.s32 @!p0 $0x480;
	s6 =	sadd.s32 @!p0 s15, s4;
	s4 =	sadd.s32 @!p0 s5, s4  }
0x18f: {  	[tilespmem:s7], [sflag:$0xA] =	stream.linear.gather @!p0 [hbm4b:s6+s28], $0x40, $0x38;
	[tilespmem:$0x1F300] =	vst v63  }
0x190: {  	s4 =	smov.u32 @p0 s1;
	s6 =	simm.s32 $0xC80;
	s7 =	simm.s32 $0x8  }
0x191: {  	[tilespmem:s6], [sflag:$0xA] =	stream.linear.gather [hbm4b:s4+s22], $0x40, $0x38;
	[tilespmem:$0x1F300] =	vst v63  }
0x192: {  	_ =	swait.ge [sflag:s7], $0x40  }
0x193: {  	[sflag:s7] =	ssyncset.done $0x0  }
0x194: {  	[sflag:s7] =	ssyncadd.s32 $0xFFFFFFC0  }
0x195: {  	_ =	swait.ge [sflag:s7], $0x40  }
0x196: {  	[sflag:s7] =	ssyncset.done $0x0  }
0x197: {  	s11 =	simm.s32 $0x380;
	[sflag:s7] =	ssyncadd.s32 $0xFFFFFFC0  }
0x198: {  	[tilespmem:s20], [sflag:$0xD] =	stream.indirect.gather [hbm4b:s25+s21], $0x80, s11, s21, $0xb8;
	[tilespmem:$0x1F300] =	vst v63  }
0x199: {  	p0 =	seq.s32 s29, $0x4B0;
	_ =	swait.ge [sflag:s13], $0x2000  }
0x19a: {  	s1 =	sadd.s32 @!p0 $0xFFFFFFFE, s8;
	s22 =	simm.s32 $0x1000;
	[sflag:s13] =	ssyncset.done $0x0  }
0x19b: {  	p2 =	sgt.u32 @!p0 s1, $0x9C3;
	[sflag:s13] =	ssyncadd.s32 $0xFFFFE000;
	s13 =	simm.s32 $0xA80  }
0x19c: {  	[spmem:s14] =	stream.indirect.scatter.add.f32 [tilespmem:s22], [sflag:$0x10], $0x80, s13, s21, $0xb8;
	[tilespmem:$0x1F300] =	vst v63  }
0x19d: {  	s24 =	simm.s32 $0x13;
	p1 =	por !p2, p0  }
0x19e: {  	[spmem:s3] =	stream.indirect.scatter.add.f32 [tilespmem:s30], [sflag:$0x10], $0x1, s13, s21, $0xb8;
	[tilespmem:$0x1F300] =	vst v63  }
0x19f: {  	p2 =	por p2, p0;
	s1 =	sadd.s32 @!p1 s29, s19;
	_ =	swait.ge [sflag:s24], $0x2000  }
0x1a0: {  	s23 =	sadd.s32 @!p2 $0x50, s29;
	s1 =	sadd.s32 @!p1 $0xFFF6410, s1;
	[sflag:s24] =	ssyncset.done $0x0  }
0x1a1: {  	s4 =	sand.u32 @!p1 $0xFFFFFF0, s1;
	s1 =	sadd.s32 @!p0 s29, s19;
	[sflag:s24] =	ssyncadd.s32 $0xFFFFE000  }
0x1a2: {  	s23 =	sand.u32 @!p2 $0x70, s23;
	s11 =	sadd.s32 @!p0 $0x50, s1;
	_ =	swait.ge [sflag:s24], $0x40  }
0x1a3: {  	s6 =	sadd.s32 @!p1 s2, s4;
	s11 =	sand.u32 @!p2 $0xFF80, s11;
	[sflag:s24] =	ssyncset.done $0x0  }
0x1a4: {  	s7 =	simm.s32 @!p1 $0x0;
	[sflag:s24] =	ssyncadd.s32 $0xFFFFFFC0;
	s24 =	sor.u32 @!p2 s23, s11  }
0x1a5: {  	[tilespmem:s7], [sflag:$0x1] =	stream.linear.gather @!p1 [hbm4b:s6+s7], $0x40, $0x38;
	[tilespmem:$0x1F300] =	vst v63  }
0x1a6: {  	s30 =	simm.s32 @!p2 $0x0;
	s28 =	sadd.s32 @!p2 s15, s24;
	s24 =	sadd.s32 @!p2 s5, s24  }
0x1a7: {  	[tilespmem:s30], [sflag:$0x1] =	stream.linear.gather @!p2 [hbm4b:s28+s30], $0x40, $0x38;
	[tilespmem:$0x1F300] =	vst v63  }
0x1a8: {  	s6 =	smov.u32 @p1 s24;
	s24 =	simm.s32 @!p0 $0x0;
	s28 =	simm.s32 @!p0 $0x800  }
0x1a9: {  	[tilespmem:s28], [sflag:$0x1] =	stream.linear.gather @!p0 [hbm4b:s6+s24], $0x40, $0x38;
	[tilespmem:$0x1F300] =	vst v63  }
0x1aa: {  	s28 =	simm.s32 $0x9  }
0x1ab: {  	_ =	swait.ge [sflag:s28], $0x40  }
0x1ac: {  	[sflag:s28] =	ssyncset.done $0x0  }
0x1ad: {  	[sflag:s28] =	ssyncadd.s32 $0xFFFFFFC0  }
0x1ae: {  	_ =	swait.ge [sflag:s28], $0x40  }
0x1af: {  	[sflag:s28] =	ssyncset.done $0x0  }
0x1b0: {  	s22 =	simm.s32 $0x400;
	[sflag:s28] =	ssyncadd.s32 $0xFFFFFFC0;
	s28 =	simm.s32 $0x7000  }
0x1b1: {  	[tilespmem:s28], [sflag:$0xE] =	stream.indirect.gather [hbm4b:s25+s21], $0x80, s22, s21, $0xb8;
	[tilespmem:$0x1F300] =	vst v63  }
0x1b2: {  	_ =	swait.ge [sflag:s18], $0x2000  }
0x1b3: {  	[sflag:s18] =	ssyncset.done $0x0  }
0x1b4: {  	s28 =	simm.s32 $0xB00;
	s22 =	simm.s32 $0x3000;
	[sflag:s18] =	ssyncadd.s32 $0xFFFFE000  }
0x1b5: {  	[spmem:s14] =	stream.indirect.scatter.add.f32 [tilespmem:s22], [sflag:$0x11], $0x80, s28, s21, $0xb8;
	[tilespmem:$0x1F300] =	vst v63  }
0x1b6: {  	s13 =	simm.s32 $0xB000  }
0x1b7: {  	[spmem:s3] =	stream.indirect.scatter.add.f32 [tilespmem:s13], [sflag:$0x11], $0x1, s28, s21, $0xb8;
	[tilespmem:$0x1F300] =	vst v63  }
0x1b8: {  	s28 =	simm.s32 $0x14  }
0x1b9: {  	_ =	swait.ge [sflag:s28], $0x2000  }
0x1ba: {  	[sflag:s28] =	ssyncset.done $0x0  }
0x1bb: {  	[sflag:s28] =	ssyncadd.s32 $0xFFFFE000  }
0x1bc: {  	_ =	swait.ge [sflag:s28], $0x40  }
0x1bd: {  	[sflag:s28] =	ssyncset.done $0x0  }
0x1be: {  	s4 =	sadd.s32 @!p1 s4, s26;
	s6 =	simm.s32 @!p1 $0x80;
	[sflag:s28] =	ssyncadd.s32 $0xFFFFFFC0  }
0x1bf: {  	[tilespmem:s6], [sflag:$0x2] =	stream.linear.gather @!p1 [hbm4b:s4+s7], $0x40, $0x38;
	[tilespmem:$0x1F300] =	vst v63  }
0x1c0: {  	s6 =	sor.u32 @!p2 s11, s23  }
0x1c1: {  	s6 =	sor.u32 @!p2 $0x8, s6  }
0x1c2: {  	s11 =	simm.s32 @!p2 $0x80;
	s7 =	sadd.s32 @!p2 s15, s6;
	s6 =	sadd.s32 @!p2 s5, s6  }
0x1c3: {  	[tilespmem:s11], [sflag:$0x2] =	stream.linear.gather @!p2 [hbm4b:s7+s30], $0x40, $0x38;
	[tilespmem:$0x1F300] =	vst v63  }
0x1c4: {  	s4 =	smov.u32 @p1 s6;
	s6 =	simm.s32 @!p0 $0x880;
	s7 =	simm.s32 $0xA  }
0x1c5: {  	[tilespmem:s6], [sflag:$0x2] =	stream.linear.gather @!p0 [hbm4b:s4+s24], $0x40, $0x38;
	[tilespmem:$0x1F300] =	vst v63  }
0x1c6: {  	_ =	swait.ge [sflag:s7], $0x40  }
0x1c7: {  	[sflag:s7] =	ssyncset.done $0x0  }
0x1c8: {  	[sflag:s7] =	ssyncadd.s32 $0xFFFFFFC0  }
0x1c9: {  	_ =	swait.ge [sflag:s7], $0x40  }
0x1ca: {  	[sflag:s7] =	ssyncset.done $0x0  }
0x1cb: {  	s18 =	simm.s32 $0x9000;
	s11 =	simm.s32 $0x480;
	[sflag:s7] =	ssyncadd.s32 $0xFFFFFFC0  }
0x1cc: {  	[tilespmem:s18], [sflag:$0xF] =	stream.indirect.gather [hbm4b:s25+s21], $0x80, s11, s21, $0xb8;
	[tilespmem:$0x1F300] =	vst v63  }
0x1cd: {  	_ =	swait.ge [sflag:s0], $0x2000  }
0x1ce: {  	[sflag:s0] =	ssyncset.done $0x0  }
0x1cf: {  	s22 =	simm.s32 $0xB80;
	s4 =	sadd.s32 @!p0 $0xFFFFFFFF, s8;
	[sflag:s0] =	ssyncadd.s32 $0xFFFFE000  }
0x1d0: {  	[spmem:s14] =	stream.indirect.scatter.add.f32 [tilespmem:s20], [sflag:$0x12], $0x80, s22, s21, $0xb8;
	[tilespmem:$0x1F300] =	vst v63  }
0x1d1: {  	p2 =	sgt.u32 @!p0 s4, $0x9C3  }
0x1d2: {  	[spmem:s3] =	stream.indirect.scatter.add.f32 [tilespmem:s13], [sflag:$0x12], $0x1, s22, s21, $0xb8;
	[tilespmem:$0x1F300] =	vst v63  }
0x1d3: {  	p1 =	por !p2, p0;
	_ =	swait.ge [sflag:s9], $0x2000  }
0x1d4: {  	s4 =	sadd.s32 @!p1 s29, s19;
	[sflag:s9] =	ssyncset.done $0x0  }
0x1d5: {  	s4 =	sadd.s32 @!p1 $0xFFF6420, s4;
	[sflag:s9] =	ssyncadd.s32 $0xFFFFE000  }
0x1d6: {  	s4 =	sand.u32 @!p1 $0xFFFFFF0, s4;
	_ =	swait.ge [sflag:s9], $0x40  }
0x1d7: {  	p2 =	por p2, p0;
	s6 =	sadd.s32 @!p1 s2, s4;
	[sflag:s9] =	ssyncset.done $0x0  }
0x1d8: {  	s7 =	simm.s32 @!p1 $0x0;
	s11 =	simm.s32 @!p1 $0x100;
	[sflag:s9] =	ssyncadd.s32 $0xFFFFFFC0  }
0x1d9: {  	[tilespmem:s11], [sflag:$0x3] =	stream.linear.gather @!p1 [hbm4b:s6+s7], $0x40, $0x38;
	[tilespmem:$0x1F300] =	vst v63  }
0x1da: {  	s1 =	sadd.s32 @!p0 $0x60, s1;
	s11 =	sadd.s32 @!p2 $0x60, s29  }
0x1db: {  	s1 =	sand.u32 @!p2 $0xFF80, s1;
	s11 =	sand.u32 @!p2 $0x70, s11  }
0x1dc: {  	s23 =	sor.u32 @!p2 s11, s1  }
0x1dd: {  	s30 =	simm.s32 @!p2 $0x0;
	s22 =	simm.s32 @!p2 $0x100;
	s28 =	sadd.s32 @!p2 s15, s23  }
0x1de: {  	[tilespmem:s22], [sflag:$0x3] =	stream.linear.gather @!p2 [hbm4b:s28+s30], $0x40, $0x38;
	[tilespmem:$0x1F300] =	vst v63  }
0x1df: {  	s22 =	sadd.s32 @!p2 s5, s23  }
0x1e0: {  	s6 =	smov.u32 @p1 s22;
	s22 =	simm.s32 @!p0 $0x900  }
0x1e1: {  	[tilespmem:s22], [sflag:$0x3] =	stream.linear.gather @!p0 [hbm4b:s6+s24], $0x40, $0x38;
	[tilespmem:$0x1F300] =	vst v63  }
0x1e2: {  	s6 =	simm.s32 @!p0 $0x1  }
0x1e3: {  	_ =	swait.ge @!p0 [sflag:s6], $0x40  }
0x1e4: {  	[sflag:s6] =	ssyncset.done @!p0 $0x0  }
0x1e5: {  	[sflag:s6] =	ssyncadd.s32 @!p0 $0xFFFFFFC0  }
0x1e6: {  	_ =	swait.ge @!p0 [sflag:s6], $0x40  }
0x1e7: {  	[sflag:s6] =	ssyncset.done @!p0 $0x0  }
0x1e8: {  	s22 =	simm.s32 @!p0 $0x1000;
	[sflag:s6] =	ssyncadd.s32 @!p0 $0xFFFFFFC0;
	s6 =	simm.s32 @!p0 $0x40  }
0x1e9: {  	[tilespmem:s22], [sflag:$0xB] =	stream.indirect.gather @!p0 [hbm4b:s25+s6], $0x80, s24, s6, $0xb8;
	[tilespmem:$0x1F300] =	vst v63  }
0x1ea: {  	_ =	swait.ge [sflag:s12], $0x2000  }
0x1eb: {  	[sflag:s12] =	ssyncset.done $0x0  }
0x1ec: {  	s23 =	simm.s32 $0xC00;
	s28 =	simm.s32 $0x7000;
	[sflag:s12] =	ssyncadd.s32 $0xFFFFE000  }
0x1ed: {  	[spmem:s14] =	stream.indirect.scatter.add.f32 [tilespmem:s28], [sflag:$0x13], $0x80, s23, s21, $0xb8;
	[tilespmem:$0x1F300] =	vst v63  }
0x1ee: {  	_ = 	snop  }
0x1ef: {  	[spmem:s3] =	stream.indirect.scatter.add.f32 [tilespmem:s13], [sflag:$0x13], $0x1, s23, s21, $0xb8;
	[tilespmem:$0x1F300] =	vst v63  }
0x1f0: {  	_ =	swait.ge [sflag:s31], $0x2000  }
0x1f1: {  	[sflag:s31] =	ssyncset.done $0x0  }
0x1f2: {  	[sflag:s31] =	ssyncadd.s32 $0xFFFFE000  }
0x1f3: {  	_ =	swait.ge [sflag:s31], $0x40  }
0x1f4: {  	s4 =	sadd.s32 @!p1 s4, s26;
	s1 =	sor.u32 @!p2 s1, s11;
	[sflag:s31] =	ssyncset.done $0x0  }
0x1f5: {  	s1 =	sor.u32 @!p2 $0x8, s1;
	s22 =	simm.s32 @!p1 $0x180;
	[sflag:s31] =	ssyncadd.s32 $0xFFFFFFC0  }
0x1f6: {  	[tilespmem:s22], [sflag:$0x4] =	stream.linear.gather @!p1 [hbm4b:s4+s7], $0x40, $0x38;
	[tilespmem:$0x1F300] =	vst v63  }
0x1f7: {  	s11 =	simm.s32 @!p2 $0x180;
	s7 =	sadd.s32 @!p2 s15, s1;
	s1 =	sadd.s32 @!p2 s5, s1  }
0x1f8: {  	[tilespmem:s11], [sflag:$0x4] =	stream.linear.gather @!p2 [hbm4b:s7+s30], $0x40, $0x38;
	[tilespmem:$0x1F300] =	vst v63  }
0x1f9: {  	s4 =	smov.u32 @p1 s1;
	s1 =	simm.s32 @!p0 $0x980  }
0x1fa: {  	[tilespmem:s1], [sflag:$0x4] =	stream.linear.gather @!p0 [hbm4b:s4+s24], $0x40, $0x38;
	[tilespmem:$0x1F300] =	vst v63  }
0x1fb: {  	s1 =	simm.s32 @!p0 $0x2  }
0x1fc: {  	_ =	swait.ge @!p0 [sflag:s1], $0x40  }
0x1fd: {  	[sflag:s1] =	ssyncset.done @!p0 $0x0  }
0x1fe: {  	[sflag:s1] =	ssyncadd.s32 @!p0 $0xFFFFFFC0  }
0x1ff: {  	_ =	swait.ge @!p0 [sflag:s1], $0x40  }
0x200: {  	[sflag:s1] =	ssyncset.done @!p0 $0x0  }
0x201: {  	s4 =	simm.s32 @!p0 $0x3000;
	[sflag:s1] =	ssyncadd.s32 @!p0 $0xFFFFFFC0;
	s1 =	simm.s32 @!p0 $0x80  }
0x202: {  	[tilespmem:s4], [sflag:$0xC] =	stream.indirect.gather @!p0 [hbm4b:s25+s6], $0x80, s1, s6, $0xb8;
	[tilespmem:$0x1F300] =	vst v63  }
0x203: {  	_ =	swait.ge [sflag:s16], $0x2000  }
0x204: {  	[sflag:s16] =	ssyncset.done $0x0  }
0x205: {  	s31 =	simm.s32 $0x9000;
	s30 =	simm.s32 $0xC80;
	[sflag:s16] =	ssyncadd.s32 $0xFFFFE000  }
0x206: {  	[spmem:s14] =	stream.indirect.scatter.add.f32 [tilespmem:s31], [sflag:$0x14], $0x80, s30, s21, $0xb8;
	[tilespmem:$0x1F300] =	vst v63  }
0x207: {  	_ = 	snop  }
0x208: {  	[spmem:s3] =	stream.indirect.scatter.add.f32 [tilespmem:s13], [sflag:$0x14], $0x1, s30, s21, $0xb8;
	[tilespmem:$0x1F300] =	vst v63  }
0x209: {  	_ =	swait.ge [sflag:s17], $0x2000  }
.Ltmp2:
0x20a: {  	[sflag:s17] =	ssyncset.done $0x0;
	(pc) =	sbr.rel @p0 .LBB2_4-.Ltmp2, $4  }
0x20b: {  	[sflag:s17] =	ssyncadd.s32 $0xFFFFE000  }
0x20c: {  	s18 =	simm.s32 $0xA00;
	s0 =	simm.s32 $0x10;
	_ =	swait.ge [sflag:s17], $0x40  }
0x20d: {  	s20 =	simm.s32 $0x0;
	s11 =	simm.s32 $0xB000;
	[sflag:s17] =	ssyncset.done $0x0  }
0x20e: {  	s3 =	smov.u32 s2;
	s2 =	simm.s32 $0x5000;
	[sflag:s17] =	ssyncadd.s32 $0xFFFFFFC0  }
0x20f: {  	p0 =	sgt.u32 s8, $0x9C3  }
0x210: {  	s1 =	sadd.s32 @p0 s29, s19  }
0x211: {  	s1 =	sadd.s32 @p0 $0xFFF6430, s1  }
0x212: {  	s1 =	sand.u32 @p0 $0xFFFFFF0, s1  }
0x213: {  	s4 =	simm.s32 @p0 $0x0;
	s6 =	simm.s32 @p0 $0x200;
	s1 =	sadd.s32 @p0 s3, s1  }
0x214: {  	[tilespmem:s6], [sflag:$0x5] =	stream.linear.gather @p0 [hbm4b:s1+s4], $0x40, $0x38;
	[tilespmem:$0x1F300] =	vst v63  }
0x215: {  	s4 =	sadd.s32 $0x70, s10;
	s6 =	sadd.s32 @!p0 $0x70, s29  }
0x216: {  	s4 =	sand.u32 @!p0 $0xFF80, s4;
	s6 =	sand.u32 @!p0 $0x70, s6  }
0x217: {  	s7 =	simm.s32 @!p0 $0x0;
	s4 =	sor.u32 @!p0 s6, s4  }
0x218: {  	s10 =	simm.s32 @!p0 $0x200;
	s6 =	sadd.s32 @!p0 s15, s4;
	s4 =	sadd.s32 @!p0 s5, s4  }
0x219: {  	[tilespmem:s10], [sflag:$0x5] =	stream.linear.gather @!p0 [hbm4b:s6+s7], $0x40, $0x38;
	[tilespmem:$0x1F300] =	vst v63  }
0x21a: {  	s0 =	simm.s32 $0x3;
	s4 =	smov.u32 @p0 s1  }
0x21b: {  	[tilespmem:s18], [sflag:$0x5] =	stream.linear.gather [hbm4b:s4+s20], $0x40, $0x38;
	[tilespmem:$0x1F300] =	vst v63  }
0x21c: {  	_ =	swait.ge [sflag:s0], $0x40  }
0x21d: {  	[sflag:s0] =	ssyncset.done $0x0  }
0x21e: {  	[sflag:s0] =	ssyncadd.s32 $0xFFFFFFC0  }
.Ltmp3:
0x21f: {  	_ =	swait.ge [sflag:s0], $0x40;
	(pc) =	sbr.rel .LBB2_2-.Ltmp3, $4  }
0x220: {  	s31 =	simm.s32 $0x100;
	[sflag:s0] =	ssyncset.done $0x0  }
0x221: {  	s8 =	sadd.s32 $0x5, s8;
	s22 =	simm.s32 $0x0;
	[sflag:s0] =	ssyncadd.s32 $0xFFFFFFC0  }
0x222: {  	[tilespmem:s2], [sflag:$0xD] =	stream.indirect.gather [hbm4b:s25+s21], $0x80, s31, s21, $0xb8;
	[tilespmem:$0x1F300] =	vst v63  }
0x223: {  	s29 =	sadd.s32 $0x50, s29;
	s20 =	simm.s32 $0x5000;
	s2 =	smov.u32 s3  }
.LBB2_5:
0x224: {  	_ =	sfence.sel $0x180000  }
0x225: {  	[bflag:$0x0] =	sbarrier.arrive $0xFFFF  }
0x226: {  	_ =	strace $0x9000004A  }
0x227: {  	s0 =	stileid.u32;
	[bflag:$0x2] =	sbarrier.arrive $0xFFFF  }
0x228: {  	p0 =	sne.s32 s0, $0x0;
	s0 =	rddreg [dreg:$0x4]  }
0x229: {  	s0 =	sadd.s32 @!p0 $0x100000, s0  }
0x22a: {  	[sflag:s0] =	ssyncadd.tile.s32 @!p0 $0x1;
	_ =	shalt  }
.Lfunc_end2:
_tile_overlayer_lowered:
.L_overlay_start_2:
0x22b: {  	(tag) =	ssettag $0x2  }
0x22c: {  	s0 =	rddreg [dreg:$0x0];
	s2 =	stileid.u32  }
0x22d: {  	s1 =	rddreg [dreg:$0x1];
	p0 =	sne.s32 s2, $0x0  }
0x22e: {  	s3 =	rddreg [dreg:$0x2];
	[bflag:$0x3] =	sbarrier.arrive $0xFFFF;
	s2 =	simm.s32 @!p0 $0x1C16  }
0x22f: {  	[timem:s3], [sflag:s2] =	dma.local @!p0 [hbm:s0], s1  }
0x230: {  	s0 =	simm.s32 @!p0 $0x16  }
0x231: {  	_ =	swait.ge @!p0 [sflag:s0], s1  }
0x232: {  	s1 =	ssub.s32 @!p0 $0x0, s1;
	[sflag:s0] =	ssyncset.done @!p0 $0x0  }
0x233: {  	[sflag:s0] =	ssyncadd.s32 @!p0 s1  }
0x234: {  	[bflag:$0x3] =	sbarrier.arrive $0xFFFF  }
0x235: {  	_ =	shalt  }

</sc_bundles>
